<compile_context>
chip_gen: v7x
topology: tpu7x:2x2x1
jax: 0.10.2.dev20260603
libtpu: 0.0.44.dev20260713+nightly
codegen_flags: <defaults>
</compile_context>

<pallas_src>
import functools

import jax
import jax.numpy as jnp
from jax import lax
from jax.experimental import pallas as pl
from jax.experimental.pallas import tpu as pltpu
from jax.experimental.pallas import tpu_sc as plsc

_TOPK = 8
_E = 64
_ROWS = 8192
_GROUP = 16

_S8 = [(0, 1), (2, 3), (4, 5), (6, 7), (0, 2), (1, 3), (4, 6), (5, 7),
       (1, 2), (5, 6), (0, 4), (1, 5), (2, 6), (3, 7), (1, 4), (3, 6),
       (2, 4), (3, 5), (3, 4)]
_BM8 = [(0, 4), (1, 5), (2, 6), (3, 7), (0, 2), (1, 3), (4, 6), (5, 7),
        (0, 1), (2, 3), (4, 5), (6, 7)]


def _matmul_body(x_ref, wt_ref, out_ref):
    out_ref[...] = jax.lax.dot_general(
        x_ref[...], wt_ref[...],
        dimension_numbers=(((1,), (0,)), ((), ())),
        preferred_element_type=jnp.float32,
        precision=jax.lax.Precision.DEFAULT,
    )


def _tc_logits(hidden_states, wt, row0=0, nrows=None):
    n, d = hidden_states.shape
    if nrows is None:
        nrows = n
    e = wt.shape[1]
    bm = 512
    step0 = row0 // bm
    return pl.pallas_call(
        _matmul_body,
        grid=(nrows // bm,),
        in_specs=[
            pl.BlockSpec((bm, d), lambda i: (i + step0, 0)),
            pl.BlockSpec((d, e), lambda i: (0, 0)),
        ],
        out_specs=pl.BlockSpec((bm, e), lambda i: (i, 0)),
        out_shape=jax.ShapeDtypeStruct((nrows, e), jnp.float32),
        compiler_params=pltpu.CompilerParams(
            dimension_semantics=("parallel",),
        ),
    )(hidden_states, wt)


def _sort8_desc(cols):
    cols = list(cols)
    for a, b in _S8:
        hi = jnp.maximum(cols[a], cols[b])
        lo = jnp.minimum(cols[a], cols[b])
        cols[a], cols[b] = hi, lo
    return cols


def _merge_top8(a, b):
    m = [jnp.maximum(a[i], b[7 - i]) for i in range(8)]
    for x, y in _BM8:
        hi = jnp.maximum(m[x], m[y])
        lo = jnp.minimum(m[x], m[y])
        m[x], m[y] = hi, lo
    return m


def _sc_route_body(logits_hbm, out_hbm, lt, gt, *, nrows):
    wid = lax.axis_index("c") * 16 + lax.axis_index("s")
    rows_per_w = nrows // 32
    words_per_w = rows_per_w * _E
    base = wid * words_per_w
    pltpu.sync_copy(logits_hbm.at[pl.ds(base, words_per_w)], lt)

    iota = lax.iota(jnp.int32, _GROUP)

    @plsc.parallel_loop(0, rows_per_w // _GROUP, unroll=1)
    def _group(g):
        rowbase = iota * _E + g * (_GROUP * _E)

        idxs = [rowbase + ((iota + j) & (_E - 1)) for j in range(_E)]
        cols = [plsc.load_gather(lt, [idxs[j]]) for j in range(_E)]

        runs = [_sort8_desc(cols[q * 8:(q + 1) * 8]) for q in range(8)]
        while len(runs) > 1:
            runs = [_merge_top8(runs[i], runs[i + 1])
                    for i in range(0, len(runs), 2)]
        top = runs[0]

        m0 = top[0]
        t8 = top[_TOPK - 1]
        z = jnp.ones((_GROUP,), jnp.float32)
        for k in range(1, _TOPK):
            z = z + jnp.exp(top[k] - m0)
        rz = 1.0 / z

        for j in range(_E):
            gj = jnp.where(cols[j] >= t8, jnp.exp(cols[j] - m0) * rz, 0.0)
            plsc.store_scatter(gt, [idxs[j]], gj)

    pltpu.sync_copy(gt, out_hbm.at[pl.ds(base, words_per_w)])


def _sc_route(logits_flat, nrows):
    words_per_w = (nrows // 32) * _E
    mesh = plsc.VectorSubcoreMesh(core_axis_name="c", subcore_axis_name="s")
    return pl.kernel(
        functools.partial(_sc_route_body, nrows=nrows),
        out_type=jax.ShapeDtypeStruct((nrows * _E,), jnp.float32),
        mesh=mesh,
        scratch_types=[
            pltpu.VMEM((words_per_w,), jnp.float32),
            pltpu.VMEM((words_per_w,), jnp.float32),
        ],
        compiler_params=pltpu.CompilerParams(needs_layout_passes=False),
    )(logits_flat)


_CHUNKS = 2


def kernel(hidden_states, W):
    wt = W.T
    nr = _ROWS // _CHUNKS
    parts = []
    for i in range(_CHUNKS):
        logits = _tc_logits(hidden_states, wt, row0=i * nr, nrows=nr)
        parts.append(_sc_route(logits.reshape(-1), nr))
    return jnp.concatenate(parts).reshape(_ROWS, _E)

# --- scband reference (transcript-rebuilt; emitter-appended) ---
"""Pipeline reference for scband-gating-network-34840774705431 (READ-ONLY COPY).

The authoritative reference and input builder live on the scoring server;
editing this copy changes nothing except your own understanding.
"""

import jax, jax.numpy as jnp
import numpy as np

TOP_K = 8

def setup_inputs(seed: int = 0) -> dict:
    key = jax.random.key(seed)
    k1, k2 = jax.random.split(key)
    hidden_states = jax.random.normal(k1, (8192, 4096), dtype=jnp.float32)
    # nn.Linear(input_size, num_experts, bias=False) weight has shape [num_experts, input_size].
    # (torch zero-inits it; we use small random values so top-k is non-degenerate.)
    W = jax.random.normal(k2, (64, 4096), dtype=jnp.float32) * 0.02
    return {"hidden_states": hidden_states, "W": W}

def reference(hidden_states, W):
    # top_k_gating with tau=None, do_train=False, k=8 (k>1 so gumbel path skipped)
    logits = hidden_states @ W.T
    top_k_logits, top_k_indices = jax.lax.top_k(logits, TOP_K)
    top_k_gates = jax.nn.softmax(top_k_logits, axis=-1)
    rows = jnp.arange(logits.shape[0])[:, None]
    gates = jnp.zeros_like(logits).at[rows, top_k_indices].set(top_k_gates)
    # load_balancing=False -> loss is None; return gates only
    return gates

if __name__ == "__main__":
    import jax
    _d = setup_inputs()
    print(jax.jit(kernel)(*tuple(_d.values())))

</pallas_src>

<mosaic_0001>
#map = affine_map<(d0, d1) -> (0)>
module attributes {stable_mosaic.version = 14 : i64} {
  func.func @_sc_route_body(%arg0: i32, %arg1: i32, %arg2: memref<262144xf32, #tpu.memory_space<hbm>>, %arg3: memref<262144xf32, #tpu.memory_space<hbm>>, %arg4: memref<8192xf32, #tpu.memory_space<vmem>>, %arg5: memref<8192xf32, #tpu.memory_space<vmem>>) attributes {dimension_semantics = [#tpu.dimension_semantics<core_parallel>, #tpu.dimension_semantics<subcore_parallel>], iteration_bounds = array<i64: 2, 16>, scalar_prefetch = 0 : i64, scratch_operands = 2 : i64, tpu.core_type = #tpu.core_type<sc_vector_subcore>, window_params = [{transform_indices = #map}, {transform_indices = #map}]} {
    %mul3A = arith.constant 16 : i32
    %mul3A_0 = arith.muli %arg0, %mul3A : i32
    %add3A = arith.addi %mul3A_0, %arg1 : i32
    %mul3A_1 = arith.constant 8192 : i32
    %mul3A_2 = arith.muli %add3A, %mul3A_1 : i32
    "tpu.region"() ({
      %run_scoped3A = tpu.sem_alloc : memref<!tpu.dma_semaphore, #tpu.memory_space<semaphore_mem>>
      %dma_start3A = tpu.memref_slice %arg2[%mul3A_2] : memref<262144xf32, #tpu.memory_space<hbm>> -> memref<8192xf32, #tpu.memory_space<hbm>>
      %dma_start3A_5 = tpu.memref_slice %arg2[%mul3A_2] : memref<262144xf32, #tpu.memory_space<hbm>> -> memref<8192xf32, #tpu.memory_space<hbm>>
      tpu.enqueue_dma source(%dma_start3A_5 : memref<8192xf32, #tpu.memory_space<hbm>>) target(%arg4 : memref<8192xf32, #tpu.memory_space<vmem>>) target_semaphore(%run_scoped3A : memref<!tpu.dma_semaphore, #tpu.memory_space<semaphore_mem>>)
      %dma_wait3A = tpu.memref_slice %arg2[%mul3A_2] : memref<262144xf32, #tpu.memory_space<hbm>> -> memref<8192xf32, #tpu.memory_space<hbm>>
      %dma_wait3A_6 = tpu.memref_slice %arg2[%mul3A_2] : memref<262144xf32, #tpu.memory_space<hbm>> -> memref<8192xf32, #tpu.memory_space<hbm>>
      tpu.wait_dma2 semaphore(%run_scoped3A : memref<!tpu.dma_semaphore, #tpu.memory_space<semaphore_mem>>) src(%dma_wait3A_6 : memref<8192xf32, #tpu.memory_space<hbm>>) dst(%arg4 : memref<8192xf32, #tpu.memory_space<vmem>>)
      tpu.yield
    }) : () -> ()
    %iota3A = tpu.iota {dimensions = array<i32: 0>} : vector<16xi32>
    %parallel_loop3A = arith.constant 0 : i32
    %parallel_loop3A_3 = arith.constant 8 : i32
    %parallel_loop3A_4 = arith.constant 1 : i32
    scf.for %parallel_loop3A_5 = %parallel_loop3A to %parallel_loop3A_3 step %parallel_loop3A_4  : i32 {
      %parallel_loop3A_6 = arith.constant 64 : i32
      %parallel_loop3A_7 = vector.broadcast %parallel_loop3A_6 : i32 to vector<16xi32>
      %parallel_loop3A_8 = arith.muli %iota3A, %parallel_loop3A_7 : vector<16xi32>
      %parallel_loop3A_9 = arith.constant 1024 : i32
      %parallel_loop3A_10 = arith.muli %parallel_loop3A_5, %parallel_loop3A_9 : i32
      %parallel_loop3A_11 = vector.broadcast %parallel_loop3A_10 : i32 to vector<16xi32>
      %parallel_loop3A_12 = arith.addi %parallel_loop3A_8, %parallel_loop3A_11 : vector<16xi32>
      %parallel_loop3A_13 = arith.constant 0 : i32
      %parallel_loop3A_14 = vector.broadcast %parallel_loop3A_13 : i32 to vector<16xi32>
      %parallel_loop3A_15 = arith.addi %iota3A, %parallel_loop3A_14 : vector<16xi32>
      %parallel_loop3A_16 = arith.constant 63 : i32
      %parallel_loop3A_17 = vector.broadcast %parallel_loop3A_16 : i32 to vector<16xi32>
      %parallel_loop3A_18 = arith.andi %parallel_loop3A_15, %parallel_loop3A_17 : vector<16xi32>
      %parallel_loop3A_19 = arith.addi %parallel_loop3A_12, %parallel_loop3A_18 : vector<16xi32>
      %parallel_loop3A_20 = arith.constant 1 : i32
      %parallel_loop3A_21 = vector.broadcast %parallel_loop3A_20 : i32 to vector<16xi32>
      %parallel_loop3A_22 = arith.addi %iota3A, %parallel_loop3A_21 : vector<16xi32>
      %parallel_loop3A_23 = arith.constant 63 : i32
      %parallel_loop3A_24 = vector.broadcast %parallel_loop3A_23 : i32 to vector<16xi32>
      %parallel_loop3A_25 = arith.andi %parallel_loop3A_22, %parallel_loop3A_24 : vector<16xi32>
      %parallel_loop3A_26 = arith.addi %parallel_loop3A_12, %parallel_loop3A_25 : vector<16xi32>
      %parallel_loop3A_27 = arith.constant 2 : i32
      %parallel_loop3A_28 = vector.broadcast %parallel_loop3A_27 : i32 to vector<16xi32>
      %parallel_loop3A_29 = arith.addi %iota3A, %parallel_loop3A_28 : vector<16xi32>
      %parallel_loop3A_30 = arith.constant 63 : i32
      %parallel_loop3A_31 = vector.broadcast %parallel_loop3A_30 : i32 to vector<16xi32>
      %parallel_loop3A_32 = arith.andi %parallel_loop3A_29, %parallel_loop3A_31 : vector<16xi32>
      %parallel_loop3A_33 = arith.addi %parallel_loop3A_12, %parallel_loop3A_32 : vector<16xi32>
      %parallel_loop3A_34 = arith.constant 3 : i32
      %parallel_loop3A_35 = vector.broadcast %parallel_loop3A_34 : i32 to vector<16xi32>
      %parallel_loop3A_36 = arith.addi %iota3A, %parallel_loop3A_35 : vector<16xi32>
      %parallel_loop3A_37 = arith.constant 63 : i32
      %parallel_loop3A_38 = vector.broadcast %parallel_loop3A_37 : i32 to vector<16xi32>
      %parallel_loop3A_39 = arith.andi %parallel_loop3A_36, %parallel_loop3A_38 : vector<16xi32>
      %parallel_loop3A_40 = arith.addi %parallel_loop3A_12, %parallel_loop3A_39 : vector<16xi32>
      %parallel_loop3A_41 = arith.constant 4 : i32
      %parallel_loop3A_42 = vector.broadcast %parallel_loop3A_41 : i32 to vector<16xi32>
      %parallel_loop3A_43 = arith.addi %iota3A, %parallel_loop3A_42 : vector<16xi32>
      %parallel_loop3A_44 = arith.constant 63 : i32
      %parallel_loop3A_45 = vector.broadcast %parallel_loop3A_44 : i32 to vector<16xi32>
      %parallel_loop3A_46 = arith.andi %parallel_loop3A_43, %parallel_loop3A_45 : vector<16xi32>
      %parallel_loop3A_47 = arith.addi %parallel_loop3A_12, %parallel_loop3A_46 : vector<16xi32>
      %parallel_loop3A_48 = arith.constant 5 : i32
      %parallel_loop3A_49 = vector.broadcast %parallel_loop3A_48 : i32 to vector<16xi32>
      %parallel_loop3A_50 = arith.addi %iota3A, %parallel_loop3A_49 : vector<16xi32>
      %parallel_loop3A_51 = arith.constant 63 : i32
      %parallel_loop3A_52 = vector.broadcast %parallel_loop3A_51 : i32 to vector<16xi32>
      %parallel_loop3A_53 = arith.andi %parallel_loop3A_50, %parallel_loop3A_52 : vector<16xi32>
      %parallel_loop3A_54 = arith.addi %parallel_loop3A_12, %parallel_loop3A_53 : vector<16xi32>
      %parallel_loop3A_55 = arith.constant 6 : i32
      %parallel_loop3A_56 = vector.broadcast %parallel_loop3A_55 : i32 to vector<16xi32>
      %parallel_loop3A_57 = arith.addi %iota3A, %parallel_loop3A_56 : vector<16xi32>
      %parallel_loop3A_58 = arith.constant 63 : i32
      %parallel_loop3A_59 = vector.broadcast %parallel_loop3A_58 : i32 to vector<16xi32>
      %parallel_loop3A_60 = arith.andi %parallel_loop3A_57, %parallel_loop3A_59 : vector<16xi32>
      %parallel_loop3A_61 = arith.addi %parallel_loop3A_12, %parallel_loop3A_60 : vector<16xi32>
      %parallel_loop3A_62 = arith.constant 7 : i32
      %parallel_loop3A_63 = vector.broadcast %parallel_loop3A_62 : i32 to vector<16xi32>
      %parallel_loop3A_64 = arith.addi %iota3A, %parallel_loop3A_63 : vector<16xi32>
      %parallel_loop3A_65 = arith.constant 63 : i32
      %parallel_loop3A_66 = vector.broadcast %parallel_loop3A_65 : i32 to vector<16xi32>
      %parallel_loop3A_67 = arith.andi %parallel_loop3A_64, %parallel_loop3A_66 : vector<16xi32>
      %parallel_loop3A_68 = arith.addi %parallel_loop3A_12, %parallel_loop3A_67 : vector<16xi32>
      %parallel_loop3A_69 = arith.constant 8 : i32
      %parallel_loop3A_70 = vector.broadcast %parallel_loop3A_69 : i32 to vector<16xi32>
      %parallel_loop3A_71 = arith.addi %iota3A, %parallel_loop3A_70 : vector<16xi32>
      %parallel_loop3A_72 = arith.constant 63 : i32
      %parallel_loop3A_73 = vector.broadcast %parallel_loop3A_72 : i32 to vector<16xi32>
      %parallel_loop3A_74 = arith.andi %parallel_loop3A_71, %parallel_loop3A_73 : vector<16xi32>
      %parallel_loop3A_75 = arith.addi %parallel_loop3A_12, %parallel_loop3A_74 : vector<16xi32>
      %parallel_loop3A_76 = arith.constant 9 : i32
      %parallel_loop3A_77 = vector.broadcast %parallel_loop3A_76 : i32 to vector<16xi32>
      %parallel_loop3A_78 = arith.addi %iota3A, %parallel_loop3A_77 : vector<16xi32>
      %parallel_loop3A_79 = arith.constant 63 : i32
      %parallel_loop3A_80 = vector.broadcast %parallel_loop3A_79 : i32 to vector<16xi32>
      %parallel_loop3A_81 = arith.andi %parallel_loop3A_78, %parallel_loop3A_80 : vector<16xi32>
      %parallel_loop3A_82 = arith.addi %parallel_loop3A_12, %parallel_loop3A_81 : vector<16xi32>
      %parallel_loop3A_83 = arith.constant 10 : i32
      %parallel_loop3A_84 = vector.broadcast %parallel_loop3A_83 : i32 to vector<16xi32>
      %parallel_loop3A_85 = arith.addi %iota3A, %parallel_loop3A_84 : vector<16xi32>
      %parallel_loop3A_86 = arith.constant 63 : i32
      %parallel_loop3A_87 = vector.broadcast %parallel_loop3A_86 : i32 to vector<16xi32>
      %parallel_loop3A_88 = arith.andi %parallel_loop3A_85, %parallel_loop3A_87 : vector<16xi32>
      %parallel_loop3A_89 = arith.addi %parallel_loop3A_12, %parallel_loop3A_88 : vector<16xi32>
      %parallel_loop3A_90 = arith.constant 11 : i32
      %parallel_loop3A_91 = vector.broadcast %parallel_loop3A_90 : i32 to vector<16xi32>
      %parallel_loop3A_92 = arith.addi %iota3A, %parallel_loop3A_91 : vector<16xi32>
      %parallel_loop3A_93 = arith.constant 63 : i32
      %parallel_loop3A_94 = vector.broadcast %parallel_loop3A_93 : i32 to vector<16xi32>
      %parallel_loop3A_95 = arith.andi %parallel_loop3A_92, %parallel_loop3A_94 : vector<16xi32>
      %parallel_loop3A_96 = arith.addi %parallel_loop3A_12, %parallel_loop3A_95 : vector<16xi32>
      %parallel_loop3A_97 = arith.constant 12 : i32
      %parallel_loop3A_98 = vector.broadcast %parallel_loop3A_97 : i32 to vector<16xi32>
      %parallel_loop3A_99 = arith.addi %iota3A, %parallel_loop3A_98 : vector<16xi32>
      %parallel_loop3A_100 = arith.constant 63 : i32
      %parallel_loop3A_101 = vector.broadcast %parallel_loop3A_100 : i32 to vector<16xi32>
      %parallel_loop3A_102 = arith.andi %parallel_loop3A_99, %parallel_loop3A_101 : vector<16xi32>
      %parallel_loop3A_103 = arith.addi %parallel_loop3A_12, %parallel_loop3A_102 : vector<16xi32>
      %parallel_loop3A_104 = arith.constant 13 : i32
      %parallel_loop3A_105 = vector.broadcast %parallel_loop3A_104 : i32 to vector<16xi32>
      %parallel_loop3A_106 = arith.addi %iota3A, %parallel_loop3A_105 : vector<16xi32>
      %parallel_loop3A_107 = arith.constant 63 : i32
      %parallel_loop3A_108 = vector.broadcast %parallel_loop3A_107 : i32 to vector<16xi32>
      %parallel_loop3A_109 = arith.andi %parallel_loop3A_106, %parallel_loop3A_108 : vector<16xi32>
      %parallel_loop3A_110 = arith.addi %parallel_loop3A_12, %parallel_loop3A_109 : vector<16xi32>
      %parallel_loop3A_111 = arith.constant 14 : i32
      %parallel_loop3A_112 = vector.broadcast %parallel_loop3A_111 : i32 to vector<16xi32>
      %parallel_loop3A_113 = arith.addi %iota3A, %parallel_loop3A_112 : vector<16xi32>
      %parallel_loop3A_114 = arith.constant 63 : i32
      %parallel_loop3A_115 = vector.broadcast %parallel_loop3A_114 : i32 to vector<16xi32>
      %parallel_loop3A_116 = arith.andi %parallel_loop3A_113, %parallel_loop3A_115 : vector<16xi32>
      %parallel_loop3A_117 = arith.addi %parallel_loop3A_12, %parallel_loop3A_116 : vector<16xi32>
      %parallel_loop3A_118 = arith.constant 15 : i32
      %parallel_loop3A_119 = vector.broadcast %parallel_loop3A_118 : i32 to vector<16xi32>
      %parallel_loop3A_120 = arith.addi %iota3A, %parallel_loop3A_119 : vector<16xi32>
      %parallel_loop3A_121 = arith.constant 63 : i32
      %parallel_loop3A_122 = vector.broadcast %parallel_loop3A_121 : i32 to vector<16xi32>
      %parallel_loop3A_123 = arith.andi %parallel_loop3A_120, %parallel_loop3A_122 : vector<16xi32>
      %parallel_loop3A_124 = arith.addi %parallel_loop3A_12, %parallel_loop3A_123 : vector<16xi32>
      %parallel_loop3A_125 = arith.constant 16 : i32
      %parallel_loop3A_126 = vector.broadcast %parallel_loop3A_125 : i32 to vector<16xi32>
      %parallel_loop3A_127 = arith.addi %iota3A, %parallel_loop3A_126 : vector<16xi32>
      %parallel_loop3A_128 = arith.constant 63 : i32
      %parallel_loop3A_129 = vector.broadcast %parallel_loop3A_128 : i32 to vector<16xi32>
      %parallel_loop3A_130 = arith.andi %parallel_loop3A_127, %parallel_loop3A_129 : vector<16xi32>
      %parallel_loop3A_131 = arith.addi %parallel_loop3A_12, %parallel_loop3A_130 : vector<16xi32>
      %parallel_loop3A_132 = arith.constant 17 : i32
      %parallel_loop3A_133 = vector.broadcast %parallel_loop3A_132 : i32 to vector<16xi32>
      %parallel_loop3A_134 = arith.addi %iota3A, %parallel_loop3A_133 : vector<16xi32>
      %parallel_loop3A_135 = arith.constant 63 : i32
      %parallel_loop3A_136 = vector.broadcast %parallel_loop3A_135 : i32 to vector<16xi32>
      %parallel_loop3A_137 = arith.andi %parallel_loop3A_134, %parallel_loop3A_136 : vector<16xi32>
      %parallel_loop3A_138 = arith.addi %parallel_loop3A_12, %parallel_loop3A_137 : vector<16xi32>
      %parallel_loop3A_139 = arith.constant 18 : i32
      %parallel_loop3A_140 = vector.broadcast %parallel_loop3A_139 : i32 to vector<16xi32>
      %parallel_loop3A_141 = arith.addi %iota3A, %parallel_loop3A_140 : vector<16xi32>
      %parallel_loop3A_142 = arith.constant 63 : i32
      %parallel_loop3A_143 = vector.broadcast %parallel_loop3A_142 : i32 to vector<16xi32>
      %parallel_loop3A_144 = arith.andi %parallel_loop3A_141, %parallel_loop3A_143 : vector<16xi32>
      %parallel_loop3A_145 = arith.addi %parallel_loop3A_12, %parallel_loop3A_144 : vector<16xi32>
      %parallel_loop3A_146 = arith.constant 19 : i32
      %parallel_loop3A_147 = vector.broadcast %parallel_loop3A_146 : i32 to vector<16xi32>
      %parallel_loop3A_148 = arith.addi %iota3A, %parallel_loop3A_147 : vector<16xi32>
      %parallel_loop3A_149 = arith.constant 63 : i32
      %parallel_loop3A_150 = vector.broadcast %parallel_loop3A_149 : i32 to vector<16xi32>
      %parallel_loop3A_151 = arith.andi %parallel_loop3A_148, %parallel_loop3A_150 : vector<16xi32>
      %parallel_loop3A_152 = arith.addi %parallel_loop3A_12, %parallel_loop3A_151 : vector<16xi32>
      %parallel_loop3A_153 = arith.constant 20 : i32
      %parallel_loop3A_154 = vector.broadcast %parallel_loop3A_153 : i32 to vector<16xi32>
      %parallel_loop3A_155 = arith.addi %iota3A, %parallel_loop3A_154 : vector<16xi32>
      %parallel_loop3A_156 = arith.constant 63 : i32
      %parallel_loop3A_157 = vector.broadcast %parallel_loop3A_156 : i32 to vector<16xi32>
      %parallel_loop3A_158 = arith.andi %parallel_loop3A_155, %parallel_loop3A_157 : vector<16xi32>
      %parallel_loop3A_159 = arith.addi %parallel_loop3A_12, %parallel_loop3A_158 : vector<16xi32>
      %parallel_loop3A_160 = arith.constant 21 : i32
      %parallel_loop3A_161 = vector.broadcast %parallel_loop3A_160 : i32 to vector<16xi32>
      %parallel_loop3A_162 = arith.addi %iota3A, %parallel_loop3A_161 : vector<16xi32>
      %parallel_loop3A_163 = arith.constant 63 : i32
      %parallel_loop3A_164 = vector.broadcast %parallel_loop3A_163 : i32 to vector<16xi32>
      %parallel_loop3A_165 = arith.andi %parallel_loop3A_162, %parallel_loop3A_164 : vector<16xi32>
      %parallel_loop3A_166 = arith.addi %parallel_loop3A_12, %parallel_loop3A_165 : vector<16xi32>
      %parallel_loop3A_167 = arith.constant 22 : i32
      %parallel_loop3A_168 = vector.broadcast %parallel_loop3A_167 : i32 to vector<16xi32>
      %parallel_loop3A_169 = arith.addi %iota3A, %parallel_loop3A_168 : vector<16xi32>
      %parallel_loop3A_170 = arith.constant 63 : i32
      %parallel_loop3A_171 = vector.broadcast %parallel_loop3A_170 : i32 to vector<16xi32>
      %parallel_loop3A_172 = arith.andi %parallel_loop3A_169, %parallel_loop3A_171 : vector<16xi32>
      %parallel_loop3A_173 = arith.addi %parallel_loop3A_12, %parallel_loop3A_172 : vector<16xi32>
      %parallel_loop3A_174 = arith.constant 23 : i32
      %parallel_loop3A_175 = vector.broadcast %parallel_loop3A_174 : i32 to vector<16xi32>
      %parallel_loop3A_176 = arith.addi %iota3A, %parallel_loop3A_175 : vector<16xi32>
      %parallel_loop3A_177 = arith.constant 63 : i32
      %parallel_loop3A_178 = vector.broadcast %parallel_loop3A_177 : i32 to vector<16xi32>
      %parallel_loop3A_179 = arith.andi %parallel_loop3A_176, %parallel_loop3A_178 : vector<16xi32>
      %parallel_loop3A_180 = arith.addi %parallel_loop3A_12, %parallel_loop3A_179 : vector<16xi32>
      %parallel_loop3A_181 = arith.constant 24 : i32
      %parallel_loop3A_182 = vector.broadcast %parallel_loop3A_181 : i32 to vector<16xi32>
      %parallel_loop3A_183 = arith.addi %iota3A, %parallel_loop3A_182 : vector<16xi32>
      %parallel_loop3A_184 = arith.constant 63 : i32
      %parallel_loop3A_185 = vector.broadcast %parallel_loop3A_184 : i32 to vector<16xi32>
      %parallel_loop3A_186 = arith.andi %parallel_loop3A_183, %parallel_loop3A_185 : vector<16xi32>
      %parallel_loop3A_187 = arith.addi %parallel_loop3A_12, %parallel_loop3A_186 : vector<16xi32>
      %parallel_loop3A_188 = arith.constant 25 : i32
      %parallel_loop3A_189 = vector.broadcast %parallel_loop3A_188 : i32 to vector<16xi32>
      %parallel_loop3A_190 = arith.addi %iota3A, %parallel_loop3A_189 : vector<16xi32>
      %parallel_loop3A_191 = arith.constant 63 : i32
      %parallel_loop3A_192 = vector.broadcast %parallel_loop3A_191 : i32 to vector<16xi32>
      %parallel_loop3A_193 = arith.andi %parallel_loop3A_190, %parallel_loop3A_192 : vector<16xi32>
      %parallel_loop3A_194 = arith.addi %parallel_loop3A_12, %parallel_loop3A_193 : vector<16xi32>
      %parallel_loop3A_195 = arith.constant 26 : i32
      %parallel_loop3A_196 = vector.broadcast %parallel_loop3A_195 : i32 to vector<16xi32>
      %parallel_loop3A_197 = arith.addi %iota3A, %parallel_loop3A_196 : vector<16xi32>
      %parallel_loop3A_198 = arith.constant 63 : i32
      %parallel_loop3A_199 = vector.broadcast %parallel_loop3A_198 : i32 to vector<16xi32>
      %parallel_loop3A_200 = arith.andi %parallel_loop3A_197, %parallel_loop3A_199 : vector<16xi32>
      %parallel_loop3A_201 = arith.addi %parallel_loop3A_12, %parallel_loop3A_200 : vector<16xi32>
      %parallel_loop3A_202 = arith.constant 27 : i32
      %parallel_loop3A_203 = vector.broadcast %parallel_loop3A_202 : i32 to vector<16xi32>
      %parallel_loop3A_204 = arith.addi %iota3A, %parallel_loop3A_203 : vector<16xi32>
      %parallel_loop3A_205 = arith.constant 63 : i32
      %parallel_loop3A_206 = vector.broadcast %parallel_loop3A_205 : i32 to vector<16xi32>
      %parallel_loop3A_207 = arith.andi %parallel_loop3A_204, %parallel_loop3A_206 : vector<16xi32>
      %parallel_loop3A_208 = arith.addi %parallel_loop3A_12, %parallel_loop3A_207 : vector<16xi32>
      %parallel_loop3A_209 = arith.constant 28 : i32
      %parallel_loop3A_210 = vector.broadcast %parallel_loop3A_209 : i32 to vector<16xi32>
      %parallel_loop3A_211 = arith.addi %iota3A, %parallel_loop3A_210 : vector<16xi32>
      %parallel_loop3A_212 = arith.constant 63 : i32
      %parallel_loop3A_213 = vector.broadcast %parallel_loop3A_212 : i32 to vector<16xi32>
      %parallel_loop3A_214 = arith.andi %parallel_loop3A_211, %parallel_loop3A_213 : vector<16xi32>
      %parallel_loop3A_215 = arith.addi %parallel_loop3A_12, %parallel_loop3A_214 : vector<16xi32>
      %parallel_loop3A_216 = arith.constant 29 : i32
      %parallel_loop3A_217 = vector.broadcast %parallel_loop3A_216 : i32 to vector<16xi32>
      %parallel_loop3A_218 = arith.addi %iota3A, %parallel_loop3A_217 : vector<16xi32>
      %parallel_loop3A_219 = arith.constant 63 : i32
      %parallel_loop3A_220 = vector.broadcast %parallel_loop3A_219 : i32 to vector<16xi32>
      %parallel_loop3A_221 = arith.andi %parallel_loop3A_218, %parallel_loop3A_220 : vector<16xi32>
      %parallel_loop3A_222 = arith.addi %parallel_loop3A_12, %parallel_loop3A_221 : vector<16xi32>
      %parallel_loop3A_223 = arith.constant 30 : i32
      %parallel_loop3A_224 = vector.broadcast %parallel_loop3A_223 : i32 to vector<16xi32>
      %parallel_loop3A_225 = arith.addi %iota3A, %parallel_loop3A_224 : vector<16xi32>
      %parallel_loop3A_226 = arith.constant 63 : i32
      %parallel_loop3A_227 = vector.broadcast %parallel_loop3A_226 : i32 to vector<16xi32>
      %parallel_loop3A_228 = arith.andi %parallel_loop3A_225, %parallel_loop3A_227 : vector<16xi32>
      %parallel_loop3A_229 = arith.addi %parallel_loop3A_12, %parallel_loop3A_228 : vector<16xi32>
      %parallel_loop3A_230 = arith.constant 31 : i32
      %parallel_loop3A_231 = vector.broadcast %parallel_loop3A_230 : i32 to vector<16xi32>
      %parallel_loop3A_232 = arith.addi %iota3A, %parallel_loop3A_231 : vector<16xi32>
      %parallel_loop3A_233 = arith.constant 63 : i32
      %parallel_loop3A_234 = vector.broadcast %parallel_loop3A_233 : i32 to vector<16xi32>
      %parallel_loop3A_235 = arith.andi %parallel_loop3A_232, %parallel_loop3A_234 : vector<16xi32>
      %parallel_loop3A_236 = arith.addi %parallel_loop3A_12, %parallel_loop3A_235 : vector<16xi32>
      %parallel_loop3A_237 = arith.constant 32 : i32
      %parallel_loop3A_238 = vector.broadcast %parallel_loop3A_237 : i32 to vector<16xi32>
      %parallel_loop3A_239 = arith.addi %iota3A, %parallel_loop3A_238 : vector<16xi32>
      %parallel_loop3A_240 = arith.constant 63 : i32
      %parallel_loop3A_241 = vector.broadcast %parallel_loop3A_240 : i32 to vector<16xi32>
      %parallel_loop3A_242 = arith.andi %parallel_loop3A_239, %parallel_loop3A_241 : vector<16xi32>
      %parallel_loop3A_243 = arith.addi %parallel_loop3A_12, %parallel_loop3A_242 : vector<16xi32>
      %parallel_loop3A_244 = arith.constant 33 : i32
      %parallel_loop3A_245 = vector.broadcast %parallel_loop3A_244 : i32 to vector<16xi32>
      %parallel_loop3A_246 = arith.addi %iota3A, %parallel_loop3A_245 : vector<16xi32>
      %parallel_loop3A_247 = arith.constant 63 : i32
      %parallel_loop3A_248 = vector.broadcast %parallel_loop3A_247 : i32 to vector<16xi32>
      %parallel_loop3A_249 = arith.andi %parallel_loop3A_246, %parallel_loop3A_248 : vector<16xi32>
      %parallel_loop3A_250 = arith.addi %parallel_loop3A_12, %parallel_loop3A_249 : vector<16xi32>
      %parallel_loop3A_251 = arith.constant 34 : i32
      %parallel_loop3A_252 = vector.broadcast %parallel_loop3A_251 : i32 to vector<16xi32>
      %parallel_loop3A_253 = arith.addi %iota3A, %parallel_loop3A_252 : vector<16xi32>
      %parallel_loop3A_254 = arith.constant 63 : i32
      %parallel_loop3A_255 = vector.broadcast %parallel_loop3A_254 : i32 to vector<16xi32>
      %parallel_loop3A_256 = arith.andi %parallel_loop3A_253, %parallel_loop3A_255 : vector<16xi32>
      %parallel_loop3A_257 = arith.addi %parallel_loop3A_12, %parallel_loop3A_256 : vector<16xi32>
      %parallel_loop3A_258 = arith.constant 35 : i32
      %parallel_loop3A_259 = vector.broadcast %parallel_loop3A_258 : i32 to vector<16xi32>
      %parallel_loop3A_260 = arith.addi %iota3A, %parallel_loop3A_259 : vector<16xi32>
      %parallel_loop3A_261 = arith.constant 63 : i32
      %parallel_loop3A_262 = vector.broadcast %parallel_loop3A_261 : i32 to vector<16xi32>
      %parallel_loop3A_263 = arith.andi %parallel_loop3A_260, %parallel_loop3A_262 : vector<16xi32>
      %parallel_loop3A_264 = arith.addi %parallel_loop3A_12, %parallel_loop3A_263 : vector<16xi32>
      %parallel_loop3A_265 = arith.constant 36 : i32
      %parallel_loop3A_266 = vector.broadcast %parallel_loop3A_265 : i32 to vector<16xi32>
      %parallel_loop3A_267 = arith.addi %iota3A, %parallel_loop3A_266 : vector<16xi32>
      %parallel_loop3A_268 = arith.constant 63 : i32
      %parallel_loop3A_269 = vector.broadcast %parallel_loop3A_268 : i32 to vector<16xi32>
      %parallel_loop3A_270 = arith.andi %parallel_loop3A_267, %parallel_loop3A_269 : vector<16xi32>
      %parallel_loop3A_271 = arith.addi %parallel_loop3A_12, %parallel_loop3A_270 : vector<16xi32>
      %parallel_loop3A_272 = arith.constant 37 : i32
      %parallel_loop3A_273 = vector.broadcast %parallel_loop3A_272 : i32 to vector<16xi32>
      %parallel_loop3A_274 = arith.addi %iota3A, %parallel_loop3A_273 : vector<16xi32>
      %parallel_loop3A_275 = arith.constant 63 : i32
      %parallel_loop3A_276 = vector.broadcast %parallel_loop3A_275 : i32 to vector<16xi32>
      %parallel_loop3A_277 = arith.andi %parallel_loop3A_274, %parallel_loop3A_276 : vector<16xi32>
      %parallel_loop3A_278 = arith.addi %parallel_loop3A_12, %parallel_loop3A_277 : vector<16xi32>
      %parallel_loop3A_279 = arith.constant 38 : i32
      %parallel_loop3A_280 = vector.broadcast %parallel_loop3A_279 : i32 to vector<16xi32>
      %parallel_loop3A_281 = arith.addi %iota3A, %parallel_loop3A_280 : vector<16xi32>
      %parallel_loop3A_282 = arith.constant 63 : i32
      %parallel_loop3A_283 = vector.broadcast %parallel_loop3A_282 : i32 to vector<16xi32>
      %parallel_loop3A_284 = arith.andi %parallel_loop3A_281, %parallel_loop3A_283 : vector<16xi32>
      %parallel_loop3A_285 = arith.addi %parallel_loop3A_12, %parallel_loop3A_284 : vector<16xi32>
      %parallel_loop3A_286 = arith.constant 39 : i32
      %parallel_loop3A_287 = vector.broadcast %parallel_loop3A_286 : i32 to vector<16xi32>
      %parallel_loop3A_288 = arith.addi %iota3A, %parallel_loop3A_287 : vector<16xi32>
      %parallel_loop3A_289 = arith.constant 63 : i32
      %parallel_loop3A_290 = vector.broadcast %parallel_loop3A_289 : i32 to vector<16xi32>
      %parallel_loop3A_291 = arith.andi %parallel_loop3A_288, %parallel_loop3A_290 : vector<16xi32>
      %parallel_loop3A_292 = arith.addi %parallel_loop3A_12, %parallel_loop3A_291 : vector<16xi32>
      %parallel_loop3A_293 = arith.constant 40 : i32
      %parallel_loop3A_294 = vector.broadcast %parallel_loop3A_293 : i32 to vector<16xi32>
      %parallel_loop3A_295 = arith.addi %iota3A, %parallel_loop3A_294 : vector<16xi32>
      %parallel_loop3A_296 = arith.constant 63 : i32
      %parallel_loop3A_297 = vector.broadcast %parallel_loop3A_296 : i32 to vector<16xi32>
      %parallel_loop3A_298 = arith.andi %parallel_loop3A_295, %parallel_loop3A_297 : vector<16xi32>
      %parallel_loop3A_299 = arith.addi %parallel_loop3A_12, %parallel_loop3A_298 : vector<16xi32>
      %parallel_loop3A_300 = arith.constant 41 : i32
      %parallel_loop3A_301 = vector.broadcast %parallel_loop3A_300 : i32 to vector<16xi32>
      %parallel_loop3A_302 = arith.addi %iota3A, %parallel_loop3A_301 : vector<16xi32>
      %parallel_loop3A_303 = arith.constant 63 : i32
      %parallel_loop3A_304 = vector.broadcast %parallel_loop3A_303 : i32 to vector<16xi32>
      %parallel_loop3A_305 = arith.andi %parallel_loop3A_302, %parallel_loop3A_304 : vector<16xi32>
      %parallel_loop3A_306 = arith.addi %parallel_loop3A_12, %parallel_loop3A_305 : vector<16xi32>
      %parallel_loop3A_307 = arith.constant 42 : i32
      %parallel_loop3A_308 = vector.broadcast %parallel_loop3A_307 : i32 to vector<16xi32>
      %parallel_loop3A_309 = arith.addi %iota3A, %parallel_loop3A_308 : vector<16xi32>
      %parallel_loop3A_310 = arith.constant 63 : i32
      %parallel_loop3A_311 = vector.broadcast %parallel_loop3A_310 : i32 to vector<16xi32>
      %parallel_loop3A_312 = arith.andi %parallel_loop3A_309, %parallel_loop3A_311 : vector<16xi32>
      %parallel_loop3A_313 = arith.addi %parallel_loop3A_12, %parallel_loop3A_312 : vector<16xi32>
      %parallel_loop3A_314 = arith.constant 43 : i32
      %parallel_loop3A_315 = vector.broadcast %parallel_loop3A_314 : i32 to vector<16xi32>
      %parallel_loop3A_316 = arith.addi %iota3A, %parallel_loop3A_315 : vector<16xi32>
      %parallel_loop3A_317 = arith.constant 63 : i32
      %parallel_loop3A_318 = vector.broadcast %parallel_loop3A_317 : i32 to vector<16xi32>
      %parallel_loop3A_319 = arith.andi %parallel_loop3A_316, %parallel_loop3A_318 : vector<16xi32>
      %parallel_loop3A_320 = arith.addi %parallel_loop3A_12, %parallel_loop3A_319 : vector<16xi32>
      %parallel_loop3A_321 = arith.constant 44 : i32
      %parallel_loop3A_322 = vector.broadcast %parallel_loop3A_321 : i32 to vector<16xi32>
      %parallel_loop3A_323 = arith.addi %iota3A, %parallel_loop3A_322 : vector<16xi32>
      %parallel_loop3A_324 = arith.constant 63 : i32
      %parallel_loop3A_325 = vector.broadcast %parallel_loop3A_324 : i32 to vector<16xi32>
      %parallel_loop3A_326 = arith.andi %parallel_loop3A_323, %parallel_loop3A_325 : vector<16xi32>
      %parallel_loop3A_327 = arith.addi %parallel_loop3A_12, %parallel_loop3A_326 : vector<16xi32>
      %parallel_loop3A_328 = arith.constant 45 : i32
      %parallel_loop3A_329 = vector.broadcast %parallel_loop3A_328 : i32 to vector<16xi32>
      %parallel_loop3A_330 = arith.addi %iota3A, %parallel_loop3A_329 : vector<16xi32>
      %parallel_loop3A_331 = arith.constant 63 : i32
      %parallel_loop3A_332 = vector.broadcast %parallel_loop3A_331 : i32 to vector<16xi32>
      %parallel_loop3A_333 = arith.andi %parallel_loop3A_330, %parallel_loop3A_332 : vector<16xi32>
      %parallel_loop3A_334 = arith.addi %parallel_loop3A_12, %parallel_loop3A_333 : vector<16xi32>
      %parallel_loop3A_335 = arith.constant 46 : i32
      %parallel_loop3A_336 = vector.broadcast %parallel_loop3A_335 : i32 to vector<16xi32>
      %parallel_loop3A_337 = arith.addi %iota3A, %parallel_loop3A_336 : vector<16xi32>
      %parallel_loop3A_338 = arith.constant 63 : i32
      %parallel_loop3A_339 = vector.broadcast %parallel_loop3A_338 : i32 to vector<16xi32>
      %parallel_loop3A_340 = arith.andi %parallel_loop3A_337, %parallel_loop3A_339 : vector<16xi32>
      %parallel_loop3A_341 = arith.addi %parallel_loop3A_12, %parallel_loop3A_340 : vector<16xi32>
      %parallel_loop3A_342 = arith.constant 47 : i32
      %parallel_loop3A_343 = vector.broadcast %parallel_loop3A_342 : i32 to vector<16xi32>
      %parallel_loop3A_344 = arith.addi %iota3A, %parallel_loop3A_343 : vector<16xi32>
      %parallel_loop3A_345 = arith.constant 63 : i32
      %parallel_loop3A_346 = vector.broadcast %parallel_loop3A_345 : i32 to vector<16xi32>
      %parallel_loop3A_347 = arith.andi %parallel_loop3A_344, %parallel_loop3A_346 : vector<16xi32>
      %parallel_loop3A_348 = arith.addi %parallel_loop3A_12, %parallel_loop3A_347 : vector<16xi32>
      %parallel_loop3A_349 = arith.constant 48 : i32
      %parallel_loop3A_350 = vector.broadcast %parallel_loop3A_349 : i32 to vector<16xi32>
      %parallel_loop3A_351 = arith.addi %iota3A, %parallel_loop3A_350 : vector<16xi32>
      %parallel_loop3A_352 = arith.constant 63 : i32
      %parallel_loop3A_353 = vector.broadcast %parallel_loop3A_352 : i32 to vector<16xi32>
      %parallel_loop3A_354 = arith.andi %parallel_loop3A_351, %parallel_loop3A_353 : vector<16xi32>
      %parallel_loop3A_355 = arith.addi %parallel_loop3A_12, %parallel_loop3A_354 : vector<16xi32>
      %parallel_loop3A_356 = arith.constant 49 : i32
      %parallel_loop3A_357 = vector.broadcast %parallel_loop3A_356 : i32 to vector<16xi32>
      %parallel_loop3A_358 = arith.addi %iota3A, %parallel_loop3A_357 : vector<16xi32>
      %parallel_loop3A_359 = arith.constant 63 : i32
      %parallel_loop3A_360 = vector.broadcast %parallel_loop3A_359 : i32 to vector<16xi32>
      %parallel_loop3A_361 = arith.andi %parallel_loop3A_358, %parallel_loop3A_360 : vector<16xi32>
      %parallel_loop3A_362 = arith.addi %parallel_loop3A_12, %parallel_loop3A_361 : vector<16xi32>
      %parallel_loop3A_363 = arith.constant 50 : i32
      %parallel_loop3A_364 = vector.broadcast %parallel_loop3A_363 : i32 to vector<16xi32>
      %parallel_loop3A_365 = arith.addi %iota3A, %parallel_loop3A_364 : vector<16xi32>
      %parallel_loop3A_366 = arith.constant 63 : i32
      %parallel_loop3A_367 = vector.broadcast %parallel_loop3A_366 : i32 to vector<16xi32>
      %parallel_loop3A_368 = arith.andi %parallel_loop3A_365, %parallel_loop3A_367 : vector<16xi32>
      %parallel_loop3A_369 = arith.addi %parallel_loop3A_12, %parallel_loop3A_368 : vector<16xi32>
      %parallel_loop3A_370 = arith.constant 51 : i32
      %parallel_loop3A_371 = vector.broadcast %parallel_loop3A_370 : i32 to vector<16xi32>
      %parallel_loop3A_372 = arith.addi %iota3A, %parallel_loop3A_371 : vector<16xi32>
      %parallel_loop3A_373 = arith.constant 63 : i32
      %parallel_loop3A_374 = vector.broadcast %parallel_loop3A_373 : i32 to vector<16xi32>
      %parallel_loop3A_375 = arith.andi %parallel_loop3A_372, %parallel_loop3A_374 : vector<16xi32>
      %parallel_loop3A_376 = arith.addi %parallel_loop3A_12, %parallel_loop3A_375 : vector<16xi32>
      %parallel_loop3A_377 = arith.constant 52 : i32
      %parallel_loop3A_378 = vector.broadcast %parallel_loop3A_377 : i32 to vector<16xi32>
      %parallel_loop3A_379 = arith.addi %iota3A, %parallel_loop3A_378 : vector<16xi32>
      %parallel_loop3A_380 = arith.constant 63 : i32
      %parallel_loop3A_381 = vector.broadcast %parallel_loop3A_380 : i32 to vector<16xi32>
      %parallel_loop3A_382 = arith.andi %parallel_loop3A_379, %parallel_loop3A_381 : vector<16xi32>
      %parallel_loop3A_383 = arith.addi %parallel_loop3A_12, %parallel_loop3A_382 : vector<16xi32>
      %parallel_loop3A_384 = arith.constant 53 : i32
      %parallel_loop3A_385 = vector.broadcast %parallel_loop3A_384 : i32 to vector<16xi32>
      %parallel_loop3A_386 = arith.addi %iota3A, %parallel_loop3A_385 : vector<16xi32>
      %parallel_loop3A_387 = arith.constant 63 : i32
      %parallel_loop3A_388 = vector.broadcast %parallel_loop3A_387 : i32 to vector<16xi32>
      %parallel_loop3A_389 = arith.andi %parallel_loop3A_386, %parallel_loop3A_388 : vector<16xi32>
      %parallel_loop3A_390 = arith.addi %parallel_loop3A_12, %parallel_loop3A_389 : vector<16xi32>
      %parallel_loop3A_391 = arith.constant 54 : i32
      %parallel_loop3A_392 = vector.broadcast %parallel_loop3A_391 : i32 to vector<16xi32>
      %parallel_loop3A_393 = arith.addi %iota3A, %parallel_loop3A_392 : vector<16xi32>
      %parallel_loop3A_394 = arith.constant 63 : i32
      %parallel_loop3A_395 = vector.broadcast %parallel_loop3A_394 : i32 to vector<16xi32>
      %parallel_loop3A_396 = arith.andi %parallel_loop3A_393, %parallel_loop3A_395 : vector<16xi32>
      %parallel_loop3A_397 = arith.addi %parallel_loop3A_12, %parallel_loop3A_396 : vector<16xi32>
      %parallel_loop3A_398 = arith.constant 55 : i32
      %parallel_loop3A_399 = vector.broadcast %parallel_loop3A_398 : i32 to vector<16xi32>
      %parallel_loop3A_400 = arith.addi %iota3A, %parallel_loop3A_399 : vector<16xi32>
      %parallel_loop3A_401 = arith.constant 63 : i32
      %parallel_loop3A_402 = vector.broadcast %parallel_loop3A_401 : i32 to vector<16xi32>
      %parallel_loop3A_403 = arith.andi %parallel_loop3A_400, %parallel_loop3A_402 : vector<16xi32>
      %parallel_loop3A_404 = arith.addi %parallel_loop3A_12, %parallel_loop3A_403 : vector<16xi32>
      %parallel_loop3A_405 = arith.constant 56 : i32
      %parallel_loop3A_406 = vector.broadcast %parallel_loop3A_405 : i32 to vector<16xi32>
      %parallel_loop3A_407 = arith.addi %iota3A, %parallel_loop3A_406 : vector<16xi32>
      %parallel_loop3A_408 = arith.constant 63 : i32
      %parallel_loop3A_409 = vector.broadcast %parallel_loop3A_408 : i32 to vector<16xi32>
      %parallel_loop3A_410 = arith.andi %parallel_loop3A_407, %parallel_loop3A_409 : vector<16xi32>
      %parallel_loop3A_411 = arith.addi %parallel_loop3A_12, %parallel_loop3A_410 : vector<16xi32>
      %parallel_loop3A_412 = arith.constant 57 : i32
      %parallel_loop3A_413 = vector.broadcast %parallel_loop3A_412 : i32 to vector<16xi32>
      %parallel_loop3A_414 = arith.addi %iota3A, %parallel_loop3A_413 : vector<16xi32>
      %parallel_loop3A_415 = arith.constant 63 : i32
      %parallel_loop3A_416 = vector.broadcast %parallel_loop3A_415 : i32 to vector<16xi32>
      %parallel_loop3A_417 = arith.andi %parallel_loop3A_414, %parallel_loop3A_416 : vector<16xi32>
      %parallel_loop3A_418 = arith.addi %parallel_loop3A_12, %parallel_loop3A_417 : vector<16xi32>
      %parallel_loop3A_419 = arith.constant 58 : i32
      %parallel_loop3A_420 = vector.broadcast %parallel_loop3A_419 : i32 to vector<16xi32>
      %parallel_loop3A_421 = arith.addi %iota3A, %parallel_loop3A_420 : vector<16xi32>
      %parallel_loop3A_422 = arith.constant 63 : i32
      %parallel_loop3A_423 = vector.broadcast %parallel_loop3A_422 : i32 to vector<16xi32>
      %parallel_loop3A_424 = arith.andi %parallel_loop3A_421, %parallel_loop3A_423 : vector<16xi32>
      %parallel_loop3A_425 = arith.addi %parallel_loop3A_12, %parallel_loop3A_424 : vector<16xi32>
      %parallel_loop3A_426 = arith.constant 59 : i32
      %parallel_loop3A_427 = vector.broadcast %parallel_loop3A_426 : i32 to vector<16xi32>
      %parallel_loop3A_428 = arith.addi %iota3A, %parallel_loop3A_427 : vector<16xi32>
      %parallel_loop3A_429 = arith.constant 63 : i32
      %parallel_loop3A_430 = vector.broadcast %parallel_loop3A_429 : i32 to vector<16xi32>
      %parallel_loop3A_431 = arith.andi %parallel_loop3A_428, %parallel_loop3A_430 : vector<16xi32>
      %parallel_loop3A_432 = arith.addi %parallel_loop3A_12, %parallel_loop3A_431 : vector<16xi32>
      %parallel_loop3A_433 = arith.constant 60 : i32
      %parallel_loop3A_434 = vector.broadcast %parallel_loop3A_433 : i32 to vector<16xi32>
      %parallel_loop3A_435 = arith.addi %iota3A, %parallel_loop3A_434 : vector<16xi32>
      %parallel_loop3A_436 = arith.constant 63 : i32
      %parallel_loop3A_437 = vector.broadcast %parallel_loop3A_436 : i32 to vector<16xi32>
      %parallel_loop3A_438 = arith.andi %parallel_loop3A_435, %parallel_loop3A_437 : vector<16xi32>
      %parallel_loop3A_439 = arith.addi %parallel_loop3A_12, %parallel_loop3A_438 : vector<16xi32>
      %parallel_loop3A_440 = arith.constant 61 : i32
      %parallel_loop3A_441 = vector.broadcast %parallel_loop3A_440 : i32 to vector<16xi32>
      %parallel_loop3A_442 = arith.addi %iota3A, %parallel_loop3A_441 : vector<16xi32>
      %parallel_loop3A_443 = arith.constant 63 : i32
      %parallel_loop3A_444 = vector.broadcast %parallel_loop3A_443 : i32 to vector<16xi32>
      %parallel_loop3A_445 = arith.andi %parallel_loop3A_442, %parallel_loop3A_444 : vector<16xi32>
      %parallel_loop3A_446 = arith.addi %parallel_loop3A_12, %parallel_loop3A_445 : vector<16xi32>
      %parallel_loop3A_447 = arith.constant 62 : i32
      %parallel_loop3A_448 = vector.broadcast %parallel_loop3A_447 : i32 to vector<16xi32>
      %parallel_loop3A_449 = arith.addi %iota3A, %parallel_loop3A_448 : vector<16xi32>
      %parallel_loop3A_450 = arith.constant 63 : i32
      %parallel_loop3A_451 = vector.broadcast %parallel_loop3A_450 : i32 to vector<16xi32>
      %parallel_loop3A_452 = arith.andi %parallel_loop3A_449, %parallel_loop3A_451 : vector<16xi32>
      %parallel_loop3A_453 = arith.addi %parallel_loop3A_12, %parallel_loop3A_452 : vector<16xi32>
      %parallel_loop3A_454 = arith.constant 63 : i32
      %parallel_loop3A_455 = vector.broadcast %parallel_loop3A_454 : i32 to vector<16xi32>
      %parallel_loop3A_456 = arith.addi %iota3A, %parallel_loop3A_455 : vector<16xi32>
      %parallel_loop3A_457 = arith.constant 63 : i32
      %parallel_loop3A_458 = vector.broadcast %parallel_loop3A_457 : i32 to vector<16xi32>
      %parallel_loop3A_459 = arith.andi %parallel_loop3A_456, %parallel_loop3A_458 : vector<16xi32>
      %parallel_loop3A_460 = arith.addi %parallel_loop3A_12, %parallel_loop3A_459 : vector<16xi32>
      %parallel_loop3A_461 = tpu.vector_load_idx %arg4[%parallel_loop3A_19] : memref<8192xf32, #tpu.memory_space<vmem>>[vector<16xi32>], vector<16xf32>,
      %parallel_loop3A_462 = tpu.vector_load_idx %arg4[%parallel_loop3A_26] : memref<8192xf32, #tpu.memory_space<vmem>>[vector<16xi32>], vector<16xf32>,
      %parallel_loop3A_463 = tpu.vector_load_idx %arg4[%parallel_loop3A_33] : memref<8192xf32, #tpu.memory_space<vmem>>[vector<16xi32>], vector<16xf32>,
      %parallel_loop3A_464 = tpu.vector_load_idx %arg4[%parallel_loop3A_40] : memref<8192xf32, #tpu.memory_space<vmem>>[vector<16xi32>], vector<16xf32>,
      %parallel_loop3A_465 = tpu.vector_load_idx %arg4[%parallel_loop3A_47] : memref<8192xf32, #tpu.memory_space<vmem>>[vector<16xi32>], vector<16xf32>,
      %parallel_loop3A_466 = tpu.vector_load_idx %arg4[%parallel_loop3A_54] : memref<8192xf32, #tpu.memory_space<vmem>>[vector<16xi32>], vector<16xf32>,
      %parallel_loop3A_467 = tpu.vector_load_idx %arg4[%parallel_loop3A_61] : memref<8192xf32, #tpu.memory_space<vmem>>[vector<16xi32>], vector<16xf32>,
      %parallel_loop3A_468 = tpu.vector_load_idx %arg4[%parallel_loop3A_68] : memref<8192xf32, #tpu.memory_space<vmem>>[vector<16xi32>], vector<16xf32>,
      %parallel_loop3A_469 = tpu.vector_load_idx %arg4[%parallel_loop3A_75] : memref<8192xf32, #tpu.memory_space<vmem>>[vector<16xi32>], vector<16xf32>,
      %parallel_loop3A_470 = tpu.vector_load_idx %arg4[%parallel_loop3A_82] : memref<8192xf32, #tpu.memory_space<vmem>>[vector<16xi32>], vector<16xf32>,
      %parallel_loop3A_471 = tpu.vector_load_idx %arg4[%parallel_loop3A_89] : memref<8192xf32, #tpu.memory_space<vmem>>[vector<16xi32>], vector<16xf32>,
      %parallel_loop3A_472 = tpu.vector_load_idx %arg4[%parallel_loop3A_96] : memref<8192xf32, #tpu.memory_space<vmem>>[vector<16xi32>], vector<16xf32>,
      %parallel_loop3A_473 = tpu.vector_load_idx %arg4[%parallel_loop3A_103] : memref<8192xf32, #tpu.memory_space<vmem>>[vector<16xi32>], vector<16xf32>,
      %parallel_loop3A_474 = tpu.vector_load_idx %arg4[%parallel_loop3A_110] : memref<8192xf32, #tpu.memory_space<vmem>>[vector<16xi32>], vector<16xf32>,
      %parallel_loop3A_475 = tpu.vector_load_idx %arg4[%parallel_loop3A_117] : memref<8192xf32, #tpu.memory_space<vmem>>[vector<16xi32>], vector<16xf32>,
      %parallel_loop3A_476 = tpu.vector_load_idx %arg4[%parallel_loop3A_124] : memref<8192xf32, #tpu.memory_space<vmem>>[vector<16xi32>], vector<16xf32>,
      %parallel_loop3A_477 = tpu.vector_load_idx %arg4[%parallel_loop3A_131] : memref<8192xf32, #tpu.memory_space<vmem>>[vector<16xi32>], vector<16xf32>,
      %parallel_loop3A_478 = tpu.vector_load_idx %arg4[%parallel_loop3A_138] : memref<8192xf32, #tpu.memory_space<vmem>>[vector<16xi32>], vector<16xf32>,
      %parallel_loop3A_479 = tpu.vector_load_idx %arg4[%parallel_loop3A_145] : memref<8192xf32, #tpu.memory_space<vmem>>[vector<16xi32>], vector<16xf32>,
      %parallel_loop3A_480 = tpu.vector_load_idx %arg4[%parallel_loop3A_152] : memref<8192xf32, #tpu.memory_space<vmem>>[vector<16xi32>], vector<16xf32>,
      %parallel_loop3A_481 = tpu.vector_load_idx %arg4[%parallel_loop3A_159] : memref<8192xf32, #tpu.memory_space<vmem>>[vector<16xi32>], vector<16xf32>,
      %parallel_loop3A_482 = tpu.vector_load_idx %arg4[%parallel_loop3A_166] : memref<8192xf32, #tpu.memory_space<vmem>>[vector<16xi32>], vector<16xf32>,
      %parallel_loop3A_483 = tpu.vector_load_idx %arg4[%parallel_loop3A_173] : memref<8192xf32, #tpu.memory_space<vmem>>[vector<16xi32>], vector<16xf32>,
      %parallel_loop3A_484 = tpu.vector_load_idx %arg4[%parallel_loop3A_180] : memref<8192xf32, #tpu.memory_space<vmem>>[vector<16xi32>], vector<16xf32>,
      %parallel_loop3A_485 = tpu.vector_load_idx %arg4[%parallel_loop3A_187] : memref<8192xf32, #tpu.memory_space<vmem>>[vector<16xi32>], vector<16xf32>,
      %parallel_loop3A_486 = tpu.vector_load_idx %arg4[%parallel_loop3A_194] : memref<8192xf32, #tpu.memory_space<vmem>>[vector<16xi32>], vector<16xf32>,
      %parallel_loop3A_487 = tpu.vector_load_idx %arg4[%parallel_loop3A_201] : memref<8192xf32, #tpu.memory_space<vmem>>[vector<16xi32>], vector<16xf32>,
      %parallel_loop3A_488 = tpu.vector_load_idx %arg4[%parallel_loop3A_208] : memref<8192xf32, #tpu.memory_space<vmem>>[vector<16xi32>], vector<16xf32>,
      %parallel_loop3A_489 = tpu.vector_load_idx %arg4[%parallel_loop3A_215] : memref<8192xf32, #tpu.memory_space<vmem>>[vector<16xi32>], vector<16xf32>,
      %parallel_loop3A_490 = tpu.vector_load_idx %arg4[%parallel_loop3A_222] : memref<8192xf32, #tpu.memory_space<vmem>>[vector<16xi32>], vector<16xf32>,
      %parallel_loop3A_491 = tpu.vector_load_idx %arg4[%parallel_loop3A_229] : memref<8192xf32, #tpu.memory_space<vmem>>[vector<16xi32>], vector<16xf32>,
      %parallel_loop3A_492 = tpu.vector_load_idx %arg4[%parallel_loop3A_236] : memref<8192xf32, #tpu.memory_space<vmem>>[vector<16xi32>], vector<16xf32>,
      %parallel_loop3A_493 = tpu.vector_load_idx %arg4[%parallel_loop3A_243] : memref<8192xf32, #tpu.memory_space<vmem>>[vector<16xi32>], vector<16xf32>,
      %parallel_loop3A_494 = tpu.vector_load_idx %arg4[%parallel_loop3A_250] : memref<8192xf32, #tpu.memory_space<vmem>>[vector<16xi32>], vector<16xf32>,
      %parallel_loop3A_495 = tpu.vector_load_idx %arg4[%parallel_loop3A_257] : memref<8192xf32, #tpu.memory_space<vmem>>[vector<16xi32>], vector<16xf32>,
      %parallel_loop3A_496 = tpu.vector_load_idx %arg4[%parallel_loop3A_264] : memref<8192xf32, #tpu.memory_space<vmem>>[vector<16xi32>], vector<16xf32>,
      %parallel_loop3A_497 = tpu.vector_load_idx %arg4[%parallel_loop3A_271] : memref<8192xf32, #tpu.memory_space<vmem>>[vector<16xi32>], vector<16xf32>,
      %parallel_loop3A_498 = tpu.vector_load_idx %arg4[%parallel_loop3A_278] : memref<8192xf32, #tpu.memory_space<vmem>>[vector<16xi32>], vector<16xf32>,
      %parallel_loop3A_499 = tpu.vector_load_idx %arg4[%parallel_loop3A_285] : memref<8192xf32, #tpu.memory_space<vmem>>[vector<16xi32>], vector<16xf32>,
      %parallel_loop3A_500 = tpu.vector_load_idx %arg4[%parallel_loop3A_292] : memref<8192xf32, #tpu.memory_space<vmem>>[vector<16xi32>], vector<16xf32>,
      %parallel_loop3A_501 = tpu.vector_load_idx %arg4[%parallel_loop3A_299] : memref<8192xf32, #tpu.memory_space<vmem>>[vector<16xi32>], vector<16xf32>,
      %parallel_loop3A_502 = tpu.vector_load_idx %arg4[%parallel_loop3A_306] : memref<8192xf32, #tpu.memory_space<vmem>>[vector<16xi32>], vector<16xf32>,
      %parallel_loop3A_503 = tpu.vector_load_idx %arg4[%parallel_loop3A_313] : memref<8192xf32, #tpu.memory_space<vmem>>[vector<16xi32>], vector<16xf32>,
      %parallel_loop3A_504 = tpu.vector_load_idx %arg4[%parallel_loop3A_320] : memref<8192xf32, #tpu.memory_space<vmem>>[vector<16xi32>], vector<16xf32>,
      %parallel_loop3A_505 = tpu.vector_load_idx %arg4[%parallel_loop3A_327] : memref<8192xf32, #tpu.memory_space<vmem>>[vector<16xi32>], vector<16xf32>,
      %parallel_loop3A_506 = tpu.vector_load_idx %arg4[%parallel_loop3A_334] : memref<8192xf32, #tpu.memory_space<vmem>>[vector<16xi32>], vector<16xf32>,
      %parallel_loop3A_507 = tpu.vector_load_idx %arg4[%parallel_loop3A_341] : memref<8192xf32, #tpu.memory_space<vmem>>[vector<16xi32>], vector<16xf32>,
      %parallel_loop3A_508 = tpu.vector_load_idx %arg4[%parallel_loop3A_348] : memref<8192xf32, #tpu.memory_space<vmem>>[vector<16xi32>], vector<16xf32>,
      %parallel_loop3A_509 = tpu.vector_load_idx %arg4[%parallel_loop3A_355] : memref<8192xf32, #tpu.memory_space<vmem>>[vector<16xi32>], vector<16xf32>,
      %parallel_loop3A_510 = tpu.vector_load_idx %arg4[%parallel_loop3A_362] : memref<8192xf32, #tpu.memory_space<vmem>>[vector<16xi32>], vector<16xf32>,
      %parallel_loop3A_511 = tpu.vector_load_idx %arg4[%parallel_loop3A_369] : memref<8192xf32, #tpu.memory_space<vmem>>[vector<16xi32>], vector<16xf32>,
      %parallel_loop3A_512 = tpu.vector_load_idx %arg4[%parallel_loop3A_376] : memref<8192xf32, #tpu.memory_space<vmem>>[vector<16xi32>], vector<16xf32>,
      %parallel_loop3A_513 = tpu.vector_load_idx %arg4[%parallel_loop3A_383] : memref<8192xf32, #tpu.memory_space<vmem>>[vector<16xi32>], vector<16xf32>,
      %parallel_loop3A_514 = tpu.vector_load_idx %arg4[%parallel_loop3A_390] : memref<8192xf32, #tpu.memory_space<vmem>>[vector<16xi32>], vector<16xf32>,
      %parallel_loop3A_515 = tpu.vector_load_idx %arg4[%parallel_loop3A_397] : memref<8192xf32, #tpu.memory_space<vmem>>[vector<16xi32>], vector<16xf32>,
      %parallel_loop3A_516 = tpu.vector_load_idx %arg4[%parallel_loop3A_404] : memref<8192xf32, #tpu.memory_space<vmem>>[vector<16xi32>], vector<16xf32>,
      %parallel_loop3A_517 = tpu.vector_load_idx %arg4[%parallel_loop3A_411] : memref<8192xf32, #tpu.memory_space<vmem>>[vector<16xi32>], vector<16xf32>,
      %parallel_loop3A_518 = tpu.vector_load_idx %arg4[%parallel_loop3A_418] : memref<8192xf32, #tpu.memory_space<vmem>>[vector<16xi32>], vector<16xf32>,
      %parallel_loop3A_519 = tpu.vector_load_idx %arg4[%parallel_loop3A_425] : memref<8192xf32, #tpu.memory_space<vmem>>[vector<16xi32>], vector<16xf32>,
      %parallel_loop3A_520 = tpu.vector_load_idx %arg4[%parallel_loop3A_432] : memref<8192xf32, #tpu.memory_space<vmem>>[vector<16xi32>], vector<16xf32>,
      %parallel_loop3A_521 = tpu.vector_load_idx %arg4[%parallel_loop3A_439] : memref<8192xf32, #tpu.memory_space<vmem>>[vector<16xi32>], vector<16xf32>,
      %parallel_loop3A_522 = tpu.vector_load_idx %arg4[%parallel_loop3A_446] : memref<8192xf32, #tpu.memory_space<vmem>>[vector<16xi32>], vector<16xf32>,
      %parallel_loop3A_523 = tpu.vector_load_idx %arg4[%parallel_loop3A_453] : memref<8192xf32, #tpu.memory_space<vmem>>[vector<16xi32>], vector<16xf32>,
      %parallel_loop3A_524 = tpu.vector_load_idx %arg4[%parallel_loop3A_460] : memref<8192xf32, #tpu.memory_space<vmem>>[vector<16xi32>], vector<16xf32>,
      %parallel_loop3A_525 = arith.maximumf %parallel_loop3A_461, %parallel_loop3A_462 : vector<16xf32>
      %parallel_loop3A_526 = arith.minimumf %parallel_loop3A_461, %parallel_loop3A_462 : vector<16xf32>
      %parallel_loop3A_527 = arith.maximumf %parallel_loop3A_463, %parallel_loop3A_464 : vector<16xf32>
      %parallel_loop3A_528 = arith.minimumf %parallel_loop3A_463, %parallel_loop3A_464 : vector<16xf32>
      %parallel_loop3A_529 = arith.maximumf %parallel_loop3A_465, %parallel_loop3A_466 : vector<16xf32>
      %parallel_loop3A_530 = arith.minimumf %parallel_loop3A_465, %parallel_loop3A_466 : vector<16xf32>
      %parallel_loop3A_531 = arith.maximumf %parallel_loop3A_467, %parallel_loop3A_468 : vector<16xf32>
      %parallel_loop3A_532 = arith.minimumf %parallel_loop3A_467, %parallel_loop3A_468 : vector<16xf32>
      %parallel_loop3A_533 = arith.maximumf %parallel_loop3A_525, %parallel_loop3A_527 : vector<16xf32>
      %parallel_loop3A_534 = arith.minimumf %parallel_loop3A_525, %parallel_loop3A_527 : vector<16xf32>
      %parallel_loop3A_535 = arith.maximumf %parallel_loop3A_526, %parallel_loop3A_528 : vector<16xf32>
      %parallel_loop3A_536 = arith.minimumf %parallel_loop3A_526, %parallel_loop3A_528 : vector<16xf32>
      %parallel_loop3A_537 = arith.maximumf %parallel_loop3A_529, %parallel_loop3A_531 : vector<16xf32>
      %parallel_loop3A_538 = arith.minimumf %parallel_loop3A_529, %parallel_loop3A_531 : vector<16xf32>
      %parallel_loop3A_539 = arith.maximumf %parallel_loop3A_530, %parallel_loop3A_532 : vector<16xf32>
      %parallel_loop3A_540 = arith.minimumf %parallel_loop3A_530, %parallel_loop3A_532 : vector<16xf32>
      %parallel_loop3A_541 = arith.maximumf %parallel_loop3A_535, %parallel_loop3A_534 : vector<16xf32>
      %parallel_loop3A_542 = arith.minimumf %parallel_loop3A_535, %parallel_loop3A_534 : vector<16xf32>
      %parallel_loop3A_543 = arith.maximumf %parallel_loop3A_539, %parallel_loop3A_538 : vector<16xf32>
      %parallel_loop3A_544 = arith.minimumf %parallel_loop3A_539, %parallel_loop3A_538 : vector<16xf32>
      %parallel_loop3A_545 = arith.maximumf %parallel_loop3A_533, %parallel_loop3A_537 : vector<16xf32>
      %parallel_loop3A_546 = arith.minimumf %parallel_loop3A_533, %parallel_loop3A_537 : vector<16xf32>
      %parallel_loop3A_547 = arith.maximumf %parallel_loop3A_541, %parallel_loop3A_543 : vector<16xf32>
      %parallel_loop3A_548 = arith.minimumf %parallel_loop3A_541, %parallel_loop3A_543 : vector<16xf32>
      %parallel_loop3A_549 = arith.maximumf %parallel_loop3A_542, %parallel_loop3A_544 : vector<16xf32>
      %parallel_loop3A_550 = arith.minimumf %parallel_loop3A_542, %parallel_loop3A_544 : vector<16xf32>
      %parallel_loop3A_551 = arith.maximumf %parallel_loop3A_536, %parallel_loop3A_540 : vector<16xf32>
      %parallel_loop3A_552 = arith.minimumf %parallel_loop3A_536, %parallel_loop3A_540 : vector<16xf32>
      %parallel_loop3A_553 = arith.maximumf %parallel_loop3A_547, %parallel_loop3A_546 : vector<16xf32>
      %parallel_loop3A_554 = arith.minimumf %parallel_loop3A_547, %parallel_loop3A_546 : vector<16xf32>
      %parallel_loop3A_555 = arith.maximumf %parallel_loop3A_551, %parallel_loop3A_550 : vector<16xf32>
      %parallel_loop3A_556 = arith.minimumf %parallel_loop3A_551, %parallel_loop3A_550 : vector<16xf32>
      %parallel_loop3A_557 = arith.maximumf %parallel_loop3A_549, %parallel_loop3A_554 : vector<16xf32>
      %parallel_loop3A_558 = arith.minimumf %parallel_loop3A_549, %parallel_loop3A_554 : vector<16xf32>
      %parallel_loop3A_559 = arith.maximumf %parallel_loop3A_555, %parallel_loop3A_548 : vector<16xf32>
      %parallel_loop3A_560 = arith.minimumf %parallel_loop3A_555, %parallel_loop3A_548 : vector<16xf32>
      %parallel_loop3A_561 = arith.maximumf %parallel_loop3A_559, %parallel_loop3A_558 : vector<16xf32>
      %parallel_loop3A_562 = arith.minimumf %parallel_loop3A_559, %parallel_loop3A_558 : vector<16xf32>
      %parallel_loop3A_563 = arith.maximumf %parallel_loop3A_469, %parallel_loop3A_470 : vector<16xf32>
      %parallel_loop3A_564 = arith.minimumf %parallel_loop3A_469, %parallel_loop3A_470 : vector<16xf32>
      %parallel_loop3A_565 = arith.maximumf %parallel_loop3A_471, %parallel_loop3A_472 : vector<16xf32>
      %parallel_loop3A_566 = arith.minimumf %parallel_loop3A_471, %parallel_loop3A_472 : vector<16xf32>
      %parallel_loop3A_567 = arith.maximumf %parallel_loop3A_473, %parallel_loop3A_474 : vector<16xf32>
      %parallel_loop3A_568 = arith.minimumf %parallel_loop3A_473, %parallel_loop3A_474 : vector<16xf32>
      %parallel_loop3A_569 = arith.maximumf %parallel_loop3A_475, %parallel_loop3A_476 : vector<16xf32>
      %parallel_loop3A_570 = arith.minimumf %parallel_loop3A_475, %parallel_loop3A_476 : vector<16xf32>
      %parallel_loop3A_571 = arith.maximumf %parallel_loop3A_563, %parallel_loop3A_565 : vector<16xf32>
      %parallel_loop3A_572 = arith.minimumf %parallel_loop3A_563, %parallel_loop3A_565 : vector<16xf32>
      %parallel_loop3A_573 = arith.maximumf %parallel_loop3A_564, %parallel_loop3A_566 : vector<16xf32>
      %parallel_loop3A_574 = arith.minimumf %parallel_loop3A_564, %parallel_loop3A_566 : vector<16xf32>
      %parallel_loop3A_575 = arith.maximumf %parallel_loop3A_567, %parallel_loop3A_569 : vector<16xf32>
      %parallel_loop3A_576 = arith.minimumf %parallel_loop3A_567, %parallel_loop3A_569 : vector<16xf32>
      %parallel_loop3A_577 = arith.maximumf %parallel_loop3A_568, %parallel_loop3A_570 : vector<16xf32>
      %parallel_loop3A_578 = arith.minimumf %parallel_loop3A_568, %parallel_loop3A_570 : vector<16xf32>
      %parallel_loop3A_579 = arith.maximumf %parallel_loop3A_573, %parallel_loop3A_572 : vector<16xf32>
      %parallel_loop3A_580 = arith.minimumf %parallel_loop3A_573, %parallel_loop3A_572 : vector<16xf32>
      %parallel_loop3A_581 = arith.maximumf %parallel_loop3A_577, %parallel_loop3A_576 : vector<16xf32>
      %parallel_loop3A_582 = arith.minimumf %parallel_loop3A_577, %parallel_loop3A_576 : vector<16xf32>
      %parallel_loop3A_583 = arith.maximumf %parallel_loop3A_571, %parallel_loop3A_575 : vector<16xf32>
      %parallel_loop3A_584 = arith.minimumf %parallel_loop3A_571, %parallel_loop3A_575 : vector<16xf32>
      %parallel_loop3A_585 = arith.maximumf %parallel_loop3A_579, %parallel_loop3A_581 : vector<16xf32>
      %parallel_loop3A_586 = arith.minimumf %parallel_loop3A_579, %parallel_loop3A_581 : vector<16xf32>
      %parallel_loop3A_587 = arith.maximumf %parallel_loop3A_580, %parallel_loop3A_582 : vector<16xf32>
      %parallel_loop3A_588 = arith.minimumf %parallel_loop3A_580, %parallel_loop3A_582 : vector<16xf32>
      %parallel_loop3A_589 = arith.maximumf %parallel_loop3A_574, %parallel_loop3A_578 : vector<16xf32>
      %parallel_loop3A_590 = arith.minimumf %parallel_loop3A_574, %parallel_loop3A_578 : vector<16xf32>
      %parallel_loop3A_591 = arith.maximumf %parallel_loop3A_585, %parallel_loop3A_584 : vector<16xf32>
      %parallel_loop3A_592 = arith.minimumf %parallel_loop3A_585, %parallel_loop3A_584 : vector<16xf32>
      %parallel_loop3A_593 = arith.maximumf %parallel_loop3A_589, %parallel_loop3A_588 : vector<16xf32>
      %parallel_loop3A_594 = arith.minimumf %parallel_loop3A_589, %parallel_loop3A_588 : vector<16xf32>
      %parallel_loop3A_595 = arith.maximumf %parallel_loop3A_587, %parallel_loop3A_592 : vector<16xf32>
      %parallel_loop3A_596 = arith.minimumf %parallel_loop3A_587, %parallel_loop3A_592 : vector<16xf32>
      %parallel_loop3A_597 = arith.maximumf %parallel_loop3A_593, %parallel_loop3A_586 : vector<16xf32>
      %parallel_loop3A_598 = arith.minimumf %parallel_loop3A_593, %parallel_loop3A_586 : vector<16xf32>
      %parallel_loop3A_599 = arith.maximumf %parallel_loop3A_597, %parallel_loop3A_596 : vector<16xf32>
      %parallel_loop3A_600 = arith.minimumf %parallel_loop3A_597, %parallel_loop3A_596 : vector<16xf32>
      %parallel_loop3A_601 = arith.maximumf %parallel_loop3A_477, %parallel_loop3A_478 : vector<16xf32>
      %parallel_loop3A_602 = arith.minimumf %parallel_loop3A_477, %parallel_loop3A_478 : vector<16xf32>
      %parallel_loop3A_603 = arith.maximumf %parallel_loop3A_479, %parallel_loop3A_480 : vector<16xf32>
      %parallel_loop3A_604 = arith.minimumf %parallel_loop3A_479, %parallel_loop3A_480 : vector<16xf32>
      %parallel_loop3A_605 = arith.maximumf %parallel_loop3A_481, %parallel_loop3A_482 : vector<16xf32>
      %parallel_loop3A_606 = arith.minimumf %parallel_loop3A_481, %parallel_loop3A_482 : vector<16xf32>
      %parallel_loop3A_607 = arith.maximumf %parallel_loop3A_483, %parallel_loop3A_484 : vector<16xf32>
      %parallel_loop3A_608 = arith.minimumf %parallel_loop3A_483, %parallel_loop3A_484 : vector<16xf32>
      %parallel_loop3A_609 = arith.maximumf %parallel_loop3A_601, %parallel_loop3A_603 : vector<16xf32>
      %parallel_loop3A_610 = arith.minimumf %parallel_loop3A_601, %parallel_loop3A_603 : vector<16xf32>
      %parallel_loop3A_611 = arith.maximumf %parallel_loop3A_602, %parallel_loop3A_604 : vector<16xf32>
      %parallel_loop3A_612 = arith.minimumf %parallel_loop3A_602, %parallel_loop3A_604 : vector<16xf32>
      %parallel_loop3A_613 = arith.maximumf %parallel_loop3A_605, %parallel_loop3A_607 : vector<16xf32>
      %parallel_loop3A_614 = arith.minimumf %parallel_loop3A_605, %parallel_loop3A_607 : vector<16xf32>
      %parallel_loop3A_615 = arith.maximumf %parallel_loop3A_606, %parallel_loop3A_608 : vector<16xf32>
      %parallel_loop3A_616 = arith.minimumf %parallel_loop3A_606, %parallel_loop3A_608 : vector<16xf32>
      %parallel_loop3A_617 = arith.maximumf %parallel_loop3A_611, %parallel_loop3A_610 : vector<16xf32>
      %parallel_loop3A_618 = arith.minimumf %parallel_loop3A_611, %parallel_loop3A_610 : vector<16xf32>
      %parallel_loop3A_619 = arith.maximumf %parallel_loop3A_615, %parallel_loop3A_614 : vector<16xf32>
      %parallel_loop3A_620 = arith.minimumf %parallel_loop3A_615, %parallel_loop3A_614 : vector<16xf32>
      %parallel_loop3A_621 = arith.maximumf %parallel_loop3A_609, %parallel_loop3A_613 : vector<16xf32>
      %parallel_loop3A_622 = arith.minimumf %parallel_loop3A_609, %parallel_loop3A_613 : vector<16xf32>
      %parallel_loop3A_623 = arith.maximumf %parallel_loop3A_617, %parallel_loop3A_619 : vector<16xf32>
      %parallel_loop3A_624 = arith.minimumf %parallel_loop3A_617, %parallel_loop3A_619 : vector<16xf32>
      %parallel_loop3A_625 = arith.maximumf %parallel_loop3A_618, %parallel_loop3A_620 : vector<16xf32>
      %parallel_loop3A_626 = arith.minimumf %parallel_loop3A_618, %parallel_loop3A_620 : vector<16xf32>
      %parallel_loop3A_627 = arith.maximumf %parallel_loop3A_612, %parallel_loop3A_616 : vector<16xf32>
      %parallel_loop3A_628 = arith.minimumf %parallel_loop3A_612, %parallel_loop3A_616 : vector<16xf32>
      %parallel_loop3A_629 = arith.maximumf %parallel_loop3A_623, %parallel_loop3A_622 : vector<16xf32>
      %parallel_loop3A_630 = arith.minimumf %parallel_loop3A_623, %parallel_loop3A_622 : vector<16xf32>
      %parallel_loop3A_631 = arith.maximumf %parallel_loop3A_627, %parallel_loop3A_626 : vector<16xf32>
      %parallel_loop3A_632 = arith.minimumf %parallel_loop3A_627, %parallel_loop3A_626 : vector<16xf32>
      %parallel_loop3A_633 = arith.maximumf %parallel_loop3A_625, %parallel_loop3A_630 : vector<16xf32>
      %parallel_loop3A_634 = arith.minimumf %parallel_loop3A_625, %parallel_loop3A_630 : vector<16xf32>
      %parallel_loop3A_635 = arith.maximumf %parallel_loop3A_631, %parallel_loop3A_624 : vector<16xf32>
      %parallel_loop3A_636 = arith.minimumf %parallel_loop3A_631, %parallel_loop3A_624 : vector<16xf32>
      %parallel_loop3A_637 = arith.maximumf %parallel_loop3A_635, %parallel_loop3A_634 : vector<16xf32>
      %parallel_loop3A_638 = arith.minimumf %parallel_loop3A_635, %parallel_loop3A_634 : vector<16xf32>
      %parallel_loop3A_639 = arith.maximumf %parallel_loop3A_485, %parallel_loop3A_486 : vector<16xf32>
      %parallel_loop3A_640 = arith.minimumf %parallel_loop3A_485, %parallel_loop3A_486 : vector<16xf32>
      %parallel_loop3A_641 = arith.maximumf %parallel_loop3A_487, %parallel_loop3A_488 : vector<16xf32>
      %parallel_loop3A_642 = arith.minimumf %parallel_loop3A_487, %parallel_loop3A_488 : vector<16xf32>
      %parallel_loop3A_643 = arith.maximumf %parallel_loop3A_489, %parallel_loop3A_490 : vector<16xf32>
      %parallel_loop3A_644 = arith.minimumf %parallel_loop3A_489, %parallel_loop3A_490 : vector<16xf32>
      %parallel_loop3A_645 = arith.maximumf %parallel_loop3A_491, %parallel_loop3A_492 : vector<16xf32>
      %parallel_loop3A_646 = arith.minimumf %parallel_loop3A_491, %parallel_loop3A_492 : vector<16xf32>
      %parallel_loop3A_647 = arith.maximumf %parallel_loop3A_639, %parallel_loop3A_641 : vector<16xf32>
      %parallel_loop3A_648 = arith.minimumf %parallel_loop3A_639, %parallel_loop3A_641 : vector<16xf32>
      %parallel_loop3A_649 = arith.maximumf %parallel_loop3A_640, %parallel_loop3A_642 : vector<16xf32>
      %parallel_loop3A_650 = arith.minimumf %parallel_loop3A_640, %parallel_loop3A_642 : vector<16xf32>
      %parallel_loop3A_651 = arith.maximumf %parallel_loop3A_643, %parallel_loop3A_645 : vector<16xf32>
      %parallel_loop3A_652 = arith.minimumf %parallel_loop3A_643, %parallel_loop3A_645 : vector<16xf32>
      %parallel_loop3A_653 = arith.maximumf %parallel_loop3A_644, %parallel_loop3A_646 : vector<16xf32>
      %parallel_loop3A_654 = arith.minimumf %parallel_loop3A_644, %parallel_loop3A_646 : vector<16xf32>
      %parallel_loop3A_655 = arith.maximumf %parallel_loop3A_649, %parallel_loop3A_648 : vector<16xf32>
      %parallel_loop3A_656 = arith.minimumf %parallel_loop3A_649, %parallel_loop3A_648 : vector<16xf32>
      %parallel_loop3A_657 = arith.maximumf %parallel_loop3A_653, %parallel_loop3A_652 : vector<16xf32>
      %parallel_loop3A_658 = arith.minimumf %parallel_loop3A_653, %parallel_loop3A_652 : vector<16xf32>
      %parallel_loop3A_659 = arith.maximumf %parallel_loop3A_647, %parallel_loop3A_651 : vector<16xf32>
      %parallel_loop3A_660 = arith.minimumf %parallel_loop3A_647, %parallel_loop3A_651 : vector<16xf32>
      %parallel_loop3A_661 = arith.maximumf %parallel_loop3A_655, %parallel_loop3A_657 : vector<16xf32>
      %parallel_loop3A_662 = arith.minimumf %parallel_loop3A_655, %parallel_loop3A_657 : vector<16xf32>
      %parallel_loop3A_663 = arith.maximumf %parallel_loop3A_656, %parallel_loop3A_658 : vector<16xf32>
      %parallel_loop3A_664 = arith.minimumf %parallel_loop3A_656, %parallel_loop3A_658 : vector<16xf32>
      %parallel_loop3A_665 = arith.maximumf %parallel_loop3A_650, %parallel_loop3A_654 : vector<16xf32>
      %parallel_loop3A_666 = arith.minimumf %parallel_loop3A_650, %parallel_loop3A_654 : vector<16xf32>
      %parallel_loop3A_667 = arith.maximumf %parallel_loop3A_661, %parallel_loop3A_660 : vector<16xf32>
      %parallel_loop3A_668 = arith.minimumf %parallel_loop3A_661, %parallel_loop3A_660 : vector<16xf32>
      %parallel_loop3A_669 = arith.maximumf %parallel_loop3A_665, %parallel_loop3A_664 : vector<16xf32>
      %parallel_loop3A_670 = arith.minimumf %parallel_loop3A_665, %parallel_loop3A_664 : vector<16xf32>
      %parallel_loop3A_671 = arith.maximumf %parallel_loop3A_663, %parallel_loop3A_668 : vector<16xf32>
      %parallel_loop3A_672 = arith.minimumf %parallel_loop3A_663, %parallel_loop3A_668 : vector<16xf32>
      %parallel_loop3A_673 = arith.maximumf %parallel_loop3A_669, %parallel_loop3A_662 : vector<16xf32>
      %parallel_loop3A_674 = arith.minimumf %parallel_loop3A_669, %parallel_loop3A_662 : vector<16xf32>
      %parallel_loop3A_675 = arith.maximumf %parallel_loop3A_673, %parallel_loop3A_672 : vector<16xf32>
      %parallel_loop3A_676 = arith.minimumf %parallel_loop3A_673, %parallel_loop3A_672 : vector<16xf32>
      %parallel_loop3A_677 = arith.maximumf %parallel_loop3A_493, %parallel_loop3A_494 : vector<16xf32>
      %parallel_loop3A_678 = arith.minimumf %parallel_loop3A_493, %parallel_loop3A_494 : vector<16xf32>
      %parallel_loop3A_679 = arith.maximumf %parallel_loop3A_495, %parallel_loop3A_496 : vector<16xf32>
      %parallel_loop3A_680 = arith.minimumf %parallel_loop3A_495, %parallel_loop3A_496 : vector<16xf32>
      %parallel_loop3A_681 = arith.maximumf %parallel_loop3A_497, %parallel_loop3A_498 : vector<16xf32>
      %parallel_loop3A_682 = arith.minimumf %parallel_loop3A_497, %parallel_loop3A_498 : vector<16xf32>
      %parallel_loop3A_683 = arith.maximumf %parallel_loop3A_499, %parallel_loop3A_500 : vector<16xf32>
      %parallel_loop3A_684 = arith.minimumf %parallel_loop3A_499, %parallel_loop3A_500 : vector<16xf32>
      %parallel_loop3A_685 = arith.maximumf %parallel_loop3A_677, %parallel_loop3A_679 : vector<16xf32>
      %parallel_loop3A_686 = arith.minimumf %parallel_loop3A_677, %parallel_loop3A_679 : vector<16xf32>
      %parallel_loop3A_687 = arith.maximumf %parallel_loop3A_678, %parallel_loop3A_680 : vector<16xf32>
      %parallel_loop3A_688 = arith.minimumf %parallel_loop3A_678, %parallel_loop3A_680 : vector<16xf32>
      %parallel_loop3A_689 = arith.maximumf %parallel_loop3A_681, %parallel_loop3A_683 : vector<16xf32>
      %parallel_loop3A_690 = arith.minimumf %parallel_loop3A_681, %parallel_loop3A_683 : vector<16xf32>
      %parallel_loop3A_691 = arith.maximumf %parallel_loop3A_682, %parallel_loop3A_684 : vector<16xf32>
      %parallel_loop3A_692 = arith.minimumf %parallel_loop3A_682, %parallel_loop3A_684 : vector<16xf32>
      %parallel_loop3A_693 = arith.maximumf %parallel_loop3A_687, %parallel_loop3A_686 : vector<16xf32>
      %parallel_loop3A_694 = arith.minimumf %parallel_loop3A_687, %parallel_loop3A_686 : vector<16xf32>
      %parallel_loop3A_695 = arith.maximumf %parallel_loop3A_691, %parallel_loop3A_690 : vector<16xf32>
      %parallel_loop3A_696 = arith.minimumf %parallel_loop3A_691, %parallel_loop3A_690 : vector<16xf32>
      %parallel_loop3A_697 = arith.maximumf %parallel_loop3A_685, %parallel_loop3A_689 : vector<16xf32>
      %parallel_loop3A_698 = arith.minimumf %parallel_loop3A_685, %parallel_loop3A_689 : vector<16xf32>
      %parallel_loop3A_699 = arith.maximumf %parallel_loop3A_693, %parallel_loop3A_695 : vector<16xf32>
      %parallel_loop3A_700 = arith.minimumf %parallel_loop3A_693, %parallel_loop3A_695 : vector<16xf32>
      %parallel_loop3A_701 = arith.maximumf %parallel_loop3A_694, %parallel_loop3A_696 : vector<16xf32>
      %parallel_loop3A_702 = arith.minimumf %parallel_loop3A_694, %parallel_loop3A_696 : vector<16xf32>
      %parallel_loop3A_703 = arith.maximumf %parallel_loop3A_688, %parallel_loop3A_692 : vector<16xf32>
      %parallel_loop3A_704 = arith.minimumf %parallel_loop3A_688, %parallel_loop3A_692 : vector<16xf32>
      %parallel_loop3A_705 = arith.maximumf %parallel_loop3A_699, %parallel_loop3A_698 : vector<16xf32>
      %parallel_loop3A_706 = arith.minimumf %parallel_loop3A_699, %parallel_loop3A_698 : vector<16xf32>
      %parallel_loop3A_707 = arith.maximumf %parallel_loop3A_703, %parallel_loop3A_702 : vector<16xf32>
      %parallel_loop3A_708 = arith.minimumf %parallel_loop3A_703, %parallel_loop3A_702 : vector<16xf32>
      %parallel_loop3A_709 = arith.maximumf %parallel_loop3A_701, %parallel_loop3A_706 : vector<16xf32>
      %parallel_loop3A_710 = arith.minimumf %parallel_loop3A_701, %parallel_loop3A_706 : vector<16xf32>
      %parallel_loop3A_711 = arith.maximumf %parallel_loop3A_707, %parallel_loop3A_700 : vector<16xf32>
      %parallel_loop3A_712 = arith.minimumf %parallel_loop3A_707, %parallel_loop3A_700 : vector<16xf32>
      %parallel_loop3A_713 = arith.maximumf %parallel_loop3A_711, %parallel_loop3A_710 : vector<16xf32>
      %parallel_loop3A_714 = arith.minimumf %parallel_loop3A_711, %parallel_loop3A_710 : vector<16xf32>
      %parallel_loop3A_715 = arith.maximumf %parallel_loop3A_501, %parallel_loop3A_502 : vector<16xf32>
      %parallel_loop3A_716 = arith.minimumf %parallel_loop3A_501, %parallel_loop3A_502 : vector<16xf32>
      %parallel_loop3A_717 = arith.maximumf %parallel_loop3A_503, %parallel_loop3A_504 : vector<16xf32>
      %parallel_loop3A_718 = arith.minimumf %parallel_loop3A_503, %parallel_loop3A_504 : vector<16xf32>
      %parallel_loop3A_719 = arith.maximumf %parallel_loop3A_505, %parallel_loop3A_506 : vector<16xf32>
      %parallel_loop3A_720 = arith.minimumf %parallel_loop3A_505, %parallel_loop3A_506 : vector<16xf32>
      %parallel_loop3A_721 = arith.maximumf %parallel_loop3A_507, %parallel_loop3A_508 : vector<16xf32>
      %parallel_loop3A_722 = arith.minimumf %parallel_loop3A_507, %parallel_loop3A_508 : vector<16xf32>
      %parallel_loop3A_723 = arith.maximumf %parallel_loop3A_715, %parallel_loop3A_717 : vector<16xf32>
      %parallel_loop3A_724 = arith.minimumf %parallel_loop3A_715, %parallel_loop3A_717 : vector<16xf32>
      %parallel_loop3A_725 = arith.maximumf %parallel_loop3A_716, %parallel_loop3A_718 : vector<16xf32>
      %parallel_loop3A_726 = arith.minimumf %parallel_loop3A_716, %parallel_loop3A_718 : vector<16xf32>
      %parallel_loop3A_727 = arith.maximumf %parallel_loop3A_719, %parallel_loop3A_721 : vector<16xf32>
      %parallel_loop3A_728 = arith.minimumf %parallel_loop3A_719, %parallel_loop3A_721 : vector<16xf32>
      %parallel_loop3A_729 = arith.maximumf %parallel_loop3A_720, %parallel_loop3A_722 : vector<16xf32>
      %parallel_loop3A_730 = arith.minimumf %parallel_loop3A_720, %parallel_loop3A_722 : vector<16xf32>
      %parallel_loop3A_731 = arith.maximumf %parallel_loop3A_725, %parallel_loop3A_724 : vector<16xf32>
      %parallel_loop3A_732 = arith.minimumf %parallel_loop3A_725, %parallel_loop3A_724 : vector<16xf32>
      %parallel_loop3A_733 = arith.maximumf %parallel_loop3A_729, %parallel_loop3A_728 : vector<16xf32>
      %parallel_loop3A_734 = arith.minimumf %parallel_loop3A_729, %parallel_loop3A_728 : vector<16xf32>
      %parallel_loop3A_735 = arith.maximumf %parallel_loop3A_723, %parallel_loop3A_727 : vector<16xf32>
      %parallel_loop3A_736 = arith.minimumf %parallel_loop3A_723, %parallel_loop3A_727 : vector<16xf32>
      %parallel_loop3A_737 = arith.maximumf %parallel_loop3A_731, %parallel_loop3A_733 : vector<16xf32>
      %parallel_loop3A_738 = arith.minimumf %parallel_loop3A_731, %parallel_loop3A_733 : vector<16xf32>
      %parallel_loop3A_739 = arith.maximumf %parallel_loop3A_732, %parallel_loop3A_734 : vector<16xf32>
      %parallel_loop3A_740 = arith.minimumf %parallel_loop3A_732, %parallel_loop3A_734 : vector<16xf32>
      %parallel_loop3A_741 = arith.maximumf %parallel_loop3A_726, %parallel_loop3A_730 : vector<16xf32>
      %parallel_loop3A_742 = arith.minimumf %parallel_loop3A_726, %parallel_loop3A_730 : vector<16xf32>
      %parallel_loop3A_743 = arith.maximumf %parallel_loop3A_737, %parallel_loop3A_736 : vector<16xf32>
      %parallel_loop3A_744 = arith.minimumf %parallel_loop3A_737, %parallel_loop3A_736 : vector<16xf32>
      %parallel_loop3A_745 = arith.maximumf %parallel_loop3A_741, %parallel_loop3A_740 : vector<16xf32>
      %parallel_loop3A_746 = arith.minimumf %parallel_loop3A_741, %parallel_loop3A_740 : vector<16xf32>
      %parallel_loop3A_747 = arith.maximumf %parallel_loop3A_739, %parallel_loop3A_744 : vector<16xf32>
      %parallel_loop3A_748 = arith.minimumf %parallel_loop3A_739, %parallel_loop3A_744 : vector<16xf32>
      %parallel_loop3A_749 = arith.maximumf %parallel_loop3A_745, %parallel_loop3A_738 : vector<16xf32>
      %parallel_loop3A_750 = arith.minimumf %parallel_loop3A_745, %parallel_loop3A_738 : vector<16xf32>
      %parallel_loop3A_751 = arith.maximumf %parallel_loop3A_749, %parallel_loop3A_748 : vector<16xf32>
      %parallel_loop3A_752 = arith.minimumf %parallel_loop3A_749, %parallel_loop3A_748 : vector<16xf32>
      %parallel_loop3A_753 = arith.maximumf %parallel_loop3A_509, %parallel_loop3A_510 : vector<16xf32>
      %parallel_loop3A_754 = arith.minimumf %parallel_loop3A_509, %parallel_loop3A_510 : vector<16xf32>
      %parallel_loop3A_755 = arith.maximumf %parallel_loop3A_511, %parallel_loop3A_512 : vector<16xf32>
      %parallel_loop3A_756 = arith.minimumf %parallel_loop3A_511, %parallel_loop3A_512 : vector<16xf32>
      %parallel_loop3A_757 = arith.maximumf %parallel_loop3A_513, %parallel_loop3A_514 : vector<16xf32>
      %parallel_loop3A_758 = arith.minimumf %parallel_loop3A_513, %parallel_loop3A_514 : vector<16xf32>
      %parallel_loop3A_759 = arith.maximumf %parallel_loop3A_515, %parallel_loop3A_516 : vector<16xf32>
      %parallel_loop3A_760 = arith.minimumf %parallel_loop3A_515, %parallel_loop3A_516 : vector<16xf32>
      %parallel_loop3A_761 = arith.maximumf %parallel_loop3A_753, %parallel_loop3A_755 : vector<16xf32>
      %parallel_loop3A_762 = arith.minimumf %parallel_loop3A_753, %parallel_loop3A_755 : vector<16xf32>
      %parallel_loop3A_763 = arith.maximumf %parallel_loop3A_754, %parallel_loop3A_756 : vector<16xf32>
      %parallel_loop3A_764 = arith.minimumf %parallel_loop3A_754, %parallel_loop3A_756 : vector<16xf32>
      %parallel_loop3A_765 = arith.maximumf %parallel_loop3A_757, %parallel_loop3A_759 : vector<16xf32>
      %parallel_loop3A_766 = arith.minimumf %parallel_loop3A_757, %parallel_loop3A_759 : vector<16xf32>
      %parallel_loop3A_767 = arith.maximumf %parallel_loop3A_758, %parallel_loop3A_760 : vector<16xf32>
      %parallel_loop3A_768 = arith.minimumf %parallel_loop3A_758, %parallel_loop3A_760 : vector<16xf32>
      %parallel_loop3A_769 = arith.maximumf %parallel_loop3A_763, %parallel_loop3A_762 : vector<16xf32>
      %parallel_loop3A_770 = arith.minimumf %parallel_loop3A_763, %parallel_loop3A_762 : vector<16xf32>
      %parallel_loop3A_771 = arith.maximumf %parallel_loop3A_767, %parallel_loop3A_766 : vector<16xf32>
      %parallel_loop3A_772 = arith.minimumf %parallel_loop3A_767, %parallel_loop3A_766 : vector<16xf32>
      %parallel_loop3A_773 = arith.maximumf %parallel_loop3A_761, %parallel_loop3A_765 : vector<16xf32>
      %parallel_loop3A_774 = arith.minimumf %parallel_loop3A_761, %parallel_loop3A_765 : vector<16xf32>
      %parallel_loop3A_775 = arith.maximumf %parallel_loop3A_769, %parallel_loop3A_771 : vector<16xf32>
      %parallel_loop3A_776 = arith.minimumf %parallel_loop3A_769, %parallel_loop3A_771 : vector<16xf32>
      %parallel_loop3A_777 = arith.maximumf %parallel_loop3A_770, %parallel_loop3A_772 : vector<16xf32>
      %parallel_loop3A_778 = arith.minimumf %parallel_loop3A_770, %parallel_loop3A_772 : vector<16xf32>
      %parallel_loop3A_779 = arith.maximumf %parallel_loop3A_764, %parallel_loop3A_768 : vector<16xf32>
      %parallel_loop3A_780 = arith.minimumf %parallel_loop3A_764, %parallel_loop3A_768 : vector<16xf32>
      %parallel_loop3A_781 = arith.maximumf %parallel_loop3A_775, %parallel_loop3A_774 : vector<16xf32>
      %parallel_loop3A_782 = arith.minimumf %parallel_loop3A_775, %parallel_loop3A_774 : vector<16xf32>
      %parallel_loop3A_783 = arith.maximumf %parallel_loop3A_779, %parallel_loop3A_778 : vector<16xf32>
      %parallel_loop3A_784 = arith.minimumf %parallel_loop3A_779, %parallel_loop3A_778 : vector<16xf32>
      %parallel_loop3A_785 = arith.maximumf %parallel_loop3A_777, %parallel_loop3A_782 : vector<16xf32>
      %parallel_loop3A_786 = arith.minimumf %parallel_loop3A_777, %parallel_loop3A_782 : vector<16xf32>
      %parallel_loop3A_787 = arith.maximumf %parallel_loop3A_783, %parallel_loop3A_776 : vector<16xf32>
      %parallel_loop3A_788 = arith.minimumf %parallel_loop3A_783, %parallel_loop3A_776 : vector<16xf32>
      %parallel_loop3A_789 = arith.maximumf %parallel_loop3A_787, %parallel_loop3A_786 : vector<16xf32>
      %parallel_loop3A_790 = arith.minimumf %parallel_loop3A_787, %parallel_loop3A_786 : vector<16xf32>
      %parallel_loop3A_791 = arith.maximumf %parallel_loop3A_517, %parallel_loop3A_518 : vector<16xf32>
      %parallel_loop3A_792 = arith.minimumf %parallel_loop3A_517, %parallel_loop3A_518 : vector<16xf32>
      %parallel_loop3A_793 = arith.maximumf %parallel_loop3A_519, %parallel_loop3A_520 : vector<16xf32>
      %parallel_loop3A_794 = arith.minimumf %parallel_loop3A_519, %parallel_loop3A_520 : vector<16xf32>
      %parallel_loop3A_795 = arith.maximumf %parallel_loop3A_521, %parallel_loop3A_522 : vector<16xf32>
      %parallel_loop3A_796 = arith.minimumf %parallel_loop3A_521, %parallel_loop3A_522 : vector<16xf32>
      %parallel_loop3A_797 = arith.maximumf %parallel_loop3A_523, %parallel_loop3A_524 : vector<16xf32>
      %parallel_loop3A_798 = arith.minimumf %parallel_loop3A_523, %parallel_loop3A_524 : vector<16xf32>
      %parallel_loop3A_799 = arith.maximumf %parallel_loop3A_791, %parallel_loop3A_793 : vector<16xf32>
      %parallel_loop3A_800 = arith.minimumf %parallel_loop3A_791, %parallel_loop3A_793 : vector<16xf32>
      %parallel_loop3A_801 = arith.maximumf %parallel_loop3A_792, %parallel_loop3A_794 : vector<16xf32>
      %parallel_loop3A_802 = arith.minimumf %parallel_loop3A_792, %parallel_loop3A_794 : vector<16xf32>
      %parallel_loop3A_803 = arith.maximumf %parallel_loop3A_795, %parallel_loop3A_797 : vector<16xf32>
      %parallel_loop3A_804 = arith.minimumf %parallel_loop3A_795, %parallel_loop3A_797 : vector<16xf32>
      %parallel_loop3A_805 = arith.maximumf %parallel_loop3A_796, %parallel_loop3A_798 : vector<16xf32>
      %parallel_loop3A_806 = arith.minimumf %parallel_loop3A_796, %parallel_loop3A_798 : vector<16xf32>
      %parallel_loop3A_807 = arith.maximumf %parallel_loop3A_801, %parallel_loop3A_800 : vector<16xf32>
      %parallel_loop3A_808 = arith.minimumf %parallel_loop3A_801, %parallel_loop3A_800 : vector<16xf32>
      %parallel_loop3A_809 = arith.maximumf %parallel_loop3A_805, %parallel_loop3A_804 : vector<16xf32>
      %parallel_loop3A_810 = arith.minimumf %parallel_loop3A_805, %parallel_loop3A_804 : vector<16xf32>
      %parallel_loop3A_811 = arith.maximumf %parallel_loop3A_799, %parallel_loop3A_803 : vector<16xf32>
      %parallel_loop3A_812 = arith.minimumf %parallel_loop3A_799, %parallel_loop3A_803 : vector<16xf32>
      %parallel_loop3A_813 = arith.maximumf %parallel_loop3A_807, %parallel_loop3A_809 : vector<16xf32>
      %parallel_loop3A_814 = arith.minimumf %parallel_loop3A_807, %parallel_loop3A_809 : vector<16xf32>
      %parallel_loop3A_815 = arith.maximumf %parallel_loop3A_808, %parallel_loop3A_810 : vector<16xf32>
      %parallel_loop3A_816 = arith.minimumf %parallel_loop3A_808, %parallel_loop3A_810 : vector<16xf32>
      %parallel_loop3A_817 = arith.maximumf %parallel_loop3A_802, %parallel_loop3A_806 : vector<16xf32>
      %parallel_loop3A_818 = arith.minimumf %parallel_loop3A_802, %parallel_loop3A_806 : vector<16xf32>
      %parallel_loop3A_819 = arith.maximumf %parallel_loop3A_813, %parallel_loop3A_812 : vector<16xf32>
      %parallel_loop3A_820 = arith.minimumf %parallel_loop3A_813, %parallel_loop3A_812 : vector<16xf32>
      %parallel_loop3A_821 = arith.maximumf %parallel_loop3A_817, %parallel_loop3A_816 : vector<16xf32>
      %parallel_loop3A_822 = arith.minimumf %parallel_loop3A_817, %parallel_loop3A_816 : vector<16xf32>
      %parallel_loop3A_823 = arith.maximumf %parallel_loop3A_815, %parallel_loop3A_820 : vector<16xf32>
      %parallel_loop3A_824 = arith.minimumf %parallel_loop3A_815, %parallel_loop3A_820 : vector<16xf32>
      %parallel_loop3A_825 = arith.maximumf %parallel_loop3A_821, %parallel_loop3A_814 : vector<16xf32>
      %parallel_loop3A_826 = arith.minimumf %parallel_loop3A_821, %parallel_loop3A_814 : vector<16xf32>
      %parallel_loop3A_827 = arith.maximumf %parallel_loop3A_825, %parallel_loop3A_824 : vector<16xf32>
      %parallel_loop3A_828 = arith.minimumf %parallel_loop3A_825, %parallel_loop3A_824 : vector<16xf32>
      %parallel_loop3A_829 = arith.maximumf %parallel_loop3A_545, %parallel_loop3A_590 : vector<16xf32>
      %parallel_loop3A_830 = arith.maximumf %parallel_loop3A_553, %parallel_loop3A_594 : vector<16xf32>
      %parallel_loop3A_831 = arith.maximumf %parallel_loop3A_557, %parallel_loop3A_598 : vector<16xf32>
      %parallel_loop3A_832 = arith.maximumf %parallel_loop3A_561, %parallel_loop3A_600 : vector<16xf32>
      %parallel_loop3A_833 = arith.maximumf %parallel_loop3A_562, %parallel_loop3A_599 : vector<16xf32>
      %parallel_loop3A_834 = arith.maximumf %parallel_loop3A_560, %parallel_loop3A_595 : vector<16xf32>
      %parallel_loop3A_835 = arith.maximumf %parallel_loop3A_556, %parallel_loop3A_591 : vector<16xf32>
      %parallel_loop3A_836 = arith.maximumf %parallel_loop3A_552, %parallel_loop3A_583 : vector<16xf32>
      %parallel_loop3A_837 = arith.maximumf %parallel_loop3A_829, %parallel_loop3A_833 : vector<16xf32>
      %parallel_loop3A_838 = arith.minimumf %parallel_loop3A_829, %parallel_loop3A_833 : vector<16xf32>
      %parallel_loop3A_839 = arith.maximumf %parallel_loop3A_830, %parallel_loop3A_834 : vector<16xf32>
      %parallel_loop3A_840 = arith.minimumf %parallel_loop3A_830, %parallel_loop3A_834 : vector<16xf32>
      %parallel_loop3A_841 = arith.maximumf %parallel_loop3A_831, %parallel_loop3A_835 : vector<16xf32>
      %parallel_loop3A_842 = arith.minimumf %parallel_loop3A_831, %parallel_loop3A_835 : vector<16xf32>
      %parallel_loop3A_843 = arith.maximumf %parallel_loop3A_832, %parallel_loop3A_836 : vector<16xf32>
      %parallel_loop3A_844 = arith.minimumf %parallel_loop3A_832, %parallel_loop3A_836 : vector<16xf32>
      %parallel_loop3A_845 = arith.maximumf %parallel_loop3A_837, %parallel_loop3A_841 : vector<16xf32>
      %parallel_loop3A_846 = arith.minimumf %parallel_loop3A_837, %parallel_loop3A_841 : vector<16xf32>
      %parallel_loop3A_847 = arith.maximumf %parallel_loop3A_839, %parallel_loop3A_843 : vector<16xf32>
      %parallel_loop3A_848 = arith.minimumf %parallel_loop3A_839, %parallel_loop3A_843 : vector<16xf32>
      %parallel_loop3A_849 = arith.maximumf %parallel_loop3A_838, %parallel_loop3A_842 : vector<16xf32>
      %parallel_loop3A_850 = arith.minimumf %parallel_loop3A_838, %parallel_loop3A_842 : vector<16xf32>
      %parallel_loop3A_851 = arith.maximumf %parallel_loop3A_840, %parallel_loop3A_844 : vector<16xf32>
      %parallel_loop3A_852 = arith.minimumf %parallel_loop3A_840, %parallel_loop3A_844 : vector<16xf32>
      %parallel_loop3A_853 = arith.maximumf %parallel_loop3A_845, %parallel_loop3A_847 : vector<16xf32>
      %parallel_loop3A_854 = arith.minimumf %parallel_loop3A_845, %parallel_loop3A_847 : vector<16xf32>
      %parallel_loop3A_855 = arith.maximumf %parallel_loop3A_846, %parallel_loop3A_848 : vector<16xf32>
      %parallel_loop3A_856 = arith.minimumf %parallel_loop3A_846, %parallel_loop3A_848 : vector<16xf32>
      %parallel_loop3A_857 = arith.maximumf %parallel_loop3A_849, %parallel_loop3A_851 : vector<16xf32>
      %parallel_loop3A_858 = arith.minimumf %parallel_loop3A_849, %parallel_loop3A_851 : vector<16xf32>
      %parallel_loop3A_859 = arith.maximumf %parallel_loop3A_850, %parallel_loop3A_852 : vector<16xf32>
      %parallel_loop3A_860 = arith.minimumf %parallel_loop3A_850, %parallel_loop3A_852 : vector<16xf32>
      %parallel_loop3A_861 = arith.maximumf %parallel_loop3A_621, %parallel_loop3A_666 : vector<16xf32>
      %parallel_loop3A_862 = arith.maximumf %parallel_loop3A_629, %parallel_loop3A_670 : vector<16xf32>
      %parallel_loop3A_863 = arith.maximumf %parallel_loop3A_633, %parallel_loop3A_674 : vector<16xf32>
      %parallel_loop3A_864 = arith.maximumf %parallel_loop3A_637, %parallel_loop3A_676 : vector<16xf32>
      %parallel_loop3A_865 = arith.maximumf %parallel_loop3A_638, %parallel_loop3A_675 : vector<16xf32>
      %parallel_loop3A_866 = arith.maximumf %parallel_loop3A_636, %parallel_loop3A_671 : vector<16xf32>
      %parallel_loop3A_867 = arith.maximumf %parallel_loop3A_632, %parallel_loop3A_667 : vector<16xf32>
      %parallel_loop3A_868 = arith.maximumf %parallel_loop3A_628, %parallel_loop3A_659 : vector<16xf32>
      %parallel_loop3A_869 = arith.maximumf %parallel_loop3A_861, %parallel_loop3A_865 : vector<16xf32>
      %parallel_loop3A_870 = arith.minimumf %parallel_loop3A_861, %parallel_loop3A_865 : vector<16xf32>
      %parallel_loop3A_871 = arith.maximumf %parallel_loop3A_862, %parallel_loop3A_866 : vector<16xf32>
      %parallel_loop3A_872 = arith.minimumf %parallel_loop3A_862, %parallel_loop3A_866 : vector<16xf32>
      %parallel_loop3A_873 = arith.maximumf %parallel_loop3A_863, %parallel_loop3A_867 : vector<16xf32>
      %parallel_loop3A_874 = arith.minimumf %parallel_loop3A_863, %parallel_loop3A_867 : vector<16xf32>
      %parallel_loop3A_875 = arith.maximumf %parallel_loop3A_864, %parallel_loop3A_868 : vector<16xf32>
      %parallel_loop3A_876 = arith.minimumf %parallel_loop3A_864, %parallel_loop3A_868 : vector<16xf32>
      %parallel_loop3A_877 = arith.maximumf %parallel_loop3A_869, %parallel_loop3A_873 : vector<16xf32>
      %parallel_loop3A_878 = arith.minimumf %parallel_loop3A_869, %parallel_loop3A_873 : vector<16xf32>
      %parallel_loop3A_879 = arith.maximumf %parallel_loop3A_871, %parallel_loop3A_875 : vector<16xf32>
      %parallel_loop3A_880 = arith.minimumf %parallel_loop3A_871, %parallel_loop3A_875 : vector<16xf32>
      %parallel_loop3A_881 = arith.maximumf %parallel_loop3A_870, %parallel_loop3A_874 : vector<16xf32>
      %parallel_loop3A_882 = arith.minimumf %parallel_loop3A_870, %parallel_loop3A_874 : vector<16xf32>
      %parallel_loop3A_883 = arith.maximumf %parallel_loop3A_872, %parallel_loop3A_876 : vector<16xf32>
      %parallel_loop3A_884 = arith.minimumf %parallel_loop3A_872, %parallel_loop3A_876 : vector<16xf32>
      %parallel_loop3A_885 = arith.maximumf %parallel_loop3A_877, %parallel_loop3A_879 : vector<16xf32>
      %parallel_loop3A_886 = arith.minimumf %parallel_loop3A_877, %parallel_loop3A_879 : vector<16xf32>
      %parallel_loop3A_887 = arith.maximumf %parallel_loop3A_878, %parallel_loop3A_880 : vector<16xf32>
      %parallel_loop3A_888 = arith.minimumf %parallel_loop3A_878, %parallel_loop3A_880 : vector<16xf32>
      %parallel_loop3A_889 = arith.maximumf %parallel_loop3A_881, %parallel_loop3A_883 : vector<16xf32>
      %parallel_loop3A_890 = arith.minimumf %parallel_loop3A_881, %parallel_loop3A_883 : vector<16xf32>
      %parallel_loop3A_891 = arith.maximumf %parallel_loop3A_882, %parallel_loop3A_884 : vector<16xf32>
      %parallel_loop3A_892 = arith.minimumf %parallel_loop3A_882, %parallel_loop3A_884 : vector<16xf32>
      %parallel_loop3A_893 = arith.maximumf %parallel_loop3A_697, %parallel_loop3A_742 : vector<16xf32>
      %parallel_loop3A_894 = arith.maximumf %parallel_loop3A_705, %parallel_loop3A_746 : vector<16xf32>
      %parallel_loop3A_895 = arith.maximumf %parallel_loop3A_709, %parallel_loop3A_750 : vector<16xf32>
      %parallel_loop3A_896 = arith.maximumf %parallel_loop3A_713, %parallel_loop3A_752 : vector<16xf32>
      %parallel_loop3A_897 = arith.maximumf %parallel_loop3A_714, %parallel_loop3A_751 : vector<16xf32>
      %parallel_loop3A_898 = arith.maximumf %parallel_loop3A_712, %parallel_loop3A_747 : vector<16xf32>
      %parallel_loop3A_899 = arith.maximumf %parallel_loop3A_708, %parallel_loop3A_743 : vector<16xf32>
      %parallel_loop3A_900 = arith.maximumf %parallel_loop3A_704, %parallel_loop3A_735 : vector<16xf32>
      %parallel_loop3A_901 = arith.maximumf %parallel_loop3A_893, %parallel_loop3A_897 : vector<16xf32>
      %parallel_loop3A_902 = arith.minimumf %parallel_loop3A_893, %parallel_loop3A_897 : vector<16xf32>
      %parallel_loop3A_903 = arith.maximumf %parallel_loop3A_894, %parallel_loop3A_898 : vector<16xf32>
      %parallel_loop3A_904 = arith.minimumf %parallel_loop3A_894, %parallel_loop3A_898 : vector<16xf32>
      %parallel_loop3A_905 = arith.maximumf %parallel_loop3A_895, %parallel_loop3A_899 : vector<16xf32>
      %parallel_loop3A_906 = arith.minimumf %parallel_loop3A_895, %parallel_loop3A_899 : vector<16xf32>
      %parallel_loop3A_907 = arith.maximumf %parallel_loop3A_896, %parallel_loop3A_900 : vector<16xf32>
      %parallel_loop3A_908 = arith.minimumf %parallel_loop3A_896, %parallel_loop3A_900 : vector<16xf32>
      %parallel_loop3A_909 = arith.maximumf %parallel_loop3A_901, %parallel_loop3A_905 : vector<16xf32>
      %parallel_loop3A_910 = arith.minimumf %parallel_loop3A_901, %parallel_loop3A_905 : vector<16xf32>
      %parallel_loop3A_911 = arith.maximumf %parallel_loop3A_903, %parallel_loop3A_907 : vector<16xf32>
      %parallel_loop3A_912 = arith.minimumf %parallel_loop3A_903, %parallel_loop3A_907 : vector<16xf32>
      %parallel_loop3A_913 = arith.maximumf %parallel_loop3A_902, %parallel_loop3A_906 : vector<16xf32>
      %parallel_loop3A_914 = arith.minimumf %parallel_loop3A_902, %parallel_loop3A_906 : vector<16xf32>
      %parallel_loop3A_915 = arith.maximumf %parallel_loop3A_904, %parallel_loop3A_908 : vector<16xf32>
      %parallel_loop3A_916 = arith.minimumf %parallel_loop3A_904, %parallel_loop3A_908 : vector<16xf32>
      %parallel_loop3A_917 = arith.maximumf %parallel_loop3A_909, %parallel_loop3A_911 : vector<16xf32>
      %parallel_loop3A_918 = arith.minimumf %parallel_loop3A_909, %parallel_loop3A_911 : vector<16xf32>
      %parallel_loop3A_919 = arith.maximumf %parallel_loop3A_910, %parallel_loop3A_912 : vector<16xf32>
      %parallel_loop3A_920 = arith.minimumf %parallel_loop3A_910, %parallel_loop3A_912 : vector<16xf32>
      %parallel_loop3A_921 = arith.maximumf %parallel_loop3A_913, %parallel_loop3A_915 : vector<16xf32>
      %parallel_loop3A_922 = arith.minimumf %parallel_loop3A_913, %parallel_loop3A_915 : vector<16xf32>
      %parallel_loop3A_923 = arith.maximumf %parallel_loop3A_914, %parallel_loop3A_916 : vector<16xf32>
      %parallel_loop3A_924 = arith.minimumf %parallel_loop3A_914, %parallel_loop3A_916 : vector<16xf32>
      %parallel_loop3A_925 = arith.maximumf %parallel_loop3A_773, %parallel_loop3A_818 : vector<16xf32>
      %parallel_loop3A_926 = arith.maximumf %parallel_loop3A_781, %parallel_loop3A_822 : vector<16xf32>
      %parallel_loop3A_927 = arith.maximumf %parallel_loop3A_785, %parallel_loop3A_826 : vector<16xf32>
      %parallel_loop3A_928 = arith.maximumf %parallel_loop3A_789, %parallel_loop3A_828 : vector<16xf32>
      %parallel_loop3A_929 = arith.maximumf %parallel_loop3A_790, %parallel_loop3A_827 : vector<16xf32>
      %parallel_loop3A_930 = arith.maximumf %parallel_loop3A_788, %parallel_loop3A_823 : vector<16xf32>
      %parallel_loop3A_931 = arith.maximumf %parallel_loop3A_784, %parallel_loop3A_819 : vector<16xf32>
      %parallel_loop3A_932 = arith.maximumf %parallel_loop3A_780, %parallel_loop3A_811 : vector<16xf32>
      %parallel_loop3A_933 = arith.maximumf %parallel_loop3A_925, %parallel_loop3A_929 : vector<16xf32>
      %parallel_loop3A_934 = arith.minimumf %parallel_loop3A_925, %parallel_loop3A_929 : vector<16xf32>
      %parallel_loop3A_935 = arith.maximumf %parallel_loop3A_926, %parallel_loop3A_930 : vector<16xf32>
      %parallel_loop3A_936 = arith.minimumf %parallel_loop3A_926, %parallel_loop3A_930 : vector<16xf32>
      %parallel_loop3A_937 = arith.maximumf %parallel_loop3A_927, %parallel_loop3A_931 : vector<16xf32>
      %parallel_loop3A_938 = arith.minimumf %parallel_loop3A_927, %parallel_loop3A_931 : vector<16xf32>
      %parallel_loop3A_939 = arith.maximumf %parallel_loop3A_928, %parallel_loop3A_932 : vector<16xf32>
      %parallel_loop3A_940 = arith.minimumf %parallel_loop3A_928, %parallel_loop3A_932 : vector<16xf32>
      %parallel_loop3A_941 = arith.maximumf %parallel_loop3A_933, %parallel_loop3A_937 : vector<16xf32>
      %parallel_loop3A_942 = arith.minimumf %parallel_loop3A_933, %parallel_loop3A_937 : vector<16xf32>
      %parallel_loop3A_943 = arith.maximumf %parallel_loop3A_935, %parallel_loop3A_939 : vector<16xf32>
      %parallel_loop3A_944 = arith.minimumf %parallel_loop3A_935, %parallel_loop3A_939 : vector<16xf32>
      %parallel_loop3A_945 = arith.maximumf %parallel_loop3A_934, %parallel_loop3A_938 : vector<16xf32>
      %parallel_loop3A_946 = arith.minimumf %parallel_loop3A_934, %parallel_loop3A_938 : vector<16xf32>
      %parallel_loop3A_947 = arith.maximumf %parallel_loop3A_936, %parallel_loop3A_940 : vector<16xf32>
      %parallel_loop3A_948 = arith.minimumf %parallel_loop3A_936, %parallel_loop3A_940 : vector<16xf32>
      %parallel_loop3A_949 = arith.maximumf %parallel_loop3A_941, %parallel_loop3A_943 : vector<16xf32>
      %parallel_loop3A_950 = arith.minimumf %parallel_loop3A_941, %parallel_loop3A_943 : vector<16xf32>
      %parallel_loop3A_951 = arith.maximumf %parallel_loop3A_942, %parallel_loop3A_944 : vector<16xf32>
      %parallel_loop3A_952 = arith.minimumf %parallel_loop3A_942, %parallel_loop3A_944 : vector<16xf32>
      %parallel_loop3A_953 = arith.maximumf %parallel_loop3A_945, %parallel_loop3A_947 : vector<16xf32>
      %parallel_loop3A_954 = arith.minimumf %parallel_loop3A_945, %parallel_loop3A_947 : vector<16xf32>
      %parallel_loop3A_955 = arith.maximumf %parallel_loop3A_946, %parallel_loop3A_948 : vector<16xf32>
      %parallel_loop3A_956 = arith.minimumf %parallel_loop3A_946, %parallel_loop3A_948 : vector<16xf32>
      %parallel_loop3A_957 = arith.maximumf %parallel_loop3A_853, %parallel_loop3A_892 : vector<16xf32>
      %parallel_loop3A_958 = arith.maximumf %parallel_loop3A_854, %parallel_loop3A_891 : vector<16xf32>
      %parallel_loop3A_959 = arith.maximumf %parallel_loop3A_855, %parallel_loop3A_890 : vector<16xf32>
      %parallel_loop3A_960 = arith.maximumf %parallel_loop3A_856, %parallel_loop3A_889 : vector<16xf32>
      %parallel_loop3A_961 = arith.maximumf %parallel_loop3A_857, %parallel_loop3A_888 : vector<16xf32>
      %parallel_loop3A_962 = arith.maximumf %parallel_loop3A_858, %parallel_loop3A_887 : vector<16xf32>
      %parallel_loop3A_963 = arith.maximumf %parallel_loop3A_859, %parallel_loop3A_886 : vector<16xf32>
      %parallel_loop3A_964 = arith.maximumf %parallel_loop3A_860, %parallel_loop3A_885 : vector<16xf32>
      %parallel_loop3A_965 = arith.maximumf %parallel_loop3A_957, %parallel_loop3A_961 : vector<16xf32>
      %parallel_loop3A_966 = arith.minimumf %parallel_loop3A_957, %parallel_loop3A_961 : vector<16xf32>
      %parallel_loop3A_967 = arith.maximumf %parallel_loop3A_958, %parallel_loop3A_962 : vector<16xf32>
      %parallel_loop3A_968 = arith.minimumf %parallel_loop3A_958, %parallel_loop3A_962 : vector<16xf32>
      %parallel_loop3A_969 = arith.maximumf %parallel_loop3A_959, %parallel_loop3A_963 : vector<16xf32>
      %parallel_loop3A_970 = arith.minimumf %parallel_loop3A_959, %parallel_loop3A_963 : vector<16xf32>
      %parallel_loop3A_971 = arith.maximumf %parallel_loop3A_960, %parallel_loop3A_964 : vector<16xf32>
      %parallel_loop3A_972 = arith.minimumf %parallel_loop3A_960, %parallel_loop3A_964 : vector<16xf32>
      %parallel_loop3A_973 = arith.maximumf %parallel_loop3A_965, %parallel_loop3A_969 : vector<16xf32>
      %parallel_loop3A_974 = arith.minimumf %parallel_loop3A_965, %parallel_loop3A_969 : vector<16xf32>
      %parallel_loop3A_975 = arith.maximumf %parallel_loop3A_967, %parallel_loop3A_971 : vector<16xf32>
      %parallel_loop3A_976 = arith.minimumf %parallel_loop3A_967, %parallel_loop3A_971 : vector<16xf32>
      %parallel_loop3A_977 = arith.maximumf %parallel_loop3A_966, %parallel_loop3A_970 : vector<16xf32>
      %parallel_loop3A_978 = arith.minimumf %parallel_loop3A_966, %parallel_loop3A_970 : vector<16xf32>
      %parallel_loop3A_979 = arith.maximumf %parallel_loop3A_968, %parallel_loop3A_972 : vector<16xf32>
      %parallel_loop3A_980 = arith.minimumf %parallel_loop3A_968, %parallel_loop3A_972 : vector<16xf32>
      %parallel_loop3A_981 = arith.maximumf %parallel_loop3A_973, %parallel_loop3A_975 : vector<16xf32>
      %parallel_loop3A_982 = arith.minimumf %parallel_loop3A_973, %parallel_loop3A_975 : vector<16xf32>
      %parallel_loop3A_983 = arith.maximumf %parallel_loop3A_974, %parallel_loop3A_976 : vector<16xf32>
      %parallel_loop3A_984 = arith.minimumf %parallel_loop3A_974, %parallel_loop3A_976 : vector<16xf32>
      %parallel_loop3A_985 = arith.maximumf %parallel_loop3A_977, %parallel_loop3A_979 : vector<16xf32>
      %parallel_loop3A_986 = arith.minimumf %parallel_loop3A_977, %parallel_loop3A_979 : vector<16xf32>
      %parallel_loop3A_987 = arith.maximumf %parallel_loop3A_978, %parallel_loop3A_980 : vector<16xf32>
      %parallel_loop3A_988 = arith.minimumf %parallel_loop3A_978, %parallel_loop3A_980 : vector<16xf32>
      %parallel_loop3A_989 = arith.maximumf %parallel_loop3A_917, %parallel_loop3A_956 : vector<16xf32>
      %parallel_loop3A_990 = arith.maximumf %parallel_loop3A_918, %parallel_loop3A_955 : vector<16xf32>
      %parallel_loop3A_991 = arith.maximumf %parallel_loop3A_919, %parallel_loop3A_954 : vector<16xf32>
      %parallel_loop3A_992 = arith.maximumf %parallel_loop3A_920, %parallel_loop3A_953 : vector<16xf32>
      %parallel_loop3A_993 = arith.maximumf %parallel_loop3A_921, %parallel_loop3A_952 : vector<16xf32>
      %parallel_loop3A_994 = arith.maximumf %parallel_loop3A_922, %parallel_loop3A_951 : vector<16xf32>
      %parallel_loop3A_995 = arith.maximumf %parallel_loop3A_923, %parallel_loop3A_950 : vector<16xf32>
      %parallel_loop3A_996 = arith.maximumf %parallel_loop3A_924, %parallel_loop3A_949 : vector<16xf32>
      %parallel_loop3A_997 = arith.maximumf %parallel_loop3A_989, %parallel_loop3A_993 : vector<16xf32>
      %parallel_loop3A_998 = arith.minimumf %parallel_loop3A_989, %parallel_loop3A_993 : vector<16xf32>
      %parallel_loop3A_999 = arith.maximumf %parallel_loop3A_990, %parallel_loop3A_994 : vector<16xf32>
      %parallel_loop3A_1000 = arith.minimumf %parallel_loop3A_990, %parallel_loop3A_994 : vector<16xf32>
      %parallel_loop3A_1001 = arith.maximumf %parallel_loop3A_991, %parallel_loop3A_995 : vector<16xf32>
      %parallel_loop3A_1002 = arith.minimumf %parallel_loop3A_991, %parallel_loop3A_995 : vector<16xf32>
      %parallel_loop3A_1003 = arith.maximumf %parallel_loop3A_992, %parallel_loop3A_996 : vector<16xf32>
      %parallel_loop3A_1004 = arith.minimumf %parallel_loop3A_992, %parallel_loop3A_996 : vector<16xf32>
      %parallel_loop3A_1005 = arith.maximumf %parallel_loop3A_997, %parallel_loop3A_1001 : vector<16xf32>
      %parallel_loop3A_1006 = arith.minimumf %parallel_loop3A_997, %parallel_loop3A_1001 : vector<16xf32>
      %parallel_loop3A_1007 = arith.maximumf %parallel_loop3A_999, %parallel_loop3A_1003 : vector<16xf32>
      %parallel_loop3A_1008 = arith.minimumf %parallel_loop3A_999, %parallel_loop3A_1003 : vector<16xf32>
      %parallel_loop3A_1009 = arith.maximumf %parallel_loop3A_998, %parallel_loop3A_1002 : vector<16xf32>
      %parallel_loop3A_1010 = arith.minimumf %parallel_loop3A_998, %parallel_loop3A_1002 : vector<16xf32>
      %parallel_loop3A_1011 = arith.maximumf %parallel_loop3A_1000, %parallel_loop3A_1004 : vector<16xf32>
      %parallel_loop3A_1012 = arith.minimumf %parallel_loop3A_1000, %parallel_loop3A_1004 : vector<16xf32>
      %parallel_loop3A_1013 = arith.maximumf %parallel_loop3A_1005, %parallel_loop3A_1007 : vector<16xf32>
      %parallel_loop3A_1014 = arith.minimumf %parallel_loop3A_1005, %parallel_loop3A_1007 : vector<16xf32>
      %parallel_loop3A_1015 = arith.maximumf %parallel_loop3A_1006, %parallel_loop3A_1008 : vector<16xf32>
      %parallel_loop3A_1016 = arith.minimumf %parallel_loop3A_1006, %parallel_loop3A_1008 : vector<16xf32>
      %parallel_loop3A_1017 = arith.maximumf %parallel_loop3A_1009, %parallel_loop3A_1011 : vector<16xf32>
      %parallel_loop3A_1018 = arith.minimumf %parallel_loop3A_1009, %parallel_loop3A_1011 : vector<16xf32>
      %parallel_loop3A_1019 = arith.maximumf %parallel_loop3A_1010, %parallel_loop3A_1012 : vector<16xf32>
      %parallel_loop3A_1020 = arith.minimumf %parallel_loop3A_1010, %parallel_loop3A_1012 : vector<16xf32>
      %parallel_loop3A_1021 = arith.maximumf %parallel_loop3A_981, %parallel_loop3A_1020 : vector<16xf32>
      %parallel_loop3A_1022 = arith.maximumf %parallel_loop3A_982, %parallel_loop3A_1019 : vector<16xf32>
      %parallel_loop3A_1023 = arith.maximumf %parallel_loop3A_983, %parallel_loop3A_1018 : vector<16xf32>
      %parallel_loop3A_1024 = arith.maximumf %parallel_loop3A_984, %parallel_loop3A_1017 : vector<16xf32>
      %parallel_loop3A_1025 = arith.maximumf %parallel_loop3A_985, %parallel_loop3A_1016 : vector<16xf32>
      %parallel_loop3A_1026 = arith.maximumf %parallel_loop3A_986, %parallel_loop3A_1015 : vector<16xf32>
      %parallel_loop3A_1027 = arith.maximumf %parallel_loop3A_987, %parallel_loop3A_1014 : vector<16xf32>
      %parallel_loop3A_1028 = arith.maximumf %parallel_loop3A_988, %parallel_loop3A_1013 : vector<16xf32>
      %parallel_loop3A_1029 = arith.maximumf %parallel_loop3A_1021, %parallel_loop3A_1025 : vector<16xf32>
      %parallel_loop3A_1030 = arith.minimumf %parallel_loop3A_1021, %parallel_loop3A_1025 : vector<16xf32>
      %parallel_loop3A_1031 = arith.maximumf %parallel_loop3A_1022, %parallel_loop3A_1026 : vector<16xf32>
      %parallel_loop3A_1032 = arith.minimumf %parallel_loop3A_1022, %parallel_loop3A_1026 : vector<16xf32>
      %parallel_loop3A_1033 = arith.maximumf %parallel_loop3A_1023, %parallel_loop3A_1027 : vector<16xf32>
      %parallel_loop3A_1034 = arith.minimumf %parallel_loop3A_1023, %parallel_loop3A_1027 : vector<16xf32>
      %parallel_loop3A_1035 = arith.maximumf %parallel_loop3A_1024, %parallel_loop3A_1028 : vector<16xf32>
      %parallel_loop3A_1036 = arith.minimumf %parallel_loop3A_1024, %parallel_loop3A_1028 : vector<16xf32>
      %parallel_loop3A_1037 = arith.maximumf %parallel_loop3A_1029, %parallel_loop3A_1033 : vector<16xf32>
      %parallel_loop3A_1038 = arith.minimumf %parallel_loop3A_1029, %parallel_loop3A_1033 : vector<16xf32>
      %parallel_loop3A_1039 = arith.maximumf %parallel_loop3A_1031, %parallel_loop3A_1035 : vector<16xf32>
      %parallel_loop3A_1040 = arith.minimumf %parallel_loop3A_1031, %parallel_loop3A_1035 : vector<16xf32>
      %parallel_loop3A_1041 = arith.maximumf %parallel_loop3A_1030, %parallel_loop3A_1034 : vector<16xf32>
      %parallel_loop3A_1042 = arith.minimumf %parallel_loop3A_1030, %parallel_loop3A_1034 : vector<16xf32>
      %parallel_loop3A_1043 = arith.maximumf %parallel_loop3A_1032, %parallel_loop3A_1036 : vector<16xf32>
      %parallel_loop3A_1044 = arith.minimumf %parallel_loop3A_1032, %parallel_loop3A_1036 : vector<16xf32>
      %parallel_loop3A_1045 = arith.maximumf %parallel_loop3A_1037, %parallel_loop3A_1039 : vector<16xf32>
      %parallel_loop3A_1046 = arith.minimumf %parallel_loop3A_1037, %parallel_loop3A_1039 : vector<16xf32>
      %parallel_loop3A_1047 = arith.maximumf %parallel_loop3A_1038, %parallel_loop3A_1040 : vector<16xf32>
      %parallel_loop3A_1048 = arith.minimumf %parallel_loop3A_1038, %parallel_loop3A_1040 : vector<16xf32>
      %parallel_loop3A_1049 = arith.maximumf %parallel_loop3A_1041, %parallel_loop3A_1043 : vector<16xf32>
      %parallel_loop3A_1050 = arith.minimumf %parallel_loop3A_1041, %parallel_loop3A_1043 : vector<16xf32>
      %parallel_loop3A_1051 = arith.maximumf %parallel_loop3A_1042, %parallel_loop3A_1044 : vector<16xf32>
      %parallel_loop3A_1052 = arith.minimumf %parallel_loop3A_1042, %parallel_loop3A_1044 : vector<16xf32>
      %parallel_loop3A_1053 = arith.constant 1.000000e+00 : f32
      %parallel_loop3A_1054 = vector.broadcast %parallel_loop3A_1053 : f32 to vector<16xf32>
      %parallel_loop3A_1055 = arith.subf %parallel_loop3A_1046, %parallel_loop3A_1045 : vector<16xf32>
      %parallel_loop3A_1056 = math.exp %parallel_loop3A_1055 : vector<16xf32>
      %parallel_loop3A_1057 = arith.addf %parallel_loop3A_1054, %parallel_loop3A_1056 : vector<16xf32>
      %parallel_loop3A_1058 = arith.subf %parallel_loop3A_1047, %parallel_loop3A_1045 : vector<16xf32>
      %parallel_loop3A_1059 = math.exp %parallel_loop3A_1058 : vector<16xf32>
      %parallel_loop3A_1060 = arith.addf %parallel_loop3A_1057, %parallel_loop3A_1059 : vector<16xf32>
      %parallel_loop3A_1061 = arith.subf %parallel_loop3A_1048, %parallel_loop3A_1045 : vector<16xf32>
      %parallel_loop3A_1062 = math.exp %parallel_loop3A_1061 : vector<16xf32>
      %parallel_loop3A_1063 = arith.addf %parallel_loop3A_1060, %parallel_loop3A_1062 : vector<16xf32>
      %parallel_loop3A_1064 = arith.subf %parallel_loop3A_1049, %parallel_loop3A_1045 : vector<16xf32>
      %parallel_loop3A_1065 = math.exp %parallel_loop3A_1064 : vector<16xf32>
      %parallel_loop3A_1066 = arith.addf %parallel_loop3A_1063, %parallel_loop3A_1065 : vector<16xf32>
      %parallel_loop3A_1067 = arith.subf %parallel_loop3A_1050, %parallel_loop3A_1045 : vector<16xf32>
      %parallel_loop3A_1068 = math.exp %parallel_loop3A_1067 : vector<16xf32>
      %parallel_loop3A_1069 = arith.addf %parallel_loop3A_1066, %parallel_loop3A_1068 : vector<16xf32>
      %parallel_loop3A_1070 = arith.subf %parallel_loop3A_1051, %parallel_loop3A_1045 : vector<16xf32>
      %parallel_loop3A_1071 = math.exp %parallel_loop3A_1070 : vector<16xf32>
      %parallel_loop3A_1072 = arith.addf %parallel_loop3A_1069, %parallel_loop3A_1071 : vector<16xf32>
      %parallel_loop3A_1073 = arith.subf %parallel_loop3A_1052, %parallel_loop3A_1045 : vector<16xf32>
      %parallel_loop3A_1074 = math.exp %parallel_loop3A_1073 : vector<16xf32>
      %parallel_loop3A_1075 = arith.addf %parallel_loop3A_1072, %parallel_loop3A_1074 : vector<16xf32>
      %parallel_loop3A_1076 = arith.constant 1.000000e+00 : f32
      %parallel_loop3A_1077 = vector.broadcast %parallel_loop3A_1076 : f32 to vector<16xf32>
      %parallel_loop3A_1078 = arith.divf %parallel_loop3A_1077, %parallel_loop3A_1075 : vector<16xf32>
      %parallel_loop3A_1079 = arith.cmpf oge, %parallel_loop3A_461, %parallel_loop3A_1052 : vector<16xf32>
      %parallel_loop3A_1080 = arith.subf %parallel_loop3A_461, %parallel_loop3A_1045 : vector<16xf32>
      %parallel_loop3A_1081 = math.exp %parallel_loop3A_1080 : vector<16xf32>
      %parallel_loop3A_1082 = arith.mulf %parallel_loop3A_1081, %parallel_loop3A_1078 : vector<16xf32>
      %parallel_loop3A_1083 = arith.constant 0.000000e+00 : f32
      %parallel_loop3A_1084 = vector.broadcast %parallel_loop3A_1083 : f32 to vector<16xf32>
      %parallel_loop3A_1085 = arith.select %parallel_loop3A_1079, %parallel_loop3A_1082, %parallel_loop3A_1084 : vector<16xi1>, vector<16xf32>
      tpu.vector_store_idx %arg5[%parallel_loop3A_19], %parallel_loop3A_1085 : memref<8192xf32, #tpu.memory_space<vmem>>[vector<16xi32>], vector<16xf32>,
      %parallel_loop3A_1086 = arith.cmpf oge, %parallel_loop3A_462, %parallel_loop3A_1052 : vector<16xf32>
      %parallel_loop3A_1087 = arith.subf %parallel_loop3A_462, %parallel_loop3A_1045 : vector<16xf32>
      %parallel_loop3A_1088 = math.exp %parallel_loop3A_1087 : vector<16xf32>
      %parallel_loop3A_1089 = arith.mulf %parallel_loop3A_1088, %parallel_loop3A_1078 : vector<16xf32>
      %parallel_loop3A_1090 = arith.constant 0.000000e+00 : f32
      %parallel_loop3A_1091 = vector.broadcast %parallel_loop3A_1090 : f32 to vector<16xf32>
      %parallel_loop3A_1092 = arith.select %parallel_loop3A_1086, %parallel_loop3A_1089, %parallel_loop3A_1091 : vector<16xi1>, vector<16xf32>
      tpu.vector_store_idx %arg5[%parallel_loop3A_26], %parallel_loop3A_1092 : memref<8192xf32, #tpu.memory_space<vmem>>[vector<16xi32>], vector<16xf32>,
      %parallel_loop3A_1093 = arith.cmpf oge, %parallel_loop3A_463, %parallel_loop3A_1052 : vector<16xf32>
      %parallel_loop3A_1094 = arith.subf %parallel_loop3A_463, %parallel_loop3A_1045 : vector<16xf32>
      %parallel_loop3A_1095 = math.exp %parallel_loop3A_1094 : vector<16xf32>
      %parallel_loop3A_1096 = arith.mulf %parallel_loop3A_1095, %parallel_loop3A_1078 : vector<16xf32>
      %parallel_loop3A_1097 = arith.constant 0.000000e+00 : f32
      %parallel_loop3A_1098 = vector.broadcast %parallel_loop3A_1097 : f32 to vector<16xf32>
      %parallel_loop3A_1099 = arith.select %parallel_loop3A_1093, %parallel_loop3A_1096, %parallel_loop3A_1098 : vector<16xi1>, vector<16xf32>
      tpu.vector_store_idx %arg5[%parallel_loop3A_33], %parallel_loop3A_1099 : memref<8192xf32, #tpu.memory_space<vmem>>[vector<16xi32>], vector<16xf32>,
      %parallel_loop3A_1100 = arith.cmpf oge, %parallel_loop3A_464, %parallel_loop3A_1052 : vector<16xf32>
      %parallel_loop3A_1101 = arith.subf %parallel_loop3A_464, %parallel_loop3A_1045 : vector<16xf32>
      %parallel_loop3A_1102 = math.exp %parallel_loop3A_1101 : vector<16xf32>
      %parallel_loop3A_1103 = arith.mulf %parallel_loop3A_1102, %parallel_loop3A_1078 : vector<16xf32>
      %parallel_loop3A_1104 = arith.constant 0.000000e+00 : f32
      %parallel_loop3A_1105 = vector.broadcast %parallel_loop3A_1104 : f32 to vector<16xf32>
      %parallel_loop3A_1106 = arith.select %parallel_loop3A_1100, %parallel_loop3A_1103, %parallel_loop3A_1105 : vector<16xi1>, vector<16xf32>
      tpu.vector_store_idx %arg5[%parallel_loop3A_40], %parallel_loop3A_1106 : memref<8192xf32, #tpu.memory_space<vmem>>[vector<16xi32>], vector<16xf32>,
      %parallel_loop3A_1107 = arith.cmpf oge, %parallel_loop3A_465, %parallel_loop3A_1052 : vector<16xf32>
      %parallel_loop3A_1108 = arith.subf %parallel_loop3A_465, %parallel_loop3A_1045 : vector<16xf32>
      %parallel_loop3A_1109 = math.exp %parallel_loop3A_1108 : vector<16xf32>
      %parallel_loop3A_1110 = arith.mulf %parallel_loop3A_1109, %parallel_loop3A_1078 : vector<16xf32>
      %parallel_loop3A_1111 = arith.constant 0.000000e+00 : f32
      %parallel_loop3A_1112 = vector.broadcast %parallel_loop3A_1111 : f32 to vector<16xf32>
      %parallel_loop3A_1113 = arith.select %parallel_loop3A_1107, %parallel_loop3A_1110, %parallel_loop3A_1112 : vector<16xi1>, vector<16xf32>
      tpu.vector_store_idx %arg5[%parallel_loop3A_47], %parallel_loop3A_1113 : memref<8192xf32, #tpu.memory_space<vmem>>[vector<16xi32>], vector<16xf32>,
      %parallel_loop3A_1114 = arith.cmpf oge, %parallel_loop3A_466, %parallel_loop3A_1052 : vector<16xf32>
      %parallel_loop3A_1115 = arith.subf %parallel_loop3A_466, %parallel_loop3A_1045 : vector<16xf32>
      %parallel_loop3A_1116 = math.exp %parallel_loop3A_1115 : vector<16xf32>
      %parallel_loop3A_1117 = arith.mulf %parallel_loop3A_1116, %parallel_loop3A_1078 : vector<16xf32>
      %parallel_loop3A_1118 = arith.constant 0.000000e+00 : f32
      %parallel_loop3A_1119 = vector.broadcast %parallel_loop3A_1118 : f32 to vector<16xf32>
      %parallel_loop3A_1120 = arith.select %parallel_loop3A_1114, %parallel_loop3A_1117, %parallel_loop3A_1119 : vector<16xi1>, vector<16xf32>
      tpu.vector_store_idx %arg5[%parallel_loop3A_54], %parallel_loop3A_1120 : memref<8192xf32, #tpu.memory_space<vmem>>[vector<16xi32>], vector<16xf32>,
      %parallel_loop3A_1121 = arith.cmpf oge, %parallel_loop3A_467, %parallel_loop3A_1052 : vector<16xf32>
      %parallel_loop3A_1122 = arith.subf %parallel_loop3A_467, %parallel_loop3A_1045 : vector<16xf32>
      %parallel_loop3A_1123 = math.exp %parallel_loop3A_1122 : vector<16xf32>
      %parallel_loop3A_1124 = arith.mulf %parallel_loop3A_1123, %parallel_loop3A_1078 : vector<16xf32>
      %parallel_loop3A_1125 = arith.constant 0.000000e+00 : f32
      %parallel_loop3A_1126 = vector.broadcast %parallel_loop3A_1125 : f32 to vector<16xf32>
      %parallel_loop3A_1127 = arith.select %parallel_loop3A_1121, %parallel_loop3A_1124, %parallel_loop3A_1126 : vector<16xi1>, vector<16xf32>
      tpu.vector_store_idx %arg5[%parallel_loop3A_61], %parallel_loop3A_1127 : memref<8192xf32, #tpu.memory_space<vmem>>[vector<16xi32>], vector<16xf32>,
      %parallel_loop3A_1128 = arith.cmpf oge, %parallel_loop3A_468, %parallel_loop3A_1052 : vector<16xf32>
      %parallel_loop3A_1129 = arith.subf %parallel_loop3A_468, %parallel_loop3A_1045 : vector<16xf32>
      %parallel_loop3A_1130 = math.exp %parallel_loop3A_1129 : vector<16xf32>
      %parallel_loop3A_1131 = arith.mulf %parallel_loop3A_1130, %parallel_loop3A_1078 : vector<16xf32>
      %parallel_loop3A_1132 = arith.constant 0.000000e+00 : f32
      %parallel_loop3A_1133 = vector.broadcast %parallel_loop3A_1132 : f32 to vector<16xf32>
      %parallel_loop3A_1134 = arith.select %parallel_loop3A_1128, %parallel_loop3A_1131, %parallel_loop3A_1133 : vector<16xi1>, vector<16xf32>
      tpu.vector_store_idx %arg5[%parallel_loop3A_68], %parallel_loop3A_1134 : memref<8192xf32, #tpu.memory_space<vmem>>[vector<16xi32>], vector<16xf32>,
      %parallel_loop3A_1135 = arith.cmpf oge, %parallel_loop3A_469, %parallel_loop3A_1052 : vector<16xf32>
      %parallel_loop3A_1136 = arith.subf %parallel_loop3A_469, %parallel_loop3A_1045 : vector<16xf32>
      %parallel_loop3A_1137 = math.exp %parallel_loop3A_1136 : vector<16xf32>
      %parallel_loop3A_1138 = arith.mulf %parallel_loop3A_1137, %parallel_loop3A_1078 : vector<16xf32>
      %parallel_loop3A_1139 = arith.constant 0.000000e+00 : f32
      %parallel_loop3A_1140 = vector.broadcast %parallel_loop3A_1139 : f32 to vector<16xf32>
      %parallel_loop3A_1141 = arith.select %parallel_loop3A_1135, %parallel_loop3A_1138, %parallel_loop3A_1140 : vector<16xi1>, vector<16xf32>
      tpu.vector_store_idx %arg5[%parallel_loop3A_75], %parallel_loop3A_1141 : memref<8192xf32, #tpu.memory_space<vmem>>[vector<16xi32>], vector<16xf32>,
      %parallel_loop3A_1142 = arith.cmpf oge, %parallel_loop3A_470, %parallel_loop3A_1052 : vector<16xf32>
      %parallel_loop3A_1143 = arith.subf %parallel_loop3A_470, %parallel_loop3A_1045 : vector<16xf32>
      %parallel_loop3A_1144 = math.exp %parallel_loop3A_1143 : vector<16xf32>
      %parallel_loop3A_1145 = arith.mulf %parallel_loop3A_1144, %parallel_loop3A_1078 : vector<16xf32>
      %parallel_loop3A_1146 = arith.constant 0.000000e+00 : f32
      %parallel_loop3A_1147 = vector.broadcast %parallel_loop3A_1146 : f32 to vector<16xf32>
      %parallel_loop3A_1148 = arith.select %parallel_loop3A_1142, %parallel_loop3A_1145, %parallel_loop3A_1147 : vector<16xi1>, vector<16xf32>
      tpu.vector_store_idx %arg5[%parallel_loop3A_82], %parallel_loop3A_1148 : memref<8192xf32, #tpu.memory_space<vmem>>[vector<16xi32>], vector<16xf32>,
      %parallel_loop3A_1149 = arith.cmpf oge, %parallel_loop3A_471, %parallel_loop3A_1052 : vector<16xf32>
      %parallel_loop3A_1150 = arith.subf %parallel_loop3A_471, %parallel_loop3A_1045 : vector<16xf32>
      %parallel_loop3A_1151 = math.exp %parallel_loop3A_1150 : vector<16xf32>
      %parallel_loop3A_1152 = arith.mulf %parallel_loop3A_1151, %parallel_loop3A_1078 : vector<16xf32>
      %parallel_loop3A_1153 = arith.constant 0.000000e+00 : f32
      %parallel_loop3A_1154 = vector.broadcast %parallel_loop3A_1153 : f32 to vector<16xf32>
      %parallel_loop3A_1155 = arith.select %parallel_loop3A_1149, %parallel_loop3A_1152, %parallel_loop3A_1154 : vector<16xi1>, vector<16xf32>
      tpu.vector_store_idx %arg5[%parallel_loop3A_89], %parallel_loop3A_1155 : memref<8192xf32, #tpu.memory_space<vmem>>[vector<16xi32>], vector<16xf32>,
      %parallel_loop3A_1156 = arith.cmpf oge, %parallel_loop3A_472, %parallel_loop3A_1052 : vector<16xf32>
      %parallel_loop3A_1157 = arith.subf %parallel_loop3A_472, %parallel_loop3A_1045 : vector<16xf32>
      %parallel_loop3A_1158 = math.exp %parallel_loop3A_1157 : vector<16xf32>
      %parallel_loop3A_1159 = arith.mulf %parallel_loop3A_1158, %parallel_loop3A_1078 : vector<16xf32>
      %parallel_loop3A_1160 = arith.constant 0.000000e+00 : f32
      %parallel_loop3A_1161 = vector.broadcast %parallel_loop3A_1160 : f32 to vector<16xf32>
      %parallel_loop3A_1162 = arith.select %parallel_loop3A_1156, %parallel_loop3A_1159, %parallel_loop3A_1161 : vector<16xi1>, vector<16xf32>
      tpu.vector_store_idx %arg5[%parallel_loop3A_96], %parallel_loop3A_1162 : memref<8192xf32, #tpu.memory_space<vmem>>[vector<16xi32>], vector<16xf32>,
      %parallel_loop3A_1163 = arith.cmpf oge, %parallel_loop3A_473, %parallel_loop3A_1052 : vector<16xf32>
      %parallel_loop3A_1164 = arith.subf %parallel_loop3A_473, %parallel_loop3A_1045 : vector<16xf32>
      %parallel_loop3A_1165 = math.exp %parallel_loop3A_1164 : vector<16xf32>
      %parallel_loop3A_1166 = arith.mulf %parallel_loop3A_1165, %parallel_loop3A_1078 : vector<16xf32>
      %parallel_loop3A_1167 = arith.constant 0.000000e+00 : f32
      %parallel_loop3A_1168 = vector.broadcast %parallel_loop3A_1167 : f32 to vector<16xf32>
      %parallel_loop3A_1169 = arith.select %parallel_loop3A_1163, %parallel_loop3A_1166, %parallel_loop3A_1168 : vector<16xi1>, vector<16xf32>
      tpu.vector_store_idx %arg5[%parallel_loop3A_103], %parallel_loop3A_1169 : memref<8192xf32, #tpu.memory_space<vmem>>[vector<16xi32>], vector<16xf32>,
      %parallel_loop3A_1170 = arith.cmpf oge, %parallel_loop3A_474, %parallel_loop3A_1052 : vector<16xf32>
      %parallel_loop3A_1171 = arith.subf %parallel_loop3A_474, %parallel_loop3A_1045 : vector<16xf32>
      %parallel_loop3A_1172 = math.exp %parallel_loop3A_1171 : vector<16xf32>
      %parallel_loop3A_1173 = arith.mulf %parallel_loop3A_1172, %parallel_loop3A_1078 : vector<16xf32>
      %parallel_loop3A_1174 = arith.constant 0.000000e+00 : f32
      %parallel_loop3A_1175 = vector.broadcast %parallel_loop3A_1174 : f32 to vector<16xf32>
      %parallel_loop3A_1176 = arith.select %parallel_loop3A_1170, %parallel_loop3A_1173, %parallel_loop3A_1175 : vector<16xi1>, vector<16xf32>
      tpu.vector_store_idx %arg5[%parallel_loop3A_110], %parallel_loop3A_1176 : memref<8192xf32, #tpu.memory_space<vmem>>[vector<16xi32>], vector<16xf32>,
      %parallel_loop3A_1177 = arith.cmpf oge, %parallel_loop3A_475, %parallel_loop3A_1052 : vector<16xf32>
      %parallel_loop3A_1178 = arith.subf %parallel_loop3A_475, %parallel_loop3A_1045 : vector<16xf32>
      %parallel_loop3A_1179 = math.exp %parallel_loop3A_1178 : vector<16xf32>
      %parallel_loop3A_1180 = arith.mulf %parallel_loop3A_1179, %parallel_loop3A_1078 : vector<16xf32>
      %parallel_loop3A_1181 = arith.constant 0.000000e+00 : f32
      %parallel_loop3A_1182 = vector.broadcast %parallel_loop3A_1181 : f32 to vector<16xf32>
      %parallel_loop3A_1183 = arith.select %parallel_loop3A_1177, %parallel_loop3A_1180, %parallel_loop3A_1182 : vector<16xi1>, vector<16xf32>
      tpu.vector_store_idx %arg5[%parallel_loop3A_117], %parallel_loop3A_1183 : memref<8192xf32, #tpu.memory_space<vmem>>[vector<16xi32>], vector<16xf32>,
      %parallel_loop3A_1184 = arith.cmpf oge, %parallel_loop3A_476, %parallel_loop3A_1052 : vector<16xf32>
      %parallel_loop3A_1185 = arith.subf %parallel_loop3A_476, %parallel_loop3A_1045 : vector<16xf32>
      %parallel_loop3A_1186 = math.exp %parallel_loop3A_1185 : vector<16xf32>
      %parallel_loop3A_1187 = arith.mulf %parallel_loop3A_1186, %parallel_loop3A_1078 : vector<16xf32>
      %parallel_loop3A_1188 = arith.constant 0.000000e+00 : f32
      %parallel_loop3A_1189 = vector.broadcast %parallel_loop3A_1188 : f32 to vector<16xf32>
      %parallel_loop3A_1190 = arith.select %parallel_loop3A_1184, %parallel_loop3A_1187, %parallel_loop3A_1189 : vector<16xi1>, vector<16xf32>
      tpu.vector_store_idx %arg5[%parallel_loop3A_124], %parallel_loop3A_1190 : memref<8192xf32, #tpu.memory_space<vmem>>[vector<16xi32>], vector<16xf32>,
      %parallel_loop3A_1191 = arith.cmpf oge, %parallel_loop3A_477, %parallel_loop3A_1052 : vector<16xf32>
      %parallel_loop3A_1192 = arith.subf %parallel_loop3A_477, %parallel_loop3A_1045 : vector<16xf32>
      %parallel_loop3A_1193 = math.exp %parallel_loop3A_1192 : vector<16xf32>
      %parallel_loop3A_1194 = arith.mulf %parallel_loop3A_1193, %parallel_loop3A_1078 : vector<16xf32>
      %parallel_loop3A_1195 = arith.constant 0.000000e+00 : f32
      %parallel_loop3A_1196 = vector.broadcast %parallel_loop3A_1195 : f32 to vector<16xf32>
      %parallel_loop3A_1197 = arith.select %parallel_loop3A_1191, %parallel_loop3A_1194, %parallel_loop3A_1196 : vector<16xi1>, vector<16xf32>
      tpu.vector_store_idx %arg5[%parallel_loop3A_131], %parallel_loop3A_1197 : memref<8192xf32, #tpu.memory_space<vmem>>[vector<16xi32>], vector<16xf32>,
      %parallel_loop3A_1198 = arith.cmpf oge, %parallel_loop3A_478, %parallel_loop3A_1052 : vector<16xf32>
      %parallel_loop3A_1199 = arith.subf %parallel_loop3A_478, %parallel_loop3A_1045 : vector<16xf32>
      %parallel_loop3A_1200 = math.exp %parallel_loop3A_1199 : vector<16xf32>
      %parallel_loop3A_1201 = arith.mulf %parallel_loop3A_1200, %parallel_loop3A_1078 : vector<16xf32>
      %parallel_loop3A_1202 = arith.constant 0.000000e+00 : f32
      %parallel_loop3A_1203 = vector.broadcast %parallel_loop3A_1202 : f32 to vector<16xf32>
      %parallel_loop3A_1204 = arith.select %parallel_loop3A_1198, %parallel_loop3A_1201, %parallel_loop3A_1203 : vector<16xi1>, vector<16xf32>
      tpu.vector_store_idx %arg5[%parallel_loop3A_138], %parallel_loop3A_1204 : memref<8192xf32, #tpu.memory_space<vmem>>[vector<16xi32>], vector<16xf32>,
      %parallel_loop3A_1205 = arith.cmpf oge, %parallel_loop3A_479, %parallel_loop3A_1052 : vector<16xf32>
      %parallel_loop3A_1206 = arith.subf %parallel_loop3A_479, %parallel_loop3A_1045 : vector<16xf32>
      %parallel_loop3A_1207 = math.exp %parallel_loop3A_1206 : vector<16xf32>
      %parallel_loop3A_1208 = arith.mulf %parallel_loop3A_1207, %parallel_loop3A_1078 : vector<16xf32>
      %parallel_loop3A_1209 = arith.constant 0.000000e+00 : f32
      %parallel_loop3A_1210 = vector.broadcast %parallel_loop3A_1209 : f32 to vector<16xf32>
      %parallel_loop3A_1211 = arith.select %parallel_loop3A_1205, %parallel_loop3A_1208, %parallel_loop3A_1210 : vector<16xi1>, vector<16xf32>
      tpu.vector_store_idx %arg5[%parallel_loop3A_145], %parallel_loop3A_1211 : memref<8192xf32, #tpu.memory_space<vmem>>[vector<16xi32>], vector<16xf32>,
      %parallel_loop3A_1212 = arith.cmpf oge, %parallel_loop3A_480, %parallel_loop3A_1052 : vector<16xf32>
      %parallel_loop3A_1213 = arith.subf %parallel_loop3A_480, %parallel_loop3A_1045 : vector<16xf32>
      %parallel_loop3A_1214 = math.exp %parallel_loop3A_1213 : vector<16xf32>
      %parallel_loop3A_1215 = arith.mulf %parallel_loop3A_1214, %parallel_loop3A_1078 : vector<16xf32>
      %parallel_loop3A_1216 = arith.constant 0.000000e+00 : f32
      %parallel_loop3A_1217 = vector.broadcast %parallel_loop3A_1216 : f32 to vector<16xf32>
      %parallel_loop3A_1218 = arith.select %parallel_loop3A_1212, %parallel_loop3A_1215, %parallel_loop3A_1217 : vector<16xi1>, vector<16xf32>
      tpu.vector_store_idx %arg5[%parallel_loop3A_152], %parallel_loop3A_1218 : memref<8192xf32, #tpu.memory_space<vmem>>[vector<16xi32>], vector<16xf32>,
      %parallel_loop3A_1219 = arith.cmpf oge, %parallel_loop3A_481, %parallel_loop3A_1052 : vector<16xf32>
      %parallel_loop3A_1220 = arith.subf %parallel_loop3A_481, %parallel_loop3A_1045 : vector<16xf32>
      %parallel_loop3A_1221 = math.exp %parallel_loop3A_1220 : vector<16xf32>
      %parallel_loop3A_1222 = arith.mulf %parallel_loop3A_1221, %parallel_loop3A_1078 : vector<16xf32>
      %parallel_loop3A_1223 = arith.constant 0.000000e+00 : f32
      %parallel_loop3A_1224 = vector.broadcast %parallel_loop3A_1223 : f32 to vector<16xf32>
      %parallel_loop3A_1225 = arith.select %parallel_loop3A_1219, %parallel_loop3A_1222, %parallel_loop3A_1224 : vector<16xi1>, vector<16xf32>
      tpu.vector_store_idx %arg5[%parallel_loop3A_159], %parallel_loop3A_1225 : memref<8192xf32, #tpu.memory_space<vmem>>[vector<16xi32>], vector<16xf32>,
      %parallel_loop3A_1226 = arith.cmpf oge, %parallel_loop3A_482, %parallel_loop3A_1052 : vector<16xf32>
      %parallel_loop3A_1227 = arith.subf %parallel_loop3A_482, %parallel_loop3A_1045 : vector<16xf32>
      %parallel_loop3A_1228 = math.exp %parallel_loop3A_1227 : vector<16xf32>
      %parallel_loop3A_1229 = arith.mulf %parallel_loop3A_1228, %parallel_loop3A_1078 : vector<16xf32>
      %parallel_loop3A_1230 = arith.constant 0.000000e+00 : f32
      %parallel_loop3A_1231 = vector.broadcast %parallel_loop3A_1230 : f32 to vector<16xf32>
      %parallel_loop3A_1232 = arith.select %parallel_loop3A_1226, %parallel_loop3A_1229, %parallel_loop3A_1231 : vector<16xi1>, vector<16xf32>
      tpu.vector_store_idx %arg5[%parallel_loop3A_166], %parallel_loop3A_1232 : memref<8192xf32, #tpu.memory_space<vmem>>[vector<16xi32>], vector<16xf32>,
      %parallel_loop3A_1233 = arith.cmpf oge, %parallel_loop3A_483, %parallel_loop3A_1052 : vector<16xf32>
      %parallel_loop3A_1234 = arith.subf %parallel_loop3A_483, %parallel_loop3A_1045 : vector<16xf32>
      %parallel_loop3A_1235 = math.exp %parallel_loop3A_1234 : vector<16xf32>
      %parallel_loop3A_1236 = arith.mulf %parallel_loop3A_1235, %parallel_loop3A_1078 : vector<16xf32>
      %parallel_loop3A_1237 = arith.constant 0.000000e+00 : f32
      %parallel_loop3A_1238 = vector.broadcast %parallel_loop3A_1237 : f32 to vector<16xf32>
      %parallel_loop3A_1239 = arith.select %parallel_loop3A_1233, %parallel_loop3A_1236, %parallel_loop3A_1238 : vector<16xi1>, vector<16xf32>
      tpu.vector_store_idx %arg5[%parallel_loop3A_173], %parallel_loop3A_1239 : memref<8192xf32, #tpu.memory_space<vmem>>[vector<16xi32>], vector<16xf32>,
      %parallel_loop3A_1240 = arith.cmpf oge, %parallel_loop3A_484, %parallel_loop3A_1052 : vector<16xf32>
      %parallel_loop3A_1241 = arith.subf %parallel_loop3A_484, %parallel_loop3A_1045 : vector<16xf32>
      %parallel_loop3A_1242 = math.exp %parallel_loop3A_1241 : vector<16xf32>
      %parallel_loop3A_1243 = arith.mulf %parallel_loop3A_1242, %parallel_loop3A_1078 : vector<16xf32>
      %parallel_loop3A_1244 = arith.constant 0.000000e+00 : f32
      %parallel_loop3A_1245 = vector.broadcast %parallel_loop3A_1244 : f32 to vector<16xf32>
      %parallel_loop3A_1246 = arith.select %parallel_loop3A_1240, %parallel_loop3A_1243, %parallel_loop3A_1245 : vector<16xi1>, vector<16xf32>
      tpu.vector_store_idx %arg5[%parallel_loop3A_180], %parallel_loop3A_1246 : memref<8192xf32, #tpu.memory_space<vmem>>[vector<16xi32>], vector<16xf32>,
      %parallel_loop3A_1247 = arith.cmpf oge, %parallel_loop3A_485, %parallel_loop3A_1052 : vector<16xf32>
      %parallel_loop3A_1248 = arith.subf %parallel_loop3A_485, %parallel_loop3A_1045 : vector<16xf32>
      %parallel_loop3A_1249 = math.exp %parallel_loop3A_1248 : vector<16xf32>
      %parallel_loop3A_1250 = arith.mulf %parallel_loop3A_1249, %parallel_loop3A_1078 : vector<16xf32>
      %parallel_loop3A_1251 = arith.constant 0.000000e+00 : f32
      %parallel_loop3A_1252 = vector.broadcast %parallel_loop3A_1251 : f32 to vector<16xf32>
      %parallel_loop3A_1253 = arith.select %parallel_loop3A_1247, %parallel_loop3A_1250, %parallel_loop3A_1252 : vector<16xi1>, vector<16xf32>
      tpu.vector_store_idx %arg5[%parallel_loop3A_187], %parallel_loop3A_1253 : memref<8192xf32, #tpu.memory_space<vmem>>[vector<16xi32>], vector<16xf32>,
      %parallel_loop3A_1254 = arith.cmpf oge, %parallel_loop3A_486, %parallel_loop3A_1052 : vector<16xf32>
      %parallel_loop3A_1255 = arith.subf %parallel_loop3A_486, %parallel_loop3A_1045 : vector<16xf32>
      %parallel_loop3A_1256 = math.exp %parallel_loop3A_1255 : vector<16xf32>
      %parallel_loop3A_1257 = arith.mulf %parallel_loop3A_1256, %parallel_loop3A_1078 : vector<16xf32>
      %parallel_loop3A_1258 = arith.constant 0.000000e+00 : f32
      %parallel_loop3A_1259 = vector.broadcast %parallel_loop3A_1258 : f32 to vector<16xf32>
      %parallel_loop3A_1260 = arith.select %parallel_loop3A_1254, %parallel_loop3A_1257, %parallel_loop3A_1259 : vector<16xi1>, vector<16xf32>
      tpu.vector_store_idx %arg5[%parallel_loop3A_194], %parallel_loop3A_1260 : memref<8192xf32, #tpu.memory_space<vmem>>[vector<16xi32>], vector<16xf32>,
      %parallel_loop3A_1261 = arith.cmpf oge, %parallel_loop3A_487, %parallel_loop3A_1052 : vector<16xf32>
      %parallel_loop3A_1262 = arith.subf %parallel_loop3A_487, %parallel_loop3A_1045 : vector<16xf32>
      %parallel_loop3A_1263 = math.exp %parallel_loop3A_1262 : vector<16xf32>
      %parallel_loop3A_1264 = arith.mulf %parallel_loop3A_1263, %parallel_loop3A_1078 : vector<16xf32>
      %parallel_loop3A_1265 = arith.constant 0.000000e+00 : f32
      %parallel_loop3A_1266 = vector.broadcast %parallel_loop3A_1265 : f32 to vector<16xf32>
      %parallel_loop3A_1267 = arith.select %parallel_loop3A_1261, %parallel_loop3A_1264, %parallel_loop3A_1266 : vector<16xi1>, vector<16xf32>
      tpu.vector_store_idx %arg5[%parallel_loop3A_201], %parallel_loop3A_1267 : memref<8192xf32, #tpu.memory_space<vmem>>[vector<16xi32>], vector<16xf32>,
      %parallel_loop3A_1268 = arith.cmpf oge, %parallel_loop3A_488, %parallel_loop3A_1052 : vector<16xf32>
      %parallel_loop3A_1269 = arith.subf %parallel_loop3A_488, %parallel_loop3A_1045 : vector<16xf32>
      %parallel_loop3A_1270 = math.exp %parallel_loop3A_1269 : vector<16xf32>
      %parallel_loop3A_1271 = arith.mulf %parallel_loop3A_1270, %parallel_loop3A_1078 : vector<16xf32>
      %parallel_loop3A_1272 = arith.constant 0.000000e+00 : f32
      %parallel_loop3A_1273 = vector.broadcast %parallel_loop3A_1272 : f32 to vector<16xf32>
      %parallel_loop3A_1274 = arith.select %parallel_loop3A_1268, %parallel_loop3A_1271, %parallel_loop3A_1273 : vector<16xi1>, vector<16xf32>
      tpu.vector_store_idx %arg5[%parallel_loop3A_208], %parallel_loop3A_1274 : memref<8192xf32, #tpu.memory_space<vmem>>[vector<16xi32>], vector<16xf32>,
      %parallel_loop3A_1275 = arith.cmpf oge, %parallel_loop3A_489, %parallel_loop3A_1052 : vector<16xf32>
      %parallel_loop3A_1276 = arith.subf %parallel_loop3A_489, %parallel_loop3A_1045 : vector<16xf32>
      %parallel_loop3A_1277 = math.exp %parallel_loop3A_1276 : vector<16xf32>
      %parallel_loop3A_1278 = arith.mulf %parallel_loop3A_1277, %parallel_loop3A_1078 : vector<16xf32>
      %parallel_loop3A_1279 = arith.constant 0.000000e+00 : f32
      %parallel_loop3A_1280 = vector.broadcast %parallel_loop3A_1279 : f32 to vector<16xf32>
      %parallel_loop3A_1281 = arith.select %parallel_loop3A_1275, %parallel_loop3A_1278, %parallel_loop3A_1280 : vector<16xi1>, vector<16xf32>
      tpu.vector_store_idx %arg5[%parallel_loop3A_215], %parallel_loop3A_1281 : memref<8192xf32, #tpu.memory_space<vmem>>[vector<16xi32>], vector<16xf32>,
      %parallel_loop3A_1282 = arith.cmpf oge, %parallel_loop3A_490, %parallel_loop3A_1052 : vector<16xf32>
      %parallel_loop3A_1283 = arith.subf %parallel_loop3A_490, %parallel_loop3A_1045 : vector<16xf32>
      %parallel_loop3A_1284 = math.exp %parallel_loop3A_1283 : vector<16xf32>
      %parallel_loop3A_1285 = arith.mulf %parallel_loop3A_1284, %parallel_loop3A_1078 : vector<16xf32>
      %parallel_loop3A_1286 = arith.constant 0.000000e+00 : f32
      %parallel_loop3A_1287 = vector.broadcast %parallel_loop3A_1286 : f32 to vector<16xf32>
      %parallel_loop3A_1288 = arith.select %parallel_loop3A_1282, %parallel_loop3A_1285, %parallel_loop3A_1287 : vector<16xi1>, vector<16xf32>
      tpu.vector_store_idx %arg5[%parallel_loop3A_222], %parallel_loop3A_1288 : memref<8192xf32, #tpu.memory_space<vmem>>[vector<16xi32>], vector<16xf32>,
      %parallel_loop3A_1289 = arith.cmpf oge, %parallel_loop3A_491, %parallel_loop3A_1052 : vector<16xf32>
      %parallel_loop3A_1290 = arith.subf %parallel_loop3A_491, %parallel_loop3A_1045 : vector<16xf32>
      %parallel_loop3A_1291 = math.exp %parallel_loop3A_1290 : vector<16xf32>
      %parallel_loop3A_1292 = arith.mulf %parallel_loop3A_1291, %parallel_loop3A_1078 : vector<16xf32>
      %parallel_loop3A_1293 = arith.constant 0.000000e+00 : f32
      %parallel_loop3A_1294 = vector.broadcast %parallel_loop3A_1293 : f32 to vector<16xf32>
      %parallel_loop3A_1295 = arith.select %parallel_loop3A_1289, %parallel_loop3A_1292, %parallel_loop3A_1294 : vector<16xi1>, vector<16xf32>
      tpu.vector_store_idx %arg5[%parallel_loop3A_229], %parallel_loop3A_1295 : memref<8192xf32, #tpu.memory_space<vmem>>[vector<16xi32>], vector<16xf32>,
      %parallel_loop3A_1296 = arith.cmpf oge, %parallel_loop3A_492, %parallel_loop3A_1052 : vector<16xf32>
      %parallel_loop3A_1297 = arith.subf %parallel_loop3A_492, %parallel_loop3A_1045 : vector<16xf32>
      %parallel_loop3A_1298 = math.exp %parallel_loop3A_1297 : vector<16xf32>
      %parallel_loop3A_1299 = arith.mulf %parallel_loop3A_1298, %parallel_loop3A_1078 : vector<16xf32>
      %parallel_loop3A_1300 = arith.constant 0.000000e+00 : f32
      %parallel_loop3A_1301 = vector.broadcast %parallel_loop3A_1300 : f32 to vector<16xf32>
      %parallel_loop3A_1302 = arith.select %parallel_loop3A_1296, %parallel_loop3A_1299, %parallel_loop3A_1301 : vector<16xi1>, vector<16xf32>
      tpu.vector_store_idx %arg5[%parallel_loop3A_236], %parallel_loop3A_1302 : memref<8192xf32, #tpu.memory_space<vmem>>[vector<16xi32>], vector<16xf32>,
      %parallel_loop3A_1303 = arith.cmpf oge, %parallel_loop3A_493, %parallel_loop3A_1052 : vector<16xf32>
      %parallel_loop3A_1304 = arith.subf %parallel_loop3A_493, %parallel_loop3A_1045 : vector<16xf32>
      %parallel_loop3A_1305 = math.exp %parallel_loop3A_1304 : vector<16xf32>
      %parallel_loop3A_1306 = arith.mulf %parallel_loop3A_1305, %parallel_loop3A_1078 : vector<16xf32>
      %parallel_loop3A_1307 = arith.constant 0.000000e+00 : f32
      %parallel_loop3A_1308 = vector.broadcast %parallel_loop3A_1307 : f32 to vector<16xf32>
      %parallel_loop3A_1309 = arith.select %parallel_loop3A_1303, %parallel_loop3A_1306, %parallel_loop3A_1308 : vector<16xi1>, vector<16xf32>
      tpu.vector_store_idx %arg5[%parallel_loop3A_243], %parallel_loop3A_1309 : memref<8192xf32, #tpu.memory_space<vmem>>[vector<16xi32>], vector<16xf32>,
      %parallel_loop3A_1310 = arith.cmpf oge, %parallel_loop3A_494, %parallel_loop3A_1052 : vector<16xf32>
      %parallel_loop3A_1311 = arith.subf %parallel_loop3A_494, %parallel_loop3A_1045 : vector<16xf32>
      %parallel_loop3A_1312 = math.exp %parallel_loop3A_1311 : vector<16xf32>
      %parallel_loop3A_1313 = arith.mulf %parallel_loop3A_1312, %parallel_loop3A_1078 : vector<16xf32>
      %parallel_loop3A_1314 = arith.constant 0.000000e+00 : f32
      %parallel_loop3A_1315 = vector.broadcast %parallel_loop3A_1314 : f32 to vector<16xf32>
      %parallel_loop3A_1316 = arith.select %parallel_loop3A_1310, %parallel_loop3A_1313, %parallel_loop3A_1315 : vector<16xi1>, vector<16xf32>
      tpu.vector_store_idx %arg5[%parallel_loop3A_250], %parallel_loop3A_1316 : memref<8192xf32, #tpu.memory_space<vmem>>[vector<16xi32>], vector<16xf32>,
      %parallel_loop3A_1317 = arith.cmpf oge, %parallel_loop3A_495, %parallel_loop3A_1052 : vector<16xf32>
      %parallel_loop3A_1318 = arith.subf %parallel_loop3A_495, %parallel_loop3A_1045 : vector<16xf32>
      %parallel_loop3A_1319 = math.exp %parallel_loop3A_1318 : vector<16xf32>
      %parallel_loop3A_1320 = arith.mulf %parallel_loop3A_1319, %parallel_loop3A_1078 : vector<16xf32>
      %parallel_loop3A_1321 = arith.constant 0.000000e+00 : f32
      %parallel_loop3A_1322 = vector.broadcast %parallel_loop3A_1321 : f32 to vector<16xf32>
      %parallel_loop3A_1323 = arith.select %parallel_loop3A_1317, %parallel_loop3A_1320, %parallel_loop3A_1322 : vector<16xi1>, vector<16xf32>
      tpu.vector_store_idx %arg5[%parallel_loop3A_257], %parallel_loop3A_1323 : memref<8192xf32, #tpu.memory_space<vmem>>[vector<16xi32>], vector<16xf32>,
      %parallel_loop3A_1324 = arith.cmpf oge, %parallel_loop3A_496, %parallel_loop3A_1052 : vector<16xf32>
      %parallel_loop3A_1325 = arith.subf %parallel_loop3A_496, %parallel_loop3A_1045 : vector<16xf32>
      %parallel_loop3A_1326 = math.exp %parallel_loop3A_1325 : vector<16xf32>
      %parallel_loop3A_1327 = arith.mulf %parallel_loop3A_1326, %parallel_loop3A_1078 : vector<16xf32>
      %parallel_loop3A_1328 = arith.constant 0.000000e+00 : f32
      %parallel_loop3A_1329 = vector.broadcast %parallel_loop3A_1328 : f32 to vector<16xf32>
      %parallel_loop3A_1330 = arith.select %parallel_loop3A_1324, %parallel_loop3A_1327, %parallel_loop3A_1329 : vector<16xi1>, vector<16xf32>
      tpu.vector_store_idx %arg5[%parallel_loop3A_264], %parallel_loop3A_1330 : memref<8192xf32, #tpu.memory_space<vmem>>[vector<16xi32>], vector<16xf32>,
      %parallel_loop3A_1331 = arith.cmpf oge, %parallel_loop3A_497, %parallel_loop3A_1052 : vector<16xf32>
      %parallel_loop3A_1332 = arith.subf %parallel_loop3A_497, %parallel_loop3A_1045 : vector<16xf32>
      %parallel_loop3A_1333 = math.exp %parallel_loop3A_1332 : vector<16xf32>
      %parallel_loop3A_1334 = arith.mulf %parallel_loop3A_1333, %parallel_loop3A_1078 : vector<16xf32>
      %parallel_loop3A_1335 = arith.constant 0.000000e+00 : f32
      %parallel_loop3A_1336 = vector.broadcast %parallel_loop3A_1335 : f32 to vector<16xf32>
      %parallel_loop3A_1337 = arith.select %parallel_loop3A_1331, %parallel_loop3A_1334, %parallel_loop3A_1336 : vector<16xi1>, vector<16xf32>
      tpu.vector_store_idx %arg5[%parallel_loop3A_271], %parallel_loop3A_1337 : memref<8192xf32, #tpu.memory_space<vmem>>[vector<16xi32>], vector<16xf32>,
      %parallel_loop3A_1338 = arith.cmpf oge, %parallel_loop3A_498, %parallel_loop3A_1052 : vector<16xf32>
      %parallel_loop3A_1339 = arith.subf %parallel_loop3A_498, %parallel_loop3A_1045 : vector<16xf32>
      %parallel_loop3A_1340 = math.exp %parallel_loop3A_1339 : vector<16xf32>
      %parallel_loop3A_1341 = arith.mulf %parallel_loop3A_1340, %parallel_loop3A_1078 : vector<16xf32>
      %parallel_loop3A_1342 = arith.constant 0.000000e+00 : f32
      %parallel_loop3A_1343 = vector.broadcast %parallel_loop3A_1342 : f32 to vector<16xf32>
      %parallel_loop3A_1344 = arith.select %parallel_loop3A_1338, %parallel_loop3A_1341, %parallel_loop3A_1343 : vector<16xi1>, vector<16xf32>
      tpu.vector_store_idx %arg5[%parallel_loop3A_278], %parallel_loop3A_1344 : memref<8192xf32, #tpu.memory_space<vmem>>[vector<16xi32>], vector<16xf32>,
      %parallel_loop3A_1345 = arith.cmpf oge, %parallel_loop3A_499, %parallel_loop3A_1052 : vector<16xf32>
      %parallel_loop3A_1346 = arith.subf %parallel_loop3A_499, %parallel_loop3A_1045 : vector<16xf32>
      %parallel_loop3A_1347 = math.exp %parallel_loop3A_1346 : vector<16xf32>
      %parallel_loop3A_1348 = arith.mulf %parallel_loop3A_1347, %parallel_loop3A_1078 : vector<16xf32>
      %parallel_loop3A_1349 = arith.constant 0.000000e+00 : f32
      %parallel_loop3A_1350 = vector.broadcast %parallel_loop3A_1349 : f32 to vector<16xf32>
      %parallel_loop3A_1351 = arith.select %parallel_loop3A_1345, %parallel_loop3A_1348, %parallel_loop3A_1350 : vector<16xi1>, vector<16xf32>
      tpu.vector_store_idx %arg5[%parallel_loop3A_285], %parallel_loop3A_1351 : memref<8192xf32, #tpu.memory_space<vmem>>[vector<16xi32>], vector<16xf32>,
      %parallel_loop3A_1352 = arith.cmpf oge, %parallel_loop3A_500, %parallel_loop3A_1052 : vector<16xf32>
      %parallel_loop3A_1353 = arith.subf %parallel_loop3A_500, %parallel_loop3A_1045 : vector<16xf32>
      %parallel_loop3A_1354 = math.exp %parallel_loop3A_1353 : vector<16xf32>
      %parallel_loop3A_1355 = arith.mulf %parallel_loop3A_1354, %parallel_loop3A_1078 : vector<16xf32>
      %parallel_loop3A_1356 = arith.constant 0.000000e+00 : f32
      %parallel_loop3A_1357 = vector.broadcast %parallel_loop3A_1356 : f32 to vector<16xf32>
      %parallel_loop3A_1358 = arith.select %parallel_loop3A_1352, %parallel_loop3A_1355, %parallel_loop3A_1357 : vector<16xi1>, vector<16xf32>
      tpu.vector_store_idx %arg5[%parallel_loop3A_292], %parallel_loop3A_1358 : memref<8192xf32, #tpu.memory_space<vmem>>[vector<16xi32>], vector<16xf32>,
      %parallel_loop3A_1359 = arith.cmpf oge, %parallel_loop3A_501, %parallel_loop3A_1052 : vector<16xf32>
      %parallel_loop3A_1360 = arith.subf %parallel_loop3A_501, %parallel_loop3A_1045 : vector<16xf32>
      %parallel_loop3A_1361 = math.exp %parallel_loop3A_1360 : vector<16xf32>
      %parallel_loop3A_1362 = arith.mulf %parallel_loop3A_1361, %parallel_loop3A_1078 : vector<16xf32>
      %parallel_loop3A_1363 = arith.constant 0.000000e+00 : f32
      %parallel_loop3A_1364 = vector.broadcast %parallel_loop3A_1363 : f32 to vector<16xf32>
      %parallel_loop3A_1365 = arith.select %parallel_loop3A_1359, %parallel_loop3A_1362, %parallel_loop3A_1364 : vector<16xi1>, vector<16xf32>
      tpu.vector_store_idx %arg5[%parallel_loop3A_299], %parallel_loop3A_1365 : memref<8192xf32, #tpu.memory_space<vmem>>[vector<16xi32>], vector<16xf32>,
      %parallel_loop3A_1366 = arith.cmpf oge, %parallel_loop3A_502, %parallel_loop3A_1052 : vector<16xf32>
      %parallel_loop3A_1367 = arith.subf %parallel_loop3A_502, %parallel_loop3A_1045 : vector<16xf32>
      %parallel_loop3A_1368 = math.exp %parallel_loop3A_1367 : vector<16xf32>
      %parallel_loop3A_1369 = arith.mulf %parallel_loop3A_1368, %parallel_loop3A_1078 : vector<16xf32>
      %parallel_loop3A_1370 = arith.constant 0.000000e+00 : f32
      %parallel_loop3A_1371 = vector.broadcast %parallel_loop3A_1370 : f32 to vector<16xf32>
      %parallel_loop3A_1372 = arith.select %parallel_loop3A_1366, %parallel_loop3A_1369, %parallel_loop3A_1371 : vector<16xi1>, vector<16xf32>
      tpu.vector_store_idx %arg5[%parallel_loop3A_306], %parallel_loop3A_1372 : memref<8192xf32, #tpu.memory_space<vmem>>[vector<16xi32>], vector<16xf32>,
      %parallel_loop3A_1373 = arith.cmpf oge, %parallel_loop3A_503, %parallel_loop3A_1052 : vector<16xf32>
      %parallel_loop3A_1374 = arith.subf %parallel_loop3A_503, %parallel_loop3A_1045 : vector<16xf32>
      %parallel_loop3A_1375 = math.exp %parallel_loop3A_1374 : vector<16xf32>
      %parallel_loop3A_1376 = arith.mulf %parallel_loop3A_1375, %parallel_loop3A_1078 : vector<16xf32>
      %parallel_loop3A_1377 = arith.constant 0.000000e+00 : f32
      %parallel_loop3A_1378 = vector.broadcast %parallel_loop3A_1377 : f32 to vector<16xf32>
      %parallel_loop3A_1379 = arith.select %parallel_loop3A_1373, %parallel_loop3A_1376, %parallel_loop3A_1378 : vector<16xi1>, vector<16xf32>
      tpu.vector_store_idx %arg5[%parallel_loop3A_313], %parallel_loop3A_1379 : memref<8192xf32, #tpu.memory_space<vmem>>[vector<16xi32>], vector<16xf32>,
      %parallel_loop3A_1380 = arith.cmpf oge, %parallel_loop3A_504, %parallel_loop3A_1052 : vector<16xf32>
      %parallel_loop3A_1381 = arith.subf %parallel_loop3A_504, %parallel_loop3A_1045 : vector<16xf32>
      %parallel_loop3A_1382 = math.exp %parallel_loop3A_1381 : vector<16xf32>
      %parallel_loop3A_1383 = arith.mulf %parallel_loop3A_1382, %parallel_loop3A_1078 : vector<16xf32>
      %parallel_loop3A_1384 = arith.constant 0.000000e+00 : f32
      %parallel_loop3A_1385 = vector.broadcast %parallel_loop3A_1384 : f32 to vector<16xf32>
      %parallel_loop3A_1386 = arith.select %parallel_loop3A_1380, %parallel_loop3A_1383, %parallel_loop3A_1385 : vector<16xi1>, vector<16xf32>
      tpu.vector_store_idx %arg5[%parallel_loop3A_320], %parallel_loop3A_1386 : memref<8192xf32, #tpu.memory_space<vmem>>[vector<16xi32>], vector<16xf32>,
      %parallel_loop3A_1387 = arith.cmpf oge, %parallel_loop3A_505, %parallel_loop3A_1052 : vector<16xf32>
      %parallel_loop3A_1388 = arith.subf %parallel_loop3A_505, %parallel_loop3A_1045 : vector<16xf32>
      %parallel_loop3A_1389 = math.exp %parallel_loop3A_1388 : vector<16xf32>
      %parallel_loop3A_1390 = arith.mulf %parallel_loop3A_1389, %parallel_loop3A_1078 : vector<16xf32>
      %parallel_loop3A_1391 = arith.constant 0.000000e+00 : f32
      %parallel_loop3A_1392 = vector.broadcast %parallel_loop3A_1391 : f32 to vector<16xf32>
      %parallel_loop3A_1393 = arith.select %parallel_loop3A_1387, %parallel_loop3A_1390, %parallel_loop3A_1392 : vector<16xi1>, vector<16xf32>
      tpu.vector_store_idx %arg5[%parallel_loop3A_327], %parallel_loop3A_1393 : memref<8192xf32, #tpu.memory_space<vmem>>[vector<16xi32>], vector<16xf32>,
      %parallel_loop3A_1394 = arith.cmpf oge, %parallel_loop3A_506, %parallel_loop3A_1052 : vector<16xf32>
      %parallel_loop3A_1395 = arith.subf %parallel_loop3A_506, %parallel_loop3A_1045 : vector<16xf32>
      %parallel_loop3A_1396 = math.exp %parallel_loop3A_1395 : vector<16xf32>
      %parallel_loop3A_1397 = arith.mulf %parallel_loop3A_1396, %parallel_loop3A_1078 : vector<16xf32>
      %parallel_loop3A_1398 = arith.constant 0.000000e+00 : f32
      %parallel_loop3A_1399 = vector.broadcast %parallel_loop3A_1398 : f32 to vector<16xf32>
      %parallel_loop3A_1400 = arith.select %parallel_loop3A_1394, %parallel_loop3A_1397, %parallel_loop3A_1399 : vector<16xi1>, vector<16xf32>
      tpu.vector_store_idx %arg5[%parallel_loop3A_334], %parallel_loop3A_1400 : memref<8192xf32, #tpu.memory_space<vmem>>[vector<16xi32>], vector<16xf32>,
      %parallel_loop3A_1401 = arith.cmpf oge, %parallel_loop3A_507, %parallel_loop3A_1052 : vector<16xf32>
      %parallel_loop3A_1402 = arith.subf %parallel_loop3A_507, %parallel_loop3A_1045 : vector<16xf32>
      %parallel_loop3A_1403 = math.exp %parallel_loop3A_1402 : vector<16xf32>
      %parallel_loop3A_1404 = arith.mulf %parallel_loop3A_1403, %parallel_loop3A_1078 : vector<16xf32>
      %parallel_loop3A_1405 = arith.constant 0.000000e+00 : f32
      %parallel_loop3A_1406 = vector.broadcast %parallel_loop3A_1405 : f32 to vector<16xf32>
      %parallel_loop3A_1407 = arith.select %parallel_loop3A_1401, %parallel_loop3A_1404, %parallel_loop3A_1406 : vector<16xi1>, vector<16xf32>
      tpu.vector_store_idx %arg5[%parallel_loop3A_341], %parallel_loop3A_1407 : memref<8192xf32, #tpu.memory_space<vmem>>[vector<16xi32>], vector<16xf32>,
      %parallel_loop3A_1408 = arith.cmpf oge, %parallel_loop3A_508, %parallel_loop3A_1052 : vector<16xf32>
      %parallel_loop3A_1409 = arith.subf %parallel_loop3A_508, %parallel_loop3A_1045 : vector<16xf32>
      %parallel_loop3A_1410 = math.exp %parallel_loop3A_1409 : vector<16xf32>
      %parallel_loop3A_1411 = arith.mulf %parallel_loop3A_1410, %parallel_loop3A_1078 : vector<16xf32>
      %parallel_loop3A_1412 = arith.constant 0.000000e+00 : f32
      %parallel_loop3A_1413 = vector.broadcast %parallel_loop3A_1412 : f32 to vector<16xf32>
      %parallel_loop3A_1414 = arith.select %parallel_loop3A_1408, %parallel_loop3A_1411, %parallel_loop3A_1413 : vector<16xi1>, vector<16xf32>
      tpu.vector_store_idx %arg5[%parallel_loop3A_348], %parallel_loop3A_1414 : memref<8192xf32, #tpu.memory_space<vmem>>[vector<16xi32>], vector<16xf32>,
      %parallel_loop3A_1415 = arith.cmpf oge, %parallel_loop3A_509, %parallel_loop3A_1052 : vector<16xf32>
      %parallel_loop3A_1416 = arith.subf %parallel_loop3A_509, %parallel_loop3A_1045 : vector<16xf32>
      %parallel_loop3A_1417 = math.exp %parallel_loop3A_1416 : vector<16xf32>
      %parallel_loop3A_1418 = arith.mulf %parallel_loop3A_1417, %parallel_loop3A_1078 : vector<16xf32>
      %parallel_loop3A_1419 = arith.constant 0.000000e+00 : f32
      %parallel_loop3A_1420 = vector.broadcast %parallel_loop3A_1419 : f32 to vector<16xf32>
      %parallel_loop3A_1421 = arith.select %parallel_loop3A_1415, %parallel_loop3A_1418, %parallel_loop3A_1420 : vector<16xi1>, vector<16xf32>
      tpu.vector_store_idx %arg5[%parallel_loop3A_355], %parallel_loop3A_1421 : memref<8192xf32, #tpu.memory_space<vmem>>[vector<16xi32>], vector<16xf32>,
      %parallel_loop3A_1422 = arith.cmpf oge, %parallel_loop3A_510, %parallel_loop3A_1052 : vector<16xf32>
      %parallel_loop3A_1423 = arith.subf %parallel_loop3A_510, %parallel_loop3A_1045 : vector<16xf32>
      %parallel_loop3A_1424 = math.exp %parallel_loop3A_1423 : vector<16xf32>
      %parallel_loop3A_1425 = arith.mulf %parallel_loop3A_1424, %parallel_loop3A_1078 : vector<16xf32>
      %parallel_loop3A_1426 = arith.constant 0.000000e+00 : f32
      %parallel_loop3A_1427 = vector.broadcast %parallel_loop3A_1426 : f32 to vector<16xf32>
      %parallel_loop3A_1428 = arith.select %parallel_loop3A_1422, %parallel_loop3A_1425, %parallel_loop3A_1427 : vector<16xi1>, vector<16xf32>
      tpu.vector_store_idx %arg5[%parallel_loop3A_362], %parallel_loop3A_1428 : memref<8192xf32, #tpu.memory_space<vmem>>[vector<16xi32>], vector<16xf32>,
      %parallel_loop3A_1429 = arith.cmpf oge, %parallel_loop3A_511, %parallel_loop3A_1052 : vector<16xf32>
      %parallel_loop3A_1430 = arith.subf %parallel_loop3A_511, %parallel_loop3A_1045 : vector<16xf32>
      %parallel_loop3A_1431 = math.exp %parallel_loop3A_1430 : vector<16xf32>
      %parallel_loop3A_1432 = arith.mulf %parallel_loop3A_1431, %parallel_loop3A_1078 : vector<16xf32>
      %parallel_loop3A_1433 = arith.constant 0.000000e+00 : f32
      %parallel_loop3A_1434 = vector.broadcast %parallel_loop3A_1433 : f32 to vector<16xf32>
      %parallel_loop3A_1435 = arith.select %parallel_loop3A_1429, %parallel_loop3A_1432, %parallel_loop3A_1434 : vector<16xi1>, vector<16xf32>
      tpu.vector_store_idx %arg5[%parallel_loop3A_369], %parallel_loop3A_1435 : memref<8192xf32, #tpu.memory_space<vmem>>[vector<16xi32>], vector<16xf32>,
      %parallel_loop3A_1436 = arith.cmpf oge, %parallel_loop3A_512, %parallel_loop3A_1052 : vector<16xf32>
      %parallel_loop3A_1437 = arith.subf %parallel_loop3A_512, %parallel_loop3A_1045 : vector<16xf32>
      %parallel_loop3A_1438 = math.exp %parallel_loop3A_1437 : vector<16xf32>
      %parallel_loop3A_1439 = arith.mulf %parallel_loop3A_1438, %parallel_loop3A_1078 : vector<16xf32>
      %parallel_loop3A_1440 = arith.constant 0.000000e+00 : f32
      %parallel_loop3A_1441 = vector.broadcast %parallel_loop3A_1440 : f32 to vector<16xf32>
      %parallel_loop3A_1442 = arith.select %parallel_loop3A_1436, %parallel_loop3A_1439, %parallel_loop3A_1441 : vector<16xi1>, vector<16xf32>
      tpu.vector_store_idx %arg5[%parallel_loop3A_376], %parallel_loop3A_1442 : memref<8192xf32, #tpu.memory_space<vmem>>[vector<16xi32>], vector<16xf32>,
      %parallel_loop3A_1443 = arith.cmpf oge, %parallel_loop3A_513, %parallel_loop3A_1052 : vector<16xf32>
      %parallel_loop3A_1444 = arith.subf %parallel_loop3A_513, %parallel_loop3A_1045 : vector<16xf32>
      %parallel_loop3A_1445 = math.exp %parallel_loop3A_1444 : vector<16xf32>
      %parallel_loop3A_1446 = arith.mulf %parallel_loop3A_1445, %parallel_loop3A_1078 : vector<16xf32>
      %parallel_loop3A_1447 = arith.constant 0.000000e+00 : f32
      %parallel_loop3A_1448 = vector.broadcast %parallel_loop3A_1447 : f32 to vector<16xf32>
      %parallel_loop3A_1449 = arith.select %parallel_loop3A_1443, %parallel_loop3A_1446, %parallel_loop3A_1448 : vector<16xi1>, vector<16xf32>
      tpu.vector_store_idx %arg5[%parallel_loop3A_383], %parallel_loop3A_1449 : memref<8192xf32, #tpu.memory_space<vmem>>[vector<16xi32>], vector<16xf32>,
      %parallel_loop3A_1450 = arith.cmpf oge, %parallel_loop3A_514, %parallel_loop3A_1052 : vector<16xf32>
      %parallel_loop3A_1451 = arith.subf %parallel_loop3A_514, %parallel_loop3A_1045 : vector<16xf32>
      %parallel_loop3A_1452 = math.exp %parallel_loop3A_1451 : vector<16xf32>
      %parallel_loop3A_1453 = arith.mulf %parallel_loop3A_1452, %parallel_loop3A_1078 : vector<16xf32>
      %parallel_loop3A_1454 = arith.constant 0.000000e+00 : f32
      %parallel_loop3A_1455 = vector.broadcast %parallel_loop3A_1454 : f32 to vector<16xf32>
      %parallel_loop3A_1456 = arith.select %parallel_loop3A_1450, %parallel_loop3A_1453, %parallel_loop3A_1455 : vector<16xi1>, vector<16xf32>
      tpu.vector_store_idx %arg5[%parallel_loop3A_390], %parallel_loop3A_1456 : memref<8192xf32, #tpu.memory_space<vmem>>[vector<16xi32>], vector<16xf32>,
      %parallel_loop3A_1457 = arith.cmpf oge, %parallel_loop3A_515, %parallel_loop3A_1052 : vector<16xf32>
      %parallel_loop3A_1458 = arith.subf %parallel_loop3A_515, %parallel_loop3A_1045 : vector<16xf32>
      %parallel_loop3A_1459 = math.exp %parallel_loop3A_1458 : vector<16xf32>
      %parallel_loop3A_1460 = arith.mulf %parallel_loop3A_1459, %parallel_loop3A_1078 : vector<16xf32>
      %parallel_loop3A_1461 = arith.constant 0.000000e+00 : f32
      %parallel_loop3A_1462 = vector.broadcast %parallel_loop3A_1461 : f32 to vector<16xf32>
      %parallel_loop3A_1463 = arith.select %parallel_loop3A_1457, %parallel_loop3A_1460, %parallel_loop3A_1462 : vector<16xi1>, vector<16xf32>
      tpu.vector_store_idx %arg5[%parallel_loop3A_397], %parallel_loop3A_1463 : memref<8192xf32, #tpu.memory_space<vmem>>[vector<16xi32>], vector<16xf32>,
      %parallel_loop3A_1464 = arith.cmpf oge, %parallel_loop3A_516, %parallel_loop3A_1052 : vector<16xf32>
      %parallel_loop3A_1465 = arith.subf %parallel_loop3A_516, %parallel_loop3A_1045 : vector<16xf32>
      %parallel_loop3A_1466 = math.exp %parallel_loop3A_1465 : vector<16xf32>
      %parallel_loop3A_1467 = arith.mulf %parallel_loop3A_1466, %parallel_loop3A_1078 : vector<16xf32>
      %parallel_loop3A_1468 = arith.constant 0.000000e+00 : f32
      %parallel_loop3A_1469 = vector.broadcast %parallel_loop3A_1468 : f32 to vector<16xf32>
      %parallel_loop3A_1470 = arith.select %parallel_loop3A_1464, %parallel_loop3A_1467, %parallel_loop3A_1469 : vector<16xi1>, vector<16xf32>
      tpu.vector_store_idx %arg5[%parallel_loop3A_404], %parallel_loop3A_1470 : memref<8192xf32, #tpu.memory_space<vmem>>[vector<16xi32>], vector<16xf32>,
      %parallel_loop3A_1471 = arith.cmpf oge, %parallel_loop3A_517, %parallel_loop3A_1052 : vector<16xf32>
      %parallel_loop3A_1472 = arith.subf %parallel_loop3A_517, %parallel_loop3A_1045 : vector<16xf32>
      %parallel_loop3A_1473 = math.exp %parallel_loop3A_1472 : vector<16xf32>
      %parallel_loop3A_1474 = arith.mulf %parallel_loop3A_1473, %parallel_loop3A_1078 : vector<16xf32>
      %parallel_loop3A_1475 = arith.constant 0.000000e+00 : f32
      %parallel_loop3A_1476 = vector.broadcast %parallel_loop3A_1475 : f32 to vector<16xf32>
      %parallel_loop3A_1477 = arith.select %parallel_loop3A_1471, %parallel_loop3A_1474, %parallel_loop3A_1476 : vector<16xi1>, vector<16xf32>
      tpu.vector_store_idx %arg5[%parallel_loop3A_411], %parallel_loop3A_1477 : memref<8192xf32, #tpu.memory_space<vmem>>[vector<16xi32>], vector<16xf32>,
      %parallel_loop3A_1478 = arith.cmpf oge, %parallel_loop3A_518, %parallel_loop3A_1052 : vector<16xf32>
      %parallel_loop3A_1479 = arith.subf %parallel_loop3A_518, %parallel_loop3A_1045 : vector<16xf32>
      %parallel_loop3A_1480 = math.exp %parallel_loop3A_1479 : vector<16xf32>
      %parallel_loop3A_1481 = arith.mulf %parallel_loop3A_1480, %parallel_loop3A_1078 : vector<16xf32>
      %parallel_loop3A_1482 = arith.constant 0.000000e+00 : f32
      %parallel_loop3A_1483 = vector.broadcast %parallel_loop3A_1482 : f32 to vector<16xf32>
      %parallel_loop3A_1484 = arith.select %parallel_loop3A_1478, %parallel_loop3A_1481, %parallel_loop3A_1483 : vector<16xi1>, vector<16xf32>
      tpu.vector_store_idx %arg5[%parallel_loop3A_418], %parallel_loop3A_1484 : memref<8192xf32, #tpu.memory_space<vmem>>[vector<16xi32>], vector<16xf32>,
      %parallel_loop3A_1485 = arith.cmpf oge, %parallel_loop3A_519, %parallel_loop3A_1052 : vector<16xf32>
      %parallel_loop3A_1486 = arith.subf %parallel_loop3A_519, %parallel_loop3A_1045 : vector<16xf32>
      %parallel_loop3A_1487 = math.exp %parallel_loop3A_1486 : vector<16xf32>
      %parallel_loop3A_1488 = arith.mulf %parallel_loop3A_1487, %parallel_loop3A_1078 : vector<16xf32>
      %parallel_loop3A_1489 = arith.constant 0.000000e+00 : f32
      %parallel_loop3A_1490 = vector.broadcast %parallel_loop3A_1489 : f32 to vector<16xf32>
      %parallel_loop3A_1491 = arith.select %parallel_loop3A_1485, %parallel_loop3A_1488, %parallel_loop3A_1490 : vector<16xi1>, vector<16xf32>
      tpu.vector_store_idx %arg5[%parallel_loop3A_425], %parallel_loop3A_1491 : memref<8192xf32, #tpu.memory_space<vmem>>[vector<16xi32>], vector<16xf32>,
      %parallel_loop3A_1492 = arith.cmpf oge, %parallel_loop3A_520, %parallel_loop3A_1052 : vector<16xf32>
      %parallel_loop3A_1493 = arith.subf %parallel_loop3A_520, %parallel_loop3A_1045 : vector<16xf32>
      %parallel_loop3A_1494 = math.exp %parallel_loop3A_1493 : vector<16xf32>
      %parallel_loop3A_1495 = arith.mulf %parallel_loop3A_1494, %parallel_loop3A_1078 : vector<16xf32>
      %parallel_loop3A_1496 = arith.constant 0.000000e+00 : f32
      %parallel_loop3A_1497 = vector.broadcast %parallel_loop3A_1496 : f32 to vector<16xf32>
      %parallel_loop3A_1498 = arith.select %parallel_loop3A_1492, %parallel_loop3A_1495, %parallel_loop3A_1497 : vector<16xi1>, vector<16xf32>
      tpu.vector_store_idx %arg5[%parallel_loop3A_432], %parallel_loop3A_1498 : memref<8192xf32, #tpu.memory_space<vmem>>[vector<16xi32>], vector<16xf32>,
      %parallel_loop3A_1499 = arith.cmpf oge, %parallel_loop3A_521, %parallel_loop3A_1052 : vector<16xf32>
      %parallel_loop3A_1500 = arith.subf %parallel_loop3A_521, %parallel_loop3A_1045 : vector<16xf32>
      %parallel_loop3A_1501 = math.exp %parallel_loop3A_1500 : vector<16xf32>
      %parallel_loop3A_1502 = arith.mulf %parallel_loop3A_1501, %parallel_loop3A_1078 : vector<16xf32>
      %parallel_loop3A_1503 = arith.constant 0.000000e+00 : f32
      %parallel_loop3A_1504 = vector.broadcast %parallel_loop3A_1503 : f32 to vector<16xf32>
      %parallel_loop3A_1505 = arith.select %parallel_loop3A_1499, %parallel_loop3A_1502, %parallel_loop3A_1504 : vector<16xi1>, vector<16xf32>
      tpu.vector_store_idx %arg5[%parallel_loop3A_439], %parallel_loop3A_1505 : memref<8192xf32, #tpu.memory_space<vmem>>[vector<16xi32>], vector<16xf32>,
      %parallel_loop3A_1506 = arith.cmpf oge, %parallel_loop3A_522, %parallel_loop3A_1052 : vector<16xf32>
      %parallel_loop3A_1507 = arith.subf %parallel_loop3A_522, %parallel_loop3A_1045 : vector<16xf32>
      %parallel_loop3A_1508 = math.exp %parallel_loop3A_1507 : vector<16xf32>
      %parallel_loop3A_1509 = arith.mulf %parallel_loop3A_1508, %parallel_loop3A_1078 : vector<16xf32>
      %parallel_loop3A_1510 = arith.constant 0.000000e+00 : f32
      %parallel_loop3A_1511 = vector.broadcast %parallel_loop3A_1510 : f32 to vector<16xf32>
      %parallel_loop3A_1512 = arith.select %parallel_loop3A_1506, %parallel_loop3A_1509, %parallel_loop3A_1511 : vector<16xi1>, vector<16xf32>
      tpu.vector_store_idx %arg5[%parallel_loop3A_446], %parallel_loop3A_1512 : memref<8192xf32, #tpu.memory_space<vmem>>[vector<16xi32>], vector<16xf32>,
      %parallel_loop3A_1513 = arith.cmpf oge, %parallel_loop3A_523, %parallel_loop3A_1052 : vector<16xf32>
      %parallel_loop3A_1514 = arith.subf %parallel_loop3A_523, %parallel_loop3A_1045 : vector<16xf32>
      %parallel_loop3A_1515 = math.exp %parallel_loop3A_1514 : vector<16xf32>
      %parallel_loop3A_1516 = arith.mulf %parallel_loop3A_1515, %parallel_loop3A_1078 : vector<16xf32>
      %parallel_loop3A_1517 = arith.constant 0.000000e+00 : f32
      %parallel_loop3A_1518 = vector.broadcast %parallel_loop3A_1517 : f32 to vector<16xf32>
      %parallel_loop3A_1519 = arith.select %parallel_loop3A_1513, %parallel_loop3A_1516, %parallel_loop3A_1518 : vector<16xi1>, vector<16xf32>
      tpu.vector_store_idx %arg5[%parallel_loop3A_453], %parallel_loop3A_1519 : memref<8192xf32, #tpu.memory_space<vmem>>[vector<16xi32>], vector<16xf32>,
      %parallel_loop3A_1520 = arith.cmpf oge, %parallel_loop3A_524, %parallel_loop3A_1052 : vector<16xf32>
      %parallel_loop3A_1521 = arith.subf %parallel_loop3A_524, %parallel_loop3A_1045 : vector<16xf32>
      %parallel_loop3A_1522 = math.exp %parallel_loop3A_1521 : vector<16xf32>
      %parallel_loop3A_1523 = arith.mulf %parallel_loop3A_1522, %parallel_loop3A_1078 : vector<16xf32>
      %parallel_loop3A_1524 = arith.constant 0.000000e+00 : f32
      %parallel_loop3A_1525 = vector.broadcast %parallel_loop3A_1524 : f32 to vector<16xf32>
      %parallel_loop3A_1526 = arith.select %parallel_loop3A_1520, %parallel_loop3A_1523, %parallel_loop3A_1525 : vector<16xi1>, vector<16xf32>
      tpu.vector_store_idx %arg5[%parallel_loop3A_460], %parallel_loop3A_1526 : memref<8192xf32, #tpu.memory_space<vmem>>[vector<16xi32>], vector<16xf32>,
    } {sc.loop_unroll_factor = 1 : i64, sc.parallel_access}
    "tpu.region"() ({
      %run_scoped3A = tpu.sem_alloc : memref<!tpu.dma_semaphore, #tpu.memory_space<semaphore_mem>>
      %dma_start3A = tpu.memref_slice %arg3[%mul3A_2] : memref<262144xf32, #tpu.memory_space<hbm>> -> memref<8192xf32, #tpu.memory_space<hbm>>
      %dma_start3A_5 = tpu.memref_slice %arg3[%mul3A_2] : memref<262144xf32, #tpu.memory_space<hbm>> -> memref<8192xf32, #tpu.memory_space<hbm>>
      tpu.enqueue_dma source(%arg5 : memref<8192xf32, #tpu.memory_space<vmem>>) target(%dma_start3A_5 : memref<8192xf32, #tpu.memory_space<hbm>>) target_semaphore(%run_scoped3A : memref<!tpu.dma_semaphore, #tpu.memory_space<semaphore_mem>>)
      %dma_wait3A = tpu.memref_slice %arg3[%mul3A_2] : memref<262144xf32, #tpu.memory_space<hbm>> -> memref<8192xf32, #tpu.memory_space<hbm>>
      %dma_wait3A_6 = tpu.memref_slice %arg3[%mul3A_2] : memref<262144xf32, #tpu.memory_space<hbm>> -> memref<8192xf32, #tpu.memory_space<hbm>>
      tpu.wait_dma2 semaphore(%run_scoped3A : memref<!tpu.dma_semaphore, #tpu.memory_space<semaphore_mem>>) src(%arg5 : memref<8192xf32, #tpu.memory_space<vmem>>) dst(%dma_wait3A_6 : memref<8192xf32, #tpu.memory_space<hbm>>)
      tpu.yield
    }) : () -> ()
    return
  }
}

#map = affine_map<(d0, d1) -> (0)>
module attributes {stable_mosaic.version = 14 : i64} {
  func.func @_sc_route_body(%arg0: i32, %arg1: i32, %arg2: memref<262144xf32, #tpu.memory_space<hbm>>, %arg3: memref<262144xf32, #tpu.memory_space<hbm>>, %arg4: memref<8192xf32, #tpu.memory_space<vmem>>, %arg5: memref<8192xf32, #tpu.memory_space<vmem>>) attributes {dimension_semantics = [#tpu.dimension_semantics<core_parallel>, #tpu.dimension_semantics<subcore_parallel>], iteration_bounds = array<i64: 2, 16>, scalar_prefetch = 0 : i64, scratch_operands = 2 : i64, tpu.core_type = #tpu.core_type<sc_vector_subcore>, window_params = [{transform_indices = #map}, {transform_indices = #map}]} {
    %mul3A = arith.constant 16 : i32
    %mul3A_0 = arith.muli %arg0, %mul3A : i32
    %add3A = arith.addi %mul3A_0, %arg1 : i32
    %mul3A_1 = arith.constant 8192 : i32
    %mul3A_2 = arith.muli %add3A, %mul3A_1 : i32
    "tpu.region"() ({
      %run_scoped3A = tpu.sem_alloc : memref<!tpu.dma_semaphore, #tpu.memory_space<semaphore_mem>>
      %dma_start3A = tpu.memref_slice %arg2[%mul3A_2] : memref<262144xf32, #tpu.memory_space<hbm>> -> memref<8192xf32, #tpu.memory_space<hbm>>
      %dma_start3A_5 = tpu.memref_slice %arg2[%mul3A_2] : memref<262144xf32, #tpu.memory_space<hbm>> -> memref<8192xf32, #tpu.memory_space<hbm>>
      tpu.enqueue_dma source(%dma_start3A_5 : memref<8192xf32, #tpu.memory_space<hbm>>) target(%arg4 : memref<8192xf32, #tpu.memory_space<vmem>>) target_semaphore(%run_scoped3A : memref<!tpu.dma_semaphore, #tpu.memory_space<semaphore_mem>>)
      %dma_wait3A = tpu.memref_slice %arg2[%mul3A_2] : memref<262144xf32, #tpu.memory_space<hbm>> -> memref<8192xf32, #tpu.memory_space<hbm>>
      %dma_wait3A_6 = tpu.memref_slice %arg2[%mul3A_2] : memref<262144xf32, #tpu.memory_space<hbm>> -> memref<8192xf32, #tpu.memory_space<hbm>>
      tpu.wait_dma2 semaphore(%run_scoped3A : memref<!tpu.dma_semaphore, #tpu.memory_space<semaphore_mem>>) src(%dma_wait3A_6 : memref<8192xf32, #tpu.memory_space<hbm>>) dst(%arg4 : memref<8192xf32, #tpu.memory_space<vmem>>)
      tpu.yield
    }) : () -> ()
    %iota3A = tpu.iota {dimensions = array<i32: 0>} : vector<16xi32>
    %parallel_loop3A = arith.constant 0 : i32
    %parallel_loop3A_3 = arith.constant 8 : i32
    %parallel_loop3A_4 = arith.constant 1 : i32
    scf.for %parallel_loop3A_5 = %parallel_loop3A to %parallel_loop3A_3 step %parallel_loop3A_4  : i32 {
      %parallel_loop3A_6 = arith.constant 64 : i32
      %parallel_loop3A_7 = vector.broadcast %parallel_loop3A_6 : i32 to vector<16xi32>
      %parallel_loop3A_8 = arith.muli %iota3A, %parallel_loop3A_7 : vector<16xi32>
      %parallel_loop3A_9 = arith.constant 1024 : i32
      %parallel_loop3A_10 = arith.muli %parallel_loop3A_5, %parallel_loop3A_9 : i32
      %parallel_loop3A_11 = vector.broadcast %parallel_loop3A_10 : i32 to vector<16xi32>
      %parallel_loop3A_12 = arith.addi %parallel_loop3A_8, %parallel_loop3A_11 : vector<16xi32>
      %parallel_loop3A_13 = arith.constant 0 : i32
      %parallel_loop3A_14 = vector.broadcast %parallel_loop3A_13 : i32 to vector<16xi32>
      %parallel_loop3A_15 = arith.addi %iota3A, %parallel_loop3A_14 : vector<16xi32>
      %parallel_loop3A_16 = arith.constant 63 : i32
      %parallel_loop3A_17 = vector.broadcast %parallel_loop3A_16 : i32 to vector<16xi32>
      %parallel_loop3A_18 = arith.andi %parallel_loop3A_15, %parallel_loop3A_17 : vector<16xi32>
      %parallel_loop3A_19 = arith.addi %parallel_loop3A_12, %parallel_loop3A_18 : vector<16xi32>
      %parallel_loop3A_20 = arith.constant 1 : i32
      %parallel_loop3A_21 = vector.broadcast %parallel_loop3A_20 : i32 to vector<16xi32>
      %parallel_loop3A_22 = arith.addi %iota3A, %parallel_loop3A_21 : vector<16xi32>
      %parallel_loop3A_23 = arith.constant 63 : i32
      %parallel_loop3A_24 = vector.broadcast %parallel_loop3A_23 : i32 to vector<16xi32>
      %parallel_loop3A_25 = arith.andi %parallel_loop3A_22, %parallel_loop3A_24 : vector<16xi32>
      %parallel_loop3A_26 = arith.addi %parallel_loop3A_12, %parallel_loop3A_25 : vector<16xi32>
      %parallel_loop3A_27 = arith.constant 2 : i32
      %parallel_loop3A_28 = vector.broadcast %parallel_loop3A_27 : i32 to vector<16xi32>
      %parallel_loop3A_29 = arith.addi %iota3A, %parallel_loop3A_28 : vector<16xi32>
      %parallel_loop3A_30 = arith.constant 63 : i32
      %parallel_loop3A_31 = vector.broadcast %parallel_loop3A_30 : i32 to vector<16xi32>
      %parallel_loop3A_32 = arith.andi %parallel_loop3A_29, %parallel_loop3A_31 : vector<16xi32>
      %parallel_loop3A_33 = arith.addi %parallel_loop3A_12, %parallel_loop3A_32 : vector<16xi32>
      %parallel_loop3A_34 = arith.constant 3 : i32
      %parallel_loop3A_35 = vector.broadcast %parallel_loop3A_34 : i32 to vector<16xi32>
      %parallel_loop3A_36 = arith.addi %iota3A, %parallel_loop3A_35 : vector<16xi32>
      %parallel_loop3A_37 = arith.constant 63 : i32
      %parallel_loop3A_38 = vector.broadcast %parallel_loop3A_37 : i32 to vector<16xi32>
      %parallel_loop3A_39 = arith.andi %parallel_loop3A_36, %parallel_loop3A_38 : vector<16xi32>
      %parallel_loop3A_40 = arith.addi %parallel_loop3A_12, %parallel_loop3A_39 : vector<16xi32>
      %parallel_loop3A_41 = arith.constant 4 : i32
      %parallel_loop3A_42 = vector.broadcast %parallel_loop3A_41 : i32 to vector<16xi32>
      %parallel_loop3A_43 = arith.addi %iota3A, %parallel_loop3A_42 : vector<16xi32>
      %parallel_loop3A_44 = arith.constant 63 : i32
      %parallel_loop3A_45 = vector.broadcast %parallel_loop3A_44 : i32 to vector<16xi32>
      %parallel_loop3A_46 = arith.andi %parallel_loop3A_43, %parallel_loop3A_45 : vector<16xi32>
      %parallel_loop3A_47 = arith.addi %parallel_loop3A_12, %parallel_loop3A_46 : vector<16xi32>
      %parallel_loop3A_48 = arith.constant 5 : i32
      %parallel_loop3A_49 = vector.broadcast %parallel_loop3A_48 : i32 to vector<16xi32>
      %parallel_loop3A_50 = arith.addi %iota3A, %parallel_loop3A_49 : vector<16xi32>
      %parallel_loop3A_51 = arith.constant 63 : i32
      %parallel_loop3A_52 = vector.broadcast %parallel_loop3A_51 : i32 to vector<16xi32>
      %parallel_loop3A_53 = arith.andi %parallel_loop3A_50, %parallel_loop3A_52 : vector<16xi32>
      %parallel_loop3A_54 = arith.addi %parallel_loop3A_12, %parallel_loop3A_53 : vector<16xi32>
      %parallel_loop3A_55 = arith.constant 6 : i32
      %parallel_loop3A_56 = vector.broadcast %parallel_loop3A_55 : i32 to vector<16xi32>
      %parallel_loop3A_57 = arith.addi %iota3A, %parallel_loop3A_56 : vector<16xi32>
      %parallel_loop3A_58 = arith.constant 63 : i32
      %parallel_loop3A_59 = vector.broadcast %parallel_loop3A_58 : i32 to vector<16xi32>
      %parallel_loop3A_60 = arith.andi %parallel_loop3A_57, %parallel_loop3A_59 : vector<16xi32>
      %parallel_loop3A_61 = arith.addi %parallel_loop3A_12, %parallel_loop3A_60 : vector<16xi32>
      %parallel_loop3A_62 = arith.constant 7 : i32
      %parallel_loop3A_63 = vector.broadcast %parallel_loop3A_62 : i32 to vector<16xi32>
      %parallel_loop3A_64 = arith.addi %iota3A, %parallel_loop3A_63 : vector<16xi32>
      %parallel_loop3A_65 = arith.constant 63 : i32
      %parallel_loop3A_66 = vector.broadcast %parallel_loop3A_65 : i32 to vector<16xi32>
      %parallel_loop3A_67 = arith.andi %parallel_loop3A_64, %parallel_loop3A_66 : vector<16xi32>
      %parallel_loop3A_68 = arith.addi %parallel_loop3A_12, %parallel_loop3A_67 : vector<16xi32>
      %parallel_loop3A_69 = arith.constant 8 : i32
      %parallel_loop3A_70 = vector.broadcast %parallel_loop3A_69 : i32 to vector<16xi32>
      %parallel_loop3A_71 = arith.addi %iota3A, %parallel_loop3A_70 : vector<16xi32>
      %parallel_loop3A_72 = arith.constant 63 : i32
      %parallel_loop3A_73 = vector.broadcast %parallel_loop3A_72 : i32 to vector<16xi32>
      %parallel_loop3A_74 = arith.andi %parallel_loop3A_71, %parallel_loop3A_73 : vector<16xi32>
      %parallel_loop3A_75 = arith.addi %parallel_loop3A_12, %parallel_loop3A_74 : vector<16xi32>
      %parallel_loop3A_76 = arith.constant 9 : i32
      %parallel_loop3A_77 = vector.broadcast %parallel_loop3A_76 : i32 to vector<16xi32>
      %parallel_loop3A_78 = arith.addi %iota3A, %parallel_loop3A_77 : vector<16xi32>
      %parallel_loop3A_79 = arith.constant 63 : i32
      %parallel_loop3A_80 = vector.broadcast %parallel_loop3A_79 : i32 to vector<16xi32>
      %parallel_loop3A_81 = arith.andi %parallel_loop3A_78, %parallel_loop3A_80 : vector<16xi32>
      %parallel_loop3A_82 = arith.addi %parallel_loop3A_12, %parallel_loop3A_81 : vector<16xi32>
      %parallel_loop3A_83 = arith.constant 10 : i32
      %parallel_loop3A_84 = vector.broadcast %parallel_loop3A_83 : i32 to vector<16xi32>
      %parallel_loop3A_85 = arith.addi %iota3A, %parallel_loop3A_84 : vector<16xi32>
      %parallel_loop3A_86 = arith.constant 63 : i32
      %parallel_loop3A_87 = vector.broadcast %parallel_loop3A_86 : i32 to vector<16xi32>
      %parallel_loop3A_88 = arith.andi %parallel_loop3A_85, %parallel_loop3A_87 : vector<16xi32>
      %parallel_loop3A_89 = arith.addi %parallel_loop3A_12, %parallel_loop3A_88 : vector<16xi32>
      %parallel_loop3A_90 = arith.constant 11 : i32
      %parallel_loop3A_91 = vector.broadcast %parallel_loop3A_90 : i32 to vector<16xi32>
      %parallel_loop3A_92 = arith.addi %iota3A, %parallel_loop3A_91 : vector<16xi32>
      %parallel_loop3A_93 = arith.constant 63 : i32
      %parallel_loop3A_94 = vector.broadcast %parallel_loop3A_93 : i32 to vector<16xi32>
      %parallel_loop3A_95 = arith.andi %parallel_loop3A_92, %parallel_loop3A_94 : vector<16xi32>
      %parallel_loop3A_96 = arith.addi %parallel_loop3A_12, %parallel_loop3A_95 : vector<16xi32>
      %parallel_loop3A_97 = arith.constant 12 : i32
      %parallel_loop3A_98 = vector.broadcast %parallel_loop3A_97 : i32 to vector<16xi32>
      %parallel_loop3A_99 = arith.addi %iota3A, %parallel_loop3A_98 : vector<16xi32>
      %parallel_loop3A_100 = arith.constant 63 : i32
      %parallel_loop3A_101 = vector.broadcast %parallel_loop3A_100 : i32 to vector<16xi32>
      %parallel_loop3A_102 = arith.andi %parallel_loop3A_99, %parallel_loop3A_101 : vector<16xi32>
      %parallel_loop3A_103 = arith.addi %parallel_loop3A_12, %parallel_loop3A_102 : vector<16xi32>
      %parallel_loop3A_104 = arith.constant 13 : i32
      %parallel_loop3A_105 = vector.broadcast %parallel_loop3A_104 : i32 to vector<16xi32>
      %parallel_loop3A_106 = arith.addi %iota3A, %parallel_loop3A_105 : vector<16xi32>
      %parallel_loop3A_107 = arith.constant 63 : i32
      %parallel_loop3A_108 = vector.broadcast %parallel_loop3A_107 : i32 to vector<16xi32>
      %parallel_loop3A_109 = arith.andi %parallel_loop3A_106, %parallel_loop3A_108 : vector<16xi32>
      %parallel_loop3A_110 = arith.addi %parallel_loop3A_12, %parallel_loop3A_109 : vector<16xi32>
      %parallel_loop3A_111 = arith.constant 14 : i32
      %parallel_loop3A_112 = vector.broadcast %parallel_loop3A_111 : i32 to vector<16xi32>
      %parallel_loop3A_113 = arith.addi %iota3A, %parallel_loop3A_112 : vector<16xi32>
      %parallel_loop3A_114 = arith.constant 63 : i32
      %parallel_loop3A_115 = vector.broadcast %parallel_loop3A_114 : i32 to vector<16xi32>
      %parallel_loop3A_116 = arith.andi %parallel_loop3A_113, %parallel_loop3A_115 : vector<16xi32>
      %parallel_loop3A_117 = arith.addi %parallel_loop3A_12, %parallel_loop3A_116 : vector<16xi32>
      %parallel_loop3A_118 = arith.constant 15 : i32
      %parallel_loop3A_119 = vector.broadcast %parallel_loop3A_118 : i32 to vector<16xi32>
      %parallel_loop3A_120 = arith.addi %iota3A, %parallel_loop3A_119 : vector<16xi32>
      %parallel_loop3A_121 = arith.constant 63 : i32
      %parallel_loop3A_122 = vector.broadcast %parallel_loop3A_121 : i32 to vector<16xi32>
      %parallel_loop3A_123 = arith.andi %parallel_loop3A_120, %parallel_loop3A_122 : vector<16xi32>
      %parallel_loop3A_124 = arith.addi %parallel_loop3A_12, %parallel_loop3A_123 : vector<16xi32>
      %parallel_loop3A_125 = arith.constant 16 : i32
      %parallel_loop3A_126 = vector.broadcast %parallel_loop3A_125 : i32 to vector<16xi32>
      %parallel_loop3A_127 = arith.addi %iota3A, %parallel_loop3A_126 : vector<16xi32>
      %parallel_loop3A_128 = arith.constant 63 : i32
      %parallel_loop3A_129 = vector.broadcast %parallel_loop3A_128 : i32 to vector<16xi32>
      %parallel_loop3A_130 = arith.andi %parallel_loop3A_127, %parallel_loop3A_129 : vector<16xi32>
      %parallel_loop3A_131 = arith.addi %parallel_loop3A_12, %parallel_loop3A_130 : vector<16xi32>
      %parallel_loop3A_132 = arith.constant 17 : i32
      %parallel_loop3A_133 = vector.broadcast %parallel_loop3A_132 : i32 to vector<16xi32>
      %parallel_loop3A_134 = arith.addi %iota3A, %parallel_loop3A_133 : vector<16xi32>
      %parallel_loop3A_135 = arith.constant 63 : i32
      %parallel_loop3A_136 = vector.broadcast %parallel_loop3A_135 : i32 to vector<16xi32>
      %parallel_loop3A_137 = arith.andi %parallel_loop3A_134, %parallel_loop3A_136 : vector<16xi32>
      %parallel_loop3A_138 = arith.addi %parallel_loop3A_12, %parallel_loop3A_137 : vector<16xi32>
      %parallel_loop3A_139 = arith.constant 18 : i32
      %parallel_loop3A_140 = vector.broadcast %parallel_loop3A_139 : i32 to vector<16xi32>
      %parallel_loop3A_141 = arith.addi %iota3A, %parallel_loop3A_140 : vector<16xi32>
      %parallel_loop3A_142 = arith.constant 63 : i32
      %parallel_loop3A_143 = vector.broadcast %parallel_loop3A_142 : i32 to vector<16xi32>
      %parallel_loop3A_144 = arith.andi %parallel_loop3A_141, %parallel_loop3A_143 : vector<16xi32>
      %parallel_loop3A_145 = arith.addi %parallel_loop3A_12, %parallel_loop3A_144 : vector<16xi32>
      %parallel_loop3A_146 = arith.constant 19 : i32
      %parallel_loop3A_147 = vector.broadcast %parallel_loop3A_146 : i32 to vector<16xi32>
      %parallel_loop3A_148 = arith.addi %iota3A, %parallel_loop3A_147 : vector<16xi32>
      %parallel_loop3A_149 = arith.constant 63 : i32
      %parallel_loop3A_150 = vector.broadcast %parallel_loop3A_149 : i32 to vector<16xi32>
      %parallel_loop3A_151 = arith.andi %parallel_loop3A_148, %parallel_loop3A_150 : vector<16xi32>
      %parallel_loop3A_152 = arith.addi %parallel_loop3A_12, %parallel_loop3A_151 : vector<16xi32>
      %parallel_loop3A_153 = arith.constant 20 : i32
      %parallel_loop3A_154 = vector.broadcast %parallel_loop3A_153 : i32 to vector<16xi32>
      %parallel_loop3A_155 = arith.addi %iota3A, %parallel_loop3A_154 : vector<16xi32>
      %parallel_loop3A_156 = arith.constant 63 : i32
      %parallel_loop3A_157 = vector.broadcast %parallel_loop3A_156 : i32 to vector<16xi32>
      %parallel_loop3A_158 = arith.andi %parallel_loop3A_155, %parallel_loop3A_157 : vector<16xi32>
      %parallel_loop3A_159 = arith.addi %parallel_loop3A_12, %parallel_loop3A_158 : vector<16xi32>
      %parallel_loop3A_160 = arith.constant 21 : i32
      %parallel_loop3A_161 = vector.broadcast %parallel_loop3A_160 : i32 to vector<16xi32>
      %parallel_loop3A_162 = arith.addi %iota3A, %parallel_loop3A_161 : vector<16xi32>
      %parallel_loop3A_163 = arith.constant 63 : i32
      %parallel_loop3A_164 = vector.broadcast %parallel_loop3A_163 : i32 to vector<16xi32>
      %parallel_loop3A_165 = arith.andi %parallel_loop3A_162, %parallel_loop3A_164 : vector<16xi32>
      %parallel_loop3A_166 = arith.addi %parallel_loop3A_12, %parallel_loop3A_165 : vector<16xi32>
      %parallel_loop3A_167 = arith.constant 22 : i32
      %parallel_loop3A_168 = vector.broadcast %parallel_loop3A_167 : i32 to vector<16xi32>
      %parallel_loop3A_169 = arith.addi %iota3A, %parallel_loop3A_168 : vector<16xi32>
      %parallel_loop3A_170 = arith.constant 63 : i32
      %parallel_loop3A_171 = vector.broadcast %parallel_loop3A_170 : i32 to vector<16xi32>
      %parallel_loop3A_172 = arith.andi %parallel_loop3A_169, %parallel_loop3A_171 : vector<16xi32>
      %parallel_loop3A_173 = arith.addi %parallel_loop3A_12, %parallel_loop3A_172 : vector<16xi32>
      %parallel_loop3A_174 = arith.constant 23 : i32
      %parallel_loop3A_175 = vector.broadcast %parallel_loop3A_174 : i32 to vector<16xi32>
      %parallel_loop3A_176 = arith.addi %iota3A, %parallel_loop3A_175 : vector<16xi32>
      %parallel_loop3A_177 = arith.constant 63 : i32
      %parallel_loop3A_178 = vector.broadcast %parallel_loop3A_177 : i32 to vector<16xi32>
      %parallel_loop3A_179 = arith.andi %parallel_loop3A_176, %parallel_loop3A_178 : vector<16xi32>
      %parallel_loop3A_180 = arith.addi %parallel_loop3A_12, %parallel_loop3A_179 : vector<16xi32>
      %parallel_loop3A_181 = arith.constant 24 : i32
      %parallel_loop3A_182 = vector.broadcast %parallel_loop3A_181 : i32 to vector<16xi32>
      %parallel_loop3A_183 = arith.addi %iota3A, %parallel_loop3A_182 : vector<16xi32>
      %parallel_loop3A_184 = arith.constant 63 : i32
      %parallel_loop3A_185 = vector.broadcast %parallel_loop3A_184 : i32 to vector<16xi32>
      %parallel_loop3A_186 = arith.andi %parallel_loop3A_183, %parallel_loop3A_185 : vector<16xi32>
      %parallel_loop3A_187 = arith.addi %parallel_loop3A_12, %parallel_loop3A_186 : vector<16xi32>
      %parallel_loop3A_188 = arith.constant 25 : i32
      %parallel_loop3A_189 = vector.broadcast %parallel_loop3A_188 : i32 to vector<16xi32>
      %parallel_loop3A_190 = arith.addi %iota3A, %parallel_loop3A_189 : vector<16xi32>
      %parallel_loop3A_191 = arith.constant 63 : i32
      %parallel_loop3A_192 = vector.broadcast %parallel_loop3A_191 : i32 to vector<16xi32>
      %parallel_loop3A_193 = arith.andi %parallel_loop3A_190, %parallel_loop3A_192 : vector<16xi32>
      %parallel_loop3A_194 = arith.addi %parallel_loop3A_12, %parallel_loop3A_193 : vector<16xi32>
      %parallel_loop3A_195 = arith.constant 26 : i32
      %parallel_loop3A_196 = vector.broadcast %parallel_loop3A_195 : i32 to vector<16xi32>
      %parallel_loop3A_197 = arith.addi %iota3A, %parallel_loop3A_196 : vector<16xi32>
      %parallel_loop3A_198 = arith.constant 63 : i32
      %parallel_loop3A_199 = vector.broadcast %parallel_loop3A_198 : i32 to vector<16xi32>
      %parallel_loop3A_200 = arith.andi %parallel_loop3A_197, %parallel_loop3A_199 : vector<16xi32>
      %parallel_loop3A_201 = arith.addi %parallel_loop3A_12, %parallel_loop3A_200 : vector<16xi32>
      %parallel_loop3A_202 = arith.constant 27 : i32
      %parallel_loop3A_203 = vector.broadcast %parallel_loop3A_202 : i32 to vector<16xi32>
      %parallel_loop3A_204 = arith.addi %iota3A, %parallel_loop3A_203 : vector<16xi32>
      %parallel_loop3A_205 = arith.constant 63 : i32
      %parallel_loop3A_206 = vector.broadcast %parallel_loop3A_205 : i32 to vector<16xi32>
      %parallel_loop3A_207 = arith.andi %parallel_loop3A_204, %parallel_loop3A_206 : vector<16xi32>
      %parallel_loop3A_208 = arith.addi %parallel_loop3A_12, %parallel_loop3A_207 : vector<16xi32>
      %parallel_loop3A_209 = arith.constant 28 : i32
      %parallel_loop3A_210 = vector.broadcast %parallel_loop3A_209 : i32 to vector<16xi32>
      %parallel_loop3A_211 = arith.addi %iota3A, %parallel_loop3A_210 : vector<16xi32>
      %parallel_loop3A_212 = arith.constant 63 : i32
      %parallel_loop3A_213 = vector.broadcast %parallel_loop3A_212 : i32 to vector<16xi32>
      %parallel_loop3A_214 = arith.andi %parallel_loop3A_211, %parallel_loop3A_213 : vector<16xi32>
      %parallel_loop3A_215 = arith.addi %parallel_loop3A_12, %parallel_loop3A_214 : vector<16xi32>
      %parallel_loop3A_216 = arith.constant 29 : i32
      %parallel_loop3A_217 = vector.broadcast %parallel_loop3A_216 : i32 to vector<16xi32>
      %parallel_loop3A_218 = arith.addi %iota3A, %parallel_loop3A_217 : vector<16xi32>
      %parallel_loop3A_219 = arith.constant 63 : i32
      %parallel_loop3A_220 = vector.broadcast %parallel_loop3A_219 : i32 to vector<16xi32>
      %parallel_loop3A_221 = arith.andi %parallel_loop3A_218, %parallel_loop3A_220 : vector<16xi32>
      %parallel_loop3A_222 = arith.addi %parallel_loop3A_12, %parallel_loop3A_221 : vector<16xi32>
      %parallel_loop3A_223 = arith.constant 30 : i32
      %parallel_loop3A_224 = vector.broadcast %parallel_loop3A_223 : i32 to vector<16xi32>
      %parallel_loop3A_225 = arith.addi %iota3A, %parallel_loop3A_224 : vector<16xi32>
      %parallel_loop3A_226 = arith.constant 63 : i32
      %parallel_loop3A_227 = vector.broadcast %parallel_loop3A_226 : i32 to vector<16xi32>
      %parallel_loop3A_228 = arith.andi %parallel_loop3A_225, %parallel_loop3A_227 : vector<16xi32>
      %parallel_loop3A_229 = arith.addi %parallel_loop3A_12, %parallel_loop3A_228 : vector<16xi32>
      %parallel_loop3A_230 = arith.constant 31 : i32
      %parallel_loop3A_231 = vector.broadcast %parallel_loop3A_230 : i32 to vector<16xi32>
      %parallel_loop3A_232 = arith.addi %iota3A, %parallel_loop3A_231 : vector<16xi32>
      %parallel_loop3A_233 = arith.constant 63 : i32
      %parallel_loop3A_234 = vector.broadcast %parallel_loop3A_233 : i32 to vector<16xi32>
      %parallel_loop3A_235 = arith.andi %parallel_loop3A_232, %parallel_loop3A_234 : vector<16xi32>
      %parallel_loop3A_236 = arith.addi %parallel_loop3A_12, %parallel_loop3A_235 : vector<16xi32>
      %parallel_loop3A_237 = arith.constant 32 : i32
      %parallel_loop3A_238 = vector.broadcast %parallel_loop3A_237 : i32 to vector<16xi32>
      %parallel_loop3A_239 = arith.addi %iota3A, %parallel_loop3A_238 : vector<16xi32>
      %parallel_loop3A_240 = arith.constant 63 : i32
      %parallel_loop3A_241 = vector.broadcast %parallel_loop3A_240 : i32 to vector<16xi32>
      %parallel_loop3A_242 = arith.andi %parallel_loop3A_239, %parallel_loop3A_241 : vector<16xi32>
      %parallel_loop3A_243 = arith.addi %parallel_loop3A_12, %parallel_loop3A_242 : vector<16xi32>
      %parallel_loop3A_244 = arith.constant 33 : i32
      %parallel_loop3A_245 = vector.broadcast %parallel_loop3A_244 : i32 to vector<16xi32>
      %parallel_loop3A_246 = arith.addi %iota3A, %parallel_loop3A_245 : vector<16xi32>
      %parallel_loop3A_247 = arith.constant 63 : i32
      %parallel_loop3A_248 = vector.broadcast %parallel_loop3A_247 : i32 to vector<16xi32>
      %parallel_loop3A_249 = arith.andi %parallel_loop3A_246, %parallel_loop3A_248 : vector<16xi32>
      %parallel_loop3A_250 = arith.addi %parallel_loop3A_12, %parallel_loop3A_249 : vector<16xi32>
      %parallel_loop3A_251 = arith.constant 34 : i32
      %parallel_loop3A_252 = vector.broadcast %parallel_loop3A_251 : i32 to vector<16xi32>
      %parallel_loop3A_253 = arith.addi %iota3A, %parallel_loop3A_252 : vector<16xi32>
      %parallel_loop3A_254 = arith.constant 63 : i32
      %parallel_loop3A_255 = vector.broadcast %parallel_loop3A_254 : i32 to vector<16xi32>
      %parallel_loop3A_256 = arith.andi %parallel_loop3A_253, %parallel_loop3A_255 : vector<16xi32>
      %parallel_loop3A_257 = arith.addi %parallel_loop3A_12, %parallel_loop3A_256 : vector<16xi32>
      %parallel_loop3A_258 = arith.constant 35 : i32
      %parallel_loop3A_259 = vector.broadcast %parallel_loop3A_258 : i32 to vector<16xi32>
      %parallel_loop3A_260 = arith.addi %iota3A, %parallel_loop3A_259 : vector<16xi32>
      %parallel_loop3A_261 = arith.constant 63 : i32
      %parallel_loop3A_262 = vector.broadcast %parallel_loop3A_261 : i32 to vector<16xi32>
      %parallel_loop3A_263 = arith.andi %parallel_loop3A_260, %parallel_loop3A_262 : vector<16xi32>
      %parallel_loop3A_264 = arith.addi %parallel_loop3A_12, %parallel_loop3A_263 : vector<16xi32>
      %parallel_loop3A_265 = arith.constant 36 : i32
      %parallel_loop3A_266 = vector.broadcast %parallel_loop3A_265 : i32 to vector<16xi32>
      %parallel_loop3A_267 = arith.addi %iota3A, %parallel_loop3A_266 : vector<16xi32>
      %parallel_loop3A_268 = arith.constant 63 : i32
      %parallel_loop3A_269 = vector.broadcast %parallel_loop3A_268 : i32 to vector<16xi32>
      %parallel_loop3A_270 = arith.andi %parallel_loop3A_267, %parallel_loop3A_269 : vector<16xi32>
      %parallel_loop3A_271 = arith.addi %parallel_loop3A_12, %parallel_loop3A_270 : vector<16xi32>
      %parallel_loop3A_272 = arith.constant 37 : i32
      %parallel_loop3A_273 = vector.broadcast %parallel_loop3A_272 : i32 to vector<16xi32>
      %parallel_loop3A_274 = arith.addi %iota3A, %parallel_loop3A_273 : vector<16xi32>
      %parallel_loop3A_275 = arith.constant 63 : i32
      %parallel_loop3A_276 = vector.broadcast %parallel_loop3A_275 : i32 to vector<16xi32>
      %parallel_loop3A_277 = arith.andi %parallel_loop3A_274, %parallel_loop3A_276 : vector<16xi32>
      %parallel_loop3A_278 = arith.addi %parallel_loop3A_12, %parallel_loop3A_277 : vector<16xi32>
      %parallel_loop3A_279 = arith.constant 38 : i32
      %parallel_loop3A_280 = vector.broadcast %parallel_loop3A_279 : i32 to vector<16xi32>
      %parallel_loop3A_281 = arith.addi %iota3A, %parallel_loop3A_280 : vector<16xi32>
      %parallel_loop3A_282 = arith.constant 63 : i32
      %parallel_loop3A_283 = vector.broadcast %parallel_loop3A_282 : i32 to vector<16xi32>
      %parallel_loop3A_284 = arith.andi %parallel_loop3A_281, %parallel_loop3A_283 : vector<16xi32>
      %parallel_loop3A_285 = arith.addi %parallel_loop3A_12, %parallel_loop3A_284 : vector<16xi32>
      %parallel_loop3A_286 = arith.constant 39 : i32
      %parallel_loop3A_287 = vector.broadcast %parallel_loop3A_286 : i32 to vector<16xi32>
      %parallel_loop3A_288 = arith.addi %iota3A, %parallel_loop3A_287 : vector<16xi32>
      %parallel_loop3A_289 = arith.constant 63 : i32
      %parallel_loop3A_290 = vector.broadcast %parallel_loop3A_289 : i32 to vector<16xi32>
      %parallel_loop3A_291 = arith.andi %parallel_loop3A_288, %parallel_loop3A_290 : vector<16xi32>
      %parallel_loop3A_292 = arith.addi %parallel_loop3A_12, %parallel_loop3A_291 : vector<16xi32>
      %parallel_loop3A_293 = arith.constant 40 : i32
      %parallel_loop3A_294 = vector.broadcast %parallel_loop3A_293 : i32 to vector<16xi32>
      %parallel_loop3A_295 = arith.addi %iota3A, %parallel_loop3A_294 : vector<16xi32>
      %parallel_loop3A_296 = arith.constant 63 : i32
      %parallel_loop3A_297 = vector.broadcast %parallel_loop3A_296 : i32 to vector<16xi32>
      %parallel_loop3A_298 = arith.andi %parallel_loop3A_295, %parallel_loop3A_297 : vector<16xi32>
      %parallel_loop3A_299 = arith.addi %parallel_loop3A_12, %parallel_loop3A_298 : vector<16xi32>
      %parallel_loop3A_300 = arith.constant 41 : i32
      %parallel_loop3A_301 = vector.broadcast %parallel_loop3A_300 : i32 to vector<16xi32>
      %parallel_loop3A_302 = arith.addi %iota3A, %parallel_loop3A_301 : vector<16xi32>
      %parallel_loop3A_303 = arith.constant 63 : i32
      %parallel_loop3A_304 = vector.broadcast %parallel_loop3A_303 : i32 to vector<16xi32>
      %parallel_loop3A_305 = arith.andi %parallel_loop3A_302, %parallel_loop3A_304 : vector<16xi32>
      %parallel_loop3A_306 = arith.addi %parallel_loop3A_12, %parallel_loop3A_305 : vector<16xi32>
      %parallel_loop3A_307 = arith.constant 42 : i32
      %parallel_loop3A_308 = vector.broadcast %parallel_loop3A_307 : i32 to vector<16xi32>
      %parallel_loop3A_309 = arith.addi %iota3A, %parallel_loop3A_308 : vector<16xi32>
      %parallel_loop3A_310 = arith.constant 63 : i32
      %parallel_loop3A_311 = vector.broadcast %parallel_loop3A_310 : i32 to vector<16xi32>
      %parallel_loop3A_312 = arith.andi %parallel_loop3A_309, %parallel_loop3A_311 : vector<16xi32>
      %parallel_loop3A_313 = arith.addi %parallel_loop3A_12, %parallel_loop3A_312 : vector<16xi32>
      %parallel_loop3A_314 = arith.constant 43 : i32
      %parallel_loop3A_315 = vector.broadcast %parallel_loop3A_314 : i32 to vector<16xi32>
      %parallel_loop3A_316 = arith.addi %iota3A, %parallel_loop3A_315 : vector<16xi32>
      %parallel_loop3A_317 = arith.constant 63 : i32
      %parallel_loop3A_318 = vector.broadcast %parallel_loop3A_317 : i32 to vector<16xi32>
      %parallel_loop3A_319 = arith.andi %parallel_loop3A_316, %parallel_loop3A_318 : vector<16xi32>
      %parallel_loop3A_320 = arith.addi %parallel_loop3A_12, %parallel_loop3A_319 : vector<16xi32>
      %parallel_loop3A_321 = arith.constant 44 : i32
      %parallel_loop3A_322 = vector.broadcast %parallel_loop3A_321 : i32 to vector<16xi32>
      %parallel_loop3A_323 = arith.addi %iota3A, %parallel_loop3A_322 : vector<16xi32>
      %parallel_loop3A_324 = arith.constant 63 : i32
      %parallel_loop3A_325 = vector.broadcast %parallel_loop3A_324 : i32 to vector<16xi32>
      %parallel_loop3A_326 = arith.andi %parallel_loop3A_323, %parallel_loop3A_325 : vector<16xi32>
      %parallel_loop3A_327 = arith.addi %parallel_loop3A_12, %parallel_loop3A_326 : vector<16xi32>
      %parallel_loop3A_328 = arith.constant 45 : i32
      %parallel_loop3A_329 = vector.broadcast %parallel_loop3A_328 : i32 to vector<16xi32>
      %parallel_loop3A_330 = arith.addi %iota3A, %parallel_loop3A_329 : vector<16xi32>
      %parallel_loop3A_331 = arith.constant 63 : i32
      %parallel_loop3A_332 = vector.broadcast %parallel_loop3A_331 : i32 to vector<16xi32>
      %parallel_loop3A_333 = arith.andi %parallel_loop3A_330, %parallel_loop3A_332 : vector<16xi32>
      %parallel_loop3A_334 = arith.addi %parallel_loop3A_12, %parallel_loop3A_333 : vector<16xi32>
      %parallel_loop3A_335 = arith.constant 46 : i32
      %parallel_loop3A_336 = vector.broadcast %parallel_loop3A_335 : i32 to vector<16xi32>
      %parallel_loop3A_337 = arith.addi %iota3A, %parallel_loop3A_336 : vector<16xi32>
      %parallel_loop3A_338 = arith.constant 63 : i32
      %parallel_loop3A_339 = vector.broadcast %parallel_loop3A_338 : i32 to vector<16xi32>
      %parallel_loop3A_340 = arith.andi %parallel_loop3A_337, %parallel_loop3A_339 : vector<16xi32>
      %parallel_loop3A_341 = arith.addi %parallel_loop3A_12, %parallel_loop3A_340 : vector<16xi32>
      %parallel_loop3A_342 = arith.constant 47 : i32
      %parallel_loop3A_343 = vector.broadcast %parallel_loop3A_342 : i32 to vector<16xi32>
      %parallel_loop3A_344 = arith.addi %iota3A, %parallel_loop3A_343 : vector<16xi32>
      %parallel_loop3A_345 = arith.constant 63 : i32
      %parallel_loop3A_346 = vector.broadcast %parallel_loop3A_345 : i32 to vector<16xi32>
      %parallel_loop3A_347 = arith.andi %parallel_loop3A_344, %parallel_loop3A_346 : vector<16xi32>
      %parallel_loop3A_348 = arith.addi %parallel_loop3A_12, %parallel_loop3A_347 : vector<16xi32>
      %parallel_loop3A_349 = arith.constant 48 : i32
      %parallel_loop3A_350 = vector.broadcast %parallel_loop3A_349 : i32 to vector<16xi32>
      %parallel_loop3A_351 = arith.addi %iota3A, %parallel_loop3A_350 : vector<16xi32>
      %parallel_loop3A_352 = arith.constant 63 : i32
      %parallel_loop3A_353 = vector.broadcast %parallel_loop3A_352 : i32 to vector<16xi32>
      %parallel_loop3A_354 = arith.andi %parallel_loop3A_351, %parallel_loop3A_353 : vector<16xi32>
      %parallel_loop3A_355 = arith.addi %parallel_loop3A_12, %parallel_loop3A_354 : vector<16xi32>
      %parallel_loop3A_356 = arith.constant 49 : i32
      %parallel_loop3A_357 = vector.broadcast %parallel_loop3A_356 : i32 to vector<16xi32>
      %parallel_loop3A_358 = arith.addi %iota3A, %parallel_loop3A_357 : vector<16xi32>
      %parallel_loop3A_359 = arith.constant 63 : i32
      %parallel_loop3A_360 = vector.broadcast %parallel_loop3A_359 : i32 to vector<16xi32>
      %parallel_loop3A_361 = arith.andi %parallel_loop3A_358, %parallel_loop3A_360 : vector<16xi32>
      %parallel_loop3A_362 = arith.addi %parallel_loop3A_12, %parallel_loop3A_361 : vector<16xi32>
      %parallel_loop3A_363 = arith.constant 50 : i32
      %parallel_loop3A_364 = vector.broadcast %parallel_loop3A_363 : i32 to vector<16xi32>
      %parallel_loop3A_365 = arith.addi %iota3A, %parallel_loop3A_364 : vector<16xi32>
      %parallel_loop3A_366 = arith.constant 63 : i32
      %parallel_loop3A_367 = vector.broadcast %parallel_loop3A_366 : i32 to vector<16xi32>
      %parallel_loop3A_368 = arith.andi %parallel_loop3A_365, %parallel_loop3A_367 : vector<16xi32>
      %parallel_loop3A_369 = arith.addi %parallel_loop3A_12, %parallel_loop3A_368 : vector<16xi32>
      %parallel_loop3A_370 = arith.constant 51 : i32
      %parallel_loop3A_371 = vector.broadcast %parallel_loop3A_370 : i32 to vector<16xi32>
      %parallel_loop3A_372 = arith.addi %iota3A, %parallel_loop3A_371 : vector<16xi32>
      %parallel_loop3A_373 = arith.constant 63 : i32
      %parallel_loop3A_374 = vector.broadcast %parallel_loop3A_373 : i32 to vector<16xi32>
      %parallel_loop3A_375 = arith.andi %parallel_loop3A_372, %parallel_loop3A_374 : vector<16xi32>
      %parallel_loop3A_376 = arith.addi %parallel_loop3A_12, %parallel_loop3A_375 : vector<16xi32>
      %parallel_loop3A_377 = arith.constant 52 : i32
      %parallel_loop3A_378 = vector.broadcast %parallel_loop3A_377 : i32 to vector<16xi32>
      %parallel_loop3A_379 = arith.addi %iota3A, %parallel_loop3A_378 : vector<16xi32>
      %parallel_loop3A_380 = arith.constant 63 : i32
      %parallel_loop3A_381 = vector.broadcast %parallel_loop3A_380 : i32 to vector<16xi32>
      %parallel_loop3A_382 = arith.andi %parallel_loop3A_379, %parallel_loop3A_381 : vector<16xi32>
      %parallel_loop3A_383 = arith.addi %parallel_loop3A_12, %parallel_loop3A_382 : vector<16xi32>
      %parallel_loop3A_384 = arith.constant 53 : i32
      %parallel_loop3A_385 = vector.broadcast %parallel_loop3A_384 : i32 to vector<16xi32>
      %parallel_loop3A_386 = arith.addi %iota3A, %parallel_loop3A_385 : vector<16xi32>
      %parallel_loop3A_387 = arith.constant 63 : i32
      %parallel_loop3A_388 = vector.broadcast %parallel_loop3A_387 : i32 to vector<16xi32>
      %parallel_loop3A_389 = arith.andi %parallel_loop3A_386, %parallel_loop3A_388 : vector<16xi32>
      %parallel_loop3A_390 = arith.addi %parallel_loop3A_12, %parallel_loop3A_389 : vector<16xi32>
      %parallel_loop3A_391 = arith.constant 54 : i32
      %parallel_loop3A_392 = vector.broadcast %parallel_loop3A_391 : i32 to vector<16xi32>
      %parallel_loop3A_393 = arith.addi %iota3A, %parallel_loop3A_392 : vector<16xi32>
      %parallel_loop3A_394 = arith.constant 63 : i32
      %parallel_loop3A_395 = vector.broadcast %parallel_loop3A_394 : i32 to vector<16xi32>
      %parallel_loop3A_396 = arith.andi %parallel_loop3A_393, %parallel_loop3A_395 : vector<16xi32>
      %parallel_loop3A_397 = arith.addi %parallel_loop3A_12, %parallel_loop3A_396 : vector<16xi32>
      %parallel_loop3A_398 = arith.constant 55 : i32
      %parallel_loop3A_399 = vector.broadcast %parallel_loop3A_398 : i32 to vector<16xi32>
      %parallel_loop3A_400 = arith.addi %iota3A, %parallel_loop3A_399 : vector<16xi32>
      %parallel_loop3A_401 = arith.constant 63 : i32
      %parallel_loop3A_402 = vector.broadcast %parallel_loop3A_401 : i32 to vector<16xi32>
      %parallel_loop3A_403 = arith.andi %parallel_loop3A_400, %parallel_loop3A_402 : vector<16xi32>
      %parallel_loop3A_404 = arith.addi %parallel_loop3A_12, %parallel_loop3A_403 : vector<16xi32>
      %parallel_loop3A_405 = arith.constant 56 : i32
      %parallel_loop3A_406 = vector.broadcast %parallel_loop3A_405 : i32 to vector<16xi32>
      %parallel_loop3A_407 = arith.addi %iota3A, %parallel_loop3A_406 : vector<16xi32>
      %parallel_loop3A_408 = arith.constant 63 : i32
      %parallel_loop3A_409 = vector.broadcast %parallel_loop3A_408 : i32 to vector<16xi32>
      %parallel_loop3A_410 = arith.andi %parallel_loop3A_407, %parallel_loop3A_409 : vector<16xi32>
      %parallel_loop3A_411 = arith.addi %parallel_loop3A_12, %parallel_loop3A_410 : vector<16xi32>
      %parallel_loop3A_412 = arith.constant 57 : i32
      %parallel_loop3A_413 = vector.broadcast %parallel_loop3A_412 : i32 to vector<16xi32>
      %parallel_loop3A_414 = arith.addi %iota3A, %parallel_loop3A_413 : vector<16xi32>
      %parallel_loop3A_415 = arith.constant 63 : i32
      %parallel_loop3A_416 = vector.broadcast %parallel_loop3A_415 : i32 to vector<16xi32>
      %parallel_loop3A_417 = arith.andi %parallel_loop3A_414, %parallel_loop3A_416 : vector<16xi32>
      %parallel_loop3A_418 = arith.addi %parallel_loop3A_12, %parallel_loop3A_417 : vector<16xi32>
      %parallel_loop3A_419 = arith.constant 58 : i32
      %parallel_loop3A_420 = vector.broadcast %parallel_loop3A_419 : i32 to vector<16xi32>
      %parallel_loop3A_421 = arith.addi %iota3A, %parallel_loop3A_420 : vector<16xi32>
      %parallel_loop3A_422 = arith.constant 63 : i32
      %parallel_loop3A_423 = vector.broadcast %parallel_loop3A_422 : i32 to vector<16xi32>
      %parallel_loop3A_424 = arith.andi %parallel_loop3A_421, %parallel_loop3A_423 : vector<16xi32>
      %parallel_loop3A_425 = arith.addi %parallel_loop3A_12, %parallel_loop3A_424 : vector<16xi32>
      %parallel_loop3A_426 = arith.constant 59 : i32
      %parallel_loop3A_427 = vector.broadcast %parallel_loop3A_426 : i32 to vector<16xi32>
      %parallel_loop3A_428 = arith.addi %iota3A, %parallel_loop3A_427 : vector<16xi32>
      %parallel_loop3A_429 = arith.constant 63 : i32
      %parallel_loop3A_430 = vector.broadcast %parallel_loop3A_429 : i32 to vector<16xi32>
      %parallel_loop3A_431 = arith.andi %parallel_loop3A_428, %parallel_loop3A_430 : vector<16xi32>
      %parallel_loop3A_432 = arith.addi %parallel_loop3A_12, %parallel_loop3A_431 : vector<16xi32>
      %parallel_loop3A_433 = arith.constant 60 : i32
      %parallel_loop3A_434 = vector.broadcast %parallel_loop3A_433 : i32 to vector<16xi32>
      %parallel_loop3A_435 = arith.addi %iota3A, %parallel_loop3A_434 : vector<16xi32>
      %parallel_loop3A_436 = arith.constant 63 : i32
      %parallel_loop3A_437 = vector.broadcast %parallel_loop3A_436 : i32 to vector<16xi32>
      %parallel_loop3A_438 = arith.andi %parallel_loop3A_435, %parallel_loop3A_437 : vector<16xi32>
      %parallel_loop3A_439 = arith.addi %parallel_loop3A_12, %parallel_loop3A_438 : vector<16xi32>
      %parallel_loop3A_440 = arith.constant 61 : i32
      %parallel_loop3A_441 = vector.broadcast %parallel_loop3A_440 : i32 to vector<16xi32>
      %parallel_loop3A_442 = arith.addi %iota3A, %parallel_loop3A_441 : vector<16xi32>
      %parallel_loop3A_443 = arith.constant 63 : i32
      %parallel_loop3A_444 = vector.broadcast %parallel_loop3A_443 : i32 to vector<16xi32>
      %parallel_loop3A_445 = arith.andi %parallel_loop3A_442, %parallel_loop3A_444 : vector<16xi32>
      %parallel_loop3A_446 = arith.addi %parallel_loop3A_12, %parallel_loop3A_445 : vector<16xi32>
      %parallel_loop3A_447 = arith.constant 62 : i32
      %parallel_loop3A_448 = vector.broadcast %parallel_loop3A_447 : i32 to vector<16xi32>
      %parallel_loop3A_449 = arith.addi %iota3A, %parallel_loop3A_448 : vector<16xi32>
      %parallel_loop3A_450 = arith.constant 63 : i32
      %parallel_loop3A_451 = vector.broadcast %parallel_loop3A_450 : i32 to vector<16xi32>
      %parallel_loop3A_452 = arith.andi %parallel_loop3A_449, %parallel_loop3A_451 : vector<16xi32>
      %parallel_loop3A_453 = arith.addi %parallel_loop3A_12, %parallel_loop3A_452 : vector<16xi32>
      %parallel_loop3A_454 = arith.constant 63 : i32
      %parallel_loop3A_455 = vector.broadcast %parallel_loop3A_454 : i32 to vector<16xi32>
      %parallel_loop3A_456 = arith.addi %iota3A, %parallel_loop3A_455 : vector<16xi32>
      %parallel_loop3A_457 = arith.constant 63 : i32
      %parallel_loop3A_458 = vector.broadcast %parallel_loop3A_457 : i32 to vector<16xi32>
      %parallel_loop3A_459 = arith.andi %parallel_loop3A_456, %parallel_loop3A_458 : vector<16xi32>
      %parallel_loop3A_460 = arith.addi %parallel_loop3A_12, %parallel_loop3A_459 : vector<16xi32>
      %parallel_loop3A_461 = tpu.vector_load_idx %arg4[%parallel_loop3A_19] : memref<8192xf32, #tpu.memory_space<vmem>>[vector<16xi32>], vector<16xf32>,
      %parallel_loop3A_462 = tpu.vector_load_idx %arg4[%parallel_loop3A_26] : memref<8192xf32, #tpu.memory_space<vmem>>[vector<16xi32>], vector<16xf32>,
      %parallel_loop3A_463 = tpu.vector_load_idx %arg4[%parallel_loop3A_33] : memref<8192xf32, #tpu.memory_space<vmem>>[vector<16xi32>], vector<16xf32>,
      %parallel_loop3A_464 = tpu.vector_load_idx %arg4[%parallel_loop3A_40] : memref<8192xf32, #tpu.memory_space<vmem>>[vector<16xi32>], vector<16xf32>,
      %parallel_loop3A_465 = tpu.vector_load_idx %arg4[%parallel_loop3A_47] : memref<8192xf32, #tpu.memory_space<vmem>>[vector<16xi32>], vector<16xf32>,
      %parallel_loop3A_466 = tpu.vector_load_idx %arg4[%parallel_loop3A_54] : memref<8192xf32, #tpu.memory_space<vmem>>[vector<16xi32>], vector<16xf32>,
      %parallel_loop3A_467 = tpu.vector_load_idx %arg4[%parallel_loop3A_61] : memref<8192xf32, #tpu.memory_space<vmem>>[vector<16xi32>], vector<16xf32>,
      %parallel_loop3A_468 = tpu.vector_load_idx %arg4[%parallel_loop3A_68] : memref<8192xf32, #tpu.memory_space<vmem>>[vector<16xi32>], vector<16xf32>,
      %parallel_loop3A_469 = tpu.vector_load_idx %arg4[%parallel_loop3A_75] : memref<8192xf32, #tpu.memory_space<vmem>>[vector<16xi32>], vector<16xf32>,
      %parallel_loop3A_470 = tpu.vector_load_idx %arg4[%parallel_loop3A_82] : memref<8192xf32, #tpu.memory_space<vmem>>[vector<16xi32>], vector<16xf32>,
      %parallel_loop3A_471 = tpu.vector_load_idx %arg4[%parallel_loop3A_89] : memref<8192xf32, #tpu.memory_space<vmem>>[vector<16xi32>], vector<16xf32>,
      %parallel_loop3A_472 = tpu.vector_load_idx %arg4[%parallel_loop3A_96] : memref<8192xf32, #tpu.memory_space<vmem>>[vector<16xi32>], vector<16xf32>,
      %parallel_loop3A_473 = tpu.vector_load_idx %arg4[%parallel_loop3A_103] : memref<8192xf32, #tpu.memory_space<vmem>>[vector<16xi32>], vector<16xf32>,
      %parallel_loop3A_474 = tpu.vector_load_idx %arg4[%parallel_loop3A_110] : memref<8192xf32, #tpu.memory_space<vmem>>[vector<16xi32>], vector<16xf32>,
      %parallel_loop3A_475 = tpu.vector_load_idx %arg4[%parallel_loop3A_117] : memref<8192xf32, #tpu.memory_space<vmem>>[vector<16xi32>], vector<16xf32>,
      %parallel_loop3A_476 = tpu.vector_load_idx %arg4[%parallel_loop3A_124] : memref<8192xf32, #tpu.memory_space<vmem>>[vector<16xi32>], vector<16xf32>,
      %parallel_loop3A_477 = tpu.vector_load_idx %arg4[%parallel_loop3A_131] : memref<8192xf32, #tpu.memory_space<vmem>>[vector<16xi32>], vector<16xf32>,
      %parallel_loop3A_478 = tpu.vector_load_idx %arg4[%parallel_loop3A_138] : memref<8192xf32, #tpu.memory_space<vmem>>[vector<16xi32>], vector<16xf32>,
      %parallel_loop3A_479 = tpu.vector_load_idx %arg4[%parallel_loop3A_145] : memref<8192xf32, #tpu.memory_space<vmem>>[vector<16xi32>], vector<16xf32>,
      %parallel_loop3A_480 = tpu.vector_load_idx %arg4[%parallel_loop3A_152] : memref<8192xf32, #tpu.memory_space<vmem>>[vector<16xi32>], vector<16xf32>,
      %parallel_loop3A_481 = tpu.vector_load_idx %arg4[%parallel_loop3A_159] : memref<8192xf32, #tpu.memory_space<vmem>>[vector<16xi32>], vector<16xf32>,
      %parallel_loop3A_482 = tpu.vector_load_idx %arg4[%parallel_loop3A_166] : memref<8192xf32, #tpu.memory_space<vmem>>[vector<16xi32>], vector<16xf32>,
      %parallel_loop3A_483 = tpu.vector_load_idx %arg4[%parallel_loop3A_173] : memref<8192xf32, #tpu.memory_space<vmem>>[vector<16xi32>], vector<16xf32>,
      %parallel_loop3A_484 = tpu.vector_load_idx %arg4[%parallel_loop3A_180] : memref<8192xf32, #tpu.memory_space<vmem>>[vector<16xi32>], vector<16xf32>,
      %parallel_loop3A_485 = tpu.vector_load_idx %arg4[%parallel_loop3A_187] : memref<8192xf32, #tpu.memory_space<vmem>>[vector<16xi32>], vector<16xf32>,
      %parallel_loop3A_486 = tpu.vector_load_idx %arg4[%parallel_loop3A_194] : memref<8192xf32, #tpu.memory_space<vmem>>[vector<16xi32>], vector<16xf32>,
      %parallel_loop3A_487 = tpu.vector_load_idx %arg4[%parallel_loop3A_201] : memref<8192xf32, #tpu.memory_space<vmem>>[vector<16xi32>], vector<16xf32>,
      %parallel_loop3A_488 = tpu.vector_load_idx %arg4[%parallel_loop3A_208] : memref<8192xf32, #tpu.memory_space<vmem>>[vector<16xi32>], vector<16xf32>,
      %parallel_loop3A_489 = tpu.vector_load_idx %arg4[%parallel_loop3A_215] : memref<8192xf32, #tpu.memory_space<vmem>>[vector<16xi32>], vector<16xf32>,
      %parallel_loop3A_490 = tpu.vector_load_idx %arg4[%parallel_loop3A_222] : memref<8192xf32, #tpu.memory_space<vmem>>[vector<16xi32>], vector<16xf32>,
      %parallel_loop3A_491 = tpu.vector_load_idx %arg4[%parallel_loop3A_229] : memref<8192xf32, #tpu.memory_space<vmem>>[vector<16xi32>], vector<16xf32>,
      %parallel_loop3A_492 = tpu.vector_load_idx %arg4[%parallel_loop3A_236] : memref<8192xf32, #tpu.memory_space<vmem>>[vector<16xi32>], vector<16xf32>,
      %parallel_loop3A_493 = tpu.vector_load_idx %arg4[%parallel_loop3A_243] : memref<8192xf32, #tpu.memory_space<vmem>>[vector<16xi32>], vector<16xf32>,
      %parallel_loop3A_494 = tpu.vector_load_idx %arg4[%parallel_loop3A_250] : memref<8192xf32, #tpu.memory_space<vmem>>[vector<16xi32>], vector<16xf32>,
      %parallel_loop3A_495 = tpu.vector_load_idx %arg4[%parallel_loop3A_257] : memref<8192xf32, #tpu.memory_space<vmem>>[vector<16xi32>], vector<16xf32>,
      %parallel_loop3A_496 = tpu.vector_load_idx %arg4[%parallel_loop3A_264] : memref<8192xf32, #tpu.memory_space<vmem>>[vector<16xi32>], vector<16xf32>,
      %parallel_loop3A_497 = tpu.vector_load_idx %arg4[%parallel_loop3A_271] : memref<8192xf32, #tpu.memory_space<vmem>>[vector<16xi32>], vector<16xf32>,
      %parallel_loop3A_498 = tpu.vector_load_idx %arg4[%parallel_loop3A_278] : memref<8192xf32, #tpu.memory_space<vmem>>[vector<16xi32>], vector<16xf32>,
      %parallel_loop3A_499 = tpu.vector_load_idx %arg4[%parallel_loop3A_285] : memref<8192xf32, #tpu.memory_space<vmem>>[vector<16xi32>], vector<16xf32>,
      %parallel_loop3A_500 = tpu.vector_load_idx %arg4[%parallel_loop3A_292] : memref<8192xf32, #tpu.memory_space<vmem>>[vector<16xi32>], vector<16xf32>,
      %parallel_loop3A_501 = tpu.vector_load_idx %arg4[%parallel_loop3A_299] : memref<8192xf32, #tpu.memory_space<vmem>>[vector<16xi32>], vector<16xf32>,
      %parallel_loop3A_502 = tpu.vector_load_idx %arg4[%parallel_loop3A_306] : memref<8192xf32, #tpu.memory_space<vmem>>[vector<16xi32>], vector<16xf32>,
      %parallel_loop3A_503 = tpu.vector_load_idx %arg4[%parallel_loop3A_313] : memref<8192xf32, #tpu.memory_space<vmem>>[vector<16xi32>], vector<16xf32>,
      %parallel_loop3A_504 = tpu.vector_load_idx %arg4[%parallel_loop3A_320] : memref<8192xf32, #tpu.memory_space<vmem>>[vector<16xi32>], vector<16xf32>,
      %parallel_loop3A_505 = tpu.vector_load_idx %arg4[%parallel_loop3A_327] : memref<8192xf32, #tpu.memory_space<vmem>>[vector<16xi32>], vector<16xf32>,
      %parallel_loop3A_506 = tpu.vector_load_idx %arg4[%parallel_loop3A_334] : memref<8192xf32, #tpu.memory_space<vmem>>[vector<16xi32>], vector<16xf32>,
      %parallel_loop3A_507 = tpu.vector_load_idx %arg4[%parallel_loop3A_341] : memref<8192xf32, #tpu.memory_space<vmem>>[vector<16xi32>], vector<16xf32>,
      %parallel_loop3A_508 = tpu.vector_load_idx %arg4[%parallel_loop3A_348] : memref<8192xf32, #tpu.memory_space<vmem>>[vector<16xi32>], vector<16xf32>,
      %parallel_loop3A_509 = tpu.vector_load_idx %arg4[%parallel_loop3A_355] : memref<8192xf32, #tpu.memory_space<vmem>>[vector<16xi32>], vector<16xf32>,
      %parallel_loop3A_510 = tpu.vector_load_idx %arg4[%parallel_loop3A_362] : memref<8192xf32, #tpu.memory_space<vmem>>[vector<16xi32>], vector<16xf32>,
      %parallel_loop3A_511 = tpu.vector_load_idx %arg4[%parallel_loop3A_369] : memref<8192xf32, #tpu.memory_space<vmem>>[vector<16xi32>], vector<16xf32>,
      %parallel_loop3A_512 = tpu.vector_load_idx %arg4[%parallel_loop3A_376] : memref<8192xf32, #tpu.memory_space<vmem>>[vector<16xi32>], vector<16xf32>,
      %parallel_loop3A_513 = tpu.vector_load_idx %arg4[%parallel_loop3A_383] : memref<8192xf32, #tpu.memory_space<vmem>>[vector<16xi32>], vector<16xf32>,
      %parallel_loop3A_514 = tpu.vector_load_idx %arg4[%parallel_loop3A_390] : memref<8192xf32, #tpu.memory_space<vmem>>[vector<16xi32>], vector<16xf32>,
      %parallel_loop3A_515 = tpu.vector_load_idx %arg4[%parallel_loop3A_397] : memref<8192xf32, #tpu.memory_space<vmem>>[vector<16xi32>], vector<16xf32>,
      %parallel_loop3A_516 = tpu.vector_load_idx %arg4[%parallel_loop3A_404] : memref<8192xf32, #tpu.memory_space<vmem>>[vector<16xi32>], vector<16xf32>,
      %parallel_loop3A_517 = tpu.vector_load_idx %arg4[%parallel_loop3A_411] : memref<8192xf32, #tpu.memory_space<vmem>>[vector<16xi32>], vector<16xf32>,
      %parallel_loop3A_518 = tpu.vector_load_idx %arg4[%parallel_loop3A_418] : memref<8192xf32, #tpu.memory_space<vmem>>[vector<16xi32>], vector<16xf32>,
      %parallel_loop3A_519 = tpu.vector_load_idx %arg4[%parallel_loop3A_425] : memref<8192xf32, #tpu.memory_space<vmem>>[vector<16xi32>], vector<16xf32>,
      %parallel_loop3A_520 = tpu.vector_load_idx %arg4[%parallel_loop3A_432] : memref<8192xf32, #tpu.memory_space<vmem>>[vector<16xi32>], vector<16xf32>,
      %parallel_loop3A_521 = tpu.vector_load_idx %arg4[%parallel_loop3A_439] : memref<8192xf32, #tpu.memory_space<vmem>>[vector<16xi32>], vector<16xf32>,
      %parallel_loop3A_522 = tpu.vector_load_idx %arg4[%parallel_loop3A_446] : memref<8192xf32, #tpu.memory_space<vmem>>[vector<16xi32>], vector<16xf32>,
      %parallel_loop3A_523 = tpu.vector_load_idx %arg4[%parallel_loop3A_453] : memref<8192xf32, #tpu.memory_space<vmem>>[vector<16xi32>], vector<16xf32>,
      %parallel_loop3A_524 = tpu.vector_load_idx %arg4[%parallel_loop3A_460] : memref<8192xf32, #tpu.memory_space<vmem>>[vector<16xi32>], vector<16xf32>,
      %parallel_loop3A_525 = arith.maximumf %parallel_loop3A_461, %parallel_loop3A_462 : vector<16xf32>
      %parallel_loop3A_526 = arith.minimumf %parallel_loop3A_461, %parallel_loop3A_462 : vector<16xf32>
      %parallel_loop3A_527 = arith.maximumf %parallel_loop3A_463, %parallel_loop3A_464 : vector<16xf32>
      %parallel_loop3A_528 = arith.minimumf %parallel_loop3A_463, %parallel_loop3A_464 : vector<16xf32>
      %parallel_loop3A_529 = arith.maximumf %parallel_loop3A_465, %parallel_loop3A_466 : vector<16xf32>
      %parallel_loop3A_530 = arith.minimumf %parallel_loop3A_465, %parallel_loop3A_466 : vector<16xf32>
      %parallel_loop3A_531 = arith.maximumf %parallel_loop3A_467, %parallel_loop3A_468 : vector<16xf32>
      %parallel_loop3A_532 = arith.minimumf %parallel_loop3A_467, %parallel_loop3A_468 : vector<16xf32>
      %parallel_loop3A_533 = arith.maximumf %parallel_loop3A_525, %parallel_loop3A_527 : vector<16xf32>
      %parallel_loop3A_534 = arith.minimumf %parallel_loop3A_525, %parallel_loop3A_527 : vector<16xf32>
      %parallel_loop3A_535 = arith.maximumf %parallel_loop3A_526, %parallel_loop3A_528 : vector<16xf32>
      %parallel_loop3A_536 = arith.minimumf %parallel_loop3A_526, %parallel_loop3A_528 : vector<16xf32>
      %parallel_loop3A_537 = arith.maximumf %parallel_loop3A_529, %parallel_loop3A_531 : vector<16xf32>
      %parallel_loop3A_538 = arith.minimumf %parallel_loop3A_529, %parallel_loop3A_531 : vector<16xf32>
      %parallel_loop3A_539 = arith.maximumf %parallel_loop3A_530, %parallel_loop3A_532 : vector<16xf32>
      %parallel_loop3A_540 = arith.minimumf %parallel_loop3A_530, %parallel_loop3A_532 : vector<16xf32>
      %parallel_loop3A_541 = arith.maximumf %parallel_loop3A_535, %parallel_loop3A_534 : vector<16xf32>
      %parallel_loop3A_542 = arith.minimumf %parallel_loop3A_535, %parallel_loop3A_534 : vector<16xf32>
      %parallel_loop3A_543 = arith.maximumf %parallel_loop3A_539, %parallel_loop3A_538 : vector<16xf32>
      %parallel_loop3A_544 = arith.minimumf %parallel_loop3A_539, %parallel_loop3A_538 : vector<16xf32>
      %parallel_loop3A_545 = arith.maximumf %parallel_loop3A_533, %parallel_loop3A_537 : vector<16xf32>
      %parallel_loop3A_546 = arith.minimumf %parallel_loop3A_533, %parallel_loop3A_537 : vector<16xf32>
      %parallel_loop3A_547 = arith.maximumf %parallel_loop3A_541, %parallel_loop3A_543 : vector<16xf32>
      %parallel_loop3A_548 = arith.minimumf %parallel_loop3A_541, %parallel_loop3A_543 : vector<16xf32>
      %parallel_loop3A_549 = arith.maximumf %parallel_loop3A_542, %parallel_loop3A_544 : vector<16xf32>
      %parallel_loop3A_550 = arith.minimumf %parallel_loop3A_542, %parallel_loop3A_544 : vector<16xf32>
      %parallel_loop3A_551 = arith.maximumf %parallel_loop3A_536, %parallel_loop3A_540 : vector<16xf32>
      %parallel_loop3A_552 = arith.minimumf %parallel_loop3A_536, %parallel_loop3A_540 : vector<16xf32>
      %parallel_loop3A_553 = arith.maximumf %parallel_loop3A_547, %parallel_loop3A_546 : vector<16xf32>
      %parallel_loop3A_554 = arith.minimumf %parallel_loop3A_547, %parallel_loop3A_546 : vector<16xf32>
      %parallel_loop3A_555 = arith.maximumf %parallel_loop3A_551, %parallel_loop3A_550 : vector<16xf32>
      %parallel_loop3A_556 = arith.minimumf %parallel_loop3A_551, %parallel_loop3A_550 : vector<16xf32>
      %parallel_loop3A_557 = arith.maximumf %parallel_loop3A_549, %parallel_loop3A_554 : vector<16xf32>
      %parallel_loop3A_558 = arith.minimumf %parallel_loop3A_549, %parallel_loop3A_554 : vector<16xf32>
      %parallel_loop3A_559 = arith.maximumf %parallel_loop3A_555, %parallel_loop3A_548 : vector<16xf32>
      %parallel_loop3A_560 = arith.minimumf %parallel_loop3A_555, %parallel_loop3A_548 : vector<16xf32>
      %parallel_loop3A_561 = arith.maximumf %parallel_loop3A_559, %parallel_loop3A_558 : vector<16xf32>
      %parallel_loop3A_562 = arith.minimumf %parallel_loop3A_559, %parallel_loop3A_558 : vector<16xf32>
      %parallel_loop3A_563 = arith.maximumf %parallel_loop3A_469, %parallel_loop3A_470 : vector<16xf32>
      %parallel_loop3A_564 = arith.minimumf %parallel_loop3A_469, %parallel_loop3A_470 : vector<16xf32>
      %parallel_loop3A_565 = arith.maximumf %parallel_loop3A_471, %parallel_loop3A_472 : vector<16xf32>
      %parallel_loop3A_566 = arith.minimumf %parallel_loop3A_471, %parallel_loop3A_472 : vector<16xf32>
      %parallel_loop3A_567 = arith.maximumf %parallel_loop3A_473, %parallel_loop3A_474 : vector<16xf32>
      %parallel_loop3A_568 = arith.minimumf %parallel_loop3A_473, %parallel_loop3A_474 : vector<16xf32>
      %parallel_loop3A_569 = arith.maximumf %parallel_loop3A_475, %parallel_loop3A_476 : vector<16xf32>
      %parallel_loop3A_570 = arith.minimumf %parallel_loop3A_475, %parallel_loop3A_476 : vector<16xf32>
      %parallel_loop3A_571 = arith.maximumf %parallel_loop3A_563, %parallel_loop3A_565 : vector<16xf32>
      %parallel_loop3A_572 = arith.minimumf %parallel_loop3A_563, %parallel_loop3A_565 : vector<16xf32>
      %parallel_loop3A_573 = arith.maximumf %parallel_loop3A_564, %parallel_loop3A_566 : vector<16xf32>
      %parallel_loop3A_574 = arith.minimumf %parallel_loop3A_564, %parallel_loop3A_566 : vector<16xf32>
      %parallel_loop3A_575 = arith.maximumf %parallel_loop3A_567, %parallel_loop3A_569 : vector<16xf32>
      %parallel_loop3A_576 = arith.minimumf %parallel_loop3A_567, %parallel_loop3A_569 : vector<16xf32>
      %parallel_loop3A_577 = arith.maximumf %parallel_loop3A_568, %parallel_loop3A_570 : vector<16xf32>
      %parallel_loop3A_578 = arith.minimumf %parallel_loop3A_568, %parallel_loop3A_570 : vector<16xf32>
      %parallel_loop3A_579 = arith.maximumf %parallel_loop3A_573, %parallel_loop3A_572 : vector<16xf32>
      %parallel_loop3A_580 = arith.minimumf %parallel_loop3A_573, %parallel_loop3A_572 : vector<16xf32>
      %parallel_loop3A_581 = arith.maximumf %parallel_loop3A_577, %parallel_loop3A_576 : vector<16xf32>
      %parallel_loop3A_582 = arith.minimumf %parallel_loop3A_577, %parallel_loop3A_576 : vector<16xf32>
      %parallel_loop3A_583 = arith.maximumf %parallel_loop3A_571, %parallel_loop3A_575 : vector<16xf32>
      %parallel_loop3A_584 = arith.minimumf %parallel_loop3A_571, %parallel_loop3A_575 : vector<16xf32>
      %parallel_loop3A_585 = arith.maximumf %parallel_loop3A_579, %parallel_loop3A_581 : vector<16xf32>
      %parallel_loop3A_586 = arith.minimumf %parallel_loop3A_579, %parallel_loop3A_581 : vector<16xf32>
      %parallel_loop3A_587 = arith.maximumf %parallel_loop3A_580, %parallel_loop3A_582 : vector<16xf32>
      %parallel_loop3A_588 = arith.minimumf %parallel_loop3A_580, %parallel_loop3A_582 : vector<16xf32>
      %parallel_loop3A_589 = arith.maximumf %parallel_loop3A_574, %parallel_loop3A_578 : vector<16xf32>
      %parallel_loop3A_590 = arith.minimumf %parallel_loop3A_574, %parallel_loop3A_578 : vector<16xf32>
      %parallel_loop3A_591 = arith.maximumf %parallel_loop3A_585, %parallel_loop3A_584 : vector<16xf32>
      %parallel_loop3A_592 = arith.minimumf %parallel_loop3A_585, %parallel_loop3A_584 : vector<16xf32>
      %parallel_loop3A_593 = arith.maximumf %parallel_loop3A_589, %parallel_loop3A_588 : vector<16xf32>
      %parallel_loop3A_594 = arith.minimumf %parallel_loop3A_589, %parallel_loop3A_588 : vector<16xf32>
      %parallel_loop3A_595 = arith.maximumf %parallel_loop3A_587, %parallel_loop3A_592 : vector<16xf32>
      %parallel_loop3A_596 = arith.minimumf %parallel_loop3A_587, %parallel_loop3A_592 : vector<16xf32>
      %parallel_loop3A_597 = arith.maximumf %parallel_loop3A_593, %parallel_loop3A_586 : vector<16xf32>
      %parallel_loop3A_598 = arith.minimumf %parallel_loop3A_593, %parallel_loop3A_586 : vector<16xf32>
      %parallel_loop3A_599 = arith.maximumf %parallel_loop3A_597, %parallel_loop3A_596 : vector<16xf32>
      %parallel_loop3A_600 = arith.minimumf %parallel_loop3A_597, %parallel_loop3A_596 : vector<16xf32>
      %parallel_loop3A_601 = arith.maximumf %parallel_loop3A_477, %parallel_loop3A_478 : vector<16xf32>
      %parallel_loop3A_602 = arith.minimumf %parallel_loop3A_477, %parallel_loop3A_478 : vector<16xf32>
      %parallel_loop3A_603 = arith.maximumf %parallel_loop3A_479, %parallel_loop3A_480 : vector<16xf32>
      %parallel_loop3A_604 = arith.minimumf %parallel_loop3A_479, %parallel_loop3A_480 : vector<16xf32>
      %parallel_loop3A_605 = arith.maximumf %parallel_loop3A_481, %parallel_loop3A_482 : vector<16xf32>
      %parallel_loop3A_606 = arith.minimumf %parallel_loop3A_481, %parallel_loop3A_482 : vector<16xf32>
      %parallel_loop3A_607 = arith.maximumf %parallel_loop3A_483, %parallel_loop3A_484 : vector<16xf32>
      %parallel_loop3A_608 = arith.minimumf %parallel_loop3A_483, %parallel_loop3A_484 : vector<16xf32>
      %parallel_loop3A_609 = arith.maximumf %parallel_loop3A_601, %parallel_loop3A_603 : vector<16xf32>
      %parallel_loop3A_610 = arith.minimumf %parallel_loop3A_601, %parallel_loop3A_603 : vector<16xf32>
      %parallel_loop3A_611 = arith.maximumf %parallel_loop3A_602, %parallel_loop3A_604 : vector<16xf32>
      %parallel_loop3A_612 = arith.minimumf %parallel_loop3A_602, %parallel_loop3A_604 : vector<16xf32>
      %parallel_loop3A_613 = arith.maximumf %parallel_loop3A_605, %parallel_loop3A_607 : vector<16xf32>
      %parallel_loop3A_614 = arith.minimumf %parallel_loop3A_605, %parallel_loop3A_607 : vector<16xf32>
      %parallel_loop3A_615 = arith.maximumf %parallel_loop3A_606, %parallel_loop3A_608 : vector<16xf32>
      %parallel_loop3A_616 = arith.minimumf %parallel_loop3A_606, %parallel_loop3A_608 : vector<16xf32>
      %parallel_loop3A_617 = arith.maximumf %parallel_loop3A_611, %parallel_loop3A_610 : vector<16xf32>
      %parallel_loop3A_618 = arith.minimumf %parallel_loop3A_611, %parallel_loop3A_610 : vector<16xf32>
      %parallel_loop3A_619 = arith.maximumf %parallel_loop3A_615, %parallel_loop3A_614 : vector<16xf32>
      %parallel_loop3A_620 = arith.minimumf %parallel_loop3A_615, %parallel_loop3A_614 : vector<16xf32>
      %parallel_loop3A_621 = arith.maximumf %parallel_loop3A_609, %parallel_loop3A_613 : vector<16xf32>
      %parallel_loop3A_622 = arith.minimumf %parallel_loop3A_609, %parallel_loop3A_613 : vector<16xf32>
      %parallel_loop3A_623 = arith.maximumf %parallel_loop3A_617, %parallel_loop3A_619 : vector<16xf32>
      %parallel_loop3A_624 = arith.minimumf %parallel_loop3A_617, %parallel_loop3A_619 : vector<16xf32>
      %parallel_loop3A_625 = arith.maximumf %parallel_loop3A_618, %parallel_loop3A_620 : vector<16xf32>
      %parallel_loop3A_626 = arith.minimumf %parallel_loop3A_618, %parallel_loop3A_620 : vector<16xf32>
      %parallel_loop3A_627 = arith.maximumf %parallel_loop3A_612, %parallel_loop3A_616 : vector<16xf32>
      %parallel_loop3A_628 = arith.minimumf %parallel_loop3A_612, %parallel_loop3A_616 : vector<16xf32>
      %parallel_loop3A_629 = arith.maximumf %parallel_loop3A_623, %parallel_loop3A_622 : vector<16xf32>
      %parallel_loop3A_630 = arith.minimumf %parallel_loop3A_623, %parallel_loop3A_622 : vector<16xf32>
      %parallel_loop3A_631 = arith.maximumf %parallel_loop3A_627, %parallel_loop3A_626 : vector<16xf32>
      %parallel_loop3A_632 = arith.minimumf %parallel_loop3A_627, %parallel_loop3A_626 : vector<16xf32>
      %parallel_loop3A_633 = arith.maximumf %parallel_loop3A_625, %parallel_loop3A_630 : vector<16xf32>
      %parallel_loop3A_634 = arith.minimumf %parallel_loop3A_625, %parallel_loop3A_630 : vector<16xf32>
      %parallel_loop3A_635 = arith.maximumf %parallel_loop3A_631, %parallel_loop3A_624 : vector<16xf32>
      %parallel_loop3A_636 = arith.minimumf %parallel_loop3A_631, %parallel_loop3A_624 : vector<16xf32>
      %parallel_loop3A_637 = arith.maximumf %parallel_loop3A_635, %parallel_loop3A_634 : vector<16xf32>
      %parallel_loop3A_638 = arith.minimumf %parallel_loop3A_635, %parallel_loop3A_634 : vector<16xf32>
      %parallel_loop3A_639 = arith.maximumf %parallel_loop3A_485, %parallel_loop3A_486 : vector<16xf32>
      %parallel_loop3A_640 = arith.minimumf %parallel_loop3A_485, %parallel_loop3A_486 : vector<16xf32>
      %parallel_loop3A_641 = arith.maximumf %parallel_loop3A_487, %parallel_loop3A_488 : vector<16xf32>
      %parallel_loop3A_642 = arith.minimumf %parallel_loop3A_487, %parallel_loop3A_488 : vector<16xf32>
      %parallel_loop3A_643 = arith.maximumf %parallel_loop3A_489, %parallel_loop3A_490 : vector<16xf32>
      %parallel_loop3A_644 = arith.minimumf %parallel_loop3A_489, %parallel_loop3A_490 : vector<16xf32>
      %parallel_loop3A_645 = arith.maximumf %parallel_loop3A_491, %parallel_loop3A_492 : vector<16xf32>
      %parallel_loop3A_646 = arith.minimumf %parallel_loop3A_491, %parallel_loop3A_492 : vector<16xf32>
      %parallel_loop3A_647 = arith.maximumf %parallel_loop3A_639, %parallel_loop3A_641 : vector<16xf32>
      %parallel_loop3A_648 = arith.minimumf %parallel_loop3A_639, %parallel_loop3A_641 : vector<16xf32>
      %parallel_loop3A_649 = arith.maximumf %parallel_loop3A_640, %parallel_loop3A_642 : vector<16xf32>
      %parallel_loop3A_650 = arith.minimumf %parallel_loop3A_640, %parallel_loop3A_642 : vector<16xf32>
      %parallel_loop3A_651 = arith.maximumf %parallel_loop3A_643, %parallel_loop3A_645 : vector<16xf32>
      %parallel_loop3A_652 = arith.minimumf %parallel_loop3A_643, %parallel_loop3A_645 : vector<16xf32>
      %parallel_loop3A_653 = arith.maximumf %parallel_loop3A_644, %parallel_loop3A_646 : vector<16xf32>
      %parallel_loop3A_654 = arith.minimumf %parallel_loop3A_644, %parallel_loop3A_646 : vector<16xf32>
      %parallel_loop3A_655 = arith.maximumf %parallel_loop3A_649, %parallel_loop3A_648 : vector<16xf32>
      %parallel_loop3A_656 = arith.minimumf %parallel_loop3A_649, %parallel_loop3A_648 : vector<16xf32>
      %parallel_loop3A_657 = arith.maximumf %parallel_loop3A_653, %parallel_loop3A_652 : vector<16xf32>
      %parallel_loop3A_658 = arith.minimumf %parallel_loop3A_653, %parallel_loop3A_652 : vector<16xf32>
      %parallel_loop3A_659 = arith.maximumf %parallel_loop3A_647, %parallel_loop3A_651 : vector<16xf32>
      %parallel_loop3A_660 = arith.minimumf %parallel_loop3A_647, %parallel_loop3A_651 : vector<16xf32>
      %parallel_loop3A_661 = arith.maximumf %parallel_loop3A_655, %parallel_loop3A_657 : vector<16xf32>
      %parallel_loop3A_662 = arith.minimumf %parallel_loop3A_655, %parallel_loop3A_657 : vector<16xf32>
      %parallel_loop3A_663 = arith.maximumf %parallel_loop3A_656, %parallel_loop3A_658 : vector<16xf32>
      %parallel_loop3A_664 = arith.minimumf %parallel_loop3A_656, %parallel_loop3A_658 : vector<16xf32>
      %parallel_loop3A_665 = arith.maximumf %parallel_loop3A_650, %parallel_loop3A_654 : vector<16xf32>
      %parallel_loop3A_666 = arith.minimumf %parallel_loop3A_650, %parallel_loop3A_654 : vector<16xf32>
      %parallel_loop3A_667 = arith.maximumf %parallel_loop3A_661, %parallel_loop3A_660 : vector<16xf32>
      %parallel_loop3A_668 = arith.minimumf %parallel_loop3A_661, %parallel_loop3A_660 : vector<16xf32>
      %parallel_loop3A_669 = arith.maximumf %parallel_loop3A_665, %parallel_loop3A_664 : vector<16xf32>
      %parallel_loop3A_670 = arith.minimumf %parallel_loop3A_665, %parallel_loop3A_664 : vector<16xf32>
      %parallel_loop3A_671 = arith.maximumf %parallel_loop3A_663, %parallel_loop3A_668 : vector<16xf32>
      %parallel_loop3A_672 = arith.minimumf %parallel_loop3A_663, %parallel_loop3A_668 : vector<16xf32>
      %parallel_loop3A_673 = arith.maximumf %parallel_loop3A_669, %parallel_loop3A_662 : vector<16xf32>
      %parallel_loop3A_674 = arith.minimumf %parallel_loop3A_669, %parallel_loop3A_662 : vector<16xf32>
      %parallel_loop3A_675 = arith.maximumf %parallel_loop3A_673, %parallel_loop3A_672 : vector<16xf32>
      %parallel_loop3A_676 = arith.minimumf %parallel_loop3A_673, %parallel_loop3A_672 : vector<16xf32>
      %parallel_loop3A_677 = arith.maximumf %parallel_loop3A_493, %parallel_loop3A_494 : vector<16xf32>
      %parallel_loop3A_678 = arith.minimumf %parallel_loop3A_493, %parallel_loop3A_494 : vector<16xf32>
      %parallel_loop3A_679 = arith.maximumf %parallel_loop3A_495, %parallel_loop3A_496 : vector<16xf32>
      %parallel_loop3A_680 = arith.minimumf %parallel_loop3A_495, %parallel_loop3A_496 : vector<16xf32>
      %parallel_loop3A_681 = arith.maximumf %parallel_loop3A_497, %parallel_loop3A_498 : vector<16xf32>
      %parallel_loop3A_682 = arith.minimumf %parallel_loop3A_497, %parallel_loop3A_498 : vector<16xf32>
      %parallel_loop3A_683 = arith.maximumf %parallel_loop3A_499, %parallel_loop3A_500 : vector<16xf32>
      %parallel_loop3A_684 = arith.minimumf %parallel_loop3A_499, %parallel_loop3A_500 : vector<16xf32>
      %parallel_loop3A_685 = arith.maximumf %parallel_loop3A_677, %parallel_loop3A_679 : vector<16xf32>
      %parallel_loop3A_686 = arith.minimumf %parallel_loop3A_677, %parallel_loop3A_679 : vector<16xf32>
      %parallel_loop3A_687 = arith.maximumf %parallel_loop3A_678, %parallel_loop3A_680 : vector<16xf32>
      %parallel_loop3A_688 = arith.minimumf %parallel_loop3A_678, %parallel_loop3A_680 : vector<16xf32>
      %parallel_loop3A_689 = arith.maximumf %parallel_loop3A_681, %parallel_loop3A_683 : vector<16xf32>
      %parallel_loop3A_690 = arith.minimumf %parallel_loop3A_681, %parallel_loop3A_683 : vector<16xf32>
      %parallel_loop3A_691 = arith.maximumf %parallel_loop3A_682, %parallel_loop3A_684 : vector<16xf32>
      %parallel_loop3A_692 = arith.minimumf %parallel_loop3A_682, %parallel_loop3A_684 : vector<16xf32>
      %parallel_loop3A_693 = arith.maximumf %parallel_loop3A_687, %parallel_loop3A_686 : vector<16xf32>
      %parallel_loop3A_694 = arith.minimumf %parallel_loop3A_687, %parallel_loop3A_686 : vector<16xf32>
      %parallel_loop3A_695 = arith.maximumf %parallel_loop3A_691, %parallel_loop3A_690 : vector<16xf32>
      %parallel_loop3A_696 = arith.minimumf %parallel_loop3A_691, %parallel_loop3A_690 : vector<16xf32>
      %parallel_loop3A_697 = arith.maximumf %parallel_loop3A_685, %parallel_loop3A_689 : vector<16xf32>
      %parallel_loop3A_698 = arith.minimumf %parallel_loop3A_685, %parallel_loop3A_689 : vector<16xf32>
      %parallel_loop3A_699 = arith.maximumf %parallel_loop3A_693, %parallel_loop3A_695 : vector<16xf32>
      %parallel_loop3A_700 = arith.minimumf %parallel_loop3A_693, %parallel_loop3A_695 : vector<16xf32>
      %parallel_loop3A_701 = arith.maximumf %parallel_loop3A_694, %parallel_loop3A_696 : vector<16xf32>
      %parallel_loop3A_702 = arith.minimumf %parallel_loop3A_694, %parallel_loop3A_696 : vector<16xf32>
      %parallel_loop3A_703 = arith.maximumf %parallel_loop3A_688, %parallel_loop3A_692 : vector<16xf32>
      %parallel_loop3A_704 = arith.minimumf %parallel_loop3A_688, %parallel_loop3A_692 : vector<16xf32>
      %parallel_loop3A_705 = arith.maximumf %parallel_loop3A_699, %parallel_loop3A_698 : vector<16xf32>
      %parallel_loop3A_706 = arith.minimumf %parallel_loop3A_699, %parallel_loop3A_698 : vector<16xf32>
      %parallel_loop3A_707 = arith.maximumf %parallel_loop3A_703, %parallel_loop3A_702 : vector<16xf32>
      %parallel_loop3A_708 = arith.minimumf %parallel_loop3A_703, %parallel_loop3A_702 : vector<16xf32>
      %parallel_loop3A_709 = arith.maximumf %parallel_loop3A_701, %parallel_loop3A_706 : vector<16xf32>
      %parallel_loop3A_710 = arith.minimumf %parallel_loop3A_701, %parallel_loop3A_706 : vector<16xf32>
      %parallel_loop3A_711 = arith.maximumf %parallel_loop3A_707, %parallel_loop3A_700 : vector<16xf32>
      %parallel_loop3A_712 = arith.minimumf %parallel_loop3A_707, %parallel_loop3A_700 : vector<16xf32>
      %parallel_loop3A_713 = arith.maximumf %parallel_loop3A_711, %parallel_loop3A_710 : vector<16xf32>
      %parallel_loop3A_714 = arith.minimumf %parallel_loop3A_711, %parallel_loop3A_710 : vector<16xf32>
      %parallel_loop3A_715 = arith.maximumf %parallel_loop3A_501, %parallel_loop3A_502 : vector<16xf32>
      %parallel_loop3A_716 = arith.minimumf %parallel_loop3A_501, %parallel_loop3A_502 : vector<16xf32>
      %parallel_loop3A_717 = arith.maximumf %parallel_loop3A_503, %parallel_loop3A_504 : vector<16xf32>
      %parallel_loop3A_718 = arith.minimumf %parallel_loop3A_503, %parallel_loop3A_504 : vector<16xf32>
      %parallel_loop3A_719 = arith.maximumf %parallel_loop3A_505, %parallel_loop3A_506 : vector<16xf32>
      %parallel_loop3A_720 = arith.minimumf %parallel_loop3A_505, %parallel_loop3A_506 : vector<16xf32>
      %parallel_loop3A_721 = arith.maximumf %parallel_loop3A_507, %parallel_loop3A_508 : vector<16xf32>
      %parallel_loop3A_722 = arith.minimumf %parallel_loop3A_507, %parallel_loop3A_508 : vector<16xf32>
      %parallel_loop3A_723 = arith.maximumf %parallel_loop3A_715, %parallel_loop3A_717 : vector<16xf32>
      %parallel_loop3A_724 = arith.minimumf %parallel_loop3A_715, %parallel_loop3A_717 : vector<16xf32>
      %parallel_loop3A_725 = arith.maximumf %parallel_loop3A_716, %parallel_loop3A_718 : vector<16xf32>
      %parallel_loop3A_726 = arith.minimumf %parallel_loop3A_716, %parallel_loop3A_718 : vector<16xf32>
      %parallel_loop3A_727 = arith.maximumf %parallel_loop3A_719, %parallel_loop3A_721 : vector<16xf32>
      %parallel_loop3A_728 = arith.minimumf %parallel_loop3A_719, %parallel_loop3A_721 : vector<16xf32>
      %parallel_loop3A_729 = arith.maximumf %parallel_loop3A_720, %parallel_loop3A_722 : vector<16xf32>
      %parallel_loop3A_730 = arith.minimumf %parallel_loop3A_720, %parallel_loop3A_722 : vector<16xf32>
      %parallel_loop3A_731 = arith.maximumf %parallel_loop3A_725, %parallel_loop3A_724 : vector<16xf32>
      %parallel_loop3A_732 = arith.minimumf %parallel_loop3A_725, %parallel_loop3A_724 : vector<16xf32>
      %parallel_loop3A_733 = arith.maximumf %parallel_loop3A_729, %parallel_loop3A_728 : vector<16xf32>
      %parallel_loop3A_734 = arith.minimumf %parallel_loop3A_729, %parallel_loop3A_728 : vector<16xf32>
      %parallel_loop3A_735 = arith.maximumf %parallel_loop3A_723, %parallel_loop3A_727 : vector<16xf32>
      %parallel_loop3A_736 = arith.minimumf %parallel_loop3A_723, %parallel_loop3A_727 : vector<16xf32>
      %parallel_loop3A_737 = arith.maximumf %parallel_loop3A_731, %parallel_loop3A_733 : vector<16xf32>
      %parallel_loop3A_738 = arith.minimumf %parallel_loop3A_731, %parallel_loop3A_733 : vector<16xf32>
      %parallel_loop3A_739 = arith.maximumf %parallel_loop3A_732, %parallel_loop3A_734 : vector<16xf32>
      %parallel_loop3A_740 = arith.minimumf %parallel_loop3A_732, %parallel_loop3A_734 : vector<16xf32>
      %parallel_loop3A_741 = arith.maximumf %parallel_loop3A_726, %parallel_loop3A_730 : vector<16xf32>
      %parallel_loop3A_742 = arith.minimumf %parallel_loop3A_726, %parallel_loop3A_730 : vector<16xf32>
      %parallel_loop3A_743 = arith.maximumf %parallel_loop3A_737, %parallel_loop3A_736 : vector<16xf32>
      %parallel_loop3A_744 = arith.minimumf %parallel_loop3A_737, %parallel_loop3A_736 : vector<16xf32>
      %parallel_loop3A_745 = arith.maximumf %parallel_loop3A_741, %parallel_loop3A_740 : vector<16xf32>
      %parallel_loop3A_746 = arith.minimumf %parallel_loop3A_741, %parallel_loop3A_740 : vector<16xf32>
      %parallel_loop3A_747 = arith.maximumf %parallel_loop3A_739, %parallel_loop3A_744 : vector<16xf32>
      %parallel_loop3A_748 = arith.minimumf %parallel_loop3A_739, %parallel_loop3A_744 : vector<16xf32>
      %parallel_loop3A_749 = arith.maximumf %parallel_loop3A_745, %parallel_loop3A_738 : vector<16xf32>
      %parallel_loop3A_750 = arith.minimumf %parallel_loop3A_745, %parallel_loop3A_738 : vector<16xf32>
      %parallel_loop3A_751 = arith.maximumf %parallel_loop3A_749, %parallel_loop3A_748 : vector<16xf32>
      %parallel_loop3A_752 = arith.minimumf %parallel_loop3A_749, %parallel_loop3A_748 : vector<16xf32>
      %parallel_loop3A_753 = arith.maximumf %parallel_loop3A_509, %parallel_loop3A_510 : vector<16xf32>
      %parallel_loop3A_754 = arith.minimumf %parallel_loop3A_509, %parallel_loop3A_510 : vector<16xf32>
      %parallel_loop3A_755 = arith.maximumf %parallel_loop3A_511, %parallel_loop3A_512 : vector<16xf32>
      %parallel_loop3A_756 = arith.minimumf %parallel_loop3A_511, %parallel_loop3A_512 : vector<16xf32>
      %parallel_loop3A_757 = arith.maximumf %parallel_loop3A_513, %parallel_loop3A_514 : vector<16xf32>
      %parallel_loop3A_758 = arith.minimumf %parallel_loop3A_513, %parallel_loop3A_514 : vector<16xf32>
      %parallel_loop3A_759 = arith.maximumf %parallel_loop3A_515, %parallel_loop3A_516 : vector<16xf32>
      %parallel_loop3A_760 = arith.minimumf %parallel_loop3A_515, %parallel_loop3A_516 : vector<16xf32>
      %parallel_loop3A_761 = arith.maximumf %parallel_loop3A_753, %parallel_loop3A_755 : vector<16xf32>
      %parallel_loop3A_762 = arith.minimumf %parallel_loop3A_753, %parallel_loop3A_755 : vector<16xf32>
      %parallel_loop3A_763 = arith.maximumf %parallel_loop3A_754, %parallel_loop3A_756 : vector<16xf32>
      %parallel_loop3A_764 = arith.minimumf %parallel_loop3A_754, %parallel_loop3A_756 : vector<16xf32>
      %parallel_loop3A_765 = arith.maximumf %parallel_loop3A_757, %parallel_loop3A_759 : vector<16xf32>
      %parallel_loop3A_766 = arith.minimumf %parallel_loop3A_757, %parallel_loop3A_759 : vector<16xf32>
      %parallel_loop3A_767 = arith.maximumf %parallel_loop3A_758, %parallel_loop3A_760 : vector<16xf32>
      %parallel_loop3A_768 = arith.minimumf %parallel_loop3A_758, %parallel_loop3A_760 : vector<16xf32>
      %parallel_loop3A_769 = arith.maximumf %parallel_loop3A_763, %parallel_loop3A_762 : vector<16xf32>
      %parallel_loop3A_770 = arith.minimumf %parallel_loop3A_763, %parallel_loop3A_762 : vector<16xf32>
      %parallel_loop3A_771 = arith.maximumf %parallel_loop3A_767, %parallel_loop3A_766 : vector<16xf32>
      %parallel_loop3A_772 = arith.minimumf %parallel_loop3A_767, %parallel_loop3A_766 : vector<16xf32>
      %parallel_loop3A_773 = arith.maximumf %parallel_loop3A_761, %parallel_loop3A_765 : vector<16xf32>
      %parallel_loop3A_774 = arith.minimumf %parallel_loop3A_761, %parallel_loop3A_765 : vector<16xf32>
      %parallel_loop3A_775 = arith.maximumf %parallel_loop3A_769, %parallel_loop3A_771 : vector<16xf32>
      %parallel_loop3A_776 = arith.minimumf %parallel_loop3A_769, %parallel_loop3A_771 : vector<16xf32>
      %parallel_loop3A_777 = arith.maximumf %parallel_loop3A_770, %parallel_loop3A_772 : vector<16xf32>
      %parallel_loop3A_778 = arith.minimumf %parallel_loop3A_770, %parallel_loop3A_772 : vector<16xf32>
      %parallel_loop3A_779 = arith.maximumf %parallel_loop3A_764, %parallel_loop3A_768 : vector<16xf32>
      %parallel_loop3A_780 = arith.minimumf %parallel_loop3A_764, %parallel_loop3A_768 : vector<16xf32>
      %parallel_loop3A_781 = arith.maximumf %parallel_loop3A_775, %parallel_loop3A_774 : vector<16xf32>
      %parallel_loop3A_782 = arith.minimumf %parallel_loop3A_775, %parallel_loop3A_774 : vector<16xf32>
      %parallel_loop3A_783 = arith.maximumf %parallel_loop3A_779, %parallel_loop3A_778 : vector<16xf32>
      %parallel_loop3A_784 = arith.minimumf %parallel_loop3A_779, %parallel_loop3A_778 : vector<16xf32>
      %parallel_loop3A_785 = arith.maximumf %parallel_loop3A_777, %parallel_loop3A_782 : vector<16xf32>
      %parallel_loop3A_786 = arith.minimumf %parallel_loop3A_777, %parallel_loop3A_782 : vector<16xf32>
      %parallel_loop3A_787 = arith.maximumf %parallel_loop3A_783, %parallel_loop3A_776 : vector<16xf32>
      %parallel_loop3A_788 = arith.minimumf %parallel_loop3A_783, %parallel_loop3A_776 : vector<16xf32>
      %parallel_loop3A_789 = arith.maximumf %parallel_loop3A_787, %parallel_loop3A_786 : vector<16xf32>
      %parallel_loop3A_790 = arith.minimumf %parallel_loop3A_787, %parallel_loop3A_786 : vector<16xf32>
      %parallel_loop3A_791 = arith.maximumf %parallel_loop3A_517, %parallel_loop3A_518 : vector<16xf32>
      %parallel_loop3A_792 = arith.minimumf %parallel_loop3A_517, %parallel_loop3A_518 : vector<16xf32>
      %parallel_loop3A_793 = arith.maximumf %parallel_loop3A_519, %parallel_loop3A_520 : vector<16xf32>
      %parallel_loop3A_794 = arith.minimumf %parallel_loop3A_519, %parallel_loop3A_520 : vector<16xf32>
      %parallel_loop3A_795 = arith.maximumf %parallel_loop3A_521, %parallel_loop3A_522 : vector<16xf32>
      %parallel_loop3A_796 = arith.minimumf %parallel_loop3A_521, %parallel_loop3A_522 : vector<16xf32>
      %parallel_loop3A_797 = arith.maximumf %parallel_loop3A_523, %parallel_loop3A_524 : vector<16xf32>
      %parallel_loop3A_798 = arith.minimumf %parallel_loop3A_523, %parallel_loop3A_524 : vector<16xf32>
      %parallel_loop3A_799 = arith.maximumf %parallel_loop3A_791, %parallel_loop3A_793 : vector<16xf32>
      %parallel_loop3A_800 = arith.minimumf %parallel_loop3A_791, %parallel_loop3A_793 : vector<16xf32>
      %parallel_loop3A_801 = arith.maximumf %parallel_loop3A_792, %parallel_loop3A_794 : vector<16xf32>
      %parallel_loop3A_802 = arith.minimumf %parallel_loop3A_792, %parallel_loop3A_794 : vector<16xf32>
      %parallel_loop3A_803 = arith.maximumf %parallel_loop3A_795, %parallel_loop3A_797 : vector<16xf32>
      %parallel_loop3A_804 = arith.minimumf %parallel_loop3A_795, %parallel_loop3A_797 : vector<16xf32>
      %parallel_loop3A_805 = arith.maximumf %parallel_loop3A_796, %parallel_loop3A_798 : vector<16xf32>
      %parallel_loop3A_806 = arith.minimumf %parallel_loop3A_796, %parallel_loop3A_798 : vector<16xf32>
      %parallel_loop3A_807 = arith.maximumf %parallel_loop3A_801, %parallel_loop3A_800 : vector<16xf32>
      %parallel_loop3A_808 = arith.minimumf %parallel_loop3A_801, %parallel_loop3A_800 : vector<16xf32>
      %parallel_loop3A_809 = arith.maximumf %parallel_loop3A_805, %parallel_loop3A_804 : vector<16xf32>
      %parallel_loop3A_810 = arith.minimumf %parallel_loop3A_805, %parallel_loop3A_804 : vector<16xf32>
      %parallel_loop3A_811 = arith.maximumf %parallel_loop3A_799, %parallel_loop3A_803 : vector<16xf32>
      %parallel_loop3A_812 = arith.minimumf %parallel_loop3A_799, %parallel_loop3A_803 : vector<16xf32>
      %parallel_loop3A_813 = arith.maximumf %parallel_loop3A_807, %parallel_loop3A_809 : vector<16xf32>
      %parallel_loop3A_814 = arith.minimumf %parallel_loop3A_807, %parallel_loop3A_809 : vector<16xf32>
      %parallel_loop3A_815 = arith.maximumf %parallel_loop3A_808, %parallel_loop3A_810 : vector<16xf32>
      %parallel_loop3A_816 = arith.minimumf %parallel_loop3A_808, %parallel_loop3A_810 : vector<16xf32>
      %parallel_loop3A_817 = arith.maximumf %parallel_loop3A_802, %parallel_loop3A_806 : vector<16xf32>
      %parallel_loop3A_818 = arith.minimumf %parallel_loop3A_802, %parallel_loop3A_806 : vector<16xf32>
      %parallel_loop3A_819 = arith.maximumf %parallel_loop3A_813, %parallel_loop3A_812 : vector<16xf32>
      %parallel_loop3A_820 = arith.minimumf %parallel_loop3A_813, %parallel_loop3A_812 : vector<16xf32>
      %parallel_loop3A_821 = arith.maximumf %parallel_loop3A_817, %parallel_loop3A_816 : vector<16xf32>
      %parallel_loop3A_822 = arith.minimumf %parallel_loop3A_817, %parallel_loop3A_816 : vector<16xf32>
      %parallel_loop3A_823 = arith.maximumf %parallel_loop3A_815, %parallel_loop3A_820 : vector<16xf32>
      %parallel_loop3A_824 = arith.minimumf %parallel_loop3A_815, %parallel_loop3A_820 : vector<16xf32>
      %parallel_loop3A_825 = arith.maximumf %parallel_loop3A_821, %parallel_loop3A_814 : vector<16xf32>
      %parallel_loop3A_826 = arith.minimumf %parallel_loop3A_821, %parallel_loop3A_814 : vector<16xf32>
      %parallel_loop3A_827 = arith.maximumf %parallel_loop3A_825, %parallel_loop3A_824 : vector<16xf32>
      %parallel_loop3A_828 = arith.minimumf %parallel_loop3A_825, %parallel_loop3A_824 : vector<16xf32>
      %parallel_loop3A_829 = arith.maximumf %parallel_loop3A_545, %parallel_loop3A_590 : vector<16xf32>
      %parallel_loop3A_830 = arith.maximumf %parallel_loop3A_553, %parallel_loop3A_594 : vector<16xf32>
      %parallel_loop3A_831 = arith.maximumf %parallel_loop3A_557, %parallel_loop3A_598 : vector<16xf32>
      %parallel_loop3A_832 = arith.maximumf %parallel_loop3A_561, %parallel_loop3A_600 : vector<16xf32>
      %parallel_loop3A_833 = arith.maximumf %parallel_loop3A_562, %parallel_loop3A_599 : vector<16xf32>
      %parallel_loop3A_834 = arith.maximumf %parallel_loop3A_560, %parallel_loop3A_595 : vector<16xf32>
      %parallel_loop3A_835 = arith.maximumf %parallel_loop3A_556, %parallel_loop3A_591 : vector<16xf32>
      %parallel_loop3A_836 = arith.maximumf %parallel_loop3A_552, %parallel_loop3A_583 : vector<16xf32>
      %parallel_loop3A_837 = arith.maximumf %parallel_loop3A_829, %parallel_loop3A_833 : vector<16xf32>
      %parallel_loop3A_838 = arith.minimumf %parallel_loop3A_829, %parallel_loop3A_833 : vector<16xf32>
      %parallel_loop3A_839 = arith.maximumf %parallel_loop3A_830, %parallel_loop3A_834 : vector<16xf32>
      %parallel_loop3A_840 = arith.minimumf %parallel_loop3A_830, %parallel_loop3A_834 : vector<16xf32>
      %parallel_loop3A_841 = arith.maximumf %parallel_loop3A_831, %parallel_loop3A_835 : vector<16xf32>
      %parallel_loop3A_842 = arith.minimumf %parallel_loop3A_831, %parallel_loop3A_835 : vector<16xf32>
      %parallel_loop3A_843 = arith.maximumf %parallel_loop3A_832, %parallel_loop3A_836 : vector<16xf32>
      %parallel_loop3A_844 = arith.minimumf %parallel_loop3A_832, %parallel_loop3A_836 : vector<16xf32>
      %parallel_loop3A_845 = arith.maximumf %parallel_loop3A_837, %parallel_loop3A_841 : vector<16xf32>
      %parallel_loop3A_846 = arith.minimumf %parallel_loop3A_837, %parallel_loop3A_841 : vector<16xf32>
      %parallel_loop3A_847 = arith.maximumf %parallel_loop3A_839, %parallel_loop3A_843 : vector<16xf32>
      %parallel_loop3A_848 = arith.minimumf %parallel_loop3A_839, %parallel_loop3A_843 : vector<16xf32>
      %parallel_loop3A_849 = arith.maximumf %parallel_loop3A_838, %parallel_loop3A_842 : vector<16xf32>
      %parallel_loop3A_850 = arith.minimumf %parallel_loop3A_838, %parallel_loop3A_842 : vector<16xf32>
      %parallel_loop3A_851 = arith.maximumf %parallel_loop3A_840, %parallel_loop3A_844 : vector<16xf32>
      %parallel_loop3A_852 = arith.minimumf %parallel_loop3A_840, %parallel_loop3A_844 : vector<16xf32>
      %parallel_loop3A_853 = arith.maximumf %parallel_loop3A_845, %parallel_loop3A_847 : vector<16xf32>
      %parallel_loop3A_854 = arith.minimumf %parallel_loop3A_845, %parallel_loop3A_847 : vector<16xf32>
      %parallel_loop3A_855 = arith.maximumf %parallel_loop3A_846, %parallel_loop3A_848 : vector<16xf32>
      %parallel_loop3A_856 = arith.minimumf %parallel_loop3A_846, %parallel_loop3A_848 : vector<16xf32>
      %parallel_loop3A_857 = arith.maximumf %parallel_loop3A_849, %parallel_loop3A_851 : vector<16xf32>
      %parallel_loop3A_858 = arith.minimumf %parallel_loop3A_849, %parallel_loop3A_851 : vector<16xf32>
      %parallel_loop3A_859 = arith.maximumf %parallel_loop3A_850, %parallel_loop3A_852 : vector<16xf32>
      %parallel_loop3A_860 = arith.minimumf %parallel_loop3A_850, %parallel_loop3A_852 : vector<16xf32>
      %parallel_loop3A_861 = arith.maximumf %parallel_loop3A_621, %parallel_loop3A_666 : vector<16xf32>
      %parallel_loop3A_862 = arith.maximumf %parallel_loop3A_629, %parallel_loop3A_670 : vector<16xf32>
      %parallel_loop3A_863 = arith.maximumf %parallel_loop3A_633, %parallel_loop3A_674 : vector<16xf32>
      %parallel_loop3A_864 = arith.maximumf %parallel_loop3A_637, %parallel_loop3A_676 : vector<16xf32>
      %parallel_loop3A_865 = arith.maximumf %parallel_loop3A_638, %parallel_loop3A_675 : vector<16xf32>
      %parallel_loop3A_866 = arith.maximumf %parallel_loop3A_636, %parallel_loop3A_671 : vector<16xf32>
      %parallel_loop3A_867 = arith.maximumf %parallel_loop3A_632, %parallel_loop3A_667 : vector<16xf32>
      %parallel_loop3A_868 = arith.maximumf %parallel_loop3A_628, %parallel_loop3A_659 : vector<16xf32>
      %parallel_loop3A_869 = arith.maximumf %parallel_loop3A_861, %parallel_loop3A_865 : vector<16xf32>
      %parallel_loop3A_870 = arith.minimumf %parallel_loop3A_861, %parallel_loop3A_865 : vector<16xf32>
      %parallel_loop3A_871 = arith.maximumf %parallel_loop3A_862, %parallel_loop3A_866 : vector<16xf32>
      %parallel_loop3A_872 = arith.minimumf %parallel_loop3A_862, %parallel_loop3A_866 : vector<16xf32>
      %parallel_loop3A_873 = arith.maximumf %parallel_loop3A_863, %parallel_loop3A_867 : vector<16xf32>
      %parallel_loop3A_874 = arith.minimumf %parallel_loop3A_863, %parallel_loop3A_867 : vector<16xf32>
      %parallel_loop3A_875 = arith.maximumf %parallel_loop3A_864, %parallel_loop3A_868 : vector<16xf32>
      %parallel_loop3A_876 = arith.minimumf %parallel_loop3A_864, %parallel_loop3A_868 : vector<16xf32>
      %parallel_loop3A_877 = arith.maximumf %parallel_loop3A_869, %parallel_loop3A_873 : vector<16xf32>
      %parallel_loop3A_878 = arith.minimumf %parallel_loop3A_869, %parallel_loop3A_873 : vector<16xf32>
      %parallel_loop3A_879 = arith.maximumf %parallel_loop3A_871, %parallel_loop3A_875 : vector<16xf32>
      %parallel_loop3A_880 = arith.minimumf %parallel_loop3A_871, %parallel_loop3A_875 : vector<16xf32>
      %parallel_loop3A_881 = arith.maximumf %parallel_loop3A_870, %parallel_loop3A_874 : vector<16xf32>
      %parallel_loop3A_882 = arith.minimumf %parallel_loop3A_870, %parallel_loop3A_874 : vector<16xf32>
      %parallel_loop3A_883 = arith.maximumf %parallel_loop3A_872, %parallel_loop3A_876 : vector<16xf32>
      %parallel_loop3A_884 = arith.minimumf %parallel_loop3A_872, %parallel_loop3A_876 : vector<16xf32>
      %parallel_loop3A_885 = arith.maximumf %parallel_loop3A_877, %parallel_loop3A_879 : vector<16xf32>
      %parallel_loop3A_886 = arith.minimumf %parallel_loop3A_877, %parallel_loop3A_879 : vector<16xf32>
      %parallel_loop3A_887 = arith.maximumf %parallel_loop3A_878, %parallel_loop3A_880 : vector<16xf32>
      %parallel_loop3A_888 = arith.minimumf %parallel_loop3A_878, %parallel_loop3A_880 : vector<16xf32>
      %parallel_loop3A_889 = arith.maximumf %parallel_loop3A_881, %parallel_loop3A_883 : vector<16xf32>
      %parallel_loop3A_890 = arith.minimumf %parallel_loop3A_881, %parallel_loop3A_883 : vector<16xf32>
      %parallel_loop3A_891 = arith.maximumf %parallel_loop3A_882, %parallel_loop3A_884 : vector<16xf32>
      %parallel_loop3A_892 = arith.minimumf %parallel_loop3A_882, %parallel_loop3A_884 : vector<16xf32>
      %parallel_loop3A_893 = arith.maximumf %parallel_loop3A_697, %parallel_loop3A_742 : vector<16xf32>
      %parallel_loop3A_894 = arith.maximumf %parallel_loop3A_705, %parallel_loop3A_746 : vector<16xf32>
      %parallel_loop3A_895 = arith.maximumf %parallel_loop3A_709, %parallel_loop3A_750 : vector<16xf32>
      %parallel_loop3A_896 = arith.maximumf %parallel_loop3A_713, %parallel_loop3A_752 : vector<16xf32>
      %parallel_loop3A_897 = arith.maximumf %parallel_loop3A_714, %parallel_loop3A_751 : vector<16xf32>
      %parallel_loop3A_898 = arith.maximumf %parallel_loop3A_712, %parallel_loop3A_747 : vector<16xf32>
      %parallel_loop3A_899 = arith.maximumf %parallel_loop3A_708, %parallel_loop3A_743 : vector<16xf32>
      %parallel_loop3A_900 = arith.maximumf %parallel_loop3A_704, %parallel_loop3A_735 : vector<16xf32>
      %parallel_loop3A_901 = arith.maximumf %parallel_loop3A_893, %parallel_loop3A_897 : vector<16xf32>
      %parallel_loop3A_902 = arith.minimumf %parallel_loop3A_893, %parallel_loop3A_897 : vector<16xf32>
      %parallel_loop3A_903 = arith.maximumf %parallel_loop3A_894, %parallel_loop3A_898 : vector<16xf32>
      %parallel_loop3A_904 = arith.minimumf %parallel_loop3A_894, %parallel_loop3A_898 : vector<16xf32>
      %parallel_loop3A_905 = arith.maximumf %parallel_loop3A_895, %parallel_loop3A_899 : vector<16xf32>
      %parallel_loop3A_906 = arith.minimumf %parallel_loop3A_895, %parallel_loop3A_899 : vector<16xf32>
      %parallel_loop3A_907 = arith.maximumf %parallel_loop3A_896, %parallel_loop3A_900 : vector<16xf32>
      %parallel_loop3A_908 = arith.minimumf %parallel_loop3A_896, %parallel_loop3A_900 : vector<16xf32>
      %parallel_loop3A_909 = arith.maximumf %parallel_loop3A_901, %parallel_loop3A_905 : vector<16xf32>
      %parallel_loop3A_910 = arith.minimumf %parallel_loop3A_901, %parallel_loop3A_905 : vector<16xf32>
      %parallel_loop3A_911 = arith.maximumf %parallel_loop3A_903, %parallel_loop3A_907 : vector<16xf32>
      %parallel_loop3A_912 = arith.minimumf %parallel_loop3A_903, %parallel_loop3A_907 : vector<16xf32>
      %parallel_loop3A_913 = arith.maximumf %parallel_loop3A_902, %parallel_loop3A_906 : vector<16xf32>
      %parallel_loop3A_914 = arith.minimumf %parallel_loop3A_902, %parallel_loop3A_906 : vector<16xf32>
      %parallel_loop3A_915 = arith.maximumf %parallel_loop3A_904, %parallel_loop3A_908 : vector<16xf32>
      %parallel_loop3A_916 = arith.minimumf %parallel_loop3A_904, %parallel_loop3A_908 : vector<16xf32>
      %parallel_loop3A_917 = arith.maximumf %parallel_loop3A_909, %parallel_loop3A_911 : vector<16xf32>
      %parallel_loop3A_918 = arith.minimumf %parallel_loop3A_909, %parallel_loop3A_911 : vector<16xf32>
      %parallel_loop3A_919 = arith.maximumf %parallel_loop3A_910, %parallel_loop3A_912 : vector<16xf32>
      %parallel_loop3A_920 = arith.minimumf %parallel_loop3A_910, %parallel_loop3A_912 : vector<16xf32>
      %parallel_loop3A_921 = arith.maximumf %parallel_loop3A_913, %parallel_loop3A_915 : vector<16xf32>
      %parallel_loop3A_922 = arith.minimumf %parallel_loop3A_913, %parallel_loop3A_915 : vector<16xf32>
      %parallel_loop3A_923 = arith.maximumf %parallel_loop3A_914, %parallel_loop3A_916 : vector<16xf32>
      %parallel_loop3A_924 = arith.minimumf %parallel_loop3A_914, %parallel_loop3A_916 : vector<16xf32>
      %parallel_loop3A_925 = arith.maximumf %parallel_loop3A_773, %parallel_loop3A_818 : vector<16xf32>
      %parallel_loop3A_926 = arith.maximumf %parallel_loop3A_781, %parallel_loop3A_822 : vector<16xf32>
      %parallel_loop3A_927 = arith.maximumf %parallel_loop3A_785, %parallel_loop3A_826 : vector<16xf32>
      %parallel_loop3A_928 = arith.maximumf %parallel_loop3A_789, %parallel_loop3A_828 : vector<16xf32>
      %parallel_loop3A_929 = arith.maximumf %parallel_loop3A_790, %parallel_loop3A_827 : vector<16xf32>
      %parallel_loop3A_930 = arith.maximumf %parallel_loop3A_788, %parallel_loop3A_823 : vector<16xf32>
      %parallel_loop3A_931 = arith.maximumf %parallel_loop3A_784, %parallel_loop3A_819 : vector<16xf32>
      %parallel_loop3A_932 = arith.maximumf %parallel_loop3A_780, %parallel_loop3A_811 : vector<16xf32>
      %parallel_loop3A_933 = arith.maximumf %parallel_loop3A_925, %parallel_loop3A_929 : vector<16xf32>
      %parallel_loop3A_934 = arith.minimumf %parallel_loop3A_925, %parallel_loop3A_929 : vector<16xf32>
      %parallel_loop3A_935 = arith.maximumf %parallel_loop3A_926, %parallel_loop3A_930 : vector<16xf32>
      %parallel_loop3A_936 = arith.minimumf %parallel_loop3A_926, %parallel_loop3A_930 : vector<16xf32>
      %parallel_loop3A_937 = arith.maximumf %parallel_loop3A_927, %parallel_loop3A_931 : vector<16xf32>
      %parallel_loop3A_938 = arith.minimumf %parallel_loop3A_927, %parallel_loop3A_931 : vector<16xf32>
      %parallel_loop3A_939 = arith.maximumf %parallel_loop3A_928, %parallel_loop3A_932 : vector<16xf32>
      %parallel_loop3A_940 = arith.minimumf %parallel_loop3A_928, %parallel_loop3A_932 : vector<16xf32>
      %parallel_loop3A_941 = arith.maximumf %parallel_loop3A_933, %parallel_loop3A_937 : vector<16xf32>
      %parallel_loop3A_942 = arith.minimumf %parallel_loop3A_933, %parallel_loop3A_937 : vector<16xf32>
      %parallel_loop3A_943 = arith.maximumf %parallel_loop3A_935, %parallel_loop3A_939 : vector<16xf32>
      %parallel_loop3A_944 = arith.minimumf %parallel_loop3A_935, %parallel_loop3A_939 : vector<16xf32>
      %parallel_loop3A_945 = arith.maximumf %parallel_loop3A_934, %parallel_loop3A_938 : vector<16xf32>
      %parallel_loop3A_946 = arith.minimumf %parallel_loop3A_934, %parallel_loop3A_938 : vector<16xf32>
      %parallel_loop3A_947 = arith.maximumf %parallel_loop3A_936, %parallel_loop3A_940 : vector<16xf32>
      %parallel_loop3A_948 = arith.minimumf %parallel_loop3A_936, %parallel_loop3A_940 : vector<16xf32>
      %parallel_loop3A_949 = arith.maximumf %parallel_loop3A_941, %parallel_loop3A_943 : vector<16xf32>
      %parallel_loop3A_950 = arith.minimumf %parallel_loop3A_941, %parallel_loop3A_943 : vector<16xf32>
      %parallel_loop3A_951 = arith.maximumf %parallel_loop3A_942, %parallel_loop3A_944 : vector<16xf32>
      %parallel_loop3A_952 = arith.minimumf %parallel_loop3A_942, %parallel_loop3A_944 : vector<16xf32>
      %parallel_loop3A_953 = arith.maximumf %parallel_loop3A_945, %parallel_loop3A_947 : vector<16xf32>
      %parallel_loop3A_954 = arith.minimumf %parallel_loop3A_945, %parallel_loop3A_947 : vector<16xf32>
      %parallel_loop3A_955 = arith.maximumf %parallel_loop3A_946, %parallel_loop3A_948 : vector<16xf32>
      %parallel_loop3A_956 = arith.minimumf %parallel_loop3A_946, %parallel_loop3A_948 : vector<16xf32>
      %parallel_loop3A_957 = arith.maximumf %parallel_loop3A_853, %parallel_loop3A_892 : vector<16xf32>
      %parallel_loop3A_958 = arith.maximumf %parallel_loop3A_854, %parallel_loop3A_891 : vector<16xf32>
      %parallel_loop3A_959 = arith.maximumf %parallel_loop3A_855, %parallel_loop3A_890 : vector<16xf32>
      %parallel_loop3A_960 = arith.maximumf %parallel_loop3A_856, %parallel_loop3A_889 : vector<16xf32>
      %parallel_loop3A_961 = arith.maximumf %parallel_loop3A_857, %parallel_loop3A_888 : vector<16xf32>
      %parallel_loop3A_962 = arith.maximumf %parallel_loop3A_858, %parallel_loop3A_887 : vector<16xf32>
      %parallel_loop3A_963 = arith.maximumf %parallel_loop3A_859, %parallel_loop3A_886 : vector<16xf32>
      %parallel_loop3A_964 = arith.maximumf %parallel_loop3A_860, %parallel_loop3A_885 : vector<16xf32>
      %parallel_loop3A_965 = arith.maximumf %parallel_loop3A_957, %parallel_loop3A_961 : vector<16xf32>
      %parallel_loop3A_966 = arith.minimumf %parallel_loop3A_957, %parallel_loop3A_961 : vector<16xf32>
      %parallel_loop3A_967 = arith.maximumf %parallel_loop3A_958, %parallel_loop3A_962 : vector<16xf32>
      %parallel_loop3A_968 = arith.minimumf %parallel_loop3A_958, %parallel_loop3A_962 : vector<16xf32>
      %parallel_loop3A_969 = arith.maximumf %parallel_loop3A_959, %parallel_loop3A_963 : vector<16xf32>
      %parallel_loop3A_970 = arith.minimumf %parallel_loop3A_959, %parallel_loop3A_963 : vector<16xf32>
      %parallel_loop3A_971 = arith.maximumf %parallel_loop3A_960, %parallel_loop3A_964 : vector<16xf32>
      %parallel_loop3A_972 = arith.minimumf %parallel_loop3A_960, %parallel_loop3A_964 : vector<16xf32>
      %parallel_loop3A_973 = arith.maximumf %parallel_loop3A_965, %parallel_loop3A_969 : vector<16xf32>
      %parallel_loop3A_974 = arith.minimumf %parallel_loop3A_965, %parallel_loop3A_969 : vector<16xf32>
      %parallel_loop3A_975 = arith.maximumf %parallel_loop3A_967, %parallel_loop3A_971 : vector<16xf32>
      %parallel_loop3A_976 = arith.minimumf %parallel_loop3A_967, %parallel_loop3A_971 : vector<16xf32>
      %parallel_loop3A_977 = arith.maximumf %parallel_loop3A_966, %parallel_loop3A_970 : vector<16xf32>
      %parallel_loop3A_978 = arith.minimumf %parallel_loop3A_966, %parallel_loop3A_970 : vector<16xf32>
      %parallel_loop3A_979 = arith.maximumf %parallel_loop3A_968, %parallel_loop3A_972 : vector<16xf32>
      %parallel_loop3A_980 = arith.minimumf %parallel_loop3A_968, %parallel_loop3A_972 : vector<16xf32>
      %parallel_loop3A_981 = arith.maximumf %parallel_loop3A_973, %parallel_loop3A_975 : vector<16xf32>
      %parallel_loop3A_982 = arith.minimumf %parallel_loop3A_973, %parallel_loop3A_975 : vector<16xf32>
      %parallel_loop3A_983 = arith.maximumf %parallel_loop3A_974, %parallel_loop3A_976 : vector<16xf32>
      %parallel_loop3A_984 = arith.minimumf %parallel_loop3A_974, %parallel_loop3A_976 : vector<16xf32>
      %parallel_loop3A_985 = arith.maximumf %parallel_loop3A_977, %parallel_loop3A_979 : vector<16xf32>
      %parallel_loop3A_986 = arith.minimumf %parallel_loop3A_977, %parallel_loop3A_979 : vector<16xf32>
      %parallel_loop3A_987 = arith.maximumf %parallel_loop3A_978, %parallel_loop3A_980 : vector<16xf32>
      %parallel_loop3A_988 = arith.minimumf %parallel_loop3A_978, %parallel_loop3A_980 : vector<16xf32>
      %parallel_loop3A_989 = arith.maximumf %parallel_loop3A_917, %parallel_loop3A_956 : vector<16xf32>
      %parallel_loop3A_990 = arith.maximumf %parallel_loop3A_918, %parallel_loop3A_955 : vector<16xf32>
      %parallel_loop3A_991 = arith.maximumf %parallel_loop3A_919, %parallel_loop3A_954 : vector<16xf32>
      %parallel_loop3A_992 = arith.maximumf %parallel_loop3A_920, %parallel_loop3A_953 : vector<16xf32>
      %parallel_loop3A_993 = arith.maximumf %parallel_loop3A_921, %parallel_loop3A_952 : vector<16xf32>
      %parallel_loop3A_994 = arith.maximumf %parallel_loop3A_922, %parallel_loop3A_951 : vector<16xf32>
      %parallel_loop3A_995 = arith.maximumf %parallel_loop3A_923, %parallel_loop3A_950 : vector<16xf32>
      %parallel_loop3A_996 = arith.maximumf %parallel_loop3A_924, %parallel_loop3A_949 : vector<16xf32>
      %parallel_loop3A_997 = arith.maximumf %parallel_loop3A_989, %parallel_loop3A_993 : vector<16xf32>
      %parallel_loop3A_998 = arith.minimumf %parallel_loop3A_989, %parallel_loop3A_993 : vector<16xf32>
      %parallel_loop3A_999 = arith.maximumf %parallel_loop3A_990, %parallel_loop3A_994 : vector<16xf32>
      %parallel_loop3A_1000 = arith.minimumf %parallel_loop3A_990, %parallel_loop3A_994 : vector<16xf32>
      %parallel_loop3A_1001 = arith.maximumf %parallel_loop3A_991, %parallel_loop3A_995 : vector<16xf32>
      %parallel_loop3A_1002 = arith.minimumf %parallel_loop3A_991, %parallel_loop3A_995 : vector<16xf32>
      %parallel_loop3A_1003 = arith.maximumf %parallel_loop3A_992, %parallel_loop3A_996 : vector<16xf32>
      %parallel_loop3A_1004 = arith.minimumf %parallel_loop3A_992, %parallel_loop3A_996 : vector<16xf32>
      %parallel_loop3A_1005 = arith.maximumf %parallel_loop3A_997, %parallel_loop3A_1001 : vector<16xf32>
      %parallel_loop3A_1006 = arith.minimumf %parallel_loop3A_997, %parallel_loop3A_1001 : vector<16xf32>
      %parallel_loop3A_1007 = arith.maximumf %parallel_loop3A_999, %parallel_loop3A_1003 : vector<16xf32>
      %parallel_loop3A_1008 = arith.minimumf %parallel_loop3A_999, %parallel_loop3A_1003 : vector<16xf32>
      %parallel_loop3A_1009 = arith.maximumf %parallel_loop3A_998, %parallel_loop3A_1002 : vector<16xf32>
      %parallel_loop3A_1010 = arith.minimumf %parallel_loop3A_998, %parallel_loop3A_1002 : vector<16xf32>
      %parallel_loop3A_1011 = arith.maximumf %parallel_loop3A_1000, %parallel_loop3A_1004 : vector<16xf32>
      %parallel_loop3A_1012 = arith.minimumf %parallel_loop3A_1000, %parallel_loop3A_1004 : vector<16xf32>
      %parallel_loop3A_1013 = arith.maximumf %parallel_loop3A_1005, %parallel_loop3A_1007 : vector<16xf32>
      %parallel_loop3A_1014 = arith.minimumf %parallel_loop3A_1005, %parallel_loop3A_1007 : vector<16xf32>
      %parallel_loop3A_1015 = arith.maximumf %parallel_loop3A_1006, %parallel_loop3A_1008 : vector<16xf32>
      %parallel_loop3A_1016 = arith.minimumf %parallel_loop3A_1006, %parallel_loop3A_1008 : vector<16xf32>
      %parallel_loop3A_1017 = arith.maximumf %parallel_loop3A_1009, %parallel_loop3A_1011 : vector<16xf32>
      %parallel_loop3A_1018 = arith.minimumf %parallel_loop3A_1009, %parallel_loop3A_1011 : vector<16xf32>
      %parallel_loop3A_1019 = arith.maximumf %parallel_loop3A_1010, %parallel_loop3A_1012 : vector<16xf32>
      %parallel_loop3A_1020 = arith.minimumf %parallel_loop3A_1010, %parallel_loop3A_1012 : vector<16xf32>
      %parallel_loop3A_1021 = arith.maximumf %parallel_loop3A_981, %parallel_loop3A_1020 : vector<16xf32>
      %parallel_loop3A_1022 = arith.maximumf %parallel_loop3A_982, %parallel_loop3A_1019 : vector<16xf32>
      %parallel_loop3A_1023 = arith.maximumf %parallel_loop3A_983, %parallel_loop3A_1018 : vector<16xf32>
      %parallel_loop3A_1024 = arith.maximumf %parallel_loop3A_984, %parallel_loop3A_1017 : vector<16xf32>
      %parallel_loop3A_1025 = arith.maximumf %parallel_loop3A_985, %parallel_loop3A_1016 : vector<16xf32>
      %parallel_loop3A_1026 = arith.maximumf %parallel_loop3A_986, %parallel_loop3A_1015 : vector<16xf32>
      %parallel_loop3A_1027 = arith.maximumf %parallel_loop3A_987, %parallel_loop3A_1014 : vector<16xf32>
      %parallel_loop3A_1028 = arith.maximumf %parallel_loop3A_988, %parallel_loop3A_1013 : vector<16xf32>
      %parallel_loop3A_1029 = arith.maximumf %parallel_loop3A_1021, %parallel_loop3A_1025 : vector<16xf32>
      %parallel_loop3A_1030 = arith.minimumf %parallel_loop3A_1021, %parallel_loop3A_1025 : vector<16xf32>
      %parallel_loop3A_1031 = arith.maximumf %parallel_loop3A_1022, %parallel_loop3A_1026 : vector<16xf32>
      %parallel_loop3A_1032 = arith.minimumf %parallel_loop3A_1022, %parallel_loop3A_1026 : vector<16xf32>
      %parallel_loop3A_1033 = arith.maximumf %parallel_loop3A_1023, %parallel_loop3A_1027 : vector<16xf32>
      %parallel_loop3A_1034 = arith.minimumf %parallel_loop3A_1023, %parallel_loop3A_1027 : vector<16xf32>
      %parallel_loop3A_1035 = arith.maximumf %parallel_loop3A_1024, %parallel_loop3A_1028 : vector<16xf32>
      %parallel_loop3A_1036 = arith.minimumf %parallel_loop3A_1024, %parallel_loop3A_1028 : vector<16xf32>
      %parallel_loop3A_1037 = arith.maximumf %parallel_loop3A_1029, %parallel_loop3A_1033 : vector<16xf32>
      %parallel_loop3A_1038 = arith.minimumf %parallel_loop3A_1029, %parallel_loop3A_1033 : vector<16xf32>
      %parallel_loop3A_1039 = arith.maximumf %parallel_loop3A_1031, %parallel_loop3A_1035 : vector<16xf32>
      %parallel_loop3A_1040 = arith.minimumf %parallel_loop3A_1031, %parallel_loop3A_1035 : vector<16xf32>
      %parallel_loop3A_1041 = arith.maximumf %parallel_loop3A_1030, %parallel_loop3A_1034 : vector<16xf32>
      %parallel_loop3A_1042 = arith.minimumf %parallel_loop3A_1030, %parallel_loop3A_1034 : vector<16xf32>
      %parallel_loop3A_1043 = arith.maximumf %parallel_loop3A_1032, %parallel_loop3A_1036 : vector<16xf32>
      %parallel_loop3A_1044 = arith.minimumf %parallel_loop3A_1032, %parallel_loop3A_1036 : vector<16xf32>
      %parallel_loop3A_1045 = arith.maximumf %parallel_loop3A_1037, %parallel_loop3A_1039 : vector<16xf32>
      %parallel_loop3A_1046 = arith.minimumf %parallel_loop3A_1037, %parallel_loop3A_1039 : vector<16xf32>
      %parallel_loop3A_1047 = arith.maximumf %parallel_loop3A_1038, %parallel_loop3A_1040 : vector<16xf32>
      %parallel_loop3A_1048 = arith.minimumf %parallel_loop3A_1038, %parallel_loop3A_1040 : vector<16xf32>
      %parallel_loop3A_1049 = arith.maximumf %parallel_loop3A_1041, %parallel_loop3A_1043 : vector<16xf32>
      %parallel_loop3A_1050 = arith.minimumf %parallel_loop3A_1041, %parallel_loop3A_1043 : vector<16xf32>
      %parallel_loop3A_1051 = arith.maximumf %parallel_loop3A_1042, %parallel_loop3A_1044 : vector<16xf32>
      %parallel_loop3A_1052 = arith.minimumf %parallel_loop3A_1042, %parallel_loop3A_1044 : vector<16xf32>
      %parallel_loop3A_1053 = arith.constant 1.000000e+00 : f32
      %parallel_loop3A_1054 = vector.broadcast %parallel_loop3A_1053 : f32 to vector<16xf32>
      %parallel_loop3A_1055 = arith.subf %parallel_loop3A_1046, %parallel_loop3A_1045 : vector<16xf32>
      %parallel_loop3A_1056 = math.exp %parallel_loop3A_1055 : vector<16xf32>
      %parallel_loop3A_1057 = arith.addf %parallel_loop3A_1054, %parallel_loop3A_1056 : vector<16xf32>
      %parallel_loop3A_1058 = arith.subf %parallel_loop3A_1047, %parallel_loop3A_1045 : vector<16xf32>
      %parallel_loop3A_1059 = math.exp %parallel_loop3A_1058 : vector<16xf32>
      %parallel_loop3A_1060 = arith.addf %parallel_loop3A_1057, %parallel_loop3A_1059 : vector<16xf32>
      %parallel_loop3A_1061 = arith.subf %parallel_loop3A_1048, %parallel_loop3A_1045 : vector<16xf32>
      %parallel_loop3A_1062 = math.exp %parallel_loop3A_1061 : vector<16xf32>
      %parallel_loop3A_1063 = arith.addf %parallel_loop3A_1060, %parallel_loop3A_1062 : vector<16xf32>
      %parallel_loop3A_1064 = arith.subf %parallel_loop3A_1049, %parallel_loop3A_1045 : vector<16xf32>
      %parallel_loop3A_1065 = math.exp %parallel_loop3A_1064 : vector<16xf32>
      %parallel_loop3A_1066 = arith.addf %parallel_loop3A_1063, %parallel_loop3A_1065 : vector<16xf32>
      %parallel_loop3A_1067 = arith.subf %parallel_loop3A_1050, %parallel_loop3A_1045 : vector<16xf32>
      %parallel_loop3A_1068 = math.exp %parallel_loop3A_1067 : vector<16xf32>
      %parallel_loop3A_1069 = arith.addf %parallel_loop3A_1066, %parallel_loop3A_1068 : vector<16xf32>
      %parallel_loop3A_1070 = arith.subf %parallel_loop3A_1051, %parallel_loop3A_1045 : vector<16xf32>
      %parallel_loop3A_1071 = math.exp %parallel_loop3A_1070 : vector<16xf32>
      %parallel_loop3A_1072 = arith.addf %parallel_loop3A_1069, %parallel_loop3A_1071 : vector<16xf32>
      %parallel_loop3A_1073 = arith.subf %parallel_loop3A_1052, %parallel_loop3A_1045 : vector<16xf32>
      %parallel_loop3A_1074 = math.exp %parallel_loop3A_1073 : vector<16xf32>
      %parallel_loop3A_1075 = arith.addf %parallel_loop3A_1072, %parallel_loop3A_1074 : vector<16xf32>
      %parallel_loop3A_1076 = arith.constant 1.000000e+00 : f32
      %parallel_loop3A_1077 = vector.broadcast %parallel_loop3A_1076 : f32 to vector<16xf32>
      %parallel_loop3A_1078 = arith.divf %parallel_loop3A_1077, %parallel_loop3A_1075 : vector<16xf32>
      %parallel_loop3A_1079 = arith.cmpf oge, %parallel_loop3A_461, %parallel_loop3A_1052 : vector<16xf32>
      %parallel_loop3A_1080 = arith.subf %parallel_loop3A_461, %parallel_loop3A_1045 : vector<16xf32>
      %parallel_loop3A_1081 = math.exp %parallel_loop3A_1080 : vector<16xf32>
      %parallel_loop3A_1082 = arith.mulf %parallel_loop3A_1081, %parallel_loop3A_1078 : vector<16xf32>
      %parallel_loop3A_1083 = arith.constant 0.000000e+00 : f32
      %parallel_loop3A_1084 = vector.broadcast %parallel_loop3A_1083 : f32 to vector<16xf32>
      %parallel_loop3A_1085 = arith.select %parallel_loop3A_1079, %parallel_loop3A_1082, %parallel_loop3A_1084 : vector<16xi1>, vector<16xf32>
      tpu.vector_store_idx %arg5[%parallel_loop3A_19], %parallel_loop3A_1085 : memref<8192xf32, #tpu.memory_space<vmem>>[vector<16xi32>], vector<16xf32>,
      %parallel_loop3A_1086 = arith.cmpf oge, %parallel_loop3A_462, %parallel_loop3A_1052 : vector<16xf32>
      %parallel_loop3A_1087 = arith.subf %parallel_loop3A_462, %parallel_loop3A_1045 : vector<16xf32>
      %parallel_loop3A_1088 = math.exp %parallel_loop3A_1087 : vector<16xf32>
      %parallel_loop3A_1089 = arith.mulf %parallel_loop3A_1088, %parallel_loop3A_1078 : vector<16xf32>
      %parallel_loop3A_1090 = arith.constant 0.000000e+00 : f32
      %parallel_loop3A_1091 = vector.broadcast %parallel_loop3A_1090 : f32 to vector<16xf32>
      %parallel_loop3A_1092 = arith.select %parallel_loop3A_1086, %parallel_loop3A_1089, %parallel_loop3A_1091 : vector<16xi1>, vector<16xf32>
      tpu.vector_store_idx %arg5[%parallel_loop3A_26], %parallel_loop3A_1092 : memref<8192xf32, #tpu.memory_space<vmem>>[vector<16xi32>], vector<16xf32>,
      %parallel_loop3A_1093 = arith.cmpf oge, %parallel_loop3A_463, %parallel_loop3A_1052 : vector<16xf32>
      %parallel_loop3A_1094 = arith.subf %parallel_loop3A_463, %parallel_loop3A_1045 : vector<16xf32>
      %parallel_loop3A_1095 = math.exp %parallel_loop3A_1094 : vector<16xf32>
      %parallel_loop3A_1096 = arith.mulf %parallel_loop3A_1095, %parallel_loop3A_1078 : vector<16xf32>
      %parallel_loop3A_1097 = arith.constant 0.000000e+00 : f32
      %parallel_loop3A_1098 = vector.broadcast %parallel_loop3A_1097 : f32 to vector<16xf32>
      %parallel_loop3A_1099 = arith.select %parallel_loop3A_1093, %parallel_loop3A_1096, %parallel_loop3A_1098 : vector<16xi1>, vector<16xf32>
      tpu.vector_store_idx %arg5[%parallel_loop3A_33], %parallel_loop3A_1099 : memref<8192xf32, #tpu.memory_space<vmem>>[vector<16xi32>], vector<16xf32>,
      %parallel_loop3A_1100 = arith.cmpf oge, %parallel_loop3A_464, %parallel_loop3A_1052 : vector<16xf32>
      %parallel_loop3A_1101 = arith.subf %parallel_loop3A_464, %parallel_loop3A_1045 : vector<16xf32>
      %parallel_loop3A_1102 = math.exp %parallel_loop3A_1101 : vector<16xf32>
      %parallel_loop3A_1103 = arith.mulf %parallel_loop3A_1102, %parallel_loop3A_1078 : vector<16xf32>
      %parallel_loop3A_1104 = arith.constant 0.000000e+00 : f32
      %parallel_loop3A_1105 = vector.broadcast %parallel_loop3A_1104 : f32 to vector<16xf32>
      %parallel_loop3A_1106 = arith.select %parallel_loop3A_1100, %parallel_loop3A_1103, %parallel_loop3A_1105 : vector<16xi1>, vector<16xf32>
      tpu.vector_store_idx %arg5[%parallel_loop3A_40], %parallel_loop3A_1106 : memref<8192xf32, #tpu.memory_space<vmem>>[vector<16xi32>], vector<16xf32>,
      %parallel_loop3A_1107 = arith.cmpf oge, %parallel_loop3A_465, %parallel_loop3A_1052 : vector<16xf32>
      %parallel_loop3A_1108 = arith.subf %parallel_loop3A_465, %parallel_loop3A_1045 : vector<16xf32>
      %parallel_loop3A_1109 = math.exp %parallel_loop3A_1108 : vector<16xf32>
      %parallel_loop3A_1110 = arith.mulf %parallel_loop3A_1109, %parallel_loop3A_1078 : vector<16xf32>
      %parallel_loop3A_1111 = arith.constant 0.000000e+00 : f32
      %parallel_loop3A_1112 = vector.broadcast %parallel_loop3A_1111 : f32 to vector<16xf32>
      %parallel_loop3A_1113 = arith.select %parallel_loop3A_1107, %parallel_loop3A_1110, %parallel_loop3A_1112 : vector<16xi1>, vector<16xf32>
      tpu.vector_store_idx %arg5[%parallel_loop3A_47], %parallel_loop3A_1113 : memref<8192xf32, #tpu.memory_space<vmem>>[vector<16xi32>], vector<16xf32>,
      %parallel_loop3A_1114 = arith.cmpf oge, %parallel_loop3A_466, %parallel_loop3A_1052 : vector<16xf32>
      %parallel_loop3A_1115 = arith.subf %parallel_loop3A_466, %parallel_loop3A_1045 : vector<16xf32>
      %parallel_loop3A_1116 = math.exp %parallel_loop3A_1115 : vector<16xf32>
      %parallel_loop3A_1117 = arith.mulf %parallel_loop3A_1116, %parallel_loop3A_1078 : vector<16xf32>
      %parallel_loop3A_1118 = arith.constant 0.000000e+00 : f32
      %parallel_loop3A_1119 = vector.broadcast %parallel_loop3A_1118 : f32 to vector<16xf32>
      %parallel_loop3A_1120 = arith.select %parallel_loop3A_1114, %parallel_loop3A_1117, %parallel_loop3A_1119 : vector<16xi1>, vector<16xf32>
      tpu.vector_store_idx %arg5[%parallel_loop3A_54], %parallel_loop3A_1120 : memref<8192xf32, #tpu.memory_space<vmem>>[vector<16xi32>], vector<16xf32>,
      %parallel_loop3A_1121 = arith.cmpf oge, %parallel_loop3A_467, %parallel_loop3A_1052 : vector<16xf32>
      %parallel_loop3A_1122 = arith.subf %parallel_loop3A_467, %parallel_loop3A_1045 : vector<16xf32>
      %parallel_loop3A_1123 = math.exp %parallel_loop3A_1122 : vector<16xf32>
      %parallel_loop3A_1124 = arith.mulf %parallel_loop3A_1123, %parallel_loop3A_1078 : vector<16xf32>
      %parallel_loop3A_1125 = arith.constant 0.000000e+00 : f32
      %parallel_loop3A_1126 = vector.broadcast %parallel_loop3A_1125 : f32 to vector<16xf32>
      %parallel_loop3A_1127 = arith.select %parallel_loop3A_1121, %parallel_loop3A_1124, %parallel_loop3A_1126 : vector<16xi1>, vector<16xf32>
      tpu.vector_store_idx %arg5[%parallel_loop3A_61], %parallel_loop3A_1127 : memref<8192xf32, #tpu.memory_space<vmem>>[vector<16xi32>], vector<16xf32>,
      %parallel_loop3A_1128 = arith.cmpf oge, %parallel_loop3A_468, %parallel_loop3A_1052 : vector<16xf32>
      %parallel_loop3A_1129 = arith.subf %parallel_loop3A_468, %parallel_loop3A_1045 : vector<16xf32>
      %parallel_loop3A_1130 = math.exp %parallel_loop3A_1129 : vector<16xf32>
      %parallel_loop3A_1131 = arith.mulf %parallel_loop3A_1130, %parallel_loop3A_1078 : vector<16xf32>
      %parallel_loop3A_1132 = arith.constant 0.000000e+00 : f32
      %parallel_loop3A_1133 = vector.broadcast %parallel_loop3A_1132 : f32 to vector<16xf32>
      %parallel_loop3A_1134 = arith.select %parallel_loop3A_1128, %parallel_loop3A_1131, %parallel_loop3A_1133 : vector<16xi1>, vector<16xf32>
      tpu.vector_store_idx %arg5[%parallel_loop3A_68], %parallel_loop3A_1134 : memref<8192xf32, #tpu.memory_space<vmem>>[vector<16xi32>], vector<16xf32>,
      %parallel_loop3A_1135 = arith.cmpf oge, %parallel_loop3A_469, %parallel_loop3A_1052 : vector<16xf32>
      %parallel_loop3A_1136 = arith.subf %parallel_loop3A_469, %parallel_loop3A_1045 : vector<16xf32>
      %parallel_loop3A_1137 = math.exp %parallel_loop3A_1136 : vector<16xf32>
      %parallel_loop3A_1138 = arith.mulf %parallel_loop3A_1137, %parallel_loop3A_1078 : vector<16xf32>
      %parallel_loop3A_1139 = arith.constant 0.000000e+00 : f32
      %parallel_loop3A_1140 = vector.broadcast %parallel_loop3A_1139 : f32 to vector<16xf32>
      %parallel_loop3A_1141 = arith.select %parallel_loop3A_1135, %parallel_loop3A_1138, %parallel_loop3A_1140 : vector<16xi1>, vector<16xf32>
      tpu.vector_store_idx %arg5[%parallel_loop3A_75], %parallel_loop3A_1141 : memref<8192xf32, #tpu.memory_space<vmem>>[vector<16xi32>], vector<16xf32>,
      %parallel_loop3A_1142 = arith.cmpf oge, %parallel_loop3A_470, %parallel_loop3A_1052 : vector<16xf32>
      %parallel_loop3A_1143 = arith.subf %parallel_loop3A_470, %parallel_loop3A_1045 : vector<16xf32>
      %parallel_loop3A_1144 = math.exp %parallel_loop3A_1143 : vector<16xf32>
      %parallel_loop3A_1145 = arith.mulf %parallel_loop3A_1144, %parallel_loop3A_1078 : vector<16xf32>
      %parallel_loop3A_1146 = arith.constant 0.000000e+00 : f32
      %parallel_loop3A_1147 = vector.broadcast %parallel_loop3A_1146 : f32 to vector<16xf32>
      %parallel_loop3A_1148 = arith.select %parallel_loop3A_1142, %parallel_loop3A_1145, %parallel_loop3A_1147 : vector<16xi1>, vector<16xf32>
      tpu.vector_store_idx %arg5[%parallel_loop3A_82], %parallel_loop3A_1148 : memref<8192xf32, #tpu.memory_space<vmem>>[vector<16xi32>], vector<16xf32>,
      %parallel_loop3A_1149 = arith.cmpf oge, %parallel_loop3A_471, %parallel_loop3A_1052 : vector<16xf32>
      %parallel_loop3A_1150 = arith.subf %parallel_loop3A_471, %parallel_loop3A_1045 : vector<16xf32>
      %parallel_loop3A_1151 = math.exp %parallel_loop3A_1150 : vector<16xf32>
      %parallel_loop3A_1152 = arith.mulf %parallel_loop3A_1151, %parallel_loop3A_1078 : vector<16xf32>
      %parallel_loop3A_1153 = arith.constant 0.000000e+00 : f32
      %parallel_loop3A_1154 = vector.broadcast %parallel_loop3A_1153 : f32 to vector<16xf32>
      %parallel_loop3A_1155 = arith.select %parallel_loop3A_1149, %parallel_loop3A_1152, %parallel_loop3A_1154 : vector<16xi1>, vector<16xf32>
      tpu.vector_store_idx %arg5[%parallel_loop3A_89], %parallel_loop3A_1155 : memref<8192xf32, #tpu.memory_space<vmem>>[vector<16xi32>], vector<16xf32>,
      %parallel_loop3A_1156 = arith.cmpf oge, %parallel_loop3A_472, %parallel_loop3A_1052 : vector<16xf32>
      %parallel_loop3A_1157 = arith.subf %parallel_loop3A_472, %parallel_loop3A_1045 : vector<16xf32>
      %parallel_loop3A_1158 = math.exp %parallel_loop3A_1157 : vector<16xf32>
      %parallel_loop3A_1159 = arith.mulf %parallel_loop3A_1158, %parallel_loop3A_1078 : vector<16xf32>
      %parallel_loop3A_1160 = arith.constant 0.000000e+00 : f32
      %parallel_loop3A_1161 = vector.broadcast %parallel_loop3A_1160 : f32 to vector<16xf32>
      %parallel_loop3A_1162 = arith.select %parallel_loop3A_1156, %parallel_loop3A_1159, %parallel_loop3A_1161 : vector<16xi1>, vector<16xf32>
      tpu.vector_store_idx %arg5[%parallel_loop3A_96], %parallel_loop3A_1162 : memref<8192xf32, #tpu.memory_space<vmem>>[vector<16xi32>], vector<16xf32>,
      %parallel_loop3A_1163 = arith.cmpf oge, %parallel_loop3A_473, %parallel_loop3A_1052 : vector<16xf32>
      %parallel_loop3A_1164 = arith.subf %parallel_loop3A_473, %parallel_loop3A_1045 : vector<16xf32>
      %parallel_loop3A_1165 = math.exp %parallel_loop3A_1164 : vector<16xf32>
      %parallel_loop3A_1166 = arith.mulf %parallel_loop3A_1165, %parallel_loop3A_1078 : vector<16xf32>
      %parallel_loop3A_1167 = arith.constant 0.000000e+00 : f32
      %parallel_loop3A_1168 = vector.broadcast %parallel_loop3A_1167 : f32 to vector<16xf32>
      %parallel_loop3A_1169 = arith.select %parallel_loop3A_1163, %parallel_loop3A_1166, %parallel_loop3A_1168 : vector<16xi1>, vector<16xf32>
      tpu.vector_store_idx %arg5[%parallel_loop3A_103], %parallel_loop3A_1169 : memref<8192xf32, #tpu.memory_space<vmem>>[vector<16xi32>], vector<16xf32>,
      %parallel_loop3A_1170 = arith.cmpf oge, %parallel_loop3A_474, %parallel_loop3A_1052 : vector<16xf32>
      %parallel_loop3A_1171 = arith.subf %parallel_loop3A_474, %parallel_loop3A_1045 : vector<16xf32>
      %parallel_loop3A_1172 = math.exp %parallel_loop3A_1171 : vector<16xf32>
      %parallel_loop3A_1173 = arith.mulf %parallel_loop3A_1172, %parallel_loop3A_1078 : vector<16xf32>
      %parallel_loop3A_1174 = arith.constant 0.000000e+00 : f32
      %parallel_loop3A_1175 = vector.broadcast %parallel_loop3A_1174 : f32 to vector<16xf32>
      %parallel_loop3A_1176 = arith.select %parallel_loop3A_1170, %parallel_loop3A_1173, %parallel_loop3A_1175 : vector<16xi1>, vector<16xf32>
      tpu.vector_store_idx %arg5[%parallel_loop3A_110], %parallel_loop3A_1176 : memref<8192xf32, #tpu.memory_space<vmem>>[vector<16xi32>], vector<16xf32>,
      %parallel_loop3A_1177 = arith.cmpf oge, %parallel_loop3A_475, %parallel_loop3A_1052 : vector<16xf32>
      %parallel_loop3A_1178 = arith.subf %parallel_loop3A_475, %parallel_loop3A_1045 : vector<16xf32>
      %parallel_loop3A_1179 = math.exp %parallel_loop3A_1178 : vector<16xf32>
      %parallel_loop3A_1180 = arith.mulf %parallel_loop3A_1179, %parallel_loop3A_1078 : vector<16xf32>
      %parallel_loop3A_1181 = arith.constant 0.000000e+00 : f32
      %parallel_loop3A_1182 = vector.broadcast %parallel_loop3A_1181 : f32 to vector<16xf32>
      %parallel_loop3A_1183 = arith.select %parallel_loop3A_1177, %parallel_loop3A_1180, %parallel_loop3A_1182 : vector<16xi1>, vector<16xf32>
      tpu.vector_store_idx %arg5[%parallel_loop3A_117], %parallel_loop3A_1183 : memref<8192xf32, #tpu.memory_space<vmem>>[vector<16xi32>], vector<16xf32>,
      %parallel_loop3A_1184 = arith.cmpf oge, %parallel_loop3A_476, %parallel_loop3A_1052 : vector<16xf32>
      %parallel_loop3A_1185 = arith.subf %parallel_loop3A_476, %parallel_loop3A_1045 : vector<16xf32>
      %parallel_loop3A_1186 = math.exp %parallel_loop3A_1185 : vector<16xf32>
      %parallel_loop3A_1187 = arith.mulf %parallel_loop3A_1186, %parallel_loop3A_1078 : vector<16xf32>
      %parallel_loop3A_1188 = arith.constant 0.000000e+00 : f32
      %parallel_loop3A_1189 = vector.broadcast %parallel_loop3A_1188 : f32 to vector<16xf32>
      %parallel_loop3A_1190 = arith.select %parallel_loop3A_1184, %parallel_loop3A_1187, %parallel_loop3A_1189 : vector<16xi1>, vector<16xf32>
      tpu.vector_store_idx %arg5[%parallel_loop3A_124], %parallel_loop3A_1190 : memref<8192xf32, #tpu.memory_space<vmem>>[vector<16xi32>], vector<16xf32>,
      %parallel_loop3A_1191 = arith.cmpf oge, %parallel_loop3A_477, %parallel_loop3A_1052 : vector<16xf32>
      %parallel_loop3A_1192 = arith.subf %parallel_loop3A_477, %parallel_loop3A_1045 : vector<16xf32>
      %parallel_loop3A_1193 = math.exp %parallel_loop3A_1192 : vector<16xf32>
      %parallel_loop3A_1194 = arith.mulf %parallel_loop3A_1193, %parallel_loop3A_1078 : vector<16xf32>
      %parallel_loop3A_1195 = arith.constant 0.000000e+00 : f32
      %parallel_loop3A_1196 = vector.broadcast %parallel_loop3A_1195 : f32 to vector<16xf32>
      %parallel_loop3A_1197 = arith.select %parallel_loop3A_1191, %parallel_loop3A_1194, %parallel_loop3A_1196 : vector<16xi1>, vector<16xf32>
      tpu.vector_store_idx %arg5[%parallel_loop3A_131], %parallel_loop3A_1197 : memref<8192xf32, #tpu.memory_space<vmem>>[vector<16xi32>], vector<16xf32>,
      %parallel_loop3A_1198 = arith.cmpf oge, %parallel_loop3A_478, %parallel_loop3A_1052 : vector<16xf32>
      %parallel_loop3A_1199 = arith.subf %parallel_loop3A_478, %parallel_loop3A_1045 : vector<16xf32>
      %parallel_loop3A_1200 = math.exp %parallel_loop3A_1199 : vector<16xf32>
      %parallel_loop3A_1201 = arith.mulf %parallel_loop3A_1200, %parallel_loop3A_1078 : vector<16xf32>
      %parallel_loop3A_1202 = arith.constant 0.000000e+00 : f32
      %parallel_loop3A_1203 = vector.broadcast %parallel_loop3A_1202 : f32 to vector<16xf32>
      %parallel_loop3A_1204 = arith.select %parallel_loop3A_1198, %parallel_loop3A_1201, %parallel_loop3A_1203 : vector<16xi1>, vector<16xf32>
      tpu.vector_store_idx %arg5[%parallel_loop3A_138], %parallel_loop3A_1204 : memref<8192xf32, #tpu.memory_space<vmem>>[vector<16xi32>], vector<16xf32>,
      %parallel_loop3A_1205 = arith.cmpf oge, %parallel_loop3A_479, %parallel_loop3A_1052 : vector<16xf32>
      %parallel_loop3A_1206 = arith.subf %parallel_loop3A_479, %parallel_loop3A_1045 : vector<16xf32>
      %parallel_loop3A_1207 = math.exp %parallel_loop3A_1206 : vector<16xf32>
      %parallel_loop3A_1208 = arith.mulf %parallel_loop3A_1207, %parallel_loop3A_1078 : vector<16xf32>
      %parallel_loop3A_1209 = arith.constant 0.000000e+00 : f32
      %parallel_loop3A_1210 = vector.broadcast %parallel_loop3A_1209 : f32 to vector<16xf32>
      %parallel_loop3A_1211 = arith.select %parallel_loop3A_1205, %parallel_loop3A_1208, %parallel_loop3A_1210 : vector<16xi1>, vector<16xf32>
      tpu.vector_store_idx %arg5[%parallel_loop3A_145], %parallel_loop3A_1211 : memref<8192xf32, #tpu.memory_space<vmem>>[vector<16xi32>], vector<16xf32>,
      %parallel_loop3A_1212 = arith.cmpf oge, %parallel_loop3A_480, %parallel_loop3A_1052 : vector<16xf32>
      %parallel_loop3A_1213 = arith.subf %parallel_loop3A_480, %parallel_loop3A_1045 : vector<16xf32>
      %parallel_loop3A_1214 = math.exp %parallel_loop3A_1213 : vector<16xf32>
      %parallel_loop3A_1215 = arith.mulf %parallel_loop3A_1214, %parallel_loop3A_1078 : vector<16xf32>
      %parallel_loop3A_1216 = arith.constant 0.000000e+00 : f32
      %parallel_loop3A_1217 = vector.broadcast %parallel_loop3A_1216 : f32 to vector<16xf32>
      %parallel_loop3A_1218 = arith.select %parallel_loop3A_1212, %parallel_loop3A_1215, %parallel_loop3A_1217 : vector<16xi1>, vector<16xf32>
      tpu.vector_store_idx %arg5[%parallel_loop3A_152], %parallel_loop3A_1218 : memref<8192xf32, #tpu.memory_space<vmem>>[vector<16xi32>], vector<16xf32>,
      %parallel_loop3A_1219 = arith.cmpf oge, %parallel_loop3A_481, %parallel_loop3A_1052 : vector<16xf32>
      %parallel_loop3A_1220 = arith.subf %parallel_loop3A_481, %parallel_loop3A_1045 : vector<16xf32>
      %parallel_loop3A_1221 = math.exp %parallel_loop3A_1220 : vector<16xf32>
      %parallel_loop3A_1222 = arith.mulf %parallel_loop3A_1221, %parallel_loop3A_1078 : vector<16xf32>
      %parallel_loop3A_1223 = arith.constant 0.000000e+00 : f32
      %parallel_loop3A_1224 = vector.broadcast %parallel_loop3A_1223 : f32 to vector<16xf32>
      %parallel_loop3A_1225 = arith.select %parallel_loop3A_1219, %parallel_loop3A_1222, %parallel_loop3A_1224 : vector<16xi1>, vector<16xf32>
      tpu.vector_store_idx %arg5[%parallel_loop3A_159], %parallel_loop3A_1225 : memref<8192xf32, #tpu.memory_space<vmem>>[vector<16xi32>], vector<16xf32>,
      %parallel_loop3A_1226 = arith.cmpf oge, %parallel_loop3A_482, %parallel_loop3A_1052 : vector<16xf32>
      %parallel_loop3A_1227 = arith.subf %parallel_loop3A_482, %parallel_loop3A_1045 : vector<16xf32>
      %parallel_loop3A_1228 = math.exp %parallel_loop3A_1227 : vector<16xf32>
      %parallel_loop3A_1229 = arith.mulf %parallel_loop3A_1228, %parallel_loop3A_1078 : vector<16xf32>
      %parallel_loop3A_1230 = arith.constant 0.000000e+00 : f32
      %parallel_loop3A_1231 = vector.broadcast %parallel_loop3A_1230 : f32 to vector<16xf32>
      %parallel_loop3A_1232 = arith.select %parallel_loop3A_1226, %parallel_loop3A_1229, %parallel_loop3A_1231 : vector<16xi1>, vector<16xf32>
      tpu.vector_store_idx %arg5[%parallel_loop3A_166], %parallel_loop3A_1232 : memref<8192xf32, #tpu.memory_space<vmem>>[vector<16xi32>], vector<16xf32>,
      %parallel_loop3A_1233 = arith.cmpf oge, %parallel_loop3A_483, %parallel_loop3A_1052 : vector<16xf32>
      %parallel_loop3A_1234 = arith.subf %parallel_loop3A_483, %parallel_loop3A_1045 : vector<16xf32>
      %parallel_loop3A_1235 = math.exp %parallel_loop3A_1234 : vector<16xf32>
      %parallel_loop3A_1236 = arith.mulf %parallel_loop3A_1235, %parallel_loop3A_1078 : vector<16xf32>
      %parallel_loop3A_1237 = arith.constant 0.000000e+00 : f32
      %parallel_loop3A_1238 = vector.broadcast %parallel_loop3A_1237 : f32 to vector<16xf32>
      %parallel_loop3A_1239 = arith.select %parallel_loop3A_1233, %parallel_loop3A_1236, %parallel_loop3A_1238 : vector<16xi1>, vector<16xf32>
      tpu.vector_store_idx %arg5[%parallel_loop3A_173], %parallel_loop3A_1239 : memref<8192xf32, #tpu.memory_space<vmem>>[vector<16xi32>], vector<16xf32>,
      %parallel_loop3A_1240 = arith.cmpf oge, %parallel_loop3A_484, %parallel_loop3A_1052 : vector<16xf32>
      %parallel_loop3A_1241 = arith.subf %parallel_loop3A_484, %parallel_loop3A_1045 : vector<16xf32>
      %parallel_loop3A_1242 = math.exp %parallel_loop3A_1241 : vector<16xf32>
      %parallel_loop3A_1243 = arith.mulf %parallel_loop3A_1242, %parallel_loop3A_1078 : vector<16xf32>
      %parallel_loop3A_1244 = arith.constant 0.000000e+00 : f32
      %parallel_loop3A_1245 = vector.broadcast %parallel_loop3A_1244 : f32 to vector<16xf32>
      %parallel_loop3A_1246 = arith.select %parallel_loop3A_1240, %parallel_loop3A_1243, %parallel_loop3A_1245 : vector<16xi1>, vector<16xf32>
      tpu.vector_store_idx %arg5[%parallel_loop3A_180], %parallel_loop3A_1246 : memref<8192xf32, #tpu.memory_space<vmem>>[vector<16xi32>], vector<16xf32>,
      %parallel_loop3A_1247 = arith.cmpf oge, %parallel_loop3A_485, %parallel_loop3A_1052 : vector<16xf32>
      %parallel_loop3A_1248 = arith.subf %parallel_loop3A_485, %parallel_loop3A_1045 : vector<16xf32>
      %parallel_loop3A_1249 = math.exp %parallel_loop3A_1248 : vector<16xf32>
      %parallel_loop3A_1250 = arith.mulf %parallel_loop3A_1249, %parallel_loop3A_1078 : vector<16xf32>
      %parallel_loop3A_1251 = arith.constant 0.000000e+00 : f32
      %parallel_loop3A_1252 = vector.broadcast %parallel_loop3A_1251 : f32 to vector<16xf32>
      %parallel_loop3A_1253 = arith.select %parallel_loop3A_1247, %parallel_loop3A_1250, %parallel_loop3A_1252 : vector<16xi1>, vector<16xf32>
      tpu.vector_store_idx %arg5[%parallel_loop3A_187], %parallel_loop3A_1253 : memref<8192xf32, #tpu.memory_space<vmem>>[vector<16xi32>], vector<16xf32>,
      %parallel_loop3A_1254 = arith.cmpf oge, %parallel_loop3A_486, %parallel_loop3A_1052 : vector<16xf32>
      %parallel_loop3A_1255 = arith.subf %parallel_loop3A_486, %parallel_loop3A_1045 : vector<16xf32>
      %parallel_loop3A_1256 = math.exp %parallel_loop3A_1255 : vector<16xf32>
      %parallel_loop3A_1257 = arith.mulf %parallel_loop3A_1256, %parallel_loop3A_1078 : vector<16xf32>
      %parallel_loop3A_1258 = arith.constant 0.000000e+00 : f32
      %parallel_loop3A_1259 = vector.broadcast %parallel_loop3A_1258 : f32 to vector<16xf32>
      %parallel_loop3A_1260 = arith.select %parallel_loop3A_1254, %parallel_loop3A_1257, %parallel_loop3A_1259 : vector<16xi1>, vector<16xf32>
      tpu.vector_store_idx %arg5[%parallel_loop3A_194], %parallel_loop3A_1260 : memref<8192xf32, #tpu.memory_space<vmem>>[vector<16xi32>], vector<16xf32>,
      %parallel_loop3A_1261 = arith.cmpf oge, %parallel_loop3A_487, %parallel_loop3A_1052 : vector<16xf32>
      %parallel_loop3A_1262 = arith.subf %parallel_loop3A_487, %parallel_loop3A_1045 : vector<16xf32>
      %parallel_loop3A_1263 = math.exp %parallel_loop3A_1262 : vector<16xf32>
      %parallel_loop3A_1264 = arith.mulf %parallel_loop3A_1263, %parallel_loop3A_1078 : vector<16xf32>
      %parallel_loop3A_1265 = arith.constant 0.000000e+00 : f32
      %parallel_loop3A_1266 = vector.broadcast %parallel_loop3A_1265 : f32 to vector<16xf32>
      %parallel_loop3A_1267 = arith.select %parallel_loop3A_1261, %parallel_loop3A_1264, %parallel_loop3A_1266 : vector<16xi1>, vector<16xf32>
      tpu.vector_store_idx %arg5[%parallel_loop3A_201], %parallel_loop3A_1267 : memref<8192xf32, #tpu.memory_space<vmem>>[vector<16xi32>], vector<16xf32>,
      %parallel_loop3A_1268 = arith.cmpf oge, %parallel_loop3A_488, %parallel_loop3A_1052 : vector<16xf32>
      %parallel_loop3A_1269 = arith.subf %parallel_loop3A_488, %parallel_loop3A_1045 : vector<16xf32>
      %parallel_loop3A_1270 = math.exp %parallel_loop3A_1269 : vector<16xf32>
      %parallel_loop3A_1271 = arith.mulf %parallel_loop3A_1270, %parallel_loop3A_1078 : vector<16xf32>
      %parallel_loop3A_1272 = arith.constant 0.000000e+00 : f32
      %parallel_loop3A_1273 = vector.broadcast %parallel_loop3A_1272 : f32 to vector<16xf32>
      %parallel_loop3A_1274 = arith.select %parallel_loop3A_1268, %parallel_loop3A_1271, %parallel_loop3A_1273 : vector<16xi1>, vector<16xf32>
      tpu.vector_store_idx %arg5[%parallel_loop3A_208], %parallel_loop3A_1274 : memref<8192xf32, #tpu.memory_space<vmem>>[vector<16xi32>], vector<16xf32>,
      %parallel_loop3A_1275 = arith.cmpf oge, %parallel_loop3A_489, %parallel_loop3A_1052 : vector<16xf32>
      %parallel_loop3A_1276 = arith.subf %parallel_loop3A_489, %parallel_loop3A_1045 : vector<16xf32>
      %parallel_loop3A_1277 = math.exp %parallel_loop3A_1276 : vector<16xf32>
      %parallel_loop3A_1278 = arith.mulf %parallel_loop3A_1277, %parallel_loop3A_1078 : vector<16xf32>
      %parallel_loop3A_1279 = arith.constant 0.000000e+00 : f32
      %parallel_loop3A_1280 = vector.broadcast %parallel_loop3A_1279 : f32 to vector<16xf32>
      %parallel_loop3A_1281 = arith.select %parallel_loop3A_1275, %parallel_loop3A_1278, %parallel_loop3A_1280 : vector<16xi1>, vector<16xf32>
      tpu.vector_store_idx %arg5[%parallel_loop3A_215], %parallel_loop3A_1281 : memref<8192xf32, #tpu.memory_space<vmem>>[vector<16xi32>], vector<16xf32>,
      %parallel_loop3A_1282 = arith.cmpf oge, %parallel_loop3A_490, %parallel_loop3A_1052 : vector<16xf32>
      %parallel_loop3A_1283 = arith.subf %parallel_loop3A_490, %parallel_loop3A_1045 : vector<16xf32>
      %parallel_loop3A_1284 = math.exp %parallel_loop3A_1283 : vector<16xf32>
      %parallel_loop3A_1285 = arith.mulf %parallel_loop3A_1284, %parallel_loop3A_1078 : vector<16xf32>
      %parallel_loop3A_1286 = arith.constant 0.000000e+00 : f32
      %parallel_loop3A_1287 = vector.broadcast %parallel_loop3A_1286 : f32 to vector<16xf32>
      %parallel_loop3A_1288 = arith.select %parallel_loop3A_1282, %parallel_loop3A_1285, %parallel_loop3A_1287 : vector<16xi1>, vector<16xf32>
      tpu.vector_store_idx %arg5[%parallel_loop3A_222], %parallel_loop3A_1288 : memref<8192xf32, #tpu.memory_space<vmem>>[vector<16xi32>], vector<16xf32>,
      %parallel_loop3A_1289 = arith.cmpf oge, %parallel_loop3A_491, %parallel_loop3A_1052 : vector<16xf32>
      %parallel_loop3A_1290 = arith.subf %parallel_loop3A_491, %parallel_loop3A_1045 : vector<16xf32>
      %parallel_loop3A_1291 = math.exp %parallel_loop3A_1290 : vector<16xf32>
      %parallel_loop3A_1292 = arith.mulf %parallel_loop3A_1291, %parallel_loop3A_1078 : vector<16xf32>
      %parallel_loop3A_1293 = arith.constant 0.000000e+00 : f32
      %parallel_loop3A_1294 = vector.broadcast %parallel_loop3A_1293 : f32 to vector<16xf32>
      %parallel_loop3A_1295 = arith.select %parallel_loop3A_1289, %parallel_loop3A_1292, %parallel_loop3A_1294 : vector<16xi1>, vector<16xf32>
      tpu.vector_store_idx %arg5[%parallel_loop3A_229], %parallel_loop3A_1295 : memref<8192xf32, #tpu.memory_space<vmem>>[vector<16xi32>], vector<16xf32>,
      %parallel_loop3A_1296 = arith.cmpf oge, %parallel_loop3A_492, %parallel_loop3A_1052 : vector<16xf32>
      %parallel_loop3A_1297 = arith.subf %parallel_loop3A_492, %parallel_loop3A_1045 : vector<16xf32>
      %parallel_loop3A_1298 = math.exp %parallel_loop3A_1297 : vector<16xf32>
      %parallel_loop3A_1299 = arith.mulf %parallel_loop3A_1298, %parallel_loop3A_1078 : vector<16xf32>
      %parallel_loop3A_1300 = arith.constant 0.000000e+00 : f32
      %parallel_loop3A_1301 = vector.broadcast %parallel_loop3A_1300 : f32 to vector<16xf32>
      %parallel_loop3A_1302 = arith.select %parallel_loop3A_1296, %parallel_loop3A_1299, %parallel_loop3A_1301 : vector<16xi1>, vector<16xf32>
      tpu.vector_store_idx %arg5[%parallel_loop3A_236], %parallel_loop3A_1302 : memref<8192xf32, #tpu.memory_space<vmem>>[vector<16xi32>], vector<16xf32>,
      %parallel_loop3A_1303 = arith.cmpf oge, %parallel_loop3A_493, %parallel_loop3A_1052 : vector<16xf32>
      %parallel_loop3A_1304 = arith.subf %parallel_loop3A_493, %parallel_loop3A_1045 : vector<16xf32>
      %parallel_loop3A_1305 = math.exp %parallel_loop3A_1304 : vector<16xf32>
      %parallel_loop3A_1306 = arith.mulf %parallel_loop3A_1305, %parallel_loop3A_1078 : vector<16xf32>
      %parallel_loop3A_1307 = arith.constant 0.000000e+00 : f32
      %parallel_loop3A_1308 = vector.broadcast %parallel_loop3A_1307 : f32 to vector<16xf32>
      %parallel_loop3A_1309 = arith.select %parallel_loop3A_1303, %parallel_loop3A_1306, %parallel_loop3A_1308 : vector<16xi1>, vector<16xf32>
      tpu.vector_store_idx %arg5[%parallel_loop3A_243], %parallel_loop3A_1309 : memref<8192xf32, #tpu.memory_space<vmem>>[vector<16xi32>], vector<16xf32>,
      %parallel_loop3A_1310 = arith.cmpf oge, %parallel_loop3A_494, %parallel_loop3A_1052 : vector<16xf32>
      %parallel_loop3A_1311 = arith.subf %parallel_loop3A_494, %parallel_loop3A_1045 : vector<16xf32>
      %parallel_loop3A_1312 = math.exp %parallel_loop3A_1311 : vector<16xf32>
      %parallel_loop3A_1313 = arith.mulf %parallel_loop3A_1312, %parallel_loop3A_1078 : vector<16xf32>
      %parallel_loop3A_1314 = arith.constant 0.000000e+00 : f32
      %parallel_loop3A_1315 = vector.broadcast %parallel_loop3A_1314 : f32 to vector<16xf32>
      %parallel_loop3A_1316 = arith.select %parallel_loop3A_1310, %parallel_loop3A_1313, %parallel_loop3A_1315 : vector<16xi1>, vector<16xf32>
      tpu.vector_store_idx %arg5[%parallel_loop3A_250], %parallel_loop3A_1316 : memref<8192xf32, #tpu.memory_space<vmem>>[vector<16xi32>], vector<16xf32>,
      %parallel_loop3A_1317 = arith.cmpf oge, %parallel_loop3A_495, %parallel_loop3A_1052 : vector<16xf32>
      %parallel_loop3A_1318 = arith.subf %parallel_loop3A_495, %parallel_loop3A_1045 : vector<16xf32>
      %parallel_loop3A_1319 = math.exp %parallel_loop3A_1318 : vector<16xf32>
      %parallel_loop3A_1320 = arith.mulf %parallel_loop3A_1319, %parallel_loop3A_1078 : vector<16xf32>
      %parallel_loop3A_1321 = arith.constant 0.000000e+00 : f32
      %parallel_loop3A_1322 = vector.broadcast %parallel_loop3A_1321 : f32 to vector<16xf32>
      %parallel_loop3A_1323 = arith.select %parallel_loop3A_1317, %parallel_loop3A_1320, %parallel_loop3A_1322 : vector<16xi1>, vector<16xf32>
      tpu.vector_store_idx %arg5[%parallel_loop3A_257], %parallel_loop3A_1323 : memref<8192xf32, #tpu.memory_space<vmem>>[vector<16xi32>], vector<16xf32>,
      %parallel_loop3A_1324 = arith.cmpf oge, %parallel_loop3A_496, %parallel_loop3A_1052 : vector<16xf32>
      %parallel_loop3A_1325 = arith.subf %parallel_loop3A_496, %parallel_loop3A_1045 : vector<16xf32>
      %parallel_loop3A_1326 = math.exp %parallel_loop3A_1325 : vector<16xf32>
      %parallel_loop3A_1327 = arith.mulf %parallel_loop3A_1326, %parallel_loop3A_1078 : vector<16xf32>
      %parallel_loop3A_1328 = arith.constant 0.000000e+00 : f32
      %parallel_loop3A_1329 = vector.broadcast %parallel_loop3A_1328 : f32 to vector<16xf32>
      %parallel_loop3A_1330 = arith.select %parallel_loop3A_1324, %parallel_loop3A_1327, %parallel_loop3A_1329 : vector<16xi1>, vector<16xf32>
      tpu.vector_store_idx %arg5[%parallel_loop3A_264], %parallel_loop3A_1330 : memref<8192xf32, #tpu.memory_space<vmem>>[vector<16xi32>], vector<16xf32>,
      %parallel_loop3A_1331 = arith.cmpf oge, %parallel_loop3A_497, %parallel_loop3A_1052 : vector<16xf32>
      %parallel_loop3A_1332 = arith.subf %parallel_loop3A_497, %parallel_loop3A_1045 : vector<16xf32>
      %parallel_loop3A_1333 = math.exp %parallel_loop3A_1332 : vector<16xf32>
      %parallel_loop3A_1334 = arith.mulf %parallel_loop3A_1333, %parallel_loop3A_1078 : vector<16xf32>
      %parallel_loop3A_1335 = arith.constant 0.000000e+00 : f32
      %parallel_loop3A_1336 = vector.broadcast %parallel_loop3A_1335 : f32 to vector<16xf32>
      %parallel_loop3A_1337 = arith.select %parallel_loop3A_1331, %parallel_loop3A_1334, %parallel_loop3A_1336 : vector<16xi1>, vector<16xf32>
      tpu.vector_store_idx %arg5[%parallel_loop3A_271], %parallel_loop3A_1337 : memref<8192xf32, #tpu.memory_space<vmem>>[vector<16xi32>], vector<16xf32>,
      %parallel_loop3A_1338 = arith.cmpf oge, %parallel_loop3A_498, %parallel_loop3A_1052 : vector<16xf32>
      %parallel_loop3A_1339 = arith.subf %parallel_loop3A_498, %parallel_loop3A_1045 : vector<16xf32>
      %parallel_loop3A_1340 = math.exp %parallel_loop3A_1339 : vector<16xf32>
      %parallel_loop3A_1341 = arith.mulf %parallel_loop3A_1340, %parallel_loop3A_1078 : vector<16xf32>
      %parallel_loop3A_1342 = arith.constant 0.000000e+00 : f32
      %parallel_loop3A_1343 = vector.broadcast %parallel_loop3A_1342 : f32 to vector<16xf32>
      %parallel_loop3A_1344 = arith.select %parallel_loop3A_1338, %parallel_loop3A_1341, %parallel_loop3A_1343 : vector<16xi1>, vector<16xf32>
      tpu.vector_store_idx %arg5[%parallel_loop3A_278], %parallel_loop3A_1344 : memref<8192xf32, #tpu.memory_space<vmem>>[vector<16xi32>], vector<16xf32>,
      %parallel_loop3A_1345 = arith.cmpf oge, %parallel_loop3A_499, %parallel_loop3A_1052 : vector<16xf32>
      %parallel_loop3A_1346 = arith.subf %parallel_loop3A_499, %parallel_loop3A_1045 : vector<16xf32>
      %parallel_loop3A_1347 = math.exp %parallel_loop3A_1346 : vector<16xf32>
      %parallel_loop3A_1348 = arith.mulf %parallel_loop3A_1347, %parallel_loop3A_1078 : vector<16xf32>
      %parallel_loop3A_1349 = arith.constant 0.000000e+00 : f32
      %parallel_loop3A_1350 = vector.broadcast %parallel_loop3A_1349 : f32 to vector<16xf32>
      %parallel_loop3A_1351 = arith.select %parallel_loop3A_1345, %parallel_loop3A_1348, %parallel_loop3A_1350 : vector<16xi1>, vector<16xf32>
      tpu.vector_store_idx %arg5[%parallel_loop3A_285], %parallel_loop3A_1351 : memref<8192xf32, #tpu.memory_space<vmem>>[vector<16xi32>], vector<16xf32>,
      %parallel_loop3A_1352 = arith.cmpf oge, %parallel_loop3A_500, %parallel_loop3A_1052 : vector<16xf32>
      %parallel_loop3A_1353 = arith.subf %parallel_loop3A_500, %parallel_loop3A_1045 : vector<16xf32>
      %parallel_loop3A_1354 = math.exp %parallel_loop3A_1353 : vector<16xf32>
      %parallel_loop3A_1355 = arith.mulf %parallel_loop3A_1354, %parallel_loop3A_1078 : vector<16xf32>
      %parallel_loop3A_1356 = arith.constant 0.000000e+00 : f32
      %parallel_loop3A_1357 = vector.broadcast %parallel_loop3A_1356 : f32 to vector<16xf32>
      %parallel_loop3A_1358 = arith.select %parallel_loop3A_1352, %parallel_loop3A_1355, %parallel_loop3A_1357 : vector<16xi1>, vector<16xf32>
      tpu.vector_store_idx %arg5[%parallel_loop3A_292], %parallel_loop3A_1358 : memref<8192xf32, #tpu.memory_space<vmem>>[vector<16xi32>], vector<16xf32>,
      %parallel_loop3A_1359 = arith.cmpf oge, %parallel_loop3A_501, %parallel_loop3A_1052 : vector<16xf32>
      %parallel_loop3A_1360 = arith.subf %parallel_loop3A_501, %parallel_loop3A_1045 : vector<16xf32>
      %parallel_loop3A_1361 = math.exp %parallel_loop3A_1360 : vector<16xf32>
      %parallel_loop3A_1362 = arith.mulf %parallel_loop3A_1361, %parallel_loop3A_1078 : vector<16xf32>
      %parallel_loop3A_1363 = arith.constant 0.000000e+00 : f32
      %parallel_loop3A_1364 = vector.broadcast %parallel_loop3A_1363 : f32 to vector<16xf32>
      %parallel_loop3A_1365 = arith.select %parallel_loop3A_1359, %parallel_loop3A_1362, %parallel_loop3A_1364 : vector<16xi1>, vector<16xf32>
      tpu.vector_store_idx %arg5[%parallel_loop3A_299], %parallel_loop3A_1365 : memref<8192xf32, #tpu.memory_space<vmem>>[vector<16xi32>], vector<16xf32>,
      %parallel_loop3A_1366 = arith.cmpf oge, %parallel_loop3A_502, %parallel_loop3A_1052 : vector<16xf32>
      %parallel_loop3A_1367 = arith.subf %parallel_loop3A_502, %parallel_loop3A_1045 : vector<16xf32>
      %parallel_loop3A_1368 = math.exp %parallel_loop3A_1367 : vector<16xf32>
      %parallel_loop3A_1369 = arith.mulf %parallel_loop3A_1368, %parallel_loop3A_1078 : vector<16xf32>
      %parallel_loop3A_1370 = arith.constant 0.000000e+00 : f32
      %parallel_loop3A_1371 = vector.broadcast %parallel_loop3A_1370 : f32 to vector<16xf32>
      %parallel_loop3A_1372 = arith.select %parallel_loop3A_1366, %parallel_loop3A_1369, %parallel_loop3A_1371 : vector<16xi1>, vector<16xf32>
      tpu.vector_store_idx %arg5[%parallel_loop3A_306], %parallel_loop3A_1372 : memref<8192xf32, #tpu.memory_space<vmem>>[vector<16xi32>], vector<16xf32>,
      %parallel_loop3A_1373 = arith.cmpf oge, %parallel_loop3A_503, %parallel_loop3A_1052 : vector<16xf32>
      %parallel_loop3A_1374 = arith.subf %parallel_loop3A_503, %parallel_loop3A_1045 : vector<16xf32>
      %parallel_loop3A_1375 = math.exp %parallel_loop3A_1374 : vector<16xf32>
      %parallel_loop3A_1376 = arith.mulf %parallel_loop3A_1375, %parallel_loop3A_1078 : vector<16xf32>
      %parallel_loop3A_1377 = arith.constant 0.000000e+00 : f32
      %parallel_loop3A_1378 = vector.broadcast %parallel_loop3A_1377 : f32 to vector<16xf32>
      %parallel_loop3A_1379 = arith.select %parallel_loop3A_1373, %parallel_loop3A_1376, %parallel_loop3A_1378 : vector<16xi1>, vector<16xf32>
      tpu.vector_store_idx %arg5[%parallel_loop3A_313], %parallel_loop3A_1379 : memref<8192xf32, #tpu.memory_space<vmem>>[vector<16xi32>], vector<16xf32>,
      %parallel_loop3A_1380 = arith.cmpf oge, %parallel_loop3A_504, %parallel_loop3A_1052 : vector<16xf32>
      %parallel_loop3A_1381 = arith.subf %parallel_loop3A_504, %parallel_loop3A_1045 : vector<16xf32>
      %parallel_loop3A_1382 = math.exp %parallel_loop3A_1381 : vector<16xf32>
      %parallel_loop3A_1383 = arith.mulf %parallel_loop3A_1382, %parallel_loop3A_1078 : vector<16xf32>
      %parallel_loop3A_1384 = arith.constant 0.000000e+00 : f32
      %parallel_loop3A_1385 = vector.broadcast %parallel_loop3A_1384 : f32 to vector<16xf32>
      %parallel_loop3A_1386 = arith.select %parallel_loop3A_1380, %parallel_loop3A_1383, %parallel_loop3A_1385 : vector<16xi1>, vector<16xf32>
      tpu.vector_store_idx %arg5[%parallel_loop3A_320], %parallel_loop3A_1386 : memref<8192xf32, #tpu.memory_space<vmem>>[vector<16xi32>], vector<16xf32>,
      %parallel_loop3A_1387 = arith.cmpf oge, %parallel_loop3A_505, %parallel_loop3A_1052 : vector<16xf32>
      %parallel_loop3A_1388 = arith.subf %parallel_loop3A_505, %parallel_loop3A_1045 : vector<16xf32>
      %parallel_loop3A_1389 = math.exp %parallel_loop3A_1388 : vector<16xf32>
      %parallel_loop3A_1390 = arith.mulf %parallel_loop3A_1389, %parallel_loop3A_1078 : vector<16xf32>
      %parallel_loop3A_1391 = arith.constant 0.000000e+00 : f32
      %parallel_loop3A_1392 = vector.broadcast %parallel_loop3A_1391 : f32 to vector<16xf32>
      %parallel_loop3A_1393 = arith.select %parallel_loop3A_1387, %parallel_loop3A_1390, %parallel_loop3A_1392 : vector<16xi1>, vector<16xf32>
      tpu.vector_store_idx %arg5[%parallel_loop3A_327], %parallel_loop3A_1393 : memref<8192xf32, #tpu.memory_space<vmem>>[vector<16xi32>], vector<16xf32>,
      %parallel_loop3A_1394 = arith.cmpf oge, %parallel_loop3A_506, %parallel_loop3A_1052 : vector<16xf32>
      %parallel_loop3A_1395 = arith.subf %parallel_loop3A_506, %parallel_loop3A_1045 : vector<16xf32>
      %parallel_loop3A_1396 = math.exp %parallel_loop3A_1395 : vector<16xf32>
      %parallel_loop3A_1397 = arith.mulf %parallel_loop3A_1396, %parallel_loop3A_1078 : vector<16xf32>
      %parallel_loop3A_1398 = arith.constant 0.000000e+00 : f32
      %parallel_loop3A_1399 = vector.broadcast %parallel_loop3A_1398 : f32 to vector<16xf32>
      %parallel_loop3A_1400 = arith.select %parallel_loop3A_1394, %parallel_loop3A_1397, %parallel_loop3A_1399 : vector<16xi1>, vector<16xf32>
      tpu.vector_store_idx %arg5[%parallel_loop3A_334], %parallel_loop3A_1400 : memref<8192xf32, #tpu.memory_space<vmem>>[vector<16xi32>], vector<16xf32>,
      %parallel_loop3A_1401 = arith.cmpf oge, %parallel_loop3A_507, %parallel_loop3A_1052 : vector<16xf32>
      %parallel_loop3A_1402 = arith.subf %parallel_loop3A_507, %parallel_loop3A_1045 : vector<16xf32>
      %parallel_loop3A_1403 = math.exp %parallel_loop3A_1402 : vector<16xf32>
      %parallel_loop3A_1404 = arith.mulf %parallel_loop3A_1403, %parallel_loop3A_1078 : vector<16xf32>
      %parallel_loop3A_1405 = arith.constant 0.000000e+00 : f32
      %parallel_loop3A_1406 = vector.broadcast %parallel_loop3A_1405 : f32 to vector<16xf32>
      %parallel_loop3A_1407 = arith.select %parallel_loop3A_1401, %parallel_loop3A_1404, %parallel_loop3A_1406 : vector<16xi1>, vector<16xf32>
      tpu.vector_store_idx %arg5[%parallel_loop3A_341], %parallel_loop3A_1407 : memref<8192xf32, #tpu.memory_space<vmem>>[vector<16xi32>], vector<16xf32>,
      %parallel_loop3A_1408 = arith.cmpf oge, %parallel_loop3A_508, %parallel_loop3A_1052 : vector<16xf32>
      %parallel_loop3A_1409 = arith.subf %parallel_loop3A_508, %parallel_loop3A_1045 : vector<16xf32>
      %parallel_loop3A_1410 = math.exp %parallel_loop3A_1409 : vector<16xf32>
      %parallel_loop3A_1411 = arith.mulf %parallel_loop3A_1410, %parallel_loop3A_1078 : vector<16xf32>
      %parallel_loop3A_1412 = arith.constant 0.000000e+00 : f32
      %parallel_loop3A_1413 = vector.broadcast %parallel_loop3A_1412 : f32 to vector<16xf32>
      %parallel_loop3A_1414 = arith.select %parallel_loop3A_1408, %parallel_loop3A_1411, %parallel_loop3A_1413 : vector<16xi1>, vector<16xf32>
      tpu.vector_store_idx %arg5[%parallel_loop3A_348], %parallel_loop3A_1414 : memref<8192xf32, #tpu.memory_space<vmem>>[vector<16xi32>], vector<16xf32>,
      %parallel_loop3A_1415 = arith.cmpf oge, %parallel_loop3A_509, %parallel_loop3A_1052 : vector<16xf32>
      %parallel_loop3A_1416 = arith.subf %parallel_loop3A_509, %parallel_loop3A_1045 : vector<16xf32>
      %parallel_loop3A_1417 = math.exp %parallel_loop3A_1416 : vector<16xf32>
      %parallel_loop3A_1418 = arith.mulf %parallel_loop3A_1417, %parallel_loop3A_1078 : vector<16xf32>
      %parallel_loop3A_1419 = arith.constant 0.000000e+00 : f32
      %parallel_loop3A_1420 = vector.broadcast %parallel_loop3A_1419 : f32 to vector<16xf32>
      %parallel_loop3A_1421 = arith.select %parallel_loop3A_1415, %parallel_loop3A_1418, %parallel_loop3A_1420 : vector<16xi1>, vector<16xf32>
      tpu.vector_store_idx %arg5[%parallel_loop3A_355], %parallel_loop3A_1421 : memref<8192xf32, #tpu.memory_space<vmem>>[vector<16xi32>], vector<16xf32>,
      %parallel_loop3A_1422 = arith.cmpf oge, %parallel_loop3A_510, %parallel_loop3A_1052 : vector<16xf32>
      %parallel_loop3A_1423 = arith.subf %parallel_loop3A_510, %parallel_loop3A_1045 : vector<16xf32>
      %parallel_loop3A_1424 = math.exp %parallel_loop3A_1423 : vector<16xf32>
      %parallel_loop3A_1425 = arith.mulf %parallel_loop3A_1424, %parallel_loop3A_1078 : vector<16xf32>
      %parallel_loop3A_1426 = arith.constant 0.000000e+00 : f32
      %parallel_loop3A_1427 = vector.broadcast %parallel_loop3A_1426 : f32 to vector<16xf32>
      %parallel_loop3A_1428 = arith.select %parallel_loop3A_1422, %parallel_loop3A_1425, %parallel_loop3A_1427 : vector<16xi1>, vector<16xf32>
      tpu.vector_store_idx %arg5[%parallel_loop3A_362], %parallel_loop3A_1428 : memref<8192xf32, #tpu.memory_space<vmem>>[vector<16xi32>], vector<16xf32>,
      %parallel_loop3A_1429 = arith.cmpf oge, %parallel_loop3A_511, %parallel_loop3A_1052 : vector<16xf32>
      %parallel_loop3A_1430 = arith.subf %parallel_loop3A_511, %parallel_loop3A_1045 : vector<16xf32>
      %parallel_loop3A_1431 = math.exp %parallel_loop3A_1430 : vector<16xf32>
      %parallel_loop3A_1432 = arith.mulf %parallel_loop3A_1431, %parallel_loop3A_1078 : vector<16xf32>
      %parallel_loop3A_1433 = arith.constant 0.000000e+00 : f32
      %parallel_loop3A_1434 = vector.broadcast %parallel_loop3A_1433 : f32 to vector<16xf32>
      %parallel_loop3A_1435 = arith.select %parallel_loop3A_1429, %parallel_loop3A_1432, %parallel_loop3A_1434 : vector<16xi1>, vector<16xf32>
      tpu.vector_store_idx %arg5[%parallel_loop3A_369], %parallel_loop3A_1435 : memref<8192xf32, #tpu.memory_space<vmem>>[vector<16xi32>], vector<16xf32>,
      %parallel_loop3A_1436 = arith.cmpf oge, %parallel_loop3A_512, %parallel_loop3A_1052 : vector<16xf32>
      %parallel_loop3A_1437 = arith.subf %parallel_loop3A_512, %parallel_loop3A_1045 : vector<16xf32>
      %parallel_loop3A_1438 = math.exp %parallel_loop3A_1437 : vector<16xf32>
      %parallel_loop3A_1439 = arith.mulf %parallel_loop3A_1438, %parallel_loop3A_1078 : vector<16xf32>
      %parallel_loop3A_1440 = arith.constant 0.000000e+00 : f32
      %parallel_loop3A_1441 = vector.broadcast %parallel_loop3A_1440 : f32 to vector<16xf32>
      %parallel_loop3A_1442 = arith.select %parallel_loop3A_1436, %parallel_loop3A_1439, %parallel_loop3A_1441 : vector<16xi1>, vector<16xf32>
      tpu.vector_store_idx %arg5[%parallel_loop3A_376], %parallel_loop3A_1442 : memref<8192xf32, #tpu.memory_space<vmem>>[vector<16xi32>], vector<16xf32>,
      %parallel_loop3A_1443 = arith.cmpf oge, %parallel_loop3A_513, %parallel_loop3A_1052 : vector<16xf32>
      %parallel_loop3A_1444 = arith.subf %parallel_loop3A_513, %parallel_loop3A_1045 : vector<16xf32>
      %parallel_loop3A_1445 = math.exp %parallel_loop3A_1444 : vector<16xf32>
      %parallel_loop3A_1446 = arith.mulf %parallel_loop3A_1445, %parallel_loop3A_1078 : vector<16xf32>
      %parallel_loop3A_1447 = arith.constant 0.000000e+00 : f32
      %parallel_loop3A_1448 = vector.broadcast %parallel_loop3A_1447 : f32 to vector<16xf32>
      %parallel_loop3A_1449 = arith.select %parallel_loop3A_1443, %parallel_loop3A_1446, %parallel_loop3A_1448 : vector<16xi1>, vector<16xf32>
      tpu.vector_store_idx %arg5[%parallel_loop3A_383], %parallel_loop3A_1449 : memref<8192xf32, #tpu.memory_space<vmem>>[vector<16xi32>], vector<16xf32>,
      %parallel_loop3A_1450 = arith.cmpf oge, %parallel_loop3A_514, %parallel_loop3A_1052 : vector<16xf32>
      %parallel_loop3A_1451 = arith.subf %parallel_loop3A_514, %parallel_loop3A_1045 : vector<16xf32>
      %parallel_loop3A_1452 = math.exp %parallel_loop3A_1451 : vector<16xf32>
      %parallel_loop3A_1453 = arith.mulf %parallel_loop3A_1452, %parallel_loop3A_1078 : vector<16xf32>
      %parallel_loop3A_1454 = arith.constant 0.000000e+00 : f32
      %parallel_loop3A_1455 = vector.broadcast %parallel_loop3A_1454 : f32 to vector<16xf32>
      %parallel_loop3A_1456 = arith.select %parallel_loop3A_1450, %parallel_loop3A_1453, %parallel_loop3A_1455 : vector<16xi1>, vector<16xf32>
      tpu.vector_store_idx %arg5[%parallel_loop3A_390], %parallel_loop3A_1456 : memref<8192xf32, #tpu.memory_space<vmem>>[vector<16xi32>], vector<16xf32>,
      %parallel_loop3A_1457 = arith.cmpf oge, %parallel_loop3A_515, %parallel_loop3A_1052 : vector<16xf32>
      %parallel_loop3A_1458 = arith.subf %parallel_loop3A_515, %parallel_loop3A_1045 : vector<16xf32>
      %parallel_loop3A_1459 = math.exp %parallel_loop3A_1458 : vector<16xf32>
      %parallel_loop3A_1460 = arith.mulf %parallel_loop3A_1459, %parallel_loop3A_1078 : vector<16xf32>
      %parallel_loop3A_1461 = arith.constant 0.000000e+00 : f32
      %parallel_loop3A_1462 = vector.broadcast %parallel_loop3A_1461 : f32 to vector<16xf32>
      %parallel_loop3A_1463 = arith.select %parallel_loop3A_1457, %parallel_loop3A_1460, %parallel_loop3A_1462 : vector<16xi1>, vector<16xf32>
      tpu.vector_store_idx %arg5[%parallel_loop3A_397], %parallel_loop3A_1463 : memref<8192xf32, #tpu.memory_space<vmem>>[vector<16xi32>], vector<16xf32>,
      %parallel_loop3A_1464 = arith.cmpf oge, %parallel_loop3A_516, %parallel_loop3A_1052 : vector<16xf32>
      %parallel_loop3A_1465 = arith.subf %parallel_loop3A_516, %parallel_loop3A_1045 : vector<16xf32>
      %parallel_loop3A_1466 = math.exp %parallel_loop3A_1465 : vector<16xf32>
      %parallel_loop3A_1467 = arith.mulf %parallel_loop3A_1466, %parallel_loop3A_1078 : vector<16xf32>
      %parallel_loop3A_1468 = arith.constant 0.000000e+00 : f32
      %parallel_loop3A_1469 = vector.broadcast %parallel_loop3A_1468 : f32 to vector<16xf32>
      %parallel_loop3A_1470 = arith.select %parallel_loop3A_1464, %parallel_loop3A_1467, %parallel_loop3A_1469 : vector<16xi1>, vector<16xf32>
      tpu.vector_store_idx %arg5[%parallel_loop3A_404], %parallel_loop3A_1470 : memref<8192xf32, #tpu.memory_space<vmem>>[vector<16xi32>], vector<16xf32>,
      %parallel_loop3A_1471 = arith.cmpf oge, %parallel_loop3A_517, %parallel_loop3A_1052 : vector<16xf32>
      %parallel_loop3A_1472 = arith.subf %parallel_loop3A_517, %parallel_loop3A_1045 : vector<16xf32>
      %parallel_loop3A_1473 = math.exp %parallel_loop3A_1472 : vector<16xf32>
      %parallel_loop3A_1474 = arith.mulf %parallel_loop3A_1473, %parallel_loop3A_1078 : vector<16xf32>
      %parallel_loop3A_1475 = arith.constant 0.000000e+00 : f32
      %parallel_loop3A_1476 = vector.broadcast %parallel_loop3A_1475 : f32 to vector<16xf32>
      %parallel_loop3A_1477 = arith.select %parallel_loop3A_1471, %parallel_loop3A_1474, %parallel_loop3A_1476 : vector<16xi1>, vector<16xf32>
      tpu.vector_store_idx %arg5[%parallel_loop3A_411], %parallel_loop3A_1477 : memref<8192xf32, #tpu.memory_space<vmem>>[vector<16xi32>], vector<16xf32>,
      %parallel_loop3A_1478 = arith.cmpf oge, %parallel_loop3A_518, %parallel_loop3A_1052 : vector<16xf32>
      %parallel_loop3A_1479 = arith.subf %parallel_loop3A_518, %parallel_loop3A_1045 : vector<16xf32>
      %parallel_loop3A_1480 = math.exp %parallel_loop3A_1479 : vector<16xf32>
      %parallel_loop3A_1481 = arith.mulf %parallel_loop3A_1480, %parallel_loop3A_1078 : vector<16xf32>
      %parallel_loop3A_1482 = arith.constant 0.000000e+00 : f32
      %parallel_loop3A_1483 = vector.broadcast %parallel_loop3A_1482 : f32 to vector<16xf32>
      %parallel_loop3A_1484 = arith.select %parallel_loop3A_1478, %parallel_loop3A_1481, %parallel_loop3A_1483 : vector<16xi1>, vector<16xf32>
      tpu.vector_store_idx %arg5[%parallel_loop3A_418], %parallel_loop3A_1484 : memref<8192xf32, #tpu.memory_space<vmem>>[vector<16xi32>], vector<16xf32>,
      %parallel_loop3A_1485 = arith.cmpf oge, %parallel_loop3A_519, %parallel_loop3A_1052 : vector<16xf32>
      %parallel_loop3A_1486 = arith.subf %parallel_loop3A_519, %parallel_loop3A_1045 : vector<16xf32>
      %parallel_loop3A_1487 = math.exp %parallel_loop3A_1486 : vector<16xf32>
      %parallel_loop3A_1488 = arith.mulf %parallel_loop3A_1487, %parallel_loop3A_1078 : vector<16xf32>
      %parallel_loop3A_1489 = arith.constant 0.000000e+00 : f32
      %parallel_loop3A_1490 = vector.broadcast %parallel_loop3A_1489 : f32 to vector<16xf32>
      %parallel_loop3A_1491 = arith.select %parallel_loop3A_1485, %parallel_loop3A_1488, %parallel_loop3A_1490 : vector<16xi1>, vector<16xf32>
      tpu.vector_store_idx %arg5[%parallel_loop3A_425], %parallel_loop3A_1491 : memref<8192xf32, #tpu.memory_space<vmem>>[vector<16xi32>], vector<16xf32>,
      %parallel_loop3A_1492 = arith.cmpf oge, %parallel_loop3A_520, %parallel_loop3A_1052 : vector<16xf32>
      %parallel_loop3A_1493 = arith.subf %parallel_loop3A_520, %parallel_loop3A_1045 : vector<16xf32>
      %parallel_loop3A_1494 = math.exp %parallel_loop3A_1493 : vector<16xf32>
      %parallel_loop3A_1495 = arith.mulf %parallel_loop3A_1494, %parallel_loop3A_1078 : vector<16xf32>
      %parallel_loop3A_1496 = arith.constant 0.000000e+00 : f32
      %parallel_loop3A_1497 = vector.broadcast %parallel_loop3A_1496 : f32 to vector<16xf32>
      %parallel_loop3A_1498 = arith.select %parallel_loop3A_1492, %parallel_loop3A_1495, %parallel_loop3A_1497 : vector<16xi1>, vector<16xf32>
      tpu.vector_store_idx %arg5[%parallel_loop3A_432], %parallel_loop3A_1498 : memref<8192xf32, #tpu.memory_space<vmem>>[vector<16xi32>], vector<16xf32>,
      %parallel_loop3A_1499 = arith.cmpf oge, %parallel_loop3A_521, %parallel_loop3A_1052 : vector<16xf32>
      %parallel_loop3A_1500 = arith.subf %parallel_loop3A_521, %parallel_loop3A_1045 : vector<16xf32>
      %parallel_loop3A_1501 = math.exp %parallel_loop3A_1500 : vector<16xf32>
      %parallel_loop3A_1502 = arith.mulf %parallel_loop3A_1501, %parallel_loop3A_1078 : vector<16xf32>
      %parallel_loop3A_1503 = arith.constant 0.000000e+00 : f32
      %parallel_loop3A_1504 = vector.broadcast %parallel_loop3A_1503 : f32 to vector<16xf32>
      %parallel_loop3A_1505 = arith.select %parallel_loop3A_1499, %parallel_loop3A_1502, %parallel_loop3A_1504 : vector<16xi1>, vector<16xf32>
      tpu.vector_store_idx %arg5[%parallel_loop3A_439], %parallel_loop3A_1505 : memref<8192xf32, #tpu.memory_space<vmem>>[vector<16xi32>], vector<16xf32>,
      %parallel_loop3A_1506 = arith.cmpf oge, %parallel_loop3A_522, %parallel_loop3A_1052 : vector<16xf32>
      %parallel_loop3A_1507 = arith.subf %parallel_loop3A_522, %parallel_loop3A_1045 : vector<16xf32>
      %parallel_loop3A_1508 = math.exp %parallel_loop3A_1507 : vector<16xf32>
      %parallel_loop3A_1509 = arith.mulf %parallel_loop3A_1508, %parallel_loop3A_1078 : vector<16xf32>
      %parallel_loop3A_1510 = arith.constant 0.000000e+00 : f32
      %parallel_loop3A_1511 = vector.broadcast %parallel_loop3A_1510 : f32 to vector<16xf32>
      %parallel_loop3A_1512 = arith.select %parallel_loop3A_1506, %parallel_loop3A_1509, %parallel_loop3A_1511 : vector<16xi1>, vector<16xf32>
      tpu.vector_store_idx %arg5[%parallel_loop3A_446], %parallel_loop3A_1512 : memref<8192xf32, #tpu.memory_space<vmem>>[vector<16xi32>], vector<16xf32>,
      %parallel_loop3A_1513 = arith.cmpf oge, %parallel_loop3A_523, %parallel_loop3A_1052 : vector<16xf32>
      %parallel_loop3A_1514 = arith.subf %parallel_loop3A_523, %parallel_loop3A_1045 : vector<16xf32>
      %parallel_loop3A_1515 = math.exp %parallel_loop3A_1514 : vector<16xf32>
      %parallel_loop3A_1516 = arith.mulf %parallel_loop3A_1515, %parallel_loop3A_1078 : vector<16xf32>
      %parallel_loop3A_1517 = arith.constant 0.000000e+00 : f32
      %parallel_loop3A_1518 = vector.broadcast %parallel_loop3A_1517 : f32 to vector<16xf32>
      %parallel_loop3A_1519 = arith.select %parallel_loop3A_1513, %parallel_loop3A_1516, %parallel_loop3A_1518 : vector<16xi1>, vector<16xf32>
      tpu.vector_store_idx %arg5[%parallel_loop3A_453], %parallel_loop3A_1519 : memref<8192xf32, #tpu.memory_space<vmem>>[vector<16xi32>], vector<16xf32>,
      %parallel_loop3A_1520 = arith.cmpf oge, %parallel_loop3A_524, %parallel_loop3A_1052 : vector<16xf32>
      %parallel_loop3A_1521 = arith.subf %parallel_loop3A_524, %parallel_loop3A_1045 : vector<16xf32>
      %parallel_loop3A_1522 = math.exp %parallel_loop3A_1521 : vector<16xf32>
      %parallel_loop3A_1523 = arith.mulf %parallel_loop3A_1522, %parallel_loop3A_1078 : vector<16xf32>
      %parallel_loop3A_1524 = arith.constant 0.000000e+00 : f32
      %parallel_loop3A_1525 = vector.broadcast %parallel_loop3A_1524 : f32 to vector<16xf32>
      %parallel_loop3A_1526 = arith.select %parallel_loop3A_1520, %parallel_loop3A_1523, %parallel_loop3A_1525 : vector<16xi1>, vector<16xf32>
      tpu.vector_store_idx %arg5[%parallel_loop3A_460], %parallel_loop3A_1526 : memref<8192xf32, #tpu.memory_space<vmem>>[vector<16xi32>], vector<16xf32>,
    } {sc.loop_unroll_factor = 1 : i64, sc.parallel_access}
    "tpu.region"() ({
      %run_scoped3A = tpu.sem_alloc : memref<!tpu.dma_semaphore, #tpu.memory_space<semaphore_mem>>
      %dma_start3A = tpu.memref_slice %arg3[%mul3A_2] : memref<262144xf32, #tpu.memory_space<hbm>> -> memref<8192xf32, #tpu.memory_space<hbm>>
      %dma_start3A_5 = tpu.memref_slice %arg3[%mul3A_2] : memref<262144xf32, #tpu.memory_space<hbm>> -> memref<8192xf32, #tpu.memory_space<hbm>>
      tpu.enqueue_dma source(%arg5 : memref<8192xf32, #tpu.memory_space<vmem>>) target(%dma_start3A_5 : memref<8192xf32, #tpu.memory_space<hbm>>) target_semaphore(%run_scoped3A : memref<!tpu.dma_semaphore, #tpu.memory_space<semaphore_mem>>)
      %dma_wait3A = tpu.memref_slice %arg3[%mul3A_2] : memref<262144xf32, #tpu.memory_space<hbm>> -> memref<8192xf32, #tpu.memory_space<hbm>>
      %dma_wait3A_6 = tpu.memref_slice %arg3[%mul3A_2] : memref<262144xf32, #tpu.memory_space<hbm>> -> memref<8192xf32, #tpu.memory_space<hbm>>
      tpu.wait_dma2 semaphore(%run_scoped3A : memref<!tpu.dma_semaphore, #tpu.memory_space<semaphore_mem>>) src(%arg5 : memref<8192xf32, #tpu.memory_space<vmem>>) dst(%dma_wait3A_6 : memref<8192xf32, #tpu.memory_space<hbm>>)
      tpu.yield
    }) : () -> ()
    return
  }
}

module attributes {stable_mosaic.version = 14 : i64} {
  func.func @_matmul_body(%arg0: i32, %arg1: memref<512x4096xf32, #tpu.memory_space<vmem>>, %arg2: memref<4096x64xf32, #tpu.memory_space<vmem>>, %arg3: memref<512x64xf32, #tpu.memory_space<vmem>>) attributes {dimension_semantics = [#tpu.dimension_semantics<parallel>], iteration_bounds = array<i64: 8>, scalar_prefetch = 0 : i64, scratch_operands = 0 : i64, tpu.core_type = #tpu.core_type<tc>, window_params = [{transform_indices = @transform_0, window_bounds = array<i64: 512, 4096>}, {pipeline_mode = #tpu.pipeline_mode<synchronous>, transform_indices = @transform_1, window_bounds = array<i64: 4096, 64>}, {transform_indices = @transform_2, window_bounds = array<i64: 512, 64>}]} {
    %get3A = arith.constant 0 : index
    %get3A_0 = arith.constant 0 : index
    %get3A_1 = vector.load %arg1[%get3A, %get3A_0] : memref<512x4096xf32, #tpu.memory_space<vmem>>, vector<512x4096xf32>
    %get3A_2 = arith.constant 0 : index
    %get3A_3 = arith.constant 0 : index
    %get3A_4 = vector.load %arg2[%get3A_2, %get3A_3] : memref<4096x64xf32, #tpu.memory_space<vmem>>, vector<4096x64xf32>
    %dot_general3A = arith.constant dense<0.000000e+00> : vector<512x64xf32>
    %dot_general3A_5 = tpu.matmul %get3A_1, %get3A_4, %dot_general3A {dimension_numbers = #tpu.dot_dimension_numbers<[1], [0], [0], [1], [0, 0, 1, 1], [], []>, transpose_lhs_hint = false} : vector<512x4096xf32>, vector<4096x64xf32>, vector<512x64xf32> -> vector<512x64xf32>
    %swap3A = arith.constant 0 : index
    %swap3A_6 = arith.constant 0 : index
    %swap3A_7 = vector.load %arg3[%swap3A, %swap3A_6] : memref<512x64xf32, #tpu.memory_space<vmem>>, vector<512x64xf32>
    tpu.vector_store %arg3[%swap3A, %swap3A_6], %dot_general3A_5 {strides = array<i32>} : memref<512x64xf32, #tpu.memory_space<vmem>>, vector<512x64xf32>,
    return
  }
  func.func @transform_0(%arg0: i32) -> (i32, i32) {
    %add3A = arith.constant 8 : i32
    %add3A_0 = arith.addi %arg0, %add3A : i32
    %c0_i32 = arith.constant 0 : i32
    %c0_i32_1 = arith.constant 0 : i32
    return %add3A_0, %c0_i32 : i32, i32
  }
  func.func @transform_1(%arg0: i32) -> (i32, i32) {
    %c0_i32 = arith.constant 0 : i32
    %c0_i32_0 = arith.constant 0 : i32
    %c0_i32_1 = arith.constant 0 : i32
    return %c0_i32, %c0_i32_0 : i32, i32
  }
  func.func @transform_2(%arg0: i32) -> (i32, i32) {
    %c0_i32 = arith.constant 0 : i32
    %c0_i32_0 = arith.constant 0 : i32
    return %arg0, %c0_i32 : i32, i32
  }
}

module attributes {stable_mosaic.version = 14 : i64} {
  func.func @_matmul_body(%arg0: i32, %arg1: memref<512x4096xf32, #tpu.memory_space<vmem>>, %arg2: memref<4096x64xf32, #tpu.memory_space<vmem>>, %arg3: memref<512x64xf32, #tpu.memory_space<vmem>>) attributes {dimension_semantics = [#tpu.dimension_semantics<parallel>], iteration_bounds = array<i64: 8>, scalar_prefetch = 0 : i64, scratch_operands = 0 : i64, tpu.core_type = #tpu.core_type<tc>, window_params = [{transform_indices = @transform_0, window_bounds = array<i64: 512, 4096>}, {pipeline_mode = #tpu.pipeline_mode<synchronous>, transform_indices = @transform_1, window_bounds = array<i64: 4096, 64>}, {transform_indices = @transform_2, window_bounds = array<i64: 512, 64>}]} {
    %get3A = arith.constant 0 : index
    %get3A_0 = arith.constant 0 : index
    %get3A_1 = vector.load %arg1[%get3A, %get3A_0] : memref<512x4096xf32, #tpu.memory_space<vmem>>, vector<512x4096xf32>
    %get3A_2 = arith.constant 0 : index
    %get3A_3 = arith.constant 0 : index
    %get3A_4 = vector.load %arg2[%get3A_2, %get3A_3] : memref<4096x64xf32, #tpu.memory_space<vmem>>, vector<4096x64xf32>
    %dot_general3A = arith.constant dense<0.000000e+00> : vector<512x64xf32>
    %dot_general3A_5 = tpu.matmul %get3A_1, %get3A_4, %dot_general3A {dimension_numbers = #tpu.dot_dimension_numbers<[1], [0], [0], [1], [0, 0, 1, 1], [], []>, transpose_lhs_hint = false} : vector<512x4096xf32>, vector<4096x64xf32>, vector<512x64xf32> -> vector<512x64xf32>
    %swap3A = arith.constant 0 : index
    %swap3A_6 = arith.constant 0 : index
    %swap3A_7 = vector.load %arg3[%swap3A, %swap3A_6] : memref<512x64xf32, #tpu.memory_space<vmem>>, vector<512x64xf32>
    tpu.vector_store %arg3[%swap3A, %swap3A_6], %dot_general3A_5 {strides = array<i32>} : memref<512x64xf32, #tpu.memory_space<vmem>>, vector<512x64xf32>,
    return
  }
  func.func @transform_0(%arg0: i32) -> (i32, i32) {
    %add3A = arith.constant 0 : i32
    %add3A_0 = arith.addi %arg0, %add3A : i32
    %c0_i32 = arith.constant 0 : i32
    %c0_i32_1 = arith.constant 0 : i32
    return %add3A_0, %c0_i32 : i32, i32
  }
  func.func @transform_1(%arg0: i32) -> (i32, i32) {
    %c0_i32 = arith.constant 0 : i32
    %c0_i32_0 = arith.constant 0 : i32
    %c0_i32_1 = arith.constant 0 : i32
    return %c0_i32, %c0_i32_0 : i32, i32
  }
  func.func @transform_2(%arg0: i32) -> (i32, i32) {
    %c0_i32 = arith.constant 0 : i32
    %c0_i32_0 = arith.constant 0 : i32
    return %arg0, %c0_i32 : i32, i32
  }
}

</mosaic_0001>

<sc_bundles>
// kernel: kernel.6.cloned.1.call-start
scs
__scs_entry_jumppad:
0x0: {  	(pc) =	sbr.rel $0x88, $3  }
0x1: {  	(tag) =	ssettag $0x0;
	lr =	simm.s32 $0x1  }
0x2: {  	[smem:$0x3F9F] =	sst lr;
	_ =	strace $0xD0000000  }
0x3: {  	_ = 	snop  }
0x4: {  	_ = 	snop  }
0x5: {  	_ = 	snop  }
0x6: {  	_ = 	snop  }
0x7: {  	_ = 	snop  }
__scs_overlays_trampoline_lowered:
0x8: {  	[smem:$0x3FAE] =	sst s0  }
0x9: {  	[smem:$0x3FAF] =	sst s1  }
0xa: {  	[smem:$0x3FB0] =	sst s2  }
0xb: {  	[smem:$0x3FB1] =	sst s3  }
0xc: {  	[smem:$0x3FB2] =	sst s4  }
0xd: {  	[smem:$0x3FB3] =	sst s5  }
0xe: {  	[smem:$0x3FB4] =	sst s6  }
0xf: {  	[smem:$0x3FB5] =	sst s7  }
0x10: {  	[smem:$0x3FB6] =	sst s8  }
0x11: {  	[smem:$0x3FB7] =	sst s9;
	s0 =	simm.s32 @!p0 $0x0  }
0x12: {  	s1 =	sld [smem:$0x3F9D];
	s0 =	simm.s32 @p0 $0x1  }
0x13: {  	[smem:$0x3FB8] =	sst s0;
	s0 =	simm.s32 @!p1 $0x0  }
0x14: {  	s2 =	sld [smem:$0x3F9C];
	s0 =	simm.s32 @p1 $0x1  }
0x15: {  	[smem:$0x3FB9] =	sst s0;
	s0 =	simm.s32 @!p2 $0x0  }
0x16: {  	s3 =	sld [smem:$0x3FDB];
	s0 =	simm.s32 @p2 $0x1  }
0x17: {  	s4 =	simm.s32 $0x1BF5;
	[smem:$0x3FBB] =	sst s0  }
0x18: {  	s0 =	sld [smem:$0x3F9E];
	_ =	swait.ge [sflag:s4], $0x0  }
0x19: {  	s7 =	sld [smem:$0x3F9F]  }
0x1a: {  	s8 =	sadd.s32 $0xFFFFE003, lr  }
0x1b: {  	s9 =	sadd.s32 $0xFFFFFEF7, lr;
	s5 =	simm.s32 $0xFFFFFFFF;
	p2 =	slt.u32 s8, $0xFFFFF086  }
0x1c: {  	p1 =	slt.u32 s9, $0xF7A;
	s5 =	simm.s32 @!p2 $0x0  }
0x1d: {  	s5 =	simm.s32 @p1 $0x1;
	p0 =	seq.s32 s7, s2  }
0x1e: {  	s7 =	smul.u32 @!p0 $0xF7A, s2;
	p2 =	seq.s32 @!p0 s5, $0x0  }
0x1f: {  	s9 =	smul.u32 $0xF7A, s1;
	s8 =	simm.s32 @!p0 $0x1BF5;
	p2 =	por !p2, p0  }
0x20: {  	[sflag:s8] =	ssyncset.s32 @!p0 $0xFFFFF086;
	s6 =	sadd.s32 @!p0 s3, s7;
	s7 =	simm.s32 @!p0 $0x108  }
0x21: {  	s3 =	sadd.s32 s3, s9;
	s6 =	sadd.s32 @!p0 $0x88, s6;
	s7 =	simm.s32 @p2 $0x1082  }
0x22: {  	[simem:s7], [sflag:s8] =	dma.local @!p0 [hbm:s6], $0xF7A  }
0x23: {  	s9 =	sor.u32 $0xD0000000, s2;
	s6 =	simm.s32 $0x108;
	_ =	swait.ge @!p0 [sflag:s8], $0x0  }
0x24: {  	s3 =	sadd.s32 $0x88, s3;
	s6 =	simm.s32 @!p1 $0x1082;
	[sflag:s4] =	ssyncset.s32 $0xFFFFF086  }
0x25: {  	[simem:s6], [sflag:s4] =	dma.local [hbm:s3], $0xF7A  }
0x26: {  	[smem:$0x3F9F] =	sst s1;
	(tag) =	ssettag s2;
	_ =	strace s9  }
0x27: {  	s1 =	sld [smem:$0x3FAF]  }
0x28: {  	s2 =	sld [smem:$0x3FB0]  }
0x29: {  	s4 =	sld [smem:$0x3FB2]  }
0x2a: {  	p0 =	seq.s32 s5, $0x0;
	s5 =	sld [smem:$0x3FB3]  }
0x2b: {  	s6 =	sld [smem:$0x3FB4]  }
0x2c: {  	s7 =	sld [smem:$0x3FB5]  }
0x2d: {  	s3 =	simm.s32 $0x108;
	s8 =	sld [smem:$0x3FB6]  }
0x2e: {  	s3 =	simm.s32 @!p0 $0x1082;
	s9 =	sld [smem:$0x3FB7]  }
0x2f: {  	lr =	sadd.s32 s0, s3;
	s0 =	sld [smem:$0x3FAE]  }
0x30: {  	s3 =	sld [smem:$0x3FB1]  }
0x31: {  	[smem:$0x3FBA] =	sst s10  }
0x32: {  	s10 =	sld [smem:$0x3FB8];
	_ =	sdelay $0x3  }
0x33: {  	p0 =	seq.s32 s10, $0x1;
	s10 =	sld [smem:$0x3FBA];
	_ =	sdelay $0x3  }
0x34: {  	[smem:$0x3FBA] =	sst s10  }
0x35: {  	s10 =	sld [smem:$0x3FB9];
	_ =	sdelay $0x3  }
0x36: {  	p1 =	seq.s32 s10, $0x1;
	s10 =	sld [smem:$0x3FBA];
	_ =	sdelay $0x3  }
0x37: {  	[smem:$0x3FBA] =	sst s10  }
0x38: {  	s10 =	sld [smem:$0x3FBB]  }
0x39: {  	_ = 	snop;
	(pc) =	sbr.ind lr, $3  }
0x3a: {  	_ = 	snop  }
0x3b: {  	_ = 	snop  }
0x3c: {  	p2 =	seq.s32 s10, $0x1;
	s10 =	sld [smem:$0x3FBA]  }
0x3d: {  	_ =	shalt  }
0x3e: {  	_ =	shalt  }
0x3f: {  	_ =	shalt  }
0x40: {  	_ =	shalt  }
0x41: {  	_ =	shalt  }
0x42: {  	_ =	shalt  }
0x43: {  	_ =	shalt  }
0x44: {  	_ =	shalt  }
0x45: {  	_ =	shalt  }
0x46: {  	_ =	shalt  }
0x47: {  	_ =	shalt  }
0x48: {  	_ =	shalt  }
0x49: {  	_ =	shalt  }
0x4a: {  	_ =	shalt  }
0x4b: {  	_ =	shalt  }
0x4c: {  	_ =	shalt  }
0x4d: {  	_ =	shalt  }
0x4e: {  	_ =	shalt  }
0x4f: {  	_ =	shalt  }
0x50: {  	_ =	shalt  }
0x51: {  	_ =	shalt  }
0x52: {  	_ =	shalt  }
0x53: {  	_ =	shalt  }
0x54: {  	_ =	shalt  }
0x55: {  	_ =	shalt  }
0x56: {  	_ =	shalt  }
0x57: {  	_ =	shalt  }
0x58: {  	_ =	shalt  }
0x59: {  	_ =	shalt  }
0x5a: {  	_ =	shalt  }
0x5b: {  	_ =	shalt  }
0x5c: {  	_ =	shalt  }
0x5d: {  	_ =	shalt  }
0x5e: {  	_ =	shalt  }
0x5f: {  	_ =	shalt  }
0x60: {  	_ =	shalt  }
0x61: {  	_ =	shalt  }
0x62: {  	_ =	shalt  }
0x63: {  	_ =	shalt  }
0x64: {  	_ =	shalt  }
0x65: {  	_ =	shalt  }
0x66: {  	_ =	shalt  }
0x67: {  	_ =	shalt  }
0x68: {  	_ =	shalt  }
0x69: {  	_ =	shalt  }
0x6a: {  	_ =	shalt  }
0x6b: {  	_ =	shalt  }
0x6c: {  	_ =	shalt  }
0x6d: {  	_ =	shalt  }
0x6e: {  	_ =	shalt  }
0x6f: {  	_ =	shalt  }
0x70: {  	_ =	shalt  }
0x71: {  	_ =	shalt  }
0x72: {  	_ =	shalt  }
0x73: {  	_ =	shalt  }
0x74: {  	_ =	shalt  }
0x75: {  	_ =	shalt  }
0x76: {  	_ =	shalt  }
0x77: {  	_ =	shalt  }
0x78: {  	_ =	shalt  }
0x79: {  	_ =	shalt  }
0x7a: {  	_ =	shalt  }
0x7b: {  	_ =	shalt  }
0x7c: {  	_ =	shalt  }
0x7d: {  	_ =	shalt  }
0x7e: {  	_ =	shalt  }
0x7f: {  	_ =	shalt  }
0x80: {  	_ =	shalt  }
0x81: {  	_ =	shalt  }
0x82: {  	_ =	shalt  }
0x83: {  	_ =	shalt  }
0x84: {  	_ =	shalt  }
0x85: {  	_ =	shalt  }
0x86: {  	_ =	shalt  }
0x87: {  	_ =	shalt  }
.Lfunc_end0:
.L_simem_size_0:
called_computation_lowered:
.L_overlay_start_0:
0x88: {  	s2 =	sld [smem:$0x3FD9]  }
0x89: {  	s3 =	sld [smem:$0x3FFE];
	_ =	sdelay $0x1  }
0x8a: {  	s1 =	srdreg.scid  }
0x8b: {  	s0 =	sand.u32 $0x1, s1  }
0x8c: {  	s16 =	sshll.u32 s0, $0xA;
	s2 =	sadd.s32 s3, s2  }
0x8d: {  	s2 =	sadd.s32 s2, s16  }
0x8e: {  	[smem:$0x3FC6] =	sst s2  }
0x8f: {  	_ = 	snop  }
0x90: {  	(tm) =	ssettm $0x1  }
0x91: {  	s17 =	sld [smem:$0x3FFB];
	_ =	sdelay $0x3  }
0x92: {  	_ =	strace s17  }
0x93: {  	s2 =	sld [smem:$0x3FFC];
	_ =	sdelay $0x3  }
0x94: {  	_ =	strace s2  }
0x95: {  	s2 =	sld [smem:$0x3FFD];
	_ =	sdelay $0x3  }
0x96: {  	_ =	strace s2  }
0x97: {  	_ =	strace $0x8FFFFFFF  }
0x98: {  	s18 =	sld [smem:$0x3FDB];
	_ =	sdelay $0x1  }
0x99: {  	s19 =	simm.s32 $_scs_section_size  }
0x9a: {  	s4 =	simm.s32 $_size__tile_overlayer_lowered;
	s5 =	simm.s32 $_tile_overlayer_lowered  }
0x9b: {  	s22 =	simm.s32 $0x1BFF;
	s21 =	sshll.u32 s5, $0x1;
	s2 =	sadd.s32 s19, s18  }
0x9c: {  	s6 =	simm.s32 $0x0;
	s20 =	sshll.u32 s4, $0x1;
	s4 =	sadd.s32 s21, s2  }
0x9d: {  	[timem:s6], [sflag:s22] =	dma.local [hbm:s4], s20  }
0x9e: {  	_ =	swait.ge [sflag:s22], s20  }
0x9f: {  	s3 =	ssub.s32 $0x0, s20;
	[sflag:s22] =	ssyncset.done $0x0  }
0xa0: {  	[sflag:s22] =	ssyncadd.s32 s3;
	_ =	sdelay $0x1  }
0xa1: {  	s23 =	simm.s32 $0x1B8B  }
0xa2: {  	_ =	swait.ge [sflag:s23], $0x1  }
0xa3: {  	[sflag:s23] =	ssyncset.done $0x0  }
0xa4: {  	s25 =	simm.s32 $0x1B8E;
	s24 =	sld [smem:$0x3FFE];
	[sflag:s23] =	ssyncadd.s32 $0xFFFFFFFF  }
0xa5: {  	s26 =	simm.s32 $execute0_lowered;
	[smem:$0x3FD2] =	sst s25  }
0xa6: {  	s4 =	sshll.u32 s26, $0x1;
	_ =	strace $0x80000046;
	[dreg:$0x1] =	wrdreg $0xFFFFFFFF  }
0xa7: {  	s28 =	simm.s32 $_size_execute0_lowered;
	s2 =	sadd.s32 s2, s4;
	[dreg:$0x0] =	wrdreg $0x0  }
0xa8: {  	s4 =	sshll.u32 s28, $0x1;
	[dreg:$0x2] =	wrdreg s2  }
0xa9: {  	[dreg:$0x3] =	wrdreg s4  }
0xaa: {  	[dreg:$0x4] =	wrdreg $0xC0  }
0xab: {  	_ =	task [dreg:s6], $0x5FFFF  }
0xac: {  	[dreg:$0x1] =	wrdreg $0xFFFFFFFF  }
0xad: {  	[dreg:$0x0] =	wrdreg $0x60  }
0xae: {  	[dreg:$0x2] =	wrdreg s24  }
0xaf: {  	[dreg:$0x3] =	wrdreg $0x9  }
0xb0: {  	_ =	task.clear_ibuf [dreg:s6], $0x4FFFF;
	_ =	strace $0x90000046  }
0xb1: {  	s29 =	simm.s32 $0x9;
	_ =	strace $0x80000048  }
0xb2: {  	_ =	swait.ge [sflag:s29], $0x1  }
0xb3: {  	[sflag:s29] =	ssyncadd.s32 $0xFFFFFFFF  }
0xb4: {  	_ =	strace $0x90000048  }
0xb5: {  	_ =	sfence  }
0xb6: {  	s30 =	sld [smem:$0x0];
	_ =	sdelay $0x2  }
0xb7: {  	s31 =	sshll.u32 s1, $0xD;
	s1 =	sshrl.u32 s1, $0x2  }
0xb8: {  	s3 =	sand.u32 $0x4000, s31;
	s1 =	sadd.s32 s1, s30  }
0xb9: {  	s0 =	sor.u32 s3, s0;
	s1 =	sshll.u32 s1, $0x11  }
0xba: {  	s0 =	sor.u32 s1, s0  }
0xbb: {  	s0 =	sadd.s32 $0x8F2B, s0  }
0xbc: {  	[sflag:s0] =	ssyncadd.remote.s32 $0x1  }
0xbd: {  	_ =	sfence.sel $0xFFFF  }
0xbe: {  	[dreg:$0x0] =	wrdreg $0xFFFFFFFF;
	(pc) =	sbr.abs _section_cstart, $3  }
0xbf: {  	[dreg:$0x1] =	wrdreg $0xFFFFFFFF  }
0xc0: {  	_ =	task.clear_ibuf [dreg:s6], $0x2FFFF;
	_ =	strace $0x9FFFFFFF  }
0xc1: {  	(tm) =	ssettm $0x7FFFFFFF  }
tec
execute0_lowered:
.L_overlay_start_1:
0x0: {  	(tag) =	ssettag $0x1  }
0x1: {  	v0 =	vlaneseq.u32;
	v53 =	vimm.s32 $0xF4B37231;
	vm5 =	vcmask $0xF00  }
0x2: {  	vm6 =	vcmask $0x1310;
	vm7 =	vcmask $0x1714;
	vm8 =	vcmask $0x1B18  }
0x3: {  	v61 =	vimm.s32 $0xF5B47332;
	v2 =	vimm.s32 $0xF6B57433;
	vm9 =	vcmask $0x1F1C  }
0x4: {  	vm10 =	vcmask $0x2320;
	vm0 =	vcmask $0x2724;
	vm1 =	vcmask $0x2B28  }
0x5: {  	vm2 =	vcmask $0x2F2C;
	vm3 =	vcmask $0x3330;
	vm4 =	vcmask $0x3734  }
0x6: {  	vm11 =	vcmask $0x3B38;
	v62 =	vimm.s32 $0xF7B67534;
	v4 =	vimm.s32 $0xF8B77635  }
0x7: {  	v5 =	vimm.s32 $0xF9B87736;
	v39 =	vimm.s32 $0xFAB97837;
	v6 =	vmul.u32 $0x41, v0  }
0x8: {  	v2 =	vunpack.c.0.s8.s32 v2;
	v4 =	vunpack.c.0.s8.s32 v4;
	v5 =	vunpack.c.0.s8.s32 v5  }
0x9: {  	v0 =	vadd.s32 $0x1D, v6;
	v47 =	vadd.s32 $0x1E, v6;
	v48 =	vadd.s32 $0x1F, v6  }
0xa: {  	v49 =	vadd.s32 $0x20, v6;
	v50 =	vadd.s32 $0x21, v6;
	v51 =	vadd.s32 $0x22, v6  }
0xb: {  	v52 =	vadd.s32 $0x23, v6;
	v1 =	vadd.s32 $0x28, v6;
	v54 =	vadd.s32 $0x29, v6  }
0xc: {  	v55 =	vadd.s32 $0x2A, v6;
	v56 =	vadd.s32 $0x2B, v6;
	v57 =	vadd.s32 $0x2C, v6  }
0xd: {  	v58 =	vadd.s32 $0x2D, v6;
	v59 =	vadd.s32 $0x2E, v6;
	v60 =	vadd.s32 $0x2F, v6  }
0xe: {  	v3 =	vadd.s32 $0x30, v6;
	v2 =	vand.u32 $0xFF, v2;
	v37 =	vand.u32 $0xFF, v4  }
0xf: {  	v38 =	vand.u32 $0xFF, v5;
	v4 =	vimm.s32 $0xFBBA7938;
	v5 =	vimm.s32 $0xFCBB7A39;
	[tilespmem:$0x1FC00] =	vst v0  }
0x10: {  	[tilespmem:$0x1FC70] =	vst v1;
	v0 =	vunpack.c.0.s8.s32 v53;
	v1 =	vunpack.c.0.s8.s32 v61;
	v2 =	vnsel vm5, $0x3C2, v2  }
0x11: {  	[tilespmem:$0x1FCF0] =	vst v3;
	v3 =	vunpack.c.0.s8.s32 v62;
	v4 =	vunpack.c.0.s8.s32 v4;
	v5 =	vunpack.c.0.s8.s32 v5  }
0x12: {  	[tilespmem:$0x1FC40] =	vst v50;
	v50 =	vimm.s32 $0xFDBC7B3A;
	v2 =	vsel vm6, $0x137, v2;
	v0 =	vand.u32 $0xFF, v0  }
0x13: {  	[tilespmem:$0x1FC20] =	vst v48;
	v1 =	vand.u32 $0xFF, v1;
	v2 =	vsel vm7, $0x178, v2;
	v36 =	vand.u32 $0xFF, v3  }
0x14: {  	[tilespmem:$0x1FC30] =	vst v49;
	v3 =	vunpack.c.0.s8.s32 v39;
	v48 =	vand.u32 $0xFF, v4;
	v49 =	vand.u32 $0xFF, v5  }
0x15: {  	v4 =	vimm.s32 $0xFEBD7C3B;
	v5 =	vimm.s32 $0xFFBE7D3C;
	v0 =	vnsel vm5, $0x3C0, v0  }
0x16: {  	v1 =	vnsel vm5, $0x3C1, v1;
	v2 =	vsel vm8, $0x1B9, v2;
	v4 =	vunpack.c.0.s8.s32 v4  }
0x17: {  	v5 =	vunpack.c.0.s8.s32 v5;
	v0 =	vsel vm6, $0x135, v0;
	v1 =	vsel vm6, $0x136, v1  }
0x18: {  	[tilespmem:$0x1FC10] =	vst v47;
	v2 =	vsel vm9, $0x1FA, v2;
	v47 =	vand.u32 $0xFF, v3;
	v3 =	vunpack.c.0.s8.s32 v50  }
0x19: {  	[tilespmem:$0x1FC80] =	vst v54;
	v0 =	vsel vm7, $0x176, v0;
	v1 =	vsel vm7, $0x177, v1;
	v2 =	vsel vm10, $0x23B, v2  }
0x1a: {  	[tilespmem:$0x1FC90] =	vst v55;
	v54 =	vand.u32 $0xFF, v4;
	v55 =	vand.u32 $0xFF, v5;
	v0 =	vsel vm8, $0x1B7, v0  }
0x1b: {  	v1 =	vsel vm8, $0x1B8, v1;
	v2 =	vsel vm0, $0x27C, v2;
	v53 =	vand.u32 $0xFF, v3  }
0x1c: {  	v0 =	vsel vm9, $0x1F8, v0;
	v1 =	vsel vm9, $0x1F9, v1;
	v2 =	vsel vm1, $0x2BD, v2  }
0x1d: {  	v0 =	vsel vm10, $0x239, v0;
	v1 =	vsel vm10, $0x23A, v1;
	v2 =	vsel vm2, $0x2FE, v2  }
0x1e: {  	v0 =	vsel vm0, $0x27A, v0;
	v1 =	vsel vm0, $0x27B, v1;
	v2 =	vsel vm3, $0x33F, v2  }
0x1f: {  	v0 =	vsel vm1, $0x2BB, v0;
	v1 =	vsel vm1, $0x2BC, v1;
	v2 =	vsel vm4, $0x340, v2  }
0x20: {  	v0 =	vsel vm2, $0x2FC, v0;
	v1 =	vsel vm2, $0x2FD, v1;
	v35 =	vsel vm11, $0x381, v2  }
0x21: {  	v2 =	vnsel vm5, $0x3C5, v38;
	v0 =	vsel vm3, $0x33D, v0;
	v1 =	vsel vm3, $0x33E, v1  }
0x22: {  	v2 =	vsel vm6, $0x13A, v2;
	v0 =	vsel vm4, $0x37E, v0;
	v1 =	vsel vm4, $0x37F, v1  }
0x23: {  	v2 =	vsel vm7, $0x17B, v2;
	v0 =	vsel vm11, $0x3BF, v0;
	v63 =	vsel vm11, $0x380, v1  }
0x24: {  	v1 =	vnsel vm5, $0x3C4, v37;
	v2 =	vsel vm8, $0x1BC, v2;
	[tilespmem:$0x1FD00] =	vst v0;
	v0 =	vnsel vm5, $0x3C3, v36  }
0x25: {  	v1 =	vsel vm6, $0x139, v1;
	v2 =	vsel vm9, $0x1FD, v2;
	v0 =	vsel vm6, $0x138, v0  }
0x26: {  	v1 =	vsel vm7, $0x17A, v1;
	v2 =	vsel vm10, $0x23E, v2;
	v0 =	vsel vm7, $0x179, v0  }
0x27: {  	v1 =	vsel vm8, $0x1BB, v1;
	v2 =	vsel vm0, $0x27F, v2;
	v0 =	vsel vm8, $0x1BA, v0  }
0x28: {  	v1 =	vsel vm9, $0x1FC, v1;
	v2 =	vsel vm1, $0x280, v2;
	v0 =	vsel vm9, $0x1FB, v0  }
0x29: {  	v1 =	vsel vm10, $0x23D, v1;
	v2 =	vsel vm2, $0x2C1, v2;
	v0 =	vsel vm10, $0x23C, v0  }
0x2a: {  	v1 =	vsel vm0, $0x27E, v1;
	v2 =	vsel vm3, $0x302, v2;
	v0 =	vsel vm0, $0x27D, v0  }
0x2b: {  	v1 =	vsel vm1, $0x2BF, v1;
	v2 =	vsel vm4, $0x343, v2;
	v0 =	vsel vm1, $0x2BE, v0  }
0x2c: {  	v1 =	vsel vm2, $0x2C0, v1;
	v46 =	vsel vm11, $0x384, v2;
	v0 =	vsel vm2, $0x2FF, v0  }
0x2d: {  	v2 =	vnsel vm5, $0x3C8, v49;
	v1 =	vsel vm3, $0x301, v1;
	v0 =	vsel vm3, $0x300, v0  }
0x2e: {  	v2 =	vsel vm6, $0x13D, v2;
	v1 =	vsel vm4, $0x342, v1;
	v0 =	vsel vm4, $0x341, v0  }
0x2f: {  	v2 =	vsel vm7, $0x17E, v2;
	v40 =	vsel vm11, $0x383, v1;
	v0 =	vsel vm11, $0x382, v0  }
0x30: {  	v1 =	vnsel vm5, $0x3C7, v48;
	v2 =	vsel vm8, $0x1BF, v2;
	[tilespmem:$0x1FD30] =	vst v0;
	v0 =	vnsel vm5, $0x3C6, v47  }
0x31: {  	v1 =	vsel vm6, $0x13C, v1;
	v2 =	vsel vm9, $0x1C0, v2;
	v0 =	vsel vm6, $0x13B, v0  }
0x32: {  	v1 =	vsel vm7, $0x17D, v1;
	v2 =	vsel vm10, $0x201, v2;
	v0 =	vsel vm7, $0x17C, v0  }
0x33: {  	v1 =	vsel vm8, $0x1BE, v1;
	v2 =	vsel vm0, $0x242, v2;
	v0 =	vsel vm8, $0x1BD, v0  }
0x34: {  	v1 =	vsel vm9, $0x1FF, v1;
	v2 =	vsel vm1, $0x283, v2;
	v0 =	vsel vm9, $0x1FE, v0  }
0x35: {  	v1 =	vsel vm10, $0x200, v1;
	v2 =	vsel vm2, $0x2C4, v2;
	v0 =	vsel vm10, $0x23F, v0  }
0x36: {  	v1 =	vsel vm0, $0x241, v1;
	v2 =	vsel vm3, $0x305, v2;
	v0 =	vsel vm0, $0x240, v0  }
0x37: {  	v1 =	vsel vm1, $0x282, v1;
	v2 =	vsel vm4, $0x346, v2;
	v0 =	vsel vm1, $0x281, v0  }
0x38: {  	[tilespmem:$0x1FC60] =	vst v52;
	v1 =	vsel vm2, $0x2C3, v1;
	v52 =	vsel vm11, $0x387, v2;
	v0 =	vsel vm2, $0x2C2, v0  }
0x39: {  	[tilespmem:$0x1FC50] =	vst v51;
	v2 =	vnsel vm5, $0x3CB, v55;
	v1 =	vsel vm3, $0x304, v1;
	v0 =	vsel vm3, $0x303, v0  }
0x3a: {  	[tilespmem:$0x1FCA0] =	vst v56;
	v2 =	vsel vm6, $0x100, v2;
	v1 =	vsel vm4, $0x345, v1;
	v0 =	vsel vm4, $0x344, v0  }
0x3b: {  	[tilespmem:$0x1FCB0] =	vst v57;
	v51 =	vsel vm11, $0x386, v1;
	v1 =	vnsel vm5, $0x3CA, v54;
	v0 =	vsel vm11, $0x385, v0  }
0x3c: {  	v2 =	vsel vm7, $0x141, v2;
	v1 =	vsel vm6, $0x13F, v1;
	[tilespmem:$0x1FD60] =	vst v0;
	v0 =	vnsel vm5, $0x3C9, v53  }
0x3d: {  	[tilespmem:$0x1FCC0] =	vst v58;
	v2 =	vsel vm8, $0x182, v2;
	v1 =	vsel vm7, $0x140, v1;
	v0 =	vsel vm6, $0x13E, v0  }
0x3e: {  	[tilespmem:$0x1FCD0] =	vst v59;
	v2 =	vsel vm9, $0x1C3, v2;
	v1 =	vsel vm8, $0x181, v1;
	v0 =	vsel vm7, $0x17F, v0  }
0x3f: {  	[tilespmem:$0x1FCE0] =	vst v60;
	v2 =	vsel vm10, $0x204, v2;
	v1 =	vsel vm9, $0x1C2, v1;
	v0 =	vsel vm8, $0x180, v0  }
0x40: {  	[tilespmem:$0x1FD20] =	vst v35;
	v2 =	vsel vm0, $0x245, v2;
	v1 =	vsel vm10, $0x203, v1;
	v0 =	vsel vm9, $0x1C1, v0  }
0x41: {  	[tilespmem:$0x1FD10] =	vst v63;
	v2 =	vsel vm1, $0x286, v2;
	v1 =	vsel vm0, $0x244, v1;
	v0 =	vsel vm10, $0x202, v0  }
0x42: {  	[tilespmem:$0x1FD50] =	vst v46;
	v2 =	vsel vm2, $0x2C7, v2;
	v1 =	vsel vm1, $0x285, v1;
	v0 =	vsel vm0, $0x243, v0  }
0x43: {  	[tilespmem:$0x1FD40] =	vst v40;
	v2 =	vsel vm3, $0x308, v2;
	v1 =	vsel vm2, $0x2C6, v1;
	v0 =	vsel vm1, $0x284, v0  }
0x44: {  	[tilespmem:$0x1FD80] =	vst v52;
	v2 =	vsel vm4, $0x349, v2;
	v1 =	vsel vm3, $0x307, v1;
	v0 =	vsel vm2, $0x2C5, v0  }
0x45: {  	[tilespmem:$0x1FD70] =	vst v51;
	v58 =	vsel vm11, $0x38A, v2;
	v1 =	vsel vm4, $0x348, v1;
	v0 =	vsel vm3, $0x306, v0  }
0x46: {  	[tilespmem:$0x1FDB0] =	vst v58;
	v57 =	vsel vm11, $0x389, v1;
	v0 =	vsel vm4, $0x347, v0  }
0x47: {  	s3 =	rddreg [dreg:$0x0];
	s2 =	simm.s32 $0x0;
	[tilespmem:$0x1FDA0] =	vst v57;
	v0 =	vsel vm11, $0x388, v0  }
0x48: {  	[smem:$0x7FF] =	sst s2;
	[tilespmem:$0x1FD90] =	vst v0  }
0x49: {  	s0 =	rddreg [dreg:$0x1];
	v7 =	vadd.s32 $0x1, v6;
	_ =	strace $0x80000047;
	[tilespmem:$0x1FDF0] =	vst v6  }
0x4a: {  	v8 =	vadd.s32 $0x2, v6;
	[tilespmem:$0x1FE00] =	vst v7  }
0x4b: {  	v9 =	vadd.s32 $0x3, v6;
	[tilespmem:$0x1FE10] =	vst v8  }
0x4c: {  	v10 =	vadd.s32 $0x4, v6;
	[tilespmem:$0x1FE20] =	vst v9  }
0x4d: {  	v11 =	vadd.s32 $0x5, v6;
	[tilespmem:$0x1FE30] =	vst v10  }
0x4e: {  	v12 =	vadd.s32 $0x6, v6;
	[tilespmem:$0x1FE40] =	vst v11  }
0x4f: {  	v13 =	vadd.s32 $0x7, v6;
	[tilespmem:$0x1FE50] =	vst v12  }
0x50: {  	v14 =	vadd.s32 $0x8, v6;
	[tilespmem:$0x1FE60] =	vst v13  }
0x51: {  	v15 =	vadd.s32 $0x9, v6;
	[tilespmem:$0x1FE70] =	vst v14  }
0x52: {  	v16 =	vadd.s32 $0xA, v6;
	[tilespmem:$0x1FE80] =	vst v15  }
0x53: {  	v17 =	vadd.s32 $0xB, v6;
	[tilespmem:$0x1FE90] =	vst v16  }
0x54: {  	v18 =	vadd.s32 $0xC, v6;
	[tilespmem:$0x1FEA0] =	vst v17  }
0x55: {  	v19 =	vadd.s32 $0xD, v6;
	v20 =	vadd.s32 $0xE, v6;
	[tilespmem:$0x1FEB0] =	vst v18  }
0x56: {  	v21 =	vadd.s32 $0xF, v6;
	v22 =	vadd.s32 $0x10, v6;
	v23 =	vadd.s32 $0x11, v6;
	[tilespmem:$0x1FEC0] =	vst v19  }
0x57: {  	v24 =	vadd.s32 $0x12, v6;
	v25 =	vadd.s32 $0x13, v6;
	v26 =	vadd.s32 $0x14, v6;
	[tilespmem:$0x1FED0] =	vst v20  }
0x58: {  	v27 =	vadd.s32 $0x15, v6;
	v28 =	vadd.s32 $0x16, v6;
	v29 =	vadd.s32 $0x17, v6;
	[tilespmem:$0x1FEE0] =	vst v21  }
0x59: {  	v30 =	vadd.s32 $0x18, v6;
	v41 =	vadd.s32 $0x19, v6;
	v32 =	vadd.s32 $0x1A, v6;
	[tilespmem:$0x1FEF0] =	vst v22  }
0x5a: {  	v33 =	vadd.s32 $0x1B, v6;
	v34 =	vadd.s32 $0x1C, v6;
	v5 =	vimm.s32 $0xC281403F;
	[tilespmem:$0x1FF00] =	vst v23  }
0x5b: {  	v42 =	vadd.s32 $0x24, v6;
	v4 =	vimm.s32 $0xC1807F3E;
	v5 =	vunpack.c.0.s8.s32 v5;
	[tilespmem:$0x1FF10] =	vst v24  }
0x5c: {  	v43 =	vadd.s32 $0x25, v6;
	v56 =	vimm.s32 $0xC0BF7E3D;
	v4 =	vunpack.c.0.s8.s32 v4;
	[tilespmem:$0x1FF20] =	vst v25  }
0x5d: {  	v44 =	vadd.s32 $0x26, v6;
	v3 =	vunpack.c.0.s8.s32 v56;
	v61 =	vand.u32 $0xFF, v5;
	[tilespmem:$0x1FF30] =	vst v26  }
0x5e: {  	v45 =	vadd.s32 $0x27, v6;
	v60 =	vand.u32 $0xFF, v4;
	v2 =	vnsel vm5, $0x3CE, v61;
	[tilespmem:$0x1FF40] =	vst v27  }
0x5f: {  	v59 =	vand.u32 $0xFF, v3;
	v2 =	vsel vm6, $0x103, v2;
	v1 =	vnsel vm5, $0x3CD, v60;
	[tilespmem:$0x1FF50] =	vst v28  }
0x60: {  	v2 =	vsel vm7, $0x144, v2;
	v1 =	vsel vm6, $0x102, v1;
	v0 =	vnsel vm5, $0x3CC, v59;
	[tilespmem:$0x1FF60] =	vst v29  }
0x61: {  	v2 =	vsel vm8, $0x185, v2;
	v1 =	vsel vm7, $0x143, v1;
	v0 =	vsel vm6, $0x101, v0;
	[tilespmem:$0x1FF70] =	vst v30  }
0x62: {  	v2 =	vsel vm9, $0x1C6, v2;
	v1 =	vsel vm8, $0x184, v1;
	[tilespmem:$0x1FF80] =	vst v41;
	v0 =	vsel vm7, $0x142, v0  }
0x63: {  	v2 =	vsel vm10, $0x207, v2;
	v1 =	vsel vm9, $0x1C5, v1;
	[tilespmem:$0x1FF90] =	vst v32;
	v0 =	vsel vm8, $0x183, v0  }
0x64: {  	v2 =	vsel vm0, $0x248, v2;
	v1 =	vsel vm10, $0x206, v1;
	[tilespmem:$0x1FFA0] =	vst v33;
	v0 =	vsel vm9, $0x1C4, v0  }
0x65: {  	v2 =	vsel vm1, $0x289, v2;
	[tilespmem:$0x1FFB0] =	vst v34;
	v1 =	vsel vm0, $0x247, v1;
	v0 =	vsel vm10, $0x205, v0  }
0x66: {  	s4 =	srdreg.scid;
	v2 =	vsel vm2, $0x2CA, v2;
	[tilespmem:$0x1FFC0] =	vst v42;
	v1 =	vsel vm1, $0x288, v1;
	v0 =	vsel vm0, $0x246, v0  }
0x67: {  	s1 =	stileid.u32;
	s4 =	sand.u32 $0x1, s4;
	[tilespmem:$0x1FFD0] =	vst v43;
	v2 =	vsel vm3, $0x30B, v2;
	v1 =	vsel vm2, $0x2C9, v1;
	v0 =	vsel vm1, $0x287, v0  }
0x68: {  	s6 =	sshll.u32 s1, $0xA;
	s5 =	sshll.u32 s4, $0xE;
	[tilespmem:$0x1FFE0] =	vst v44;
	v2 =	vsel vm4, $0x34C, v2;
	v1 =	vsel vm3, $0x30A, v1;
	v0 =	vsel vm2, $0x2C8, v0  }
0x69: {  	s4 =	ssub.s32 $0x2, s4;
	s5 =	sor.u32 s6, s5;
	[tilespmem:$0x1FFF0] =	vst v45;
	v63 =	vsel vm11, $0x38D, v2;
	v1 =	vsel vm4, $0x34B, v1;
	v0 =	vsel vm3, $0x309, v0  }
0x6a: {  	s7 =	simm.s32 $0x2000;
	s31 =	sshrl.u32 s4, $0x1;
	s5 =	sadd.s32 s5, s3;
	[tilespmem:$0x1FDE0] =	vst v63;
	v62 =	vsel vm11, $0x38C, v1;
	v0 =	vsel vm4, $0x34A, v0  }
0x6b: {  	s8 =	simm.s32 $0x0;
	s6 =	ssub.s32 s4, s31;
	s3 =	sadd.s32 $0x800, s5;
	[tilespmem:$0x1FDD0] =	vst v62;
	v0 =	vsel vm11, $0x38B, v0  }
0x6c: {  	s4 =	sadd.s32 $0x8800, s5;
	s5 =	smax.u32 s6, $0x1;
	s6 =	simm.s32 $0x1;
	[tilespmem:$0x1FDC0] =	vst v0  }
.LBB2_1:
0x6d: {  	[tilespmem:s2], [sflag:$0x1] =	stream.linear.gather [hbm4b:s3+s2], $0x2000, $0x38;
	[tilespmem:$0x4000] =	vst v63  }
0x6e: {  	_ =	swait.ge [sflag:s6], $0x2000  }
0x6f: {  	[sflag:s6] =	ssyncset.done $0x0  }
0x70: {  	s9 =	simm.s32 $0x0;
	[sflag:s6] =	ssyncadd.s32 $0xFFFFE000  }
.LBB2_2:
0x71: {  	_ =	sdelay $0x2  }
0x72: {  	v2 =	vor.u32 s9, v6  }
0x73: {  	v1 =	vor.u32 s9, v7;
	[tilespmem:$0x1F690] =	vst v2  }
0x74: {  	v0 =	vor.u32 s9, v8;
	[tilespmem:$0x1F6A0] =	vst v1  }
0x75: {  	v4 =	vor.u32 s9, v9;
	[tilespmem:$0x1F6C0] =	vst v0  }
0x76: {  	v3 =	vor.u32 s9, v10;
	[tilespmem:$0x1F6D0] =	vst v4  }
0x77: {  	v52 =	vor.u32 s9, v11;
	[tilespmem:$0x1F6E0] =	vst v3  }
0x78: {  	v53 =	vor.u32 s9, v12;
	[tilespmem:$0x1F6F0] =	vst v52  }
0x79: {  	v60 =	vor.u32 s9, v13;
	[tilespmem:$0x1F700] =	vst v53  }
0x7a: {  	v8 =	vor.u32 s9, v14;
	[tilespmem:$0x1F710] =	vst v60  }
0x7b: {  	v57 =	vor.u32 s9, v15;
	[tilespmem:$0x1F720] =	vst v8  }
0x7c: {  	v56 =	vor.u32 s9, v16;
	[tilespmem:$0x1F730] =	vst v57  }
0x7d: {  	v47 =	vor.u32 s9, v17;
	[tilespmem:$0x1F750] =	vst v56  }
0x7e: {  	v46 =	vor.u32 s9, v18;
	[tilespmem:$0x1F760] =	vst v47  }
0x7f: {  	v19 =	vor.u32 s9, v19;
	[tilespmem:$0x1F780] =	vst v46  }
0x80: {  	v18 =	vor.u32 s9, v20;
	[tilespmem:$0x1F7A0] =	vst v19  }
0x81: {  	v17 =	vor.u32 s9, v21;
	[tilespmem:$0x1F7B0] =	vst v18  }
0x82: {  	v16 =	vor.u32 s9, v22;
	[tilespmem:$0x1F7D0] =	vst v17  }
0x83: {  	v15 =	vor.u32 s9, v23;
	[tilespmem:$0x1F800] =	vst v16;
	v35 =	vld.idx.msk [tilespmem:v2+s2+$0x0], $0xffff  }
0x84: {  	v14 =	vor.u32 s9, v24;
	[tilespmem:$0x1F810] =	vst v15;
	v7 =	vld.idx.msk [tilespmem:v1+s2+$0x0], $0xffff  }
0x85: {  	v13 =	vor.u32 s9, v25;
	[tilespmem:$0x1F830] =	vst v14;
	v5 =	vld.idx.msk [tilespmem:v0+s2+$0x0], $0xffff  }
0x86: {  	v12 =	vor.u32 s9, v26;
	[tilespmem:$0x1F840] =	vst v13;
	v4 =	vld.idx.msk [tilespmem:v4+s2+$0x0], $0xffff  }
0x87: {  	v11 =	vor.u32 s9, v27;
	[tilespmem:$0x1F850] =	vst v12;
	v38 =	vld.idx.msk [tilespmem:v3+s2+$0x0], $0xffff  }
0x88: {  	v10 =	vor.u32 s9, v28;
	[tilespmem:$0x1F870] =	vst v11;
	v37 =	vld.idx.msk [tilespmem:v52+s2+$0x0], $0xffff  }
0x89: {  	v9 =	vor.u32 s9, v29;
	[tilespmem:$0x1F880] =	vst v10;
	v36 =	vld.idx.msk [tilespmem:v60+s2+$0x0], $0xffff  }
0x8a: {  	[tilespmem:$0x1F8A0] =	vst v9;
	v6 =	vld.idx.msk [tilespmem:v53+s2+$0x0], $0xffff  }
0x8b: {  	v21 =	vld.idx.msk [tilespmem:v8+s2+$0x0], $0xffff;
	[tilespmem:$0x1F4B0] =	vst v4  }
0x8c: {  	v23 =	vld.idx.msk [tilespmem:v57+s2+$0x0], $0xffff;
	[tilespmem:$0x1F4C0] =	vst v38  }
0x8d: {  	v24 =	vld.idx.msk [tilespmem:v56+s2+$0x0], $0xffff;
	[tilespmem:$0x1F4D0] =	vst v37  }
0x8e: {  	v22 =	vld.idx.msk [tilespmem:v47+s2+$0x0], $0xffff;
	[tilespmem:$0x1F4F0] =	vst v36  }
0x8f: {  	v20 =	vld.idx.msk [tilespmem:v46+s2+$0x0], $0xffff;
	[tilespmem:$0x1F490] =	vst v7  }
0x90: {  	v19 =	vld.idx.msk [tilespmem:v19+s2+$0x0], $0xffff;
	[tilespmem:$0x1F480] =	vst v35;
	v61 =	vmax.f32 v35, v7  }
0x91: {  	v62 =	vmin.f32 v35, v7;
	[tilespmem:$0x1F4A0] =	vst v5;
	v63 =	vmax.f32 v5, v4;
	v35 =	vmin.f32 v5, v4  }
0x92: {  	v18 =	vld.idx.msk [tilespmem:v18+s2+$0x0], $0xffff;
	v4 =	vmax.f32 v38, v37;
	v5 =	vmin.f32 v38, v37;
	v7 =	vmov v6;
	[tilespmem:$0x1F4E0] =	vst v6  }
0x93: {  	v6 =	vmax.f32 v6, v36;
	[tilespmem:$0x1F500] =	vst v21;
	v53 =	vmax.f32 v21, v23;
	v54 =	vmin.f32 v21, v23  }
0x94: {  	[tilespmem:$0x1F510] =	vst v23;
	v55 =	vmax.f32 v24, v22;
	v56 =	vmin.f32 v24, v22;
	v7 =	vmin.f32 v7, v36  }
0x95: {  	[tilespmem:$0x1F530] =	vst v22;
	v8 =	vmax.f32 v61, v63;
	v0 =	vmin.f32 v61, v63;
	v38 =	vmax.f32 v62, v35  }
0x96: {  	[tilespmem:$0x1F520] =	vst v24;
	v1 =	vmin.f32 v62, v35;
	v39 =	vmax.f32 v4, v6;
	v4 =	vmin.f32 v4, v6  }
0x97: {  	[tilespmem:$0x1F540] =	vst v20;
	v36 =	vld.idx.msk [tilespmem:v10+s2+$0x0], $0xffff;
	v10 =	vor.u32 s9, v41;
	v6 =	vmax.f32 v5, v7;
	v5 =	vmin.f32 v5, v7  }
0x98: {  	[tilespmem:$0x1F550] =	vst v19;
	v7 =	vmax.f32 v38, v0;
	v0 =	vmin.f32 v38, v0;
	v3 =	vmin.f32 v8, v39  }
0x99: {  	[tilespmem:$0x1F560] =	vst v18;
	v40 =	vmax.f32 v6, v4;
	v4 =	vmin.f32 v6, v4;
	v6 =	vmax.f32 v8, v39  }
0x9a: {  	[tilespmem:$0x1F300] =	vst v6;
	v6 =	vmax.f32 v7, v40;
	v2 =	vmin.f32 v7, v40;
	v7 =	vmax.f32 v0, v4  }
0x9b: {  	[tilespmem:$0x1F8C0] =	vst v10;
	v0 =	vmin.f32 v0, v4;
	v4 =	vmax.f32 v1, v5;
	v1 =	vmin.f32 v1, v5  }
0x9c: {  	v57 =	vmax.f32 v54, v56;
	v8 =	vld.idx.msk [tilespmem:v17+s2+$0x0], $0xffff;
	[tilespmem:$0x1F3E0] =	vst v1;
	v46 =	vmax.f32 v6, v3  }
0x9d: {  	v47 =	vmin.f32 v6, v3;
	v48 =	vmax.f32 v4, v0;
	v0 =	vmin.f32 v4, v0;
	[tilespmem:$0x1F320] =	vst v46  }
0x9e: {  	v5 =	vmin.f32 v20, v19;
	[tilespmem:$0x1F3C0] =	vst v0;
	v50 =	vmin.f32 v7, v47;
	v51 =	vmax.f32 v48, v2  }
0x9f: {  	v2 =	vmin.f32 v48, v2;
	v52 =	vmax.f32 v51, v50;
	v0 =	vmin.f32 v51, v50;
	v51 =	vld.idx.msk [tilespmem:v15+s2+$0x0], $0xffff  }
0xa0: {  	v4 =	vmax.f32 v20, v19;
	v49 =	vmax.f32 v7, v47;
	[tilespmem:$0x1F3A0] =	vst v2;
	v15 =	vld.idx.msk [tilespmem:v14+s2+$0x0], $0xffff  }
0xa1: {  	[tilespmem:$0x1F570] =	vst v8;
	v6 =	vmax.f32 v18, v8;
	v7 =	vmin.f32 v18, v8;
	v8 =	vmax.f32 v53, v55  }
0xa2: {  	[tilespmem:$0x1F380] =	vst v0;
	v0 =	vmin.f32 v53, v55;
	v58 =	vmax.f32 v4, v6;
	v4 =	vmin.f32 v4, v6  }
0xa3: {  	v14 =	vld.idx.msk [tilespmem:v13+s2+$0x0], $0xffff;
	v6 =	vmax.f32 v5, v7;
	v5 =	vmin.f32 v5, v7;
	v7 =	vmax.f32 v57, v0  }
0xa4: {  	v13 =	vld.idx.msk [tilespmem:v12+s2+$0x0], $0xffff;
	v59 =	vmax.f32 v6, v4;
	v4 =	vmin.f32 v6, v4;
	v6 =	vmax.f32 v8, v58  }
0xa5: {  	v0 =	vmin.f32 v57, v0;
	v3 =	vmin.f32 v8, v58;
	[tilespmem:$0x1F3F0] =	vst v6;
	v6 =	vmax.f32 v7, v59  }
0xa6: {  	v8 =	vld.idx.msk [tilespmem:v11+s2+$0x0], $0xffff;
	v2 =	vmin.f32 v7, v59;
	v7 =	vmax.f32 v0, v4;
	v61 =	vmin.f32 v6, v3  }
0xa7: {  	[tilespmem:$0x1F340] =	vst v49;
	v63 =	vmax.f32 v7, v61;
	v35 =	vmin.f32 v7, v61;
	v7 =	vld.idx.msk [tilespmem:v9+s2+$0x0], $0xffff  }
0xa8: {  	v12 =	vor.u32 s9, v32;
	[tilespmem:$0x1F360] =	vst v52  }
0xa9: {  	v40 =	vld.idx.msk [tilespmem:v16+s2+$0x0], $0xffff;
	v1 =	vmin.f32 v54, v56;
	[tilespmem:$0x1F8D0] =	vst v12;
	v11 =	vor.u32 s9, v34;
	v0 =	vmin.f32 v0, v4  }
0xaa: {  	v4 =	vmax.f32 v1, v5;
	v1 =	vmin.f32 v1, v5;
	[tilespmem:$0x1F900] =	vst v11;
	v60 =	vmax.f32 v6, v3  }
0xab: {  	[tilespmem:$0x1F590] =	vst v14;
	v46 =	vmax.f32 v15, v14;
	v50 =	vmin.f32 v15, v14;
	v14 =	vmovc v13;
	v9 =	vor.u32 s9, v30  }
0xac: {  	v52 =	vmax.f32 v13, v8;
	[tilespmem:$0x1F5C0] =	vst v7;
	v5 =	vmax.f32 v36, v7;
	v7 =	vmin.f32 v36, v7  }
0xad: {  	[tilespmem:$0x1F310] =	vst v1;
	v6 =	vmax.f32 v52, v5;
	v3 =	vmin.f32 v52, v5;
	v5 =	vmin.f32 v14, v8  }
0xae: {  	[tilespmem:$0x1F5B0] =	vst v8;
	v8 =	vmax.f32 v5, v7;
	v5 =	vmin.f32 v5, v7;
	v7 =	vld [tilespmem:$0x1FC00]  }
0xaf: {  	[tilespmem:$0x1F580] =	vst v15  }
0xb0: {  	v62 =	vmax.f32 v4, v0;
	v0 =	vmin.f32 v4, v0;
	[tilespmem:$0x1F5A0] =	vst v13  }
0xb1: {  	v39 =	vmax.f32 v40, v51;
	v49 =	vmin.f32 v40, v51;
	[tilespmem:$0x1F3D0] =	vst v60;
	v37 =	vmax.f32 v62, v2  }
0xb2: {  	v47 =	vmax.f32 v39, v46;
	v48 =	vmin.f32 v39, v46;
	v4 =	vmax.f32 v49, v50;
	v39 =	vld.idx.msk [tilespmem:v9+s2+$0x0], $0xffff  }
0xb3: {  	[tilespmem:$0x1F8B0] =	vst v9;
	v1 =	vmin.f32 v4, v48;
	v9 =	vor.u32 s9, v7;
	v7 =	vmax.f32 v4, v48;
	v4 =	vld [tilespmem:$0x1FC10]  }
0xb4: {  	[tilespmem:$0x1F330] =	vst v0;
	v38 =	vmax.f32 v37, v35;
	v0 =	vmin.f32 v37, v35;
	v35 =	vld [tilespmem:$0x1FC40];
	v13 =	vor.u32 s9, v33  }
0xb5: {  	v55 =	vld.idx.msk [tilespmem:v10+s2+$0x0], $0xffff;
	v2 =	vmin.f32 v62, v2;
	[tilespmem:$0x1F3B0] =	vst v63  }
0xb6: {  	[tilespmem:$0x1F350] =	vst v2;
	v14 =	vld.idx.msk [tilespmem:v12+s2+$0x0], $0xffff  }
0xb7: {  	[tilespmem:$0x1F390] =	vst v38;
	v12 =	vld.idx.msk [tilespmem:v11+s2+$0x0], $0xffff  }
0xb8: {  	[tilespmem:$0x1F370] =	vst v0;
	v10 =	vor.u32 s9, v4;
	v4 =	vmax.f32 v8, v3;
	v3 =	vmin.f32 v8, v3;
	v8 =	vld [tilespmem:$0x1FC20]  }
0xb9: {  	v2 =	vmin.f32 v49, v50;
	[tilespmem:$0x1F8F0] =	vst v13;
	v11 =	vor.u32 s9, v35;
	v13 =	vld.idx.msk [tilespmem:v13+s2+$0x0], $0xffff  }
0xba: {  	[tilespmem:$0x1F960] =	vst v11;
	v53 =	vmax.f32 v2, v5;
	v2 =	vmin.f32 v2, v5  }
0xbb: {  	[tilespmem:$0x1F460] =	vst v2  }
0xbc: {  	[tilespmem:$0x1F5D0] =	vst v14  }
0xbd: {  	[tilespmem:$0x1F5F0] =	vst v12;
	v8 =	vor.u32 s9, v8  }
0xbe: {  	[tilespmem:$0x1F5E0] =	vst v13  }
0xbf: {  	v34 =	vmax.f32 v47, v6;
	v0 =	vmin.f32 v47, v6;
	[tilespmem:$0x1F920] =	vst v9  }
0xc0: {  	v5 =	vld.idx.msk [tilespmem:v9+s2+$0x0], $0xffff;
	[tilespmem:$0x1F930] =	vst v10;
	v6 =	vmax.f32 v7, v4;
	v4 =	vmin.f32 v7, v4  }
0xc1: {  	v7 =	vmax.f32 v1, v3;
	v54 =	vmax.f32 v6, v0;
	v0 =	vmin.f32 v6, v0;
	v6 =	vld.idx.msk [tilespmem:v10+s2+$0x0], $0xffff  }
0xc2: {  	v1 =	vmin.f32 v1, v3;
	v57 =	vmax.f32 v7, v0;
	v0 =	vmin.f32 v7, v0;
	v7 =	vld.idx.msk [tilespmem:v8+s2+$0x0], $0xffff  }
0xc3: {  	v56 =	vmax.f32 v53, v1;
	v1 =	vmin.f32 v53, v1;
	[tilespmem:$0x1F400] =	vst v54  }
0xc4: {  	[tilespmem:$0x1F450] =	vst v1  }
0xc5: {  	v60 =	vmax.f32 v14, v13;
	[tilespmem:$0x1F410] =	vst v57  }
0xc6: {  	v33 =	vld [tilespmem:$0x1FC30];
	v32 =	vmin.f32 v14, v13;
	v58 =	vmax.f32 v56, v4;
	v2 =	vmin.f32 v56, v4;
	[tilespmem:$0x1F600] =	vst v5  }
0xc7: {  	v31 =	vld [tilespmem:$0x1FC60];
	v14 =	vmov v5;
	v37 =	vmax.f32 v12, v5;
	[tilespmem:$0x1F940] =	vst v8;
	v5 =	vmax.f32 v6, v7  }
0xc8: {  	v8 =	vmov v6;
	[tilespmem:$0x1F610] =	vst v6;
	v6 =	vmax.f32 v37, v5;
	v3 =	vmin.f32 v37, v5;
	v5 =	vld [tilespmem:$0x1FC50]  }
0xc9: {  	[tilespmem:$0x1F440] =	vst v2;
	v4 =	vmax.f32 v58, v0  }
0xca: {  	v0 =	vmin.f32 v58, v0;
	[tilespmem:$0x1F420] =	vst v4  }
0xcb: {  	v59 =	vmax.f32 v39, v55;
	[tilespmem:$0x1F430] =	vst v0;
	v10 =	vor.u32 s9, v33  }
0xcc: {  	v63 =	vmin.f32 v39, v55;
	v61 =	vmax.f32 v59, v60;
	v62 =	vmin.f32 v59, v60;
	[tilespmem:$0x1F950] =	vst v10  }
0xcd: {  	v9 =	vor.u32 s9, v31;
	v4 =	vmax.f32 v63, v32;
	[tilespmem:$0x1F620] =	vst v7;
	v13 =	vor.u32 s9, v5  }
0xce: {  	v1 =	vmin.f32 v4, v62;
	v7 =	vmin.f32 v8, v7;
	v5 =	vmin.f32 v12, v14;
	[tilespmem:$0x1F980] =	vst v13  }
0xcf: {  	v12 =	vor.u32 s9, v42;
	[tilespmem:$0x1F9A0] =	vst v9;
	v8 =	vmax.f32 v5, v7;
	v5 =	vmin.f32 v5, v7  }
0xd0: {  	v7 =	vmax.f32 v4, v62;
	v49 =	vld.idx.msk [tilespmem:v10+s2+$0x0], $0xffff;
	v10 =	vor.u32 s9, v43;
	v4 =	vmax.f32 v8, v3  }
0xd1: {  	v3 =	vmin.f32 v8, v3;
	v54 =	vld.idx.msk [tilespmem:v11+s2+$0x0], $0xffff;
	v11 =	vor.u32 s9, v44;
	v8 =	vmax.f32 v61, v6  }
0xd2: {  	[tilespmem:$0x1F470] =	vst v8;
	v8 =	vor.u32 s9, v45  }
0xd3: {  	v15 =	vld.idx.msk [tilespmem:v13+s2+$0x0], $0xffff  }
0xd4: {  	v2 =	vmin.f32 v63, v32;
	v0 =	vmin.f32 v61, v6;
	v6 =	vmax.f32 v7, v4;
	v13 =	vld.idx.msk [tilespmem:v12+s2+$0x0], $0xffff  }
0xd5: {  	v38 =	vmax.f32 v2, v5;
	v47 =	vmax.f32 v6, v0;
	v0 =	vmin.f32 v6, v0;
	v6 =	vld.idx.msk [tilespmem:v10+s2+$0x0], $0xffff  }
0xd6: {  	v46 =	vmin.f32 v2, v5;
	v4 =	vmin.f32 v7, v4;
	v7 =	vmax.f32 v1, v3;
	v5 =	vld.idx.msk [tilespmem:v11+s2+$0x0], $0xffff  }
0xd7: {  	v48 =	vmin.f32 v7, v0;
	v45 =	vmax.f32 v7, v0;
	v7 =	vld.idx.msk [tilespmem:v8+s2+$0x0], $0xffff;
	_ =	sdelay $0x2  }
0xd8: {  	v9 =	vld.idx.msk [tilespmem:v9+s2+$0x0], $0xffff  }
0xd9: {  	v60 =	vld [tilespmem:$0x1FC80];
	v1 =	vmin.f32 v1, v3;
	[tilespmem:$0x1FA10] =	vst v8  }
0xda: {  	v58 =	vld [tilespmem:$0x1FC70];
	v63 =	vmax.f32 v13, v6;
	v8 =	vmov v5;
	[tilespmem:$0x1F680] =	vst v5;
	v5 =	vmax.f32 v5, v7  }
0xdb: {  	[tilespmem:$0x1F6B0] =	vst v7;
	v7 =	vmin.f32 v8, v7;
	v8 =	vmax.f32 v63, v5;
	v3 =	vmin.f32 v63, v5;
	v5 =	vld [tilespmem:$0x1FCB0]  }
0xdc: {  	v61 =	vld [tilespmem:$0x1FC90]  }
0xdd: {  	[tilespmem:$0x1F9B0] =	vst v12;
	v62 =	vld [tilespmem:$0x1FCA0];
	v41 =	vmax.f32 v38, v1  }
0xde: {  	v32 =	vld [tilespmem:$0x1FCD0];
	[tilespmem:$0x1F9F0] =	vst v11;
	v50 =	vmax.f32 v41, v4;
	v42 =	vmin.f32 v41, v4;
	v12 =	vor.u32 s9, v60  }
0xdf: {  	v52 =	vmax.f32 v49, v54;
	v11 =	vor.u32 s9, v58;
	[tilespmem:$0x1F670] =	vst v6;
	v6 =	vmin.f32 v13, v6  }
0xe0: {  	[tilespmem:$0x1F660] =	vst v13;
	v13 =	vor.u32 s9, v5;
	v5 =	vmax.f32 v6, v7;
	v6 =	vmin.f32 v6, v7;
	v7 =	vld [tilespmem:$0x1FCC0]  }
0xe1: {  	[tilespmem:$0x1F9D0] =	vst v10;
	v10 =	vor.u32 s9, v61;
	v33 =	vmax.f32 v5, v3;
	v3 =	vmin.f32 v5, v3;
	v5 =	vld [tilespmem:$0x1FCE0]  }
0xe2: {  	[tilespmem:$0x1F650] =	vst v9;
	v53 =	vmax.f32 v15, v9;
	v57 =	vmin.f32 v15, v9;
	v9 =	vor.u32 s9, v62  }
0xe3: {  	[tilespmem:$0x1FA40] =	vst v12;
	v4 =	vmax.f32 v52, v53;
	v0 =	vmin.f32 v52, v53;
	v52 =	vld.idx.msk [tilespmem:v12+s2+$0x0], $0xffff;
	v12 =	vor.u32 s9, v32  }
0xe4: {  	v43 =	vmax.f32 v50, v48;
	[tilespmem:$0x1FA20] =	vst v11  }
0xe5: {  	v41 =	vmin.f32 v50, v48;
	v56 =	vmin.f32 v49, v54;
	[tilespmem:$0x1FA60] =	vst v10;
	v50 =	vld.idx.msk [tilespmem:v11+s2+$0x0], $0xffff;
	v11 =	vor.u32 s9, v7  }
0xe6: {  	v44 =	vmin.f32 v38, v1;
	v59 =	vmax.f32 v56, v57;
	[tilespmem:$0x1FA80] =	vst v9;
	v53 =	vld.idx.msk [tilespmem:v10+s2+$0x0], $0xffff;
	v10 =	vor.u32 s9, v5  }
0xe7: {  	v2 =	vmin.f32 v56, v57;
	[tilespmem:$0x1FAD0] =	vst v12;
	v63 =	vmax.f32 v4, v8;
	v9 =	vld.idx.msk [tilespmem:v9+s2+$0x0], $0xffff  }
0xe8: {  	v4 =	vmin.f32 v4, v8;
	v12 =	vld.idx.msk [tilespmem:v12+s2+$0x0], $0xffff;
	v35 =	vmax.f32 v2, v6;
	v7 =	vmax.f32 v59, v0  }
0xe9: {  	v62 =	vmin.f32 v2, v6;
	v0 =	vmin.f32 v59, v0;
	v8 =	vld.idx.msk [tilespmem:v13+s2+$0x0], $0xffff;
	v5 =	vmax.f32 v7, v33  }
0xea: {  	v1 =	vmin.f32 v7, v33;
	v7 =	vmax.f32 v0, v3;
	v37 =	vmin.f32 v5, v4;
	v6 =	vld.idx.msk [tilespmem:v11+s2+$0x0], $0xffff  }
0xeb: {  	v59 =	vmax.f32 v7, v37;
	v38 =	vmin.f32 v7, v37;
	v7 =	vld.idx.msk [tilespmem:v10+s2+$0x0], $0xffff;
	_ =	sdelay $0x1  }
0xec: {  	v32 =	vmax.f32 v50, v52;
	v0 =	vmin.f32 v0, v3;
	v60 =	vmax.f32 v5, v4  }
0xed: {  	v4 =	vmax.f32 v35, v0;
	v61 =	vmin.f32 v35, v0;
	v35 =	vmax.f32 v53, v9  }
0xee: {  	v48 =	vmax.f32 v4, v1;
	v58 =	vmin.f32 v4, v1;
	v4 =	vmax.f32 v32, v35  }
0xef: {  	v0 =	vmin.f32 v32, v35;
	[tilespmem:$0x1F790] =	vst v8;
	v35 =	vmax.f32 v8, v6;
	v5 =	vmax.f32 v12, v7  }
0xf0: {  	[tilespmem:$0x1F7C0] =	vst v6;
	v6 =	vmin.f32 v8, v6;
	v8 =	vmax.f32 v35, v5;
	v3 =	vmin.f32 v35, v5;
	v5 =	vld [tilespmem:$0x1FD20];
	_ =	sdelay $0x3  }
0xf1: {  	v32 =	vld [tilespmem:$0x1FD00];
	[tilespmem:$0x1F820] =	vst v7;
	v7 =	vmin.f32 v12, v7  }
0xf2: {  	[tilespmem:$0x1FA90] =	vst v13;
	v13 =	vor.u32 s9, v5;
	v5 =	vmax.f32 v6, v7;
	v6 =	vmin.f32 v6, v7;
	v7 =	vld [tilespmem:$0x1FD30];
	_ =	sdelay $0x2  }
0xf3: {  	v33 =	vmin.f32 v50, v52;
	v37 =	vmin.f32 v53, v9  }
0xf4: {  	[tilespmem:$0x1F740] =	vst v9;
	v57 =	vmax.f32 v48, v38;
	v56 =	vmin.f32 v48, v38;
	v38 =	vmax.f32 v33, v37  }
0xf5: {  	[tilespmem:$0x1F7F0] =	vst v12;
	v48 =	vld [tilespmem:$0x1FCF0];
	v9 =	vor.u32 s9, v32;
	v12 =	vor.u32 s9, v7;
	v7 =	vmax.f32 v38, v0  }
0xf6: {  	v0 =	vmin.f32 v38, v0;
	v38 =	vmax.f32 v5, v3;
	v3 =	vmin.f32 v5, v3;
	v5 =	vld [tilespmem:$0x1FD50];
	_ =	sdelay $0x1  }
0xf7: {  	v1 =	vmin.f32 v33, v37;
	v33 =	vld [tilespmem:$0x1FD10]  }
0xf8: {  	v37 =	vld [tilespmem:$0x1FD40]  }
0xf9: {  	[tilespmem:$0x1FAF0] =	vst v10;
	v10 =	vor.u32 s9, v48;
	v17 =	vld.idx.msk [tilespmem:v9+s2+$0x0], $0xffff  }
0xfa: {  	[tilespmem:$0x1FB10] =	vst v9;
	v9 =	vor.u32 s9, v5;
	v5 =	vld [tilespmem:$0x1FD60];
	_ =	sdelay $0x1  }
0xfb: {  	[tilespmem:$0x1FAB0] =	vst v11;
	v11 =	vor.u32 s9, v33  }
0xfc: {  	v33 =	vmax.f32 v4, v8  }
0xfd: {  	[tilespmem:$0x1FB00] =	vst v10;
	v4 =	vmin.f32 v4, v8;
	v48 =	vld.idx.msk [tilespmem:v10+s2+$0x0], $0xffff;
	v10 =	vor.u32 s9, v37;
	v2 =	vmin.f32 v7, v38  }
0xfe: {  	v8 =	vor.u32 s9, v5;
	v5 =	vmax.f32 v7, v38;
	v7 =	vmax.f32 v0, v3  }
0xff: {  	v0 =	vmin.f32 v0, v3;
	v3 =	vmax.f32 v1, v6;
	v32 =	vmax.f32 v5, v4  }
0x100: {  	v14 =	vld.idx.msk [tilespmem:v11+s2+$0x0], $0xffff;
	v35 =	vmin.f32 v5, v4;
	v4 =	vmax.f32 v3, v0;
	v29 =	vmin.f32 v3, v0  }
0x101: {  	v37 =	vld.idx.msk [tilespmem:v13+s2+$0x0], $0xffff;
	v30 =	vmax.f32 v7, v35;
	v0 =	vmin.f32 v7, v35;
	v35 =	vmax.f32 v4, v2  }
0x102: {  	v28 =	vmax.f32 v35, v0;
	v26 =	vmin.f32 v35, v0;
	v35 =	vld [tilespmem:$0x1FD70];
	_ =	sdelay $0x4  }
0x103: {  	[tilespmem:$0x1F640] =	vst v15;
	v0 =	vmax.f32 v48, v17;
	v15 =	vld.idx.msk [tilespmem:v8+s2+$0x0], $0xffff;
	v7 =	vor.u32 s9, v35;
	v35 =	vmax.f32 v14, v37  }
0x104: {  	[tilespmem:$0x1FB70] =	vst v8;
	v27 =	vmin.f32 v4, v2;
	v8 =	vmax.f32 v0, v35;
	v2 =	vmin.f32 v0, v35;
	v35 =	vld [tilespmem:$0x1FD80];
	_ =	sdelay $0x4  }
0x105: {  	[tilespmem:$0x1FB20] =	vst v11;
	v11 =	vor.u32 s9, v35;
	v35 =	vld [tilespmem:$0x1FD90];
	_ =	sdelay $0x3  }
0x106: {  	v31 =	vmin.f32 v1, v6  }
0x107: {  	[tilespmem:$0x1FB30] =	vst v13;
	v1 =	vmin.f32 v48, v17;
	v5 =	vld.idx.msk [tilespmem:v9+s2+$0x0], $0xffff;
	v13 =	vor.u32 s9, v35;
	v35 =	vmin.f32 v14, v37  }
0x108: {  	[tilespmem:$0x1FB60] =	vst v9;
	v4 =	vmax.f32 v1, v35;
	v9 =	vmin.f32 v1, v35;
	v35 =	vld [tilespmem:$0x1FDA0];
	_ =	sdelay $0x2  }
0x109: {  	v16 =	vld.idx.msk [tilespmem:v10+s2+$0x0], $0xffff  }
0x10a: {  	v38 =	vld.idx.msk [tilespmem:v12+s2+$0x0], $0xffff  }
0x10b: {  	[tilespmem:$0x1F910] =	vst v14;
	v14 =	vor.u32 s9, v35;
	v35 =	vld [tilespmem:$0x1FDB0];
	_ =	sdelay $0x3  }
0x10c: {  	[tilespmem:$0x1FB50] =	vst v10  }
0x10d: {  	[tilespmem:$0x1F990] =	vst v5;
	v1 =	vmovc v5;
	v5 =	vmax.f32 v5, v15;
	v10 =	vor.u32 s9, v35;
	v35 =	vmax.f32 v38, v16  }
0x10e: {  	v6 =	vmax.f32 v35, v5;
	v3 =	vmin.f32 v35, v5;
	v35 =	vld [tilespmem:$0x1FDC0];
	_ =	sdelay $0x4  }
0x10f: {  	[tilespmem:$0x1FB40] =	vst v12;
	v12 =	vor.u32 s9, v35;
	v35 =	vld [tilespmem:$0x1FDD0];
	_ =	sdelay $0x3  }
0x110: {  	[tilespmem:$0x1F860] =	vst v17;
	v17 =	vld.idx.msk [tilespmem:v11+s2+$0x0], $0xffff  }
0x111: {  	[tilespmem:$0x1FB90] =	vst v11;
	v11 =	vor.u32 s9, v35;
	v35 =	vld [tilespmem:$0x1FDE0]  }
0x112: {  	[tilespmem:$0x1FB80] =	vst v7  }
0x113: {  	[tilespmem:$0x1F9C0] =	vst v15;
	v18 =	vld.idx.msk [tilespmem:v7+s2+$0x0], $0xffff;
	v7 =	vmin.f32 v1, v15;
	v5 =	vmin.f32 v38, v16  }
0x114: {  	[tilespmem:$0x1FBA0] =	vst v13;
	v1 =	vmax.f32 v4, v2;
	v0 =	vmax.f32 v5, v7  }
0x115: {  	v2 =	vmin.f32 v4, v2;
	v15 =	vld.idx.msk [tilespmem:v13+s2+$0x0], $0xffff;
	v5 =	vmin.f32 v5, v7;
	v4 =	vmax.f32 v0, v3  }
0x116: {  	[tilespmem:$0x1FBB0] =	vst v14;
	v13 =	vld.idx.msk [tilespmem:v14+s2+$0x0], $0xffff;
	v0 =	vmin.f32 v0, v3;
	v3 =	vmin.f32 v8, v6;
	v7 =	vor.u32 s9, v35  }
0x117: {  	v14 =	vld.idx.msk [tilespmem:v10+s2+$0x0], $0xffff;
	v35 =	vmax.f32 v8, v6;
	v8 =	vmax.f32 v1, v4;
	v1 =	vmin.f32 v1, v4  }
0x118: {  	[tilespmem:$0x1FBE0] =	vst v11;
	v6 =	vmax.f32 v2, v0;
	v0 =	vmin.f32 v2, v0;
	v2 =	vmax.f32 v9, v5  }
0x119: {  	v4 =	vld.idx.msk [tilespmem:v12+s2+$0x0], $0xffff;
	v23 =	vmax.f32 v8, v3;
	v3 =	vmin.f32 v8, v3;
	v8 =	vmax.f32 v2, v0  }
0x11a: {  	v11 =	vld.idx.msk [tilespmem:v11+s2+$0x0], $0xffff;
	v24 =	vmin.f32 v2, v0;
	v2 =	vmin.f32 v6, v3;
	v0 =	vmax.f32 v8, v1  }
0x11b: {  	[tilespmem:$0x1FBC0] =	vst v10;
	v25 =	vmin.f32 v9, v5;
	v20 =	vmax.f32 v0, v2;
	v10 =	vld.idx.msk [tilespmem:v7+s2+$0x0], $0xffff  }
0x11c: {  	v19 =	vmin.f32 v0, v2;
	v0 =	vmax.f32 v18, v17;
	v2 =	vmax.f32 v15, v13  }
0x11d: {  	v21 =	vmax.f32 v6, v3;
	v22 =	vmin.f32 v8, v1;
	v8 =	vmax.f32 v0, v2  }
0x11e: {  	v6 =	vmin.f32 v0, v2;
	v2 =	vmin.f32 v18, v17;
	v0 =	vmin.f32 v15, v13  }
0x11f: {  	v9 =	vmov v4;
	[tilespmem:$0x1FAA0] =	vst v4;
	v3 =	vmax.f32 v14, v4;
	v4 =	vmax.f32 v2, v0  }
0x120: {  	[tilespmem:$0x1FBF0] =	vst v7;
	v7 =	vmin.f32 v2, v0;
	v1 =	vmax.f32 v11, v10;
	v0 =	vmin.f32 v11, v10  }
0x121: {  	v5 =	vmax.f32 v3, v1;
	v2 =	vmin.f32 v3, v1;
	v3 =	vmin.f32 v14, v9  }
0x122: {  	v1 =	vmax.f32 v3, v0;
	v0 =	vmin.f32 v3, v0;
	v3 =	vmax.f32 v4, v6  }
0x123: {  	[tilespmem:$0x1FA00] =	vst v17;
	v4 =	vmin.f32 v4, v6;
	v17 =	vmax.f32 v8, v5;
	v5 =	vmin.f32 v8, v5  }
0x124: {  	[tilespmem:$0x1FA70] =	vst v14;
	v6 =	vmax.f32 v1, v2;
	v1 =	vmin.f32 v1, v2;
	v14 =	vmin.f32 v7, v0  }
0x125: {  	v8 =	vmax.f32 v3, v6;
	v3 =	vmin.f32 v3, v6;
	v6 =	vmax.f32 v4, v1  }
0x126: {  	[tilespmem:$0x1F970] =	vst v16;
	v1 =	vmin.f32 v4, v1;
	v4 =	vmax.f32 v7, v0;
	v0 =	vld [tilespmem:$0x1F300];
	v16 =	vmax.f32 v8, v5  }
0x127: {  	[tilespmem:$0x1FBD0] =	vst v12;
	v5 =	vmin.f32 v8, v5;
	v8 =	vmax.f32 v4, v1;
	v12 =	vmin.f32 v4, v1;
	v1 =	vld [tilespmem:$0x1F310];
	_ =	sdelay $0x3  }
0x128: {  	[tilespmem:$0x1FA30] =	vst v15;
	v15 =	vmax.f32 v6, v5;
	v5 =	vmin.f32 v6, v5;
	v6 =	vmax.f32 v8, v3  }
0x129: {  	[tilespmem:$0x1FAC0] =	vst v11;
	v11 =	vmax.f32 v6, v5;
	v9 =	vmin.f32 v6, v5;
	v6 =	vmax.f32 v0, v1;
	v0 =	vld [tilespmem:$0x1F320]  }
0x12a: {  	v1 =	vld [tilespmem:$0x1F330];
	_ =	sdelay $0x4  }
0x12b: {  	v5 =	vmax.f32 v0, v1;
	v0 =	vld [tilespmem:$0x1F340]  }
0x12c: {  	v1 =	vld [tilespmem:$0x1F350];
	_ =	sdelay $0x4  }
0x12d: {  	v7 =	vmax.f32 v0, v1;
	v0 =	vld [tilespmem:$0x1F360]  }
0x12e: {  	v1 =	vld [tilespmem:$0x1F370];
	_ =	sdelay $0x4  }
0x12f: {  	[tilespmem:$0x1FAE0] =	vst v10;
	v10 =	vmin.f32 v8, v3;
	v8 =	vmax.f32 v0, v1;
	v0 =	vld [tilespmem:$0x1F380]  }
0x130: {  	v1 =	vld [tilespmem:$0x1F390];
	_ =	sdelay $0x3  }
0x131: {  	v2 =	vld [tilespmem:$0x1F3B0]  }
0x132: {  	v0 =	vmax.f32 v0, v1;
	v1 =	vld [tilespmem:$0x1F3A0];
	_ =	sdelay $0x3  }
0x133: {  	v3 =	vld [tilespmem:$0x1F3D0]  }
0x134: {  	v1 =	vmax.f32 v1, v2;
	v2 =	vld [tilespmem:$0x1F3C0];
	_ =	sdelay $0x3  }
0x135: {  	v4 =	vld [tilespmem:$0x1F3F0]  }
0x136: {  	v2 =	vmax.f32 v2, v3;
	v3 =	vld [tilespmem:$0x1F3E0];
	_ =	sdelay $0x4  }
0x137: {  	v3 =	vmax.f32 v3, v4;
	v4 =	vmax.f32 v6, v0  }
0x138: {  	v0 =	vmin.f32 v6, v0;
	v6 =	vmax.f32 v5, v1;
	v1 =	vmin.f32 v5, v1  }
0x139: {  	v5 =	vmax.f32 v7, v2;
	v2 =	vmin.f32 v7, v2;
	v7 =	vmax.f32 v8, v3  }
0x13a: {  	v3 =	vmin.f32 v8, v3;
	v8 =	vmax.f32 v4, v5;
	v4 =	vmin.f32 v4, v5  }
0x13b: {  	v5 =	vmax.f32 v6, v7;
	v6 =	vmin.f32 v6, v7;
	v7 =	vmax.f32 v0, v2  }
0x13c: {  	v0 =	vmin.f32 v0, v2;
	v2 =	vmax.f32 v1, v3;
	v1 =	vmin.f32 v1, v3  }
0x13d: {  	v3 =	vmax.f32 v8, v5;
	v5 =	vmin.f32 v8, v5;
	v8 =	vmax.f32 v4, v6  }
0x13e: {  	v4 =	vmin.f32 v4, v6;
	v6 =	vmax.f32 v7, v2;
	v2 =	vmin.f32 v7, v2  }
0x13f: {  	[tilespmem:$0x1FA50] =	vst v13;
	v7 =	vmax.f32 v0, v1;
	v13 =	vmin.f32 v0, v1;
	v1 =	vmax.f32 v34, v46;
	v34 =	vld [tilespmem:$0x1F400]  }
0x140: {  	v46 =	vld [tilespmem:$0x1F410];
	_ =	sdelay $0x3  }
0x141: {  	v44 =	vmax.f32 v34, v44;
	v34 =	vld [tilespmem:$0x1F420]  }
0x142: {  	v33 =	vmax.f32 v62, v33;
	v42 =	vmax.f32 v46, v42;
	v46 =	vld [tilespmem:$0x1F430]  }
0x143: {  	v31 =	vmax.f32 v63, v31;
	v29 =	vmax.f32 v60, v29;
	v32 =	vmax.f32 v61, v32  }
0x144: {  	v27 =	vmax.f32 v59, v27;
	v30 =	vmax.f32 v58, v30;
	v28 =	vmax.f32 v56, v28  }
0x145: {  	v26 =	vmax.f32 v57, v26;
	v61 =	vmax.f32 v31, v28;
	v28 =	vmin.f32 v31, v28  }
0x146: {  	v31 =	vmax.f32 v29, v30;
	v29 =	vmin.f32 v29, v30;
	v41 =	vmax.f32 v34, v41;
	v34 =	vld [tilespmem:$0x1F440]  }
0x147: {  	v30 =	vmax.f32 v27, v32;
	v27 =	vmin.f32 v27, v32;
	v43 =	vmax.f32 v46, v43;
	v46 =	vld [tilespmem:$0x1F450]  }
0x148: {  	v62 =	vmax.f32 v26, v33;
	v26 =	vmin.f32 v26, v33;
	v56 =	vmax.f32 v28, v27  }
0x149: {  	v27 =	vmin.f32 v28, v27;
	v28 =	vmax.f32 v29, v26;
	v26 =	vmin.f32 v29, v26  }
0x14a: {  	v63 =	vmax.f32 v61, v30;
	v30 =	vmin.f32 v61, v30;
	v58 =	vmax.f32 v27, v26  }
0x14b: {  	v26 =	vmin.f32 v27, v26;
	[tilespmem:$0x1F9E0] =	vst v18;
	v18 =	vld [tilespmem:$0x1F470];
	v17 =	vmax.f32 v25, v17;
	v14 =	vmax.f32 v35, v14  }
0x14c: {  	v12 =	vmax.f32 v23, v12;
	v45 =	vmax.f32 v34, v45;
	v34 =	vmax.f32 v46, v47;
	v47 =	vld [tilespmem:$0x1F460]  }
0x14d: {  	v16 =	vmax.f32 v24, v16;
	v10 =	vmax.f32 v21, v10;
	v15 =	vmax.f32 v22, v15  }
0x14e: {  	v0 =	vmax.f32 v1, v43;
	v1 =	vmin.f32 v1, v43;
	v43 =	vmax.f32 v44, v45  }
0x14f: {  	v44 =	vmin.f32 v44, v45;
	v45 =	vmax.f32 v42, v34;
	v42 =	vmin.f32 v42, v34  }
0x150: {  	v9 =	vmax.f32 v20, v9;
	v11 =	vmax.f32 v19, v11;
	v46 =	vmax.f32 v1, v42  }
0x151: {  	v1 =	vmin.f32 v1, v42;
	v47 =	vmax.f32 v47, v18;
	v18 =	vmax.f32 v14, v11  }
0x152: {  	v11 =	vmin.f32 v14, v11;
	v14 =	vmax.f32 v12, v15;
	v12 =	vmin.f32 v12, v15  }
0x153: {  	v15 =	vmax.f32 v10, v16;
	v10 =	vmin.f32 v10, v16;
	v16 =	vmax.f32 v9, v17  }
0x154: {  	v9 =	vmin.f32 v9, v17;
	v34 =	vmax.f32 v41, v47;
	v41 =	vmin.f32 v41, v47  }
0x155: {  	v47 =	vmax.f32 v0, v45;
	v0 =	vmin.f32 v0, v45;
	v17 =	vmax.f32 v18, v15  }
0x156: {  	v15 =	vmin.f32 v18, v15;
	v18 =	vmax.f32 v14, v16;
	v14 =	vmin.f32 v14, v16  }
0x157: {  	v16 =	vmax.f32 v11, v10;
	v10 =	vmin.f32 v11, v10;
	v11 =	vmax.f32 v12, v9  }
0x158: {  	v9 =	vmin.f32 v12, v9;
	v45 =	vmax.f32 v43, v34;
	v43 =	vmin.f32 v43, v34  }
0x159: {  	v34 =	vmax.f32 v44, v41;
	v41 =	vmin.f32 v44, v41;
	v12 =	vmax.f32 v17, v18  }
0x15a: {  	v17 =	vmin.f32 v17, v18;
	v18 =	vmax.f32 v15, v14;
	v14 =	vmin.f32 v15, v14  }
0x15b: {  	v15 =	vmax.f32 v16, v11;
	v11 =	vmin.f32 v16, v11;
	v16 =	vmax.f32 v10, v9  }
0x15c: {  	v9 =	vmin.f32 v10, v9;
	v44 =	vmax.f32 v47, v45;
	v45 =	vmin.f32 v47, v45  }
0x15d: {  	v47 =	vmax.f32 v0, v43;
	v0 =	vmin.f32 v0, v43;
	v43 =	vmax.f32 v46, v34  }
0x15e: {  	v42 =	vmin.f32 v46, v34;
	v46 =	vmax.f32 v1, v41;
	v1 =	vmin.f32 v1, v41  }
0x15f: {  	v41 =	vmax.f32 v31, v62;
	v31 =	vmin.f32 v31, v62;
	v12 =	vmax.f32 v26, v12  }
0x160: {  	v29 =	vmax.f32 v63, v41;
	v33 =	vmin.f32 v63, v41;
	v57 =	vmax.f32 v30, v31  }
0x161: {  	v30 =	vmin.f32 v30, v31;
	v31 =	vmax.f32 v56, v28;
	v28 =	vmin.f32 v56, v28  }
0x162: {  	v1 =	vmax.f32 v3, v1;
	v59 =	vmax.f32 v5, v46;
	v5 =	vmax.f32 v8, v42  }
0x163: {  	v4 =	vmax.f32 v4, v43;
	v0 =	vmax.f32 v6, v0;
	v2 =	vmax.f32 v2, v47  }
0x164: {  	v6 =	vmax.f32 v7, v45;
	v7 =	vmax.f32 v13, v44;
	v8 =	vmax.f32 v1, v0  }
0x165: {  	v0 =	vmin.f32 v1, v0;
	v60 =	vmax.f32 v59, v2;
	v2 =	vmin.f32 v59, v2  }
0x166: {  	v61 =	vmax.f32 v5, v6;
	v5 =	vmin.f32 v5, v6;
	v6 =	vmax.f32 v4, v7  }
0x167: {  	v4 =	vmin.f32 v4, v7;
	v63 =	vmax.f32 v29, v9;
	v9 =	vmax.f32 v33, v16  }
0x168: {  	v10 =	vmax.f32 v57, v11;
	v11 =	vmax.f32 v30, v15;
	v13 =	vmax.f32 v31, v14  }
0x169: {  	v14 =	vmax.f32 v28, v18;
	v15 =	vmax.f32 v58, v17;
	v7 =	vmax.f32 v8, v61  }
0x16a: {  	v3 =	vmin.f32 v8, v61;
	v8 =	vmax.f32 v60, v6;
	v1 =	vmin.f32 v60, v6  }
0x16b: {  	v6 =	vmax.f32 v0, v5;
	v0 =	vmin.f32 v0, v5;
	v5 =	vmax.f32 v2, v4  }
0x16c: {  	v2 =	vmin.f32 v2, v4;
	v16 =	vmax.f32 v63, v13;
	v4 =	vmax.f32 v7, v8  }
0x16d: {  	v7 =	vmin.f32 v7, v8;
	v8 =	vmax.f32 v3, v1;
	v1 =	vmin.f32 v3, v1  }
0x16e: {  	v62 =	vmax.f32 v6, v5;
	v5 =	vmin.f32 v6, v5;
	v6 =	vmax.f32 v0, v2  }
0x16f: {  	v0 =	vmin.f32 v0, v2;
	v2 =	vmin.f32 v63, v13;
	v13 =	vmax.f32 v9, v14  }
0x170: {  	v9 =	vmin.f32 v9, v14;
	v14 =	vmax.f32 v10, v15;
	v10 =	vmin.f32 v10, v15  }
0x171: {  	v15 =	vmax.f32 v11, v12;
	v11 =	vmin.f32 v11, v12;
	v12 =	vmax.f32 v16, v14  }
0x172: {  	v14 =	vmin.f32 v16, v14;
	v16 =	vmax.f32 v13, v15;
	v13 =	vmin.f32 v13, v15  }
0x173: {  	v15 =	vmax.f32 v2, v10;
	v2 =	vmin.f32 v2, v10;
	v10 =	vmax.f32 v9, v11  }
0x174: {  	v9 =	vmin.f32 v9, v11;
	v11 =	vmax.f32 v12, v16;
	v12 =	vmin.f32 v12, v16  }
0x175: {  	v16 =	vmax.f32 v14, v13;
	v13 =	vmin.f32 v14, v13;
	v14 =	vmax.f32 v15, v10  }
0x176: {  	v10 =	vmin.f32 v15, v10;
	v15 =	vmax.f32 v2, v9;
	v2 =	vmin.f32 v2, v9  }
0x177: {  	v2 =	vmax.f32 v4, v2;
	v4 =	vmax.f32 v7, v15;
	v7 =	vmax.f32 v8, v10  }
0x178: {  	v1 =	vmax.f32 v1, v14;
	v3 =	vmax.f32 v62, v13;
	v5 =	vmax.f32 v5, v16  }
0x179: {  	v6 =	vmax.f32 v6, v12;
	v8 =	vmax.f32 v0, v11;
	v9 =	vmax.f32 v2, v3  }
0x17a: {  	v10 =	vmax.f32 v4, v5;
	v11 =	vmax.f32 v7, v6;
	v12 =	vmax.f32 v1, v8  }
0x17b: {  	v13 =	vmax.f32 v9, v11;
	v14 =	vmax.f32 v10, v12  }
0x17c: {  	v2 =	vmin.f32 v2, v3;
	v0 =	vmax.f32 v13, v14;
	v13 =	vmin.f32 v13, v14  }
0x17d: {  	v9 =	vmin.f32 v9, v11;
	v10 =	vmin.f32 v10, v12;
	v11 =	vsub.f32 v13, v0  }
0x17e: {  	v4 =	vmin.f32 v4, v5;
	v5 =	vmin.f32 v7, v6;
	v12 =	vmax.f32 v9, v10  }
0x17f: {  	v1 =	vmin.f32 v1, v8;
	v46 =	vmul.f32 $1.442695020e+00, v11;
	v11 =	vsub.f32 v12, v0  }
0x180: {  	v7 =	vmax.f32 v2, v5;
	v8 =	vmax.f32 v4, v1;
	v6 =	vmin.f32 v9, v10  }
0x181: {  	v6 =	vsub.f32 v6, v0;
	(erf) = vpow2.f32 v46;
	v47 =	vmul.f32 $1.442695020e+00, v11  }
0x182: {  	v1 =	vmin.f32 v4, v1;
	v9 =	vmax.f32 v7, v8;
	v4 =	vmin.f32 v7, v8  }
0x183: {  	v56 =	vmul.f32 $1.442695020e+00, v6;
	v6 =	vsub.f32 v9, v0;
	(erf) = vpow2.f32 v47  }
0x184: {  	v2 =	vmin.f32 v2, v5;
	v4 =	vsub.f32 v4, v0  }
0x185: {  	v5 =	vmax.f32 v2, v1;
	v57 =	vmul.f32 $1.442695020e+00, v6;
	(erf) = vpow2.f32 v56  }
0x186: {  	v58 =	vmul.f32 $1.442695020e+00, v4;
	v4 =	vsub.f32 v5, v0  }
0x187: {  	(erf) = vpow2.f32 v57  }
0x188: {  	v1 =	vmin.f32 v2, v1  }
0x189: {  	v60 =	vsub.f32 v1, v0;
	v59 =	vmul.f32 $1.442695020e+00, v4;
	(erf) = vpow2.f32 v58  }
0x18a: {  	v4 =	vpop (erf)  }
0x18b: {  	v3 =	vmul.f32 $1.442695020e+00, v60;
	(erf) = vpow2.f32 v59;
	v61 =	vadd.f32 $1.000000000e+00, v4  }
0x18c: {  	v4 =	vpop (erf)  }
0x18d: {  	(erf) = vpow2.f32 v3;
	v2 =	vadd.f32 v61, v4  }
0x18e: {  	v7 =	vld [tilespmem:$0x1F4A0];
	v62 =	vpop (erf)  }
0x18f: {  	v2 =	vadd.f32 v2, v62  }
0x190: {  	v63 =	vpop (erf)  }
0x191: {  	v8 =	vld [tilespmem:$0x1F480];
	v2 =	vadd.f32 v2, v63  }
0x192: {  	v35 =	vpop (erf)  }
0x193: {  	v6 =	vld [tilespmem:$0x1F490];
	v5 =	vsub.f32 v7, v0;
	v2 =	vadd.f32 v2, v35  }
0x194: {  	v46 =	vpop (erf)  }
0x195: {  	v58 =	vmul.f32 $1.442695020e+00, v5;
	v5 =	vld [tilespmem:$0x1F4B0];
	v2 =	vadd.f32 v2, v46  }
0x196: {  	v4 =	vsub.f32 v8, v0;
	v47 =	vpop (erf)  }
0x197: {  	v2 =	vadd.f32 v2, v47  }
0x198: {  	v56 =	vsub.f32 v6, v0;
	vm0 =	vge.f32 v6, v1;
	v6 =	vld [tilespmem:$0x1F4C0];
	v4 =	vmul.f32 $1.442695020e+00, v4  }
0x199: {  	vm7 =	vge.f32 v8, v1;
	v8 =	vld [tilespmem:$0x1F500];
	(erf) = vrcp.f32 v2  }
0x19a: {  	vm6 =	vge.f32 v5, v1;
	(erf) = vpow2.f32 v4;
	v4 =	vsub.f32 v5, v0;
	v5 =	vld [tilespmem:$0x1F4D0];
	_ =	sdelay $0x3  }
0x19b: {  	v59 =	vsub.f32 v6, v0;
	vm4 =	vge.f32 v6, v1;
	v60 =	vmul.f32 $1.442695020e+00, v4  }
0x19c: {  	v6 =	vld [tilespmem:$0x1F4F0];
	v4 =	vsub.f32 v5, v0;
	vm13 =	vge.f32 v5, v1;
	v5 =	vsub.f32 v8, v0  }
0x19d: {  	vm5 =	vge.f32 v7, v1;
	v7 =	vld [tilespmem:$0x1F4E0]  }
0x19e: {  	v35 =	vmul.f32 $1.442695020e+00, v5;
	v5 =	vld [tilespmem:$0x1F510];
	_ =	sdelay $0x1  }
0x19f: {  	v57 =	vmul.f32 $1.442695020e+00, v56  }
0x1a0: {  	v62 =	vmul.f32 $1.442695020e+00, v4;
	v4 =	vsub.f32 v6, v0  }
0x1a1: {  	v10 =	vld [tilespmem:$0x1F540];
	v61 =	vsub.f32 v7, v0;
	(erf) = vpow2.f32 v57  }
0x1a2: {  	v63 =	vmul.f32 $1.442695020e+00, v4;
	v4 =	vsub.f32 v5, v0;
	vm10 =	vge.f32 v5, v1;
	v5 =	vld [tilespmem:$0x1F530]  }
0x1a3: {  	vm12 =	vge.f32 v6, v1;
	v2 =	vmul.f32 $1.442695020e+00, v59;
	(erf) = vpow2.f32 v58;
	v6 =	vld [tilespmem:$0x1F520]  }
0x1a4: {  	v9 =	vld [tilespmem:$0x1F550];
	(erf) = vpow2.f32 v60  }
0x1a5: {  	v3 =	vmul.f32 $1.442695020e+00, v61;
	vm14 =	vge.f32 v8, v1;
	(erf) = vpow2.f32 v2;
	v8 =	vld [tilespmem:$0x1F570]  }
0x1a6: {  	vm15 =	vge.f32 v7, v1;
	(erf) = vpow2.f32 v62  }
0x1a7: {  	(erf) = vpow2.f32 v3;
	v47 =	vmul.f32 $1.442695020e+00, v4;
	v4 =	vsub.f32 v5, v0  }
0x1a8: {  	v56 =	vsub.f32 v10, v0;
	v7 =	vld [tilespmem:$0x1F560];
	(erf) = vpow2.f32 v63;
	v46 =	vsub.f32 v6, v0  }
0x1a9: {  	(erf) = vpow2.f32 v35;
	v57 =	vmul.f32 $1.442695020e+00, v4;
	v4 =	vsub.f32 v9, v0  }
0x1aa: {  	vm11 =	vge.f32 v6, v1;
	v6 =	vsub.f32 v8, v0;
	v2 =	vmul.f32 $1.442695020e+00, v46  }
0x1ab: {  	vm1 =	vge.f32 v10, v1;
	v3 =	vmul.f32 $1.442695020e+00, v56;
	(erf) = vpow2.f32 v47  }
0x1ac: {  	v61 =	vsub.f32 v40, v0;
	v12 =	vpop (erf);
	v60 =	vmul.f32 $1.442695020e+00, v6;
	(erf) = vpow2.f32 v2  }
0x1ad: {  	vm8 =	vge.f32 v5, v1;
	v5 =	vsub.f32 v7, v0;
	v58 =	vmul.f32 $1.442695020e+00, v4;
	v4 =	vpop (erf)  }
0x1ae: {  	vm9 =	vge.f32 v8, v1;
	(erf) = vpow2.f32 v57;
	v62 =	vmul.f32 v12, v4  }
0x1af: {  	v10 =	vld [tilespmem:$0x1F580];
	v8 =	vimm.s32 $0x0;
	v59 =	vmul.f32 $1.442695020e+00, v5;
	(erf) = vpow2.f32 v3  }
0x1b0: {  	v3 =	vmul.f32 $1.442695020e+00, v61;
	v2 =	vnsel vm7, $0x0, v62;
	vm7 =	vge.f32 v40, v1  }
0x1b1: {  	v15 =	vld [tilespmem:$0x1F5A0];
	v5 =	vpop (erf);
	(erf) = vpow2.f32 v58;
	v4 =	vsub.f32 v51, v0;
	v8 =	vsel vm7, $0xFFFFFFFF, v8  }
0x1b2: {  	v13 =	vld [tilespmem:$0x1F590];
	v6 =	vpop (erf);
	(erf) = vpow2.f32 v59;
	v5 =	vmul.f32 v12, v5  }
0x1b3: {  	vm2 =	vge.f32 v7, v1;
	v7 =	vpop (erf);
	(erf) = vpow2.f32 v60;
	v4 =	vmul.f32 $1.442695020e+00, v4  }
0x1b4: {  	v63 =	vnsel vm0, $0x0, v5;
	v5 =	vsub.f32 v10, v0;
	[tilespmem:$0x1F630] =	vst v8;
	v8 =	vpop (erf);
	(erf) = vpow2.f32 v3  }
0x1b5: {  	v14 =	vld [tilespmem:$0x1F5B0];
	vm3 =	vge.f32 v9, v1;
	v9 =	vpop (erf);
	(erf) = vpow2.f32 v4;
	v4 =	vmul.f32 v12, v6  }
0x1b6: {  	v16 =	vsub.f32 v39, v0;
	v5 =	vmul.f32 $1.442695020e+00, v5;
	v6 =	vmul.f32 v12, v7  }
0x1b7: {  	v11 =	vsub.f32 v15, v0;
	v7 =	vsub.f32 v13, v0;
	v4 =	vnsel vm5, $0x0, v4  }
0x1b8: {  	v17 =	vld [tilespmem:$0x1F5C0];
	vm5 =	vge.f32 v10, v1;
	v10 =	vpop (erf);
	(erf) = vpow2.f32 v5;
	v5 =	vnsel vm6, $0x0, v6  }
0x1b9: {  	v6 =	vmul.f32 $1.442695020e+00, v7;
	vm6 =	vge.f32 v13, v1;
	v7 =	vmul.f32 v12, v8  }
0x1ba: {  	v8 =	vmul.f32 $1.442695020e+00, v11;
	v13 =	vsub.f32 v14, v0;
	v10 =	vmul.f32 v12, v10  }
0x1bb: {  	v11 =	vpop (erf);
	(erf) = vpow2.f32 v6;
	v6 =	vmul.f32 v12, v9;
	v7 =	vnsel vm4, $0x0, v7  }
0x1bc: {  	v9 =	vpop (erf);
	(erf) = vpow2.f32 v8;
	v8 =	vmul.f32 $1.442695020e+00, v13;
	v13 =	vsub.f32 v36, v0  }
0x1bd: {  	vm4 =	vge.f32 v15, v1;
	v15 =	vsub.f32 v17, v0;
	v6 =	vnsel vm13, $0x0, v6  }
0x1be: {  	vm13 =	vge.f32 v14, v1;
	v14 =	vpop (erf);
	(erf) = vpow2.f32 v8;
	v13 =	vmul.f32 $1.442695020e+00, v13  }
0x1bf: {  	v8 =	vnsel vm15, $0x0, v10;
	v10 =	vmul.f32 v12, v11;
	v11 =	vmul.f32 $1.442695020e+00, v15  }
0x1c0: {  	v21 =	vld [tilespmem:$0x1F5D0]  }
0x1c1: {  	v15 =	vpop (erf);
	(erf) = vpow2.f32 v13;
	v13 =	vmul.f32 $1.442695020e+00, v16  }
0x1c2: {  	v20 =	vld [tilespmem:$0x1F5E0];
	v16 =	vpop (erf);
	(erf) = vpow2.f32 v11  }
0x1c3: {  	v11 =	vpop (erf);
	(erf) = vpow2.f32 v13;
	v13 =	vsub.f32 v55, v0  }
0x1c4: {  	v10 =	vnsel vm12, $0x0, v10  }
0x1c5: {  	v22 =	vld [tilespmem:$0x1F5F0];
	vm12 =	vge.f32 v17, v1;
	v17 =	vsub.f32 v21, v0;
	v13 =	vmul.f32 $1.442695020e+00, v13  }
0x1c6: {  	v24 =	vld [tilespmem:$0x1F600];
	v15 =	vmul.f32 v12, v15;
	v16 =	vmul.f32 v12, v16  }
0x1c7: {  	v19 =	vsub.f32 v20, v0;
	v17 =	vmul.f32 $1.442695020e+00, v17;
	v18 =	vpop (erf);
	(erf) = vpow2.f32 v13  }
0x1c8: {  	v13 =	vnsel vm11, $0x0, v15;
	vm11 =	vge.f32 v21, v1;
	v21 =	vimm.s32 $0x0  }
0x1c9: {  	v23 =	vld [tilespmem:$0x1F610];
	v16 =	vnsel vm8, $0x0, v16;
	v21 =	vsel vm11, $0xFFFFFFFF, v21  }
0x1ca: {  	v15 =	vpop (erf);
	(erf) = vpow2.f32 v17;
	v17 =	vmul.f32 $1.442695020e+00, v19;
	v19 =	vsub.f32 v22, v0  }
0x1cb: {  	v26 =	vld [tilespmem:$0x1F620];
	vm8 =	vge.f32 v22, v1;
	vm11 =	vge.f32 v20, v1;
	[tilespmem:$0x1F770] =	vst v21;
	v21 =	vsub.f32 v24, v0  }
0x1cc: {  	v20 =	vpop (erf);
	(erf) = vpow2.f32 v17;
	v17 =	vmul.f32 $1.442695020e+00, v19;
	v19 =	vimm.s32 $0x0  }
0x1cd: {  	v18 =	vmul.f32 v12, v18;
	v19 =	vsel vm8, $0xFFFFFFFF, v19  }
0x1ce: {  	v22 =	vsub.f32 v23, v0;
	[tilespmem:$0x1F7E0] =	vst v19;
	v19 =	vmul.f32 $1.442695020e+00, v21  }
0x1cf: {  	v18 =	vnsel vm3, $0x0, v18;
	v21 =	vpop (erf);
	(erf) = vpow2.f32 v17  }
0x1d0: {  	v17 =	vpop (erf);
	(erf) = vpow2.f32 v19;
	v19 =	vmul.f32 $1.442695020e+00, v22;
	v22 =	vsub.f32 v26, v0  }
0x1d1: {  	vm3 =	vge.f32 v23, v1;
	vm8 =	vge.f32 v24, v1;
	v24 =	vsub.f32 v49, v0  }
0x1d2: {  	v23 =	vpop (erf);
	(erf) = vpow2.f32 v19;
	v19 =	vmul.f32 $1.442695020e+00, v22;
	v22 =	vsub.f32 v54, v0;
	_ =	sdelay $0x1  }
0x1d3: {  	v24 =	vmul.f32 $1.442695020e+00, v24  }
0x1d4: {  	v27 =	vld [tilespmem:$0x1F640];
	v25 =	vpop (erf);
	(erf) = vpow2.f32 v19  }
0x1d5: {  	v19 =	vmul.f32 $1.442695020e+00, v22;
	v22 =	vpop (erf);
	(erf) = vpow2.f32 v24;
	v24 =	vld [tilespmem:$0x1F630]  }
0x1d6: {  	v20 =	vmul.f32 v12, v20  }
0x1d7: {  	v29 =	vld [tilespmem:$0x1F650]  }
0x1d8: {  	v20 =	vnsel vm9, $0x0, v20;
	vm9 =	vge.f32 v26, v1;
	v26 =	vimm.s32 $0x0  }
0x1d9: {  	v30 =	vld [tilespmem:$0x1F660];
	v21 =	vmul.f32 v12, v21;
	v26 =	vsel vm9, $0xFFFFFFFF, v26  }
0x1da: {  	vm9 =	vnez.u8 v24;
	v24 =	vpop (erf);
	(erf) = vpow2.f32 v19;
	v19 =	vsub.f32 v27, v0  }
0x1db: {  	v21 =	vnsel vm9, $0x0, v21;
	vm9 =	vge.f32 v27, v1;
	v27 =	vimm.s32 $0x0  }
0x1dc: {  	[tilespmem:$0x1F890] =	vst v26;
	v26 =	vsub.f32 v29, v0;
	v25 =	vmul.f32 v12, v25;
	v27 =	vsel vm9, $0xFFFFFFFF, v27  }
0x1dd: {  	v19 =	vmul.f32 $1.442695020e+00, v19  }
0x1de: {  	v28 =	vsub.f32 v30, v0;
	v26 =	vmul.f32 $1.442695020e+00, v26  }
0x1df: {  	v23 =	vmul.f32 v12, v23;
	[tilespmem:$0x1F8E0] =	vst v27;
	v27 =	vpop (erf);
	(erf) = vpow2.f32 v19  }
0x1e0: {  	v40 =	vld [tilespmem:$0x1F670];
	v19 =	vnsel vm6, $0x0, v25;
	v25 =	vpop (erf);
	(erf) = vpow2.f32 v26;
	v26 =	vmul.f32 $1.442695020e+00, v28  }
0x1e1: {  	vm7 =	vge.f32 v51, v1;
	v51 =	vld [tilespmem:$0x1F690];
	v11 =	vmul.f32 v12, v11  }
0x1e2: {  	v23 =	vnsel vm5, $0x0, v23;
	vm5 =	vge.f32 v29, v1;
	v29 =	vpop (erf);
	(erf) = vpow2.f32 v26;
	v26 =	vld [tilespmem:$0x1F6A0]  }
0x1e3: {  	v11 =	vnsel vm1, $0x0, v11;
	vm1 =	vge.f32 v49, v1;
	v49 =	vld [tilespmem:$0x1F680]  }
0x1e4: {  	v56 =	vld [tilespmem:$0x1F6C0];
	_ =	sdelay $0x2  }
0x1e5: {  	v24 =	vmul.f32 v12, v24;
	v28 =	vsub.f32 v40, v0  }
0x1e6: {  	v14 =	vmul.f32 v12, v14;
	vm6 =	vge.f32 v30, v1;
	v30 =	vsub.f32 v49, v0  }
0x1e7: {  	vm0 =	vge.f32 v54, v1;
	[tilespmem:v51+s7+$0x0] =	vst.idx.msk $0xffff, v2;
	v54 =	vnsel vm13, $0x0, v24;
	v24 =	vmul.f32 $1.442695020e+00, v28  }
0x1e8: {  	v57 =	vld [tilespmem:$0x1F6D0];
	v14 =	vnsel vm10, $0x0, v14;
	[tilespmem:v26+s7+$0x0] =	vst.idx.msk $0xffff, v63;
	v26 =	vmul.f32 $1.442695020e+00, v30  }
0x1e9: {  	v31 =	vld [tilespmem:$0x1F6B0];
	vm10 =	vge.f32 v55, v1;
	v55 =	vmul.f32 v12, v27;
	v27 =	vpop (erf);
	(erf) = vpow2.f32 v24  }
0x1ea: {  	[tilespmem:v56+s7+$0x0] =	vst.idx.msk $0xffff, v4;
	v4 =	vpop (erf);
	(erf) = vpow2.f32 v26;
	v26 =	vld [tilespmem:$0x1F6E0]  }
0x1eb: {  	v58 =	vld [tilespmem:$0x1F6F0];
	_ =	sdelay $0x2  }
0x1ec: {  	v28 =	vsub.f32 v31, v0  }
0x1ed: {  	v24 =	vsub.f32 v50, v0  }
0x1ee: {  	[tilespmem:v57+s7+$0x0] =	vst.idx.msk $0xffff, v5;
	v5 =	vmul.f32 $1.442695020e+00, v28  }
0x1ef: {  	v24 =	vmul.f32 $1.442695020e+00, v24  }
0x1f0: {  	v59 =	vld [tilespmem:$0x1F700];
	[tilespmem:v26+s7+$0x0] =	vst.idx.msk $0xffff, v7;
	v7 =	vmul.f32 v12, v25;
	v25 =	vpop (erf);
	(erf) = vpow2.f32 v5  }
0x1f1: {  	[tilespmem:v58+s7+$0x0] =	vst.idx.msk $0xffff, v6;
	v6 =	vpop (erf);
	(erf) = vpow2.f32 v24;
	v24 =	vld [tilespmem:$0x1F710]  }
0x1f2: {  	v60 =	vld [tilespmem:$0x1F720];
	_ =	sdelay $0x4  }
0x1f3: {  	v9 =	vmul.f32 v12, v9  }
0x1f4: {  	[tilespmem:v59+s7+$0x0] =	vst.idx.msk $0xffff, v8  }
0x1f5: {  	v9 =	vnsel vm14, $0x0, v9;
	[tilespmem:v24+s7+$0x0] =	vst.idx.msk $0xffff, v10  }
0x1f6: {  	[tilespmem:v60+s7+$0x0] =	vst.idx.msk $0xffff, v9;
	v9 =	vld [tilespmem:$0x1F730];
	_ =	sdelay $0x7  }
0x1f7: {  	[tilespmem:v9+s7+$0x0] =	vst.idx.msk $0xffff, v14;
	v14 =	vld [tilespmem:$0x1F750];
	_ =	sdelay $0x7  }
0x1f8: {  	[tilespmem:v14+s7+$0x0] =	vst.idx.msk $0xffff, v13;
	v14 =	vld [tilespmem:$0x1F760];
	_ =	sdelay $0x7  }
0x1f9: {  	[tilespmem:v14+s7+$0x0] =	vst.idx.msk $0xffff, v16;
	v16 =	vld [tilespmem:$0x1F780];
	_ =	sdelay $0x3  }
0x1fa: {  	v22 =	vmul.f32 v12, v22;
	_ =	sdelay $0x1  }
0x1fb: {  	v22 =	vnsel vm4, $0x0, v22;
	vm4 =	vge.f32 v31, v1;
	v31 =	vld [tilespmem:$0x1F740];
	v26 =	vsub.f32 v52, v0;
	_ =	sdelay $0x1  }
0x1fc: {  	v8 =	vmul.f32 $1.442695020e+00, v26;
	[tilespmem:v16+s7+$0x0] =	vst.idx.msk $0xffff, v11;
	v16 =	vld [tilespmem:$0x1F7A0]  }
0x1fd: {  	v10 =	vmul.f32 v12, v27;
	v14 =	vld [tilespmem:$0x1F770]  }
0x1fe: {  	v24 =	vpop (erf);
	(erf) = vpow2.f32 v8;
	v8 =	vsub.f32 v53, v0  }
0x1ff: {  	v9 =	vnsel vm10, $0x0, v10;
	v10 =	vsub.f32 v31, v0  }
0x200: {  	v5 =	vmul.f32 v12, v29;
	v8 =	vmul.f32 $1.442695020e+00, v8  }
0x201: {  	vm14 =	vge.f32 v39, v1;
	v10 =	vmul.f32 $1.442695020e+00, v10  }
0x202: {  	v5 =	vnsel vm14, $0x0, v5;
	vm14 =	vnez.u8 v14;
	v14 =	vpop (erf);
	(erf) = vpow2.f32 v8  }
0x203: {  	v11 =	vpop (erf);
	(erf) = vpow2.f32 v10;
	v10 =	vld [tilespmem:$0x1F7B0]  }
0x204: {  	[tilespmem:v16+s7+$0x0] =	vst.idx.msk $0xffff, v18;
	v16 =	vld [tilespmem:$0x1F7D0];
	_ =	sdelay $0x3  }
0x205: {  	v61 =	vld [tilespmem:$0x1F790];
	v15 =	vmul.f32 v12, v15;
	_ =	sdelay $0x1  }
0x206: {  	v62 =	vld [tilespmem:$0x1F7C0];
	v15 =	vnsel vm2, $0x0, v15  }
0x207: {  	v13 =	vmul.f32 v12, v25;
	[tilespmem:v10+s7+$0x0] =	vst.idx.msk $0xffff, v15  }
0x208: {  	[tilespmem:v16+s7+$0x0] =	vst.idx.msk $0xffff, v20;
	v16 =	vld [tilespmem:$0x1F7E0]  }
0x209: {  	v8 =	vnsel vm11, $0x0, v13;
	v13 =	vsub.f32 v61, v0;
	_ =	sdelay $0x1  }
0x20a: {  	v13 =	vmul.f32 $1.442695020e+00, v13;
	v15 =	vsub.f32 v62, v0  }
0x20b: {  	v7 =	vnsel vm12, $0x0, v7;
	v20 =	vld [tilespmem:$0x1F800]  }
0x20c: {  	vm12 =	vnez.u8 v16;
	v16 =	vpop (erf);
	(erf) = vpow2.f32 v13;
	v13 =	vmul.f32 $1.442695020e+00, v15;
	v15 =	vld [tilespmem:$0x1F810]  }
0x20d: {  	v63 =	vld [tilespmem:$0x1F7F0];
	_ =	sdelay $0x1  }
0x20e: {  	vm11 =	vge.f32 v31, v1;
	v31 =	vld [tilespmem:$0x1F820]  }
0x20f: {  	v17 =	vmul.f32 v12, v17;
	_ =	sdelay $0x1  }
0x210: {  	v17 =	vnsel vm7, $0x0, v17;
	v18 =	vsub.f32 v63, v0  }
0x211: {  	[tilespmem:v20+s7+$0x0] =	vst.idx.msk $0xffff, v21  }
0x212: {  	v20 =	vld [tilespmem:$0x1F830];
	[tilespmem:v15+s7+$0x0] =	vst.idx.msk $0xffff, v17;
	v15 =	vmul.f32 $1.442695020e+00, v18;
	v18 =	vsub.f32 v31, v0  }
0x213: {  	v39 =	vld [tilespmem:$0x1F840];
	v17 =	vpop (erf);
	(erf) = vpow2.f32 v13  }
0x214: {  	vm15 =	vge.f32 v36, v1;
	v13 =	vpop (erf);
	(erf) = vpow2.f32 v15;
	v15 =	vmul.f32 $1.442695020e+00, v18;
	v18 =	vld [tilespmem:$0x1F850]  }
0x215: {  	v3 =	vnsel vm15, $0x0, v55;
	vm15 =	vge.f32 v49, v1;
	v49 =	vld [tilespmem:$0x1F870]  }
0x216: {  	vm2 =	vge.f32 v50, v1;
	v50 =	vmul.f32 v12, v16;
	v16 =	vld [tilespmem:$0x1F880];
	_ =	sdelay $0x3  }
0x217: {  	[tilespmem:v20+s7+$0x0] =	vst.idx.msk $0xffff, v23  }
0x218: {  	[tilespmem:v39+s7+$0x0] =	vst.idx.msk $0xffff, v19  }
0x219: {  	[tilespmem:v18+s7+$0x0] =	vst.idx.msk $0xffff, v22  }
0x21a: {  	[tilespmem:v49+s7+$0x0] =	vst.idx.msk $0xffff, v54  }
0x21b: {  	[tilespmem:v16+s7+$0x0] =	vst.idx.msk $0xffff, v3;
	v16 =	vld [tilespmem:$0x1F8A0];
	_ =	sdelay $0x5  }
0x21c: {  	vm13 =	vge.f32 v40, v1;
	v40 =	vld [tilespmem:$0x1F860]  }
0x21d: {  	v51 =	vld [tilespmem:$0x1F890]  }
0x21e: {  	[tilespmem:v16+s7+$0x0] =	vst.idx.msk $0xffff, v7;
	v7 =	vmul.f32 v12, v17;
	v17 =	vld [tilespmem:$0x1F8B0]  }
0x21f: {  	v20 =	vsub.f32 v48, v0  }
0x220: {  	v4 =	vmul.f32 v12, v4  }
0x221: {  	v11 =	vmul.f32 v12, v11;
	v18 =	vmul.f32 $1.442695020e+00, v20;
	v20 =	vsub.f32 v40, v0  }
0x222: {  	v4 =	vnsel vm14, $0x0, v4;
	vm14 =	vnez.u8 v51  }
0x223: {  	v19 =	vpop (erf);
	(erf) = vpow2.f32 v15;
	v3 =	vnsel vm14, $0x0, v11;
	v11 =	vmul.f32 $1.442695020e+00, v20  }
0x224: {  	v15 =	vpop (erf);
	(erf) = vpow2.f32 v18  }
0x225: {  	v16 =	vpop (erf);
	(erf) = vpow2.f32 v11;
	v11 =	vld [tilespmem:$0x1F8C0]  }
0x226: {  	[tilespmem:v17+s7+$0x0] =	vst.idx.msk $0xffff, v5;
	v17 =	vld [tilespmem:$0x1F8D0];
	_ =	sdelay $0x6  }
0x227: {  	[tilespmem:v11+s7+$0x0] =	vst.idx.msk $0xffff, v9  }
0x228: {  	[tilespmem:v17+s7+$0x0] =	vst.idx.msk $0xffff, v4;
	v17 =	vld [tilespmem:$0x1F8F0];
	_ =	sdelay $0x7  }
0x229: {  	[tilespmem:v17+s7+$0x0] =	vst.idx.msk $0xffff, v8;
	v17 =	vld [tilespmem:$0x1F900];
	_ =	sdelay $0x3  }
0x22a: {  	vm7 =	vge.f32 v52, v1;
	v52 =	vld [tilespmem:$0x1F920]  }
0x22b: {  	v6 =	vmul.f32 v12, v6;
	v4 =	vld [tilespmem:$0x1F8E0]  }
0x22c: {  	vm10 =	vge.f32 v53, v1;
	v53 =	vld [tilespmem:$0x1F930]  }
0x22d: {  	v6 =	vnsel vm12, $0x0, v6;
	v54 =	vld [tilespmem:$0x1F940]  }
0x22e: {  	v10 =	vmul.f32 v12, v24;
	v5 =	vmul.f32 v12, v13;
	[tilespmem:v17+s7+$0x0] =	vst.idx.msk $0xffff, v6;
	v17 =	vld [tilespmem:$0x1F910]  }
0x22f: {  	vm9 =	vge.f32 v61, v1;
	v58 =	vld [tilespmem:$0x1F950];
	v11 =	vmul.f32 v12, v15;
	v15 =	vmul.f32 v12, v16  }
0x230: {  	v60 =	vld [tilespmem:$0x1F960];
	v14 =	vmul.f32 v12, v14;
	v13 =	vpop (erf);
	v9 =	vmul.f32 v12, v19;
	vm14 =	vnez.u8 v4  }
0x231: {  	v61 =	vld [tilespmem:$0x1F980];
	v10 =	vnsel vm8, $0x0, v10;
	vm12 =	vge.f32 v62, v1;
	v16 =	vpop (erf);
	v4 =	vnsel vm14, $0x0, v5  }
0x232: {  	v62 =	vld [tilespmem:$0x1F9A0];
	v5 =	vnsel vm5, $0x0, v9;
	v9 =	vmul.f32 v12, v16;
	v16 =	vpop (erf);
	v8 =	vnsel vm6, $0x0, v11  }
0x233: {  	v11 =	vnsel vm13, $0x0, v15;
	v15 =	vpop (erf);
	vm13 =	vge.f32 v17, v1;
	v17 =	vsub.f32 v17, v0  }
0x234: {  	v14 =	vnsel vm3, $0x0, v14;
	v6 =	vnsel vm4, $0x0, v9;
	v9 =	vmul.f32 v12, v16;
	v16 =	vpop (erf);
	[tilespmem:v52+s7+$0x0] =	vst.idx.msk $0xffff, v10  }
0x235: {  	v15 =	vmul.f32 v12, v15;
	v16 =	vmul.f32 v12, v16;
	v18 =	vpop (erf);
	[tilespmem:v53+s7+$0x0] =	vst.idx.msk $0xffff, v14  }
0x236: {  	v2 =	vnsel vm1, $0x0, v50;
	v7 =	vnsel vm0, $0x0, v7;
	v10 =	vmul.f32 v12, v18;
	[tilespmem:v54+s7+$0x0] =	vst.idx.msk $0xffff, v3  }
0x237: {  	v14 =	vnsel vm7, $0x0, v15;
	v15 =	vnsel vm10, $0x0, v16;
	[tilespmem:v58+s7+$0x0] =	vst.idx.msk $0xffff, v2;
	v16 =	vmul.f32 $1.442695020e+00, v17;
	v17 =	vpop (erf)  }
0x238: {  	v55 =	vnsel vm11, $0x0, v10;
	[tilespmem:v60+s7+$0x0] =	vst.idx.msk $0xffff, v7;
	v10 =	vmul.f32 v12, v17  }
0x239: {  	[tilespmem:v61+s7+$0x0] =	vst.idx.msk $0xffff, v4  }
0x23a: {  	[tilespmem:v62+s7+$0x0] =	vst.idx.msk $0xffff, v5;
	v5 =	vnsel vm9, $0x0, v10;
	v10 =	vld [tilespmem:$0x1F9B0]  }
0x23b: {  	vm8 =	vge.f32 v63, v1;
	v63 =	vld [tilespmem:$0x1F9D0];
	_ =	sdelay $0x6  }
0x23c: {  	[tilespmem:v10+s7+$0x0] =	vst.idx.msk $0xffff, v8  }
0x23d: {  	[tilespmem:v63+s7+$0x0] =	vst.idx.msk $0xffff, v11;
	v11 =	vld [tilespmem:$0x1F9F0]  }
0x23e: {  	v36 =	vld [tilespmem:$0x1FA10];
	_ =	sdelay $0x3  }
0x23f: {  	v13 =	vmul.f32 v12, v13;
	v59 =	vpop (erf)  }
0x240: {  	v8 =	vpop (erf)  }
0x241: {  	v13 =	vnsel vm15, $0x0, v13;
	v8 =	vmul.f32 v12, v8  }
0x242: {  	[tilespmem:v11+s7+$0x0] =	vst.idx.msk $0xffff, v13;
	v11 =	vpop (erf)  }
0x243: {  	[tilespmem:v36+s7+$0x0] =	vst.idx.msk $0xffff, v6;
	v6 =	vnsel vm8, $0x0, v8;
	v8 =	vmul.f32 v12, v11;
	v11 =	vld [tilespmem:$0x1FA20];
	_ =	sdelay $0x6  }
0x244: {  	v35 =	vld [tilespmem:$0x1F9C0];
	v9 =	vnsel vm2, $0x0, v9  }
0x245: {  	[tilespmem:v11+s7+$0x0] =	vst.idx.msk $0xffff, v9;
	v11 =	vld [tilespmem:$0x1FA40]  }
0x246: {  	v47 =	vld [tilespmem:$0x1F990]  }
0x247: {  	v57 =	vld [tilespmem:$0x1F970]  }
0x248: {  	vm3 =	vge.f32 v31, v1;
	v31 =	vld [tilespmem:$0x1F9E0]  }
0x249: {  	v39 =	vld [tilespmem:$0x1FA90]  }
0x24a: {  	v49 =	vld [tilespmem:$0x1FAD0];
	v18 =	vsub.f32 v37, v0  }
0x24b: {  	vm14 =	vge.f32 v37, v1;
	v37 =	vld [tilespmem:$0x1FA80];
	(erf) = vpow2.f32 v16;
	v16 =	vsub.f32 v38, v0  }
0x24c: {  	v7 =	vsub.f32 v57, v0;
	v17 =	vmul.f32 $1.442695020e+00, v18;
	v2 =	vmul.f32 v12, v59;
	v59 =	vld [tilespmem:$0x1FA00]  }
0x24d: {  	v4 =	vmul.f32 $1.442695020e+00, v16;
	v16 =	vsub.f32 v47, v0;
	[tilespmem:v11+s7+$0x0] =	vst.idx.msk $0xffff, v14;
	v11 =	vld [tilespmem:$0x1FA60]  }
0x24e: {  	vm0 =	vge.f32 v40, v1;
	v7 =	vmul.f32 $1.442695020e+00, v7;
	(erf) = vpow2.f32 v17;
	v63 =	vld [tilespmem:$0x1FA30]  }
0x24f: {  	v40 =	vld [tilespmem:$0x1FAB0];
	(erf) = vpow2.f32 v4;
	v4 =	vmul.f32 $1.442695020e+00, v16;
	v10 =	vsub.f32 v35, v0  }
0x250: {  	v62 =	vld [tilespmem:$0x1FA70];
	(erf) = vpow2.f32 v7;
	v7 =	vsub.f32 v31, v0  }
0x251: {  	v61 =	vld [tilespmem:$0x1FA50];
	(erf) = vpow2.f32 v4;
	v4 =	vmul.f32 $1.442695020e+00, v10;
	v10 =	vsub.f32 v59, v0  }
0x252: {  	v60 =	vld [tilespmem:$0x1FAA0];
	v7 =	vmul.f32 $1.442695020e+00, v7  }
0x253: {  	v58 =	vld [tilespmem:$0x1FAC0];
	(erf) = vpow2.f32 v4;
	v4 =	vmul.f32 $1.442695020e+00, v10;
	v10 =	vsub.f32 v63, v0  }
0x254: {  	(erf) = vpow2.f32 v7  }
0x255: {  	(erf) = vpow2.f32 v4;
	v4 =	vmul.f32 $1.442695020e+00, v10;
	v10 =	vsub.f32 v62, v0;
	v9 =	vpop (erf);
	[tilespmem:v11+s7+$0x0] =	vst.idx.msk $0xffff, v15  }
0x256: {  	vm1 =	vge.f32 v48, v1;
	v2 =	vnsel vm12, $0x0, v2;
	v7 =	vsub.f32 v61, v0;
	v11 =	vpop (erf);
	[tilespmem:v37+s7+$0x0] =	vst.idx.msk $0xffff, v55  }
0x257: {  	(erf) = vpow2.f32 v4;
	v4 =	vmul.f32 $1.442695020e+00, v10;
	v10 =	vsub.f32 v60, v0;
	[tilespmem:v39+s7+$0x0] =	vst.idx.msk $0xffff, v5;
	v5 =	vpop (erf)  }
0x258: {  	[tilespmem:v40+s7+$0x0] =	vst.idx.msk $0xffff, v2;
	v48 =	vmul.f32 v12, v5;
	v5 =	vsub.f32 v58, v0  }
0x259: {  	v7 =	vmul.f32 $1.442695020e+00, v7;
	[tilespmem:v49+s7+$0x0] =	vst.idx.msk $0xffff, v6;
	v6 =	vmul.f32 $1.442695020e+00, v10  }
0x25a: {  	v5 =	vmul.f32 $1.442695020e+00, v5  }
0x25b: {  	v50 =	vld [tilespmem:$0x1FAF0];
	(erf) = vpow2.f32 v7  }
0x25c: {  	v52 =	vld [tilespmem:$0x1FB00];
	(erf) = vpow2.f32 v4;
	v4 =	vpop (erf)  }
0x25d: {  	v54 =	vld [tilespmem:$0x1FB10];
	v4 =	vmul.f32 v12, v4;
	(erf) = vpow2.f32 v6;
	v6 =	vpop (erf)  }
0x25e: {  	v36 =	vld [tilespmem:$0x1FB20];
	(erf) = vpow2.f32 v5;
	v5 =	vpop (erf)  }
0x25f: {  	v37 =	vnsel vm14, $0x0, v4;
	v4 =	vmul.f32 v12, v5;
	v5 =	vld [tilespmem:$0x1FB30];
	_ =	sdelay $0x1  }
0x260: {  	v9 =	vmul.f32 v12, v9  }
0x261: {  	vm15 =	vge.f32 v38, v1;
	v38 =	vnsel vm3, $0x0, v8;
	v8 =	vmul.f32 v12, v11  }
0x262: {  	v51 =	vnsel vm1, $0x0, v9;
	[tilespmem:v50+s7+$0x0] =	vst.idx.msk $0xffff, v38  }
0x263: {  	v53 =	vnsel vm0, $0x0, v8;
	[tilespmem:v52+s7+$0x0] =	vst.idx.msk $0xffff, v51  }
0x264: {  	v2 =	vnsel vm13, $0x0, v48;
	[tilespmem:v54+s7+$0x0] =	vst.idx.msk $0xffff, v53  }
0x265: {  	[tilespmem:v36+s7+$0x0] =	vst.idx.msk $0xffff, v2  }
0x266: {  	[tilespmem:v5+s7+$0x0] =	vst.idx.msk $0xffff, v37;
	v5 =	vld [tilespmem:$0x1FB40];
	_ =	sdelay $0x4  }
0x267: {  	v55 =	vmul.f32 v12, v6;
	_ =	sdelay $0x1  }
0x268: {  	v39 =	vnsel vm15, $0x0, v55  }
0x269: {  	[tilespmem:v5+s7+$0x0] =	vst.idx.msk $0xffff, v39;
	v5 =	vld [tilespmem:$0x1FB50];
	_ =	sdelay $0x3  }
0x26a: {  	v56 =	vld [tilespmem:$0x1FAE0];
	_ =	sdelay $0x1  }
0x26b: {  	vm5 =	vge.f32 v57, v1  }
0x26c: {  	v46 =	vnsel vm5, $0x0, v4  }
0x26d: {  	[tilespmem:v5+s7+$0x0] =	vst.idx.msk $0xffff, v46;
	v5 =	vld [tilespmem:$0x1FB60]  }
0x26e: {  	v0 =	vsub.f32 v56, v0;
	_ =	sdelay $0x1  }
0x26f: {  	v0 =	vmul.f32 $1.442695020e+00, v0  }
0x270: {  	v38 =	vpop (erf)  }
0x271: {  	(erf) = vpow2.f32 v0;
	v0 =	vmul.f32 v12, v38  }
0x272: {  	vm6 =	vge.f32 v47, v1  }
0x273: {  	v0 =	vnsel vm6, $0x0, v0  }
0x274: {  	[tilespmem:v5+s7+$0x0] =	vst.idx.msk $0xffff, v0;
	v5 =	vld [tilespmem:$0x1FB70];
	_ =	sdelay $0x3  }
0x275: {  	v40 =	vpop (erf)  }
0x276: {  	v3 =	vmul.f32 v12, v40  }
0x277: {  	vm7 =	vge.f32 v35, v1  }
0x278: {  	v48 =	vnsel vm7, $0x0, v3  }
0x279: {  	[tilespmem:v5+s7+$0x0] =	vst.idx.msk $0xffff, v48;
	v5 =	vld [tilespmem:$0x1FB80];
	_ =	sdelay $0x3  }
0x27a: {  	v32 =	vld [tilespmem:$0x1FF90];
	v4 =	vpop (erf)  }
0x27b: {  	v34 =	vld [tilespmem:$0x1FFB0];
	v4 =	vmul.f32 v12, v4  }
0x27c: {  	v42 =	vld [tilespmem:$0x1FFC0];
	vm8 =	vge.f32 v31, v1  }
0x27d: {  	v43 =	vld [tilespmem:$0x1FFD0];
	v50 =	vnsel vm8, $0x0, v4  }
0x27e: {  	[tilespmem:v5+s7+$0x0] =	vst.idx.msk $0xffff, v50;
	v5 =	vld [tilespmem:$0x1FB90]  }
0x27f: {  	v45 =	vld [tilespmem:$0x1FFF0]  }
0x280: {  	v44 =	vld [tilespmem:$0x1FFE0]  }
0x281: {  	v41 =	vld [tilespmem:$0x1FF80]  }
0x282: {  	v33 =	vld [tilespmem:$0x1FFA0];
	v47 =	vpop (erf)  }
0x283: {  	v30 =	vld [tilespmem:$0x1FF70];
	v2 =	vmul.f32 v12, v47  }
0x284: {  	v28 =	vld [tilespmem:$0x1FF50];
	vm9 =	vge.f32 v59, v1  }
0x285: {  	v29 =	vld [tilespmem:$0x1FF60];
	v51 =	vnsel vm9, $0x0, v2  }
0x286: {  	[tilespmem:v5+s7+$0x0] =	vst.idx.msk $0xffff, v51;
	v5 =	vld [tilespmem:$0x1FBA0]  }
0x287: {  	v26 =	vld [tilespmem:$0x1FF30]  }
0x288: {  	v27 =	vld [tilespmem:$0x1FF40]  }
0x289: {  	v25 =	vld [tilespmem:$0x1FF20]  }
0x28a: {  	v24 =	vld [tilespmem:$0x1FF10];
	v49 =	vpop (erf)  }
0x28b: {  	v21 =	vld [tilespmem:$0x1FEE0];
	v3 =	vmul.f32 v12, v49  }
0x28c: {  	v23 =	vld [tilespmem:$0x1FF00];
	vm10 =	vge.f32 v63, v1  }
0x28d: {  	v22 =	vld [tilespmem:$0x1FEF0];
	v53 =	vnsel vm10, $0x0, v3  }
0x28e: {  	[tilespmem:v5+s7+$0x0] =	vst.idx.msk $0xffff, v53;
	v5 =	vld [tilespmem:$0x1FBB0]  }
0x28f: {  	v20 =	vld [tilespmem:$0x1FED0]  }
0x290: {  	v19 =	vld [tilespmem:$0x1FEC0];
	v4 =	vpop (erf)  }
0x291: {  	v18 =	vld [tilespmem:$0x1FEB0];
	v4 =	vmul.f32 v12, v4  }
0x292: {  	v17 =	vld [tilespmem:$0x1FEA0]  }
0x293: {  	v16 =	vld [tilespmem:$0x1FE90];
	v52 =	vpop (erf)  }
0x294: {  	vm11 =	vge.f32 v61, v1;
	v63 =	vld [tilespmem:$0x1FBF0];
	v54 =	vpop (erf)  }
0x295: {  	v13 =	vld [tilespmem:$0x1FE60];
	v55 =	vnsel vm11, $0x0, v4;
	v4 =	vpop (erf)  }
0x296: {  	v59 =	vmul.f32 v12, v4;
	v4 =	vpop (erf);
	[tilespmem:v5+s7+$0x0] =	vst.idx.msk $0xffff, v55;
	v5 =	vld [tilespmem:$0x1FBC0]  }
0x297: {  	vm13 =	vge.f32 v60, v1;
	v60 =	vmul.f32 v12, v4;
	v4 =	vld [tilespmem:$0x1FBD0]  }
0x298: {  	vm12 =	vge.f32 v62, v1;
	v62 =	vld [tilespmem:$0x1FBE0]  }
0x299: {  	v9 =	vld [tilespmem:$0x1FE20]  }
0x29a: {  	v14 =	vld [tilespmem:$0x1FE70]  }
0x29b: {  	v15 =	vld [tilespmem:$0x1FE80];
	v2 =	vmul.f32 v12, v52  }
0x29c: {  	p0 =	sne.s32 s9, $0x1C00;
	v11 =	vld [tilespmem:$0x1FE40];
	v3 =	vmul.f32 v12, v54  }
.Ltmp0:
0x29d: {  	v7 =	vld [tilespmem:$0x1FE00];
	v57 =	vnsel vm12, $0x0, v2;
	(pc) =	sbr.rel @p0 .LBB2_2-.Ltmp0, $4  }
0x29e: {  	v8 =	vld [tilespmem:$0x1FE10];
	vm14 =	vge.f32 v58, v1;
	v3 =	vnsel vm13, $0x0, v3;
	[tilespmem:v5+s7+$0x0] =	vst.idx.msk $0xffff, v57  }
0x29f: {  	v10 =	vld [tilespmem:$0x1FE30];
	vm15 =	vge.f32 v56, v1;
	v61 =	vnsel vm14, $0x0, v59;
	[tilespmem:v4+s7+$0x0] =	vst.idx.msk $0xffff, v3  }
0x2a0: {  	v6 =	vld [tilespmem:$0x1FDF0];
	v0 =	vnsel vm15, $0x0, v60;
	[tilespmem:v62+s7+$0x0] =	vst.idx.msk $0xffff, v61  }
0x2a1: {  	s9 =	sadd.s32 $0x400, s9;
	v12 =	vld [tilespmem:$0x1FE50];
	[tilespmem:v63+s7+$0x0] =	vst.idx.msk $0xffff, v0  }
0x2a2: {  	s8 =	sadd.s32 $0x1, s8  }
0x2a3: {  	p0 =	sne.s32 s8, s5  }
.Ltmp1:
0x2a4: {  	_ = 	snop;
	(pc) =	sbr.rel @p0 .LBB2_1-.Ltmp1, $4  }
0x2a5: {  	[hbm4b:s4+s2] =	stream.linear.scatter [tilespmem:s7], [sflag:$0x1], $0x2000, $0x38;
	[tilespmem:$0x4000] =	vst v63  }
0x2a6: {  	_ =	swait.ge [sflag:s6], $0x2000  }
0x2a7: {  	[sflag:s6] =	ssyncset.done $0x0  }
0x2a8: {  	[sflag:s6] =	ssyncadd.s32 $0xFFFFE000  }
0x2a9: {  	_ =	sfence.sel $0x180000  }
0x2aa: {  	[bflag:$0x0] =	sbarrier.arrive $0xFFFF  }
0x2ab: {  	p0 =	sne.s32 s1, $0x0;
	_ =	strace $0x90000047  }
0x2ac: {  	s0 =	sadd.s32 @!p0 $0x100000, s0;
	[bflag:$0x2] =	sbarrier.arrive $0xFFFF  }
0x2ad: {  	[sflag:s0] =	ssyncadd.tile.s32 @!p0 $0x1;
	_ =	shalt  }
.Lfunc_end2:
_tile_overlayer_lowered:
.L_overlay_start_2:
0x2ae: {  	(tag) =	ssettag $0x2  }
0x2af: {  	s0 =	rddreg [dreg:$0x0];
	s2 =	stileid.u32  }
0x2b0: {  	s1 =	rddreg [dreg:$0x1];
	p0 =	sne.s32 s2, $0x0  }
0x2b1: {  	s3 =	rddreg [dreg:$0x2];
	[bflag:$0x3] =	sbarrier.arrive $0xFFFF;
	s2 =	simm.s32 @!p0 $0x1C01  }
0x2b2: {  	[timem:s3], [sflag:s2] =	dma.local @!p0 [hbm:s0], s1  }
0x2b3: {  	s0 =	simm.s32 @!p0 $0x1  }
0x2b4: {  	_ =	swait.ge @!p0 [sflag:s0], s1  }
0x2b5: {  	s1 =	ssub.s32 @!p0 $0x0, s1;
	[sflag:s0] =	ssyncset.done @!p0 $0x0  }
0x2b6: {  	[sflag:s0] =	ssyncadd.s32 @!p0 s1  }
0x2b7: {  	[bflag:$0x3] =	sbarrier.arrive $0xFFFF  }
0x2b8: {  	_ =	shalt  }

// kernel: kernel.9.cloned.1.call-start
scs
__scs_entry_jumppad:
0x0: {  	(pc) =	sbr.rel $0x88, $3  }
0x1: {  	(tag) =	ssettag $0x0;
	lr =	simm.s32 $0x1  }
0x2: {  	[smem:$0x3F9F] =	sst lr;
	_ =	strace $0xD0000000  }
0x3: {  	_ = 	snop  }
0x4: {  	_ = 	snop  }
0x5: {  	_ = 	snop  }
0x6: {  	_ = 	snop  }
0x7: {  	_ = 	snop  }
__scs_overlays_trampoline_lowered:
0x8: {  	[smem:$0x3FAE] =	sst s0  }
0x9: {  	[smem:$0x3FAF] =	sst s1  }
0xa: {  	[smem:$0x3FB0] =	sst s2  }
0xb: {  	[smem:$0x3FB1] =	sst s3  }
0xc: {  	[smem:$0x3FB2] =	sst s4  }
0xd: {  	[smem:$0x3FB3] =	sst s5  }
0xe: {  	[smem:$0x3FB4] =	sst s6  }
0xf: {  	[smem:$0x3FB5] =	sst s7  }
0x10: {  	[smem:$0x3FB6] =	sst s8  }
0x11: {  	[smem:$0x3FB7] =	sst s9;
	s0 =	simm.s32 @!p0 $0x0  }
0x12: {  	s1 =	sld [smem:$0x3F9D];
	s0 =	simm.s32 @p0 $0x1  }
0x13: {  	[smem:$0x3FB8] =	sst s0;
	s0 =	simm.s32 @!p1 $0x0  }
0x14: {  	s2 =	sld [smem:$0x3F9C];
	s0 =	simm.s32 @p1 $0x1  }
0x15: {  	[smem:$0x3FB9] =	sst s0;
	s0 =	simm.s32 @!p2 $0x0  }
0x16: {  	s3 =	sld [smem:$0x3FDB];
	s0 =	simm.s32 @p2 $0x1  }
0x17: {  	s4 =	simm.s32 $0x1BF5;
	[smem:$0x3FBB] =	sst s0  }
0x18: {  	s0 =	sld [smem:$0x3F9E];
	_ =	swait.ge [sflag:s4], $0x0  }
0x19: {  	s7 =	sld [smem:$0x3F9F]  }
0x1a: {  	s8 =	sadd.s32 $0xFFFFE003, lr  }
0x1b: {  	s9 =	sadd.s32 $0xFFFFFEF7, lr;
	s5 =	simm.s32 $0xFFFFFFFF;
	p2 =	slt.u32 s8, $0xFFFFF086  }
0x1c: {  	p1 =	slt.u32 s9, $0xF7A;
	s5 =	simm.s32 @!p2 $0x0  }
0x1d: {  	s5 =	simm.s32 @p1 $0x1;
	p0 =	seq.s32 s7, s2  }
0x1e: {  	s7 =	smul.u32 @!p0 $0xF7A, s2;
	p2 =	seq.s32 @!p0 s5, $0x0  }
0x1f: {  	s9 =	smul.u32 $0xF7A, s1;
	s8 =	simm.s32 @!p0 $0x1BF5;
	p2 =	por !p2, p0  }
0x20: {  	[sflag:s8] =	ssyncset.s32 @!p0 $0xFFFFF086;
	s6 =	sadd.s32 @!p0 s3, s7;
	s7 =	simm.s32 @!p0 $0x108  }
0x21: {  	s3 =	sadd.s32 s3, s9;
	s6 =	sadd.s32 @!p0 $0x88, s6;
	s7 =	simm.s32 @p2 $0x1082  }
0x22: {  	[simem:s7], [sflag:s8] =	dma.local @!p0 [hbm:s6], $0xF7A  }
0x23: {  	s9 =	sor.u32 $0xD0000000, s2;
	s6 =	simm.s32 $0x108;
	_ =	swait.ge @!p0 [sflag:s8], $0x0  }
0x24: {  	s3 =	sadd.s32 $0x88, s3;
	s6 =	simm.s32 @!p1 $0x1082;
	[sflag:s4] =	ssyncset.s32 $0xFFFFF086  }
0x25: {  	[simem:s6], [sflag:s4] =	dma.local [hbm:s3], $0xF7A  }
0x26: {  	[smem:$0x3F9F] =	sst s1;
	(tag) =	ssettag s2;
	_ =	strace s9  }
0x27: {  	s1 =	sld [smem:$0x3FAF]  }
0x28: {  	s2 =	sld [smem:$0x3FB0]  }
0x29: {  	s4 =	sld [smem:$0x3FB2]  }
0x2a: {  	p0 =	seq.s32 s5, $0x0;
	s5 =	sld [smem:$0x3FB3]  }
0x2b: {  	s6 =	sld [smem:$0x3FB4]  }
0x2c: {  	s7 =	sld [smem:$0x3FB5]  }
0x2d: {  	s3 =	simm.s32 $0x108;
	s8 =	sld [smem:$0x3FB6]  }
0x2e: {  	s3 =	simm.s32 @!p0 $0x1082;
	s9 =	sld [smem:$0x3FB7]  }
0x2f: {  	lr =	sadd.s32 s0, s3;
	s0 =	sld [smem:$0x3FAE]  }
0x30: {  	s3 =	sld [smem:$0x3FB1]  }
0x31: {  	[smem:$0x3FBA] =	sst s10  }
0x32: {  	s10 =	sld [smem:$0x3FB8];
	_ =	sdelay $0x3  }
0x33: {  	p0 =	seq.s32 s10, $0x1;
	s10 =	sld [smem:$0x3FBA];
	_ =	sdelay $0x3  }
0x34: {  	[smem:$0x3FBA] =	sst s10  }
0x35: {  	s10 =	sld [smem:$0x3FB9];
	_ =	sdelay $0x3  }
0x36: {  	p1 =	seq.s32 s10, $0x1;
	s10 =	sld [smem:$0x3FBA];
	_ =	sdelay $0x3  }
0x37: {  	[smem:$0x3FBA] =	sst s10  }
0x38: {  	s10 =	sld [smem:$0x3FBB]  }
0x39: {  	_ = 	snop;
	(pc) =	sbr.ind lr, $3  }
0x3a: {  	_ = 	snop  }
0x3b: {  	_ = 	snop  }
0x3c: {  	p2 =	seq.s32 s10, $0x1;
	s10 =	sld [smem:$0x3FBA]  }
0x3d: {  	_ =	shalt  }
0x3e: {  	_ =	shalt  }
0x3f: {  	_ =	shalt  }
0x40: {  	_ =	shalt  }
0x41: {  	_ =	shalt  }
0x42: {  	_ =	shalt  }
0x43: {  	_ =	shalt  }
0x44: {  	_ =	shalt  }
0x45: {  	_ =	shalt  }
0x46: {  	_ =	shalt  }
0x47: {  	_ =	shalt  }
0x48: {  	_ =	shalt  }
0x49: {  	_ =	shalt  }
0x4a: {  	_ =	shalt  }
0x4b: {  	_ =	shalt  }
0x4c: {  	_ =	shalt  }
0x4d: {  	_ =	shalt  }
0x4e: {  	_ =	shalt  }
0x4f: {  	_ =	shalt  }
0x50: {  	_ =	shalt  }
0x51: {  	_ =	shalt  }
0x52: {  	_ =	shalt  }
0x53: {  	_ =	shalt  }
0x54: {  	_ =	shalt  }
0x55: {  	_ =	shalt  }
0x56: {  	_ =	shalt  }
0x57: {  	_ =	shalt  }
0x58: {  	_ =	shalt  }
0x59: {  	_ =	shalt  }
0x5a: {  	_ =	shalt  }
0x5b: {  	_ =	shalt  }
0x5c: {  	_ =	shalt  }
0x5d: {  	_ =	shalt  }
0x5e: {  	_ =	shalt  }
0x5f: {  	_ =	shalt  }
0x60: {  	_ =	shalt  }
0x61: {  	_ =	shalt  }
0x62: {  	_ =	shalt  }
0x63: {  	_ =	shalt  }
0x64: {  	_ =	shalt  }
0x65: {  	_ =	shalt  }
0x66: {  	_ =	shalt  }
0x67: {  	_ =	shalt  }
0x68: {  	_ =	shalt  }
0x69: {  	_ =	shalt  }
0x6a: {  	_ =	shalt  }
0x6b: {  	_ =	shalt  }
0x6c: {  	_ =	shalt  }
0x6d: {  	_ =	shalt  }
0x6e: {  	_ =	shalt  }
0x6f: {  	_ =	shalt  }
0x70: {  	_ =	shalt  }
0x71: {  	_ =	shalt  }
0x72: {  	_ =	shalt  }
0x73: {  	_ =	shalt  }
0x74: {  	_ =	shalt  }
0x75: {  	_ =	shalt  }
0x76: {  	_ =	shalt  }
0x77: {  	_ =	shalt  }
0x78: {  	_ =	shalt  }
0x79: {  	_ =	shalt  }
0x7a: {  	_ =	shalt  }
0x7b: {  	_ =	shalt  }
0x7c: {  	_ =	shalt  }
0x7d: {  	_ =	shalt  }
0x7e: {  	_ =	shalt  }
0x7f: {  	_ =	shalt  }
0x80: {  	_ =	shalt  }
0x81: {  	_ =	shalt  }
0x82: {  	_ =	shalt  }
0x83: {  	_ =	shalt  }
0x84: {  	_ =	shalt  }
0x85: {  	_ =	shalt  }
0x86: {  	_ =	shalt  }
0x87: {  	_ =	shalt  }
.Lfunc_end0:
.L_simem_size_0:
called_computation.1_lowered:
.L_overlay_start_0:
0x88: {  	s2 =	sld [smem:$0x3FD9]  }
0x89: {  	s3 =	sld [smem:$0x3FFE];
	_ =	sdelay $0x1  }
0x8a: {  	s1 =	srdreg.scid  }
0x8b: {  	s0 =	sand.u32 $0x1, s1  }
0x8c: {  	s17 =	sshll.u32 s0, $0xA;
	s2 =	sadd.s32 s3, s2  }
0x8d: {  	s2 =	sadd.s32 s2, s17  }
0x8e: {  	[smem:$0x3FC6] =	sst s2  }
0x8f: {  	_ = 	snop  }
0x90: {  	s18 =	sld [smem:$0x3FD0];
	(tm) =	ssettm $0x1  }
0x91: {  	s19 =	sld [smem:$0x3FFB];
	_ =	sdelay $0x3  }
0x92: {  	_ =	strace s19  }
0x93: {  	s2 =	sld [smem:$0x3FFC];
	_ =	sdelay $0x3  }
0x94: {  	_ =	strace s2  }
0x95: {  	s2 =	sld [smem:$0x3FFD];
	_ =	sdelay $0x3  }
0x96: {  	_ =	strace s2  }
0x97: {  	_ =	strace $0x8FFFFFFF  }
0x98: {  	s20 =	sld [smem:$0x3FDB];
	_ =	sdelay $0x1  }
0x99: {  	s4 =	simm.s32 $_scs_section_size  }
0x9a: {  	s5 =	simm.s32 $_size__tile_overlayer_lowered;
	s6 =	simm.s32 $_tile_overlayer_lowered  }
0x9b: {  	s7 =	simm.s32 $0x1BFF;
	s21 =	sshll.u32 s6, $0x1;
	s4 =	sadd.s32 s4, s20  }
0x9c: {  	s22 =	simm.s32 $0x0;
	s5 =	sshll.u32 s5, $0x1;
	s6 =	sadd.s32 s21, s4  }
0x9d: {  	[timem:s22], [sflag:s7] =	dma.local [hbm:s6], s5  }
0x9e: {  	_ =	swait.ge [sflag:s7], s5  }
0x9f: {  	s5 =	ssub.s32 $0x0, s5;
	[sflag:s7] =	ssyncset.done $0x0  }
0xa0: {  	[sflag:s7] =	ssyncadd.s32 s5;
	_ =	sdelay $0x1  }
0xa1: {  	s23 =	simm.s32 $0x1B8B  }
0xa2: {  	_ =	swait.ge [sflag:s23], $0x1  }
0xa3: {  	[sflag:s23] =	ssyncset.done $0x0  }
0xa4: {  	[sflag:s23] =	ssyncadd.s32 $0xFFFFFFFF  }
0xa5: {  	s5 =	sld [smem:$0x0]  }
0xa6: {  	s6 =	sand.u32 $0xFFFFFFFE, s1  }
0xa7: {  	p0 =	sne.s32 s1, s6  }
0xa8: {  	s6 =	sshll.u32 @p0 s6, $0xE  }
0xa9: {  	s6 =	sadd.s32 @p0 $0x11B8D, s6;
	s7 =	sshll.u32 @p0 s5, $0x11  }
0xaa: {  	s6 =	sor.u32 @p0 s7, s6  }
0xab: {  	[sflag:s6] =	ssyncadd.remote.s32 @p0 $0x1;
	_ =	sdelay $0x1  }
0xac: {  	s6 =	simm.s32 @p0 $0x1B8D  }
0xad: {  	_ =	swait.eq @p0 [sflag:s6], $0x1  }
0xae: {  	[sflag:s6] =	ssyncadd.s32 @p0 $0xFFFFFFFF  }
0xaf: {  	s7 =	sshll.u32 @!p0 s1, $0xE  }
0xb0: {  	s7 =	sor.u32 @!p0 $0x4000, s7;
	s6 =	simm.s32 @!p0 $0x1B8D  }
0xb1: {  	s5 =	sshll.u32 @!p0 s5, $0x11;
	s7 =	sadd.s32 @!p0 $0x11B8D, s7;
	_ =	swait.eq @!p0 [sflag:s6], $0x1  }
0xb2: {  	s5 =	sor.u32 @!p0 s5, s7;
	[sflag:s6] =	ssyncadd.s32 @!p0 $0xFFFFFFFF  }
0xb3: {  	s25 =	simm.s32 $0x1B8E;
	s24 =	sld [smem:$0x3FFE];
	[sflag:s5] =	ssyncadd.remote.s32 @!p0 $0x1  }
0xb4: {  	s26 =	simm.s32 $execute0_lowered;
	[smem:$0x3FD2] =	sst s25  }
0xb5: {  	s6 =	sshll.u32 s26, $0x1;
	_ =	strace $0x80000049;
	[dreg:$0x1] =	wrdreg $0xFFFFFFFF  }
0xb6: {  	s28 =	simm.s32 $_size_execute0_lowered;
	s4 =	sadd.s32 s4, s6;
	[dreg:$0x0] =	wrdreg $0x0  }
0xb7: {  	s6 =	sshll.u32 s28, $0x1;
	[dreg:$0x2] =	wrdreg s4  }
0xb8: {  	[dreg:$0x3] =	wrdreg s6  }
0xb9: {  	[dreg:$0x4] =	wrdreg $0xC0  }
0xba: {  	_ =	task [dreg:s22], $0x5FFFF  }
0xbb: {  	[dreg:$0x1] =	wrdreg $0xFFFFFFFF  }
0xbc: {  	[dreg:$0x0] =	wrdreg $0x60  }
0xbd: {  	[dreg:$0x2] =	wrdreg s18  }
0xbe: {  	[dreg:$0x3] =	wrdreg s24  }
0xbf: {  	[dreg:$0x4] =	wrdreg $0xA  }
0xc0: {  	_ =	task.clear_ibuf [dreg:s22], $0x5FFFF;
	_ =	strace $0x90000049  }
0xc1: {  	s29 =	simm.s32 $0xA;
	_ =	strace $0x8000004B  }
0xc2: {  	_ =	swait.ge [sflag:s29], $0x1  }
0xc3: {  	[sflag:s29] =	ssyncadd.s32 $0xFFFFFFFF  }
0xc4: {  	_ =	strace $0x9000004B  }
0xc5: {  	_ =	sfence  }
0xc6: {  	s30 =	sld [smem:$0x0];
	_ =	sdelay $0x2  }
0xc7: {  	s31 =	sshll.u32 s1, $0xD;
	s1 =	sshrl.u32 s1, $0x2  }
0xc8: {  	s4 =	sand.u32 $0x4000, s31;
	s1 =	sadd.s32 s1, s30  }
0xc9: {  	s0 =	sor.u32 s4, s0;
	s1 =	sshll.u32 s1, $0x11  }
0xca: {  	s0 =	sor.u32 s1, s0  }
0xcb: {  	s0 =	sadd.s32 $0x8F2B, s0  }
0xcc: {  	[sflag:s0] =	ssyncadd.remote.s32 $0x1  }
0xcd: {  	_ =	sfence.sel $0xFFFF  }
0xce: {  	[dreg:$0x0] =	wrdreg $0xFFFFFFFF;
	(pc) =	sbr.abs _section_cstart, $3  }
0xcf: {  	[dreg:$0x1] =	wrdreg $0xFFFFFFFF  }
0xd0: {  	_ =	task.clear_ibuf [dreg:s22], $0x2FFFF;
	_ =	strace $0x9FFFFFFF  }
0xd1: {  	(tm) =	ssettm $0x7FFFFFFF  }
tec
execute0_lowered:
.L_overlay_start_1:
0x0: {  	(tag) =	ssettag $0x1  }
0x1: {  	v0 =	vlaneseq.u32;
	v53 =	vimm.s32 $0xF4B37231;
	vm9 =	vcmask $0xF00  }
0x2: {  	vm10 =	vcmask $0x1310;
	vm11 =	vcmask $0x1714;
	vm5 =	vcmask $0x1B18  }
0x3: {  	v61 =	vimm.s32 $0xF5B47332;
	v2 =	vimm.s32 $0xF6B57433;
	vm6 =	vcmask $0x1F1C  }
0x4: {  	vm7 =	vcmask $0x2320;
	vm0 =	vcmask $0x2724;
	vm1 =	vcmask $0x2B28  }
0x5: {  	vm2 =	vcmask $0x2F2C;
	vm3 =	vcmask $0x3330;
	vm4 =	vcmask $0x3734  }
0x6: {  	vm8 =	vcmask $0x3B38;
	v62 =	vimm.s32 $0xF7B67534;
	v4 =	vimm.s32 $0xF8B77635  }
0x7: {  	v5 =	vimm.s32 $0xF9B87736;
	v39 =	vimm.s32 $0xFAB97837;
	v6 =	vmul.u32 $0x41, v0  }
0x8: {  	v2 =	vunpack.c.0.s8.s32 v2;
	v4 =	vunpack.c.0.s8.s32 v4;
	v5 =	vunpack.c.0.s8.s32 v5  }
0x9: {  	v0 =	vadd.s32 $0x1D, v6;
	v47 =	vadd.s32 $0x1E, v6;
	v48 =	vadd.s32 $0x1F, v6  }
0xa: {  	v49 =	vadd.s32 $0x20, v6;
	v50 =	vadd.s32 $0x21, v6;
	v51 =	vadd.s32 $0x22, v6  }
0xb: {  	v52 =	vadd.s32 $0x23, v6;
	v1 =	vadd.s32 $0x28, v6;
	v54 =	vadd.s32 $0x29, v6  }
0xc: {  	v55 =	vadd.s32 $0x2A, v6;
	v56 =	vadd.s32 $0x2B, v6;
	v57 =	vadd.s32 $0x2C, v6  }
0xd: {  	v58 =	vadd.s32 $0x2D, v6;
	v59 =	vadd.s32 $0x2E, v6;
	v60 =	vadd.s32 $0x2F, v6  }
0xe: {  	v3 =	vadd.s32 $0x30, v6;
	v2 =	vand.u32 $0xFF, v2;
	v37 =	vand.u32 $0xFF, v4  }
0xf: {  	v38 =	vand.u32 $0xFF, v5;
	v4 =	vimm.s32 $0xFBBA7938;
	v5 =	vimm.s32 $0xFCBB7A39;
	[tilespmem:$0x1FC00] =	vst v0  }
0x10: {  	[tilespmem:$0x1FC70] =	vst v1;
	v0 =	vunpack.c.0.s8.s32 v53;
	v1 =	vunpack.c.0.s8.s32 v61;
	v2 =	vnsel vm9, $0x3C2, v2  }
0x11: {  	[tilespmem:$0x1FCF0] =	vst v3;
	v3 =	vunpack.c.0.s8.s32 v62;
	v4 =	vunpack.c.0.s8.s32 v4;
	v5 =	vunpack.c.0.s8.s32 v5  }
0x12: {  	[tilespmem:$0x1FC40] =	vst v50;
	v50 =	vimm.s32 $0xFDBC7B3A;
	v2 =	vsel vm10, $0x137, v2;
	v0 =	vand.u32 $0xFF, v0  }
0x13: {  	[tilespmem:$0x1FC20] =	vst v48;
	v1 =	vand.u32 $0xFF, v1;
	v2 =	vsel vm11, $0x178, v2;
	v36 =	vand.u32 $0xFF, v3  }
0x14: {  	[tilespmem:$0x1FC30] =	vst v49;
	v3 =	vunpack.c.0.s8.s32 v39;
	v48 =	vand.u32 $0xFF, v4;
	v49 =	vand.u32 $0xFF, v5  }
0x15: {  	v4 =	vimm.s32 $0xFEBD7C3B;
	v5 =	vimm.s32 $0xFFBE7D3C;
	v0 =	vnsel vm9, $0x3C0, v0  }
0x16: {  	v1 =	vnsel vm9, $0x3C1, v1;
	v2 =	vsel vm5, $0x1B9, v2;
	v4 =	vunpack.c.0.s8.s32 v4  }
0x17: {  	v5 =	vunpack.c.0.s8.s32 v5;
	v0 =	vsel vm10, $0x135, v0;
	v1 =	vsel vm10, $0x136, v1  }
0x18: {  	[tilespmem:$0x1FC10] =	vst v47;
	v2 =	vsel vm6, $0x1FA, v2;
	v47 =	vand.u32 $0xFF, v3;
	v3 =	vunpack.c.0.s8.s32 v50  }
0x19: {  	[tilespmem:$0x1FC80] =	vst v54;
	v0 =	vsel vm11, $0x176, v0;
	v1 =	vsel vm11, $0x177, v1;
	v2 =	vsel vm7, $0x23B, v2  }
0x1a: {  	[tilespmem:$0x1FC90] =	vst v55;
	v54 =	vand.u32 $0xFF, v4;
	v55 =	vand.u32 $0xFF, v5;
	v0 =	vsel vm5, $0x1B7, v0  }
0x1b: {  	v1 =	vsel vm5, $0x1B8, v1;
	v2 =	vsel vm0, $0x27C, v2;
	v53 =	vand.u32 $0xFF, v3  }
0x1c: {  	v0 =	vsel vm6, $0x1F8, v0;
	v1 =	vsel vm6, $0x1F9, v1;
	v2 =	vsel vm1, $0x2BD, v2  }
0x1d: {  	v0 =	vsel vm7, $0x239, v0;
	v1 =	vsel vm7, $0x23A, v1;
	v2 =	vsel vm2, $0x2FE, v2  }
0x1e: {  	v0 =	vsel vm0, $0x27A, v0;
	v1 =	vsel vm0, $0x27B, v1;
	v2 =	vsel vm3, $0x33F, v2  }
0x1f: {  	v0 =	vsel vm1, $0x2BB, v0;
	v1 =	vsel vm1, $0x2BC, v1;
	v2 =	vsel vm4, $0x340, v2  }
0x20: {  	v0 =	vsel vm2, $0x2FC, v0;
	v1 =	vsel vm2, $0x2FD, v1;
	v35 =	vsel vm8, $0x381, v2  }
0x21: {  	v2 =	vnsel vm9, $0x3C5, v38;
	v0 =	vsel vm3, $0x33D, v0;
	v1 =	vsel vm3, $0x33E, v1  }
0x22: {  	v2 =	vsel vm10, $0x13A, v2;
	v0 =	vsel vm4, $0x37E, v0;
	v1 =	vsel vm4, $0x37F, v1  }
0x23: {  	v2 =	vsel vm11, $0x17B, v2;
	v0 =	vsel vm8, $0x3BF, v0;
	v63 =	vsel vm8, $0x380, v1  }
0x24: {  	v1 =	vnsel vm9, $0x3C4, v37;
	v2 =	vsel vm5, $0x1BC, v2;
	[tilespmem:$0x1FD00] =	vst v0;
	v0 =	vnsel vm9, $0x3C3, v36  }
0x25: {  	v1 =	vsel vm10, $0x139, v1;
	v2 =	vsel vm6, $0x1FD, v2;
	v0 =	vsel vm10, $0x138, v0  }
0x26: {  	v1 =	vsel vm11, $0x17A, v1;
	v2 =	vsel vm7, $0x23E, v2;
	v0 =	vsel vm11, $0x179, v0  }
0x27: {  	v1 =	vsel vm5, $0x1BB, v1;
	v2 =	vsel vm0, $0x27F, v2;
	v0 =	vsel vm5, $0x1BA, v0  }
0x28: {  	v1 =	vsel vm6, $0x1FC, v1;
	v2 =	vsel vm1, $0x280, v2;
	v0 =	vsel vm6, $0x1FB, v0  }
0x29: {  	v1 =	vsel vm7, $0x23D, v1;
	v2 =	vsel vm2, $0x2C1, v2;
	v0 =	vsel vm7, $0x23C, v0  }
0x2a: {  	v1 =	vsel vm0, $0x27E, v1;
	v2 =	vsel vm3, $0x302, v2;
	v0 =	vsel vm0, $0x27D, v0  }
0x2b: {  	v1 =	vsel vm1, $0x2BF, v1;
	v2 =	vsel vm4, $0x343, v2;
	v0 =	vsel vm1, $0x2BE, v0  }
0x2c: {  	v1 =	vsel vm2, $0x2C0, v1;
	v46 =	vsel vm8, $0x384, v2;
	v0 =	vsel vm2, $0x2FF, v0  }
0x2d: {  	v2 =	vnsel vm9, $0x3C8, v49;
	v1 =	vsel vm3, $0x301, v1;
	v0 =	vsel vm3, $0x300, v0  }
0x2e: {  	v2 =	vsel vm10, $0x13D, v2;
	v1 =	vsel vm4, $0x342, v1;
	v0 =	vsel vm4, $0x341, v0  }
0x2f: {  	v2 =	vsel vm11, $0x17E, v2;
	v40 =	vsel vm8, $0x383, v1;
	v0 =	vsel vm8, $0x382, v0  }
0x30: {  	v1 =	vnsel vm9, $0x3C7, v48;
	v2 =	vsel vm5, $0x1BF, v2;
	[tilespmem:$0x1FD30] =	vst v0;
	v0 =	vnsel vm9, $0x3C6, v47  }
0x31: {  	v1 =	vsel vm10, $0x13C, v1;
	v2 =	vsel vm6, $0x1C0, v2;
	v0 =	vsel vm10, $0x13B, v0  }
0x32: {  	v1 =	vsel vm11, $0x17D, v1;
	v2 =	vsel vm7, $0x201, v2;
	v0 =	vsel vm11, $0x17C, v0  }
0x33: {  	v1 =	vsel vm5, $0x1BE, v1;
	v2 =	vsel vm0, $0x242, v2;
	v0 =	vsel vm5, $0x1BD, v0  }
0x34: {  	v1 =	vsel vm6, $0x1FF, v1;
	v2 =	vsel vm1, $0x283, v2;
	v0 =	vsel vm6, $0x1FE, v0  }
0x35: {  	v1 =	vsel vm7, $0x200, v1;
	v2 =	vsel vm2, $0x2C4, v2;
	v0 =	vsel vm7, $0x23F, v0  }
0x36: {  	v1 =	vsel vm0, $0x241, v1;
	v2 =	vsel vm3, $0x305, v2;
	v0 =	vsel vm0, $0x240, v0  }
0x37: {  	v1 =	vsel vm1, $0x282, v1;
	v2 =	vsel vm4, $0x346, v2;
	v0 =	vsel vm1, $0x281, v0  }
0x38: {  	[tilespmem:$0x1FC60] =	vst v52;
	v1 =	vsel vm2, $0x2C3, v1;
	v52 =	vsel vm8, $0x387, v2;
	v0 =	vsel vm2, $0x2C2, v0  }
0x39: {  	[tilespmem:$0x1FC50] =	vst v51;
	v2 =	vnsel vm9, $0x3CB, v55;
	v1 =	vsel vm3, $0x304, v1;
	v0 =	vsel vm3, $0x303, v0  }
0x3a: {  	[tilespmem:$0x1FCA0] =	vst v56;
	v2 =	vsel vm10, $0x100, v2;
	v1 =	vsel vm4, $0x345, v1;
	v0 =	vsel vm4, $0x344, v0  }
0x3b: {  	[tilespmem:$0x1FCB0] =	vst v57;
	v51 =	vsel vm8, $0x386, v1;
	v1 =	vnsel vm9, $0x3CA, v54;
	v0 =	vsel vm8, $0x385, v0  }
0x3c: {  	v2 =	vsel vm11, $0x141, v2;
	v1 =	vsel vm10, $0x13F, v1;
	[tilespmem:$0x1FD60] =	vst v0;
	v0 =	vnsel vm9, $0x3C9, v53  }
0x3d: {  	[tilespmem:$0x1FCC0] =	vst v58;
	v2 =	vsel vm5, $0x182, v2;
	v1 =	vsel vm11, $0x140, v1;
	v0 =	vsel vm10, $0x13E, v0  }
0x3e: {  	[tilespmem:$0x1FCD0] =	vst v59;
	v2 =	vsel vm6, $0x1C3, v2;
	v1 =	vsel vm5, $0x181, v1;
	v0 =	vsel vm11, $0x17F, v0  }
0x3f: {  	[tilespmem:$0x1FCE0] =	vst v60;
	v2 =	vsel vm7, $0x204, v2;
	v1 =	vsel vm6, $0x1C2, v1;
	v0 =	vsel vm5, $0x180, v0  }
0x40: {  	[tilespmem:$0x1FD20] =	vst v35;
	v2 =	vsel vm0, $0x245, v2;
	v1 =	vsel vm7, $0x203, v1;
	v0 =	vsel vm6, $0x1C1, v0  }
0x41: {  	[tilespmem:$0x1FD10] =	vst v63;
	v2 =	vsel vm1, $0x286, v2;
	v1 =	vsel vm0, $0x244, v1;
	v0 =	vsel vm7, $0x202, v0  }
0x42: {  	[tilespmem:$0x1FD50] =	vst v46;
	v2 =	vsel vm2, $0x2C7, v2;
	v1 =	vsel vm1, $0x285, v1;
	v0 =	vsel vm0, $0x243, v0  }
0x43: {  	[tilespmem:$0x1FD40] =	vst v40;
	v2 =	vsel vm3, $0x308, v2;
	v1 =	vsel vm2, $0x2C6, v1;
	v0 =	vsel vm1, $0x284, v0  }
0x44: {  	[tilespmem:$0x1FD80] =	vst v52;
	v2 =	vsel vm4, $0x349, v2;
	v1 =	vsel vm3, $0x307, v1;
	v0 =	vsel vm2, $0x2C5, v0  }
0x45: {  	[tilespmem:$0x1FD70] =	vst v51;
	v58 =	vsel vm8, $0x38A, v2;
	v1 =	vsel vm4, $0x348, v1;
	v0 =	vsel vm3, $0x306, v0  }
0x46: {  	s3 =	rddreg [dreg:$0x0];
	[tilespmem:$0x1FDB0] =	vst v58;
	v57 =	vsel vm8, $0x389, v1;
	v0 =	vsel vm4, $0x347, v0  }
0x47: {  	s4 =	rddreg [dreg:$0x1];
	s2 =	simm.s32 $0x0;
	[tilespmem:$0x1FDA0] =	vst v57;
	v0 =	vsel vm8, $0x388, v0  }
0x48: {  	[smem:$0x7FF] =	sst s2;
	[tilespmem:$0x1FD90] =	vst v0  }
0x49: {  	s0 =	rddreg [dreg:$0x2];
	v7 =	vadd.s32 $0x1, v6;
	_ =	strace $0x8000004A;
	[tilespmem:$0x1FDF0] =	vst v6  }
0x4a: {  	v8 =	vadd.s32 $0x2, v6;
	[tilespmem:$0x1FE00] =	vst v7  }
0x4b: {  	v9 =	vadd.s32 $0x3, v6;
	[tilespmem:$0x1FE10] =	vst v8  }
0x4c: {  	v10 =	vadd.s32 $0x4, v6;
	[tilespmem:$0x1FE20] =	vst v9  }
0x4d: {  	v11 =	vadd.s32 $0x5, v6;
	[tilespmem:$0x1FE30] =	vst v10  }
0x4e: {  	v12 =	vadd.s32 $0x6, v6;
	[tilespmem:$0x1FE40] =	vst v11  }
0x4f: {  	v13 =	vadd.s32 $0x7, v6;
	[tilespmem:$0x1FE50] =	vst v12  }
0x50: {  	v14 =	vadd.s32 $0x8, v6;
	[tilespmem:$0x1FE60] =	vst v13  }
0x51: {  	v15 =	vadd.s32 $0x9, v6;
	[tilespmem:$0x1FE70] =	vst v14  }
0x52: {  	v16 =	vadd.s32 $0xA, v6;
	[tilespmem:$0x1FE80] =	vst v15  }
0x53: {  	v17 =	vadd.s32 $0xB, v6;
	[tilespmem:$0x1FE90] =	vst v16  }
0x54: {  	v18 =	vadd.s32 $0xC, v6;
	[tilespmem:$0x1FEA0] =	vst v17  }
0x55: {  	v19 =	vadd.s32 $0xD, v6;
	v20 =	vadd.s32 $0xE, v6;
	[tilespmem:$0x1FEB0] =	vst v18  }
0x56: {  	v21 =	vadd.s32 $0xF, v6;
	v22 =	vadd.s32 $0x10, v6;
	v23 =	vadd.s32 $0x11, v6;
	[tilespmem:$0x1FEC0] =	vst v19  }
0x57: {  	v24 =	vadd.s32 $0x12, v6;
	v25 =	vadd.s32 $0x13, v6;
	v26 =	vadd.s32 $0x14, v6;
	[tilespmem:$0x1FED0] =	vst v20  }
0x58: {  	v27 =	vadd.s32 $0x15, v6;
	v28 =	vadd.s32 $0x16, v6;
	v29 =	vadd.s32 $0x17, v6;
	[tilespmem:$0x1FEE0] =	vst v21  }
0x59: {  	v30 =	vadd.s32 $0x18, v6;
	v41 =	vadd.s32 $0x19, v6;
	v32 =	vadd.s32 $0x1A, v6;
	[tilespmem:$0x1FEF0] =	vst v22  }
0x5a: {  	v33 =	vadd.s32 $0x1B, v6;
	v34 =	vadd.s32 $0x1C, v6;
	v5 =	vimm.s32 $0xC281403F;
	[tilespmem:$0x1FF00] =	vst v23  }
0x5b: {  	v42 =	vadd.s32 $0x24, v6;
	v4 =	vimm.s32 $0xC1807F3E;
	v5 =	vunpack.c.0.s8.s32 v5;
	[tilespmem:$0x1FF10] =	vst v24  }
0x5c: {  	v43 =	vadd.s32 $0x25, v6;
	v56 =	vimm.s32 $0xC0BF7E3D;
	v4 =	vunpack.c.0.s8.s32 v4;
	[tilespmem:$0x1FF20] =	vst v25  }
0x5d: {  	v44 =	vadd.s32 $0x26, v6;
	v3 =	vunpack.c.0.s8.s32 v56;
	v61 =	vand.u32 $0xFF, v5;
	[tilespmem:$0x1FF30] =	vst v26  }
0x5e: {  	v45 =	vadd.s32 $0x27, v6;
	v60 =	vand.u32 $0xFF, v4;
	v2 =	vnsel vm9, $0x3CE, v61;
	[tilespmem:$0x1FF40] =	vst v27  }
0x5f: {  	v59 =	vand.u32 $0xFF, v3;
	v2 =	vsel vm10, $0x103, v2;
	v1 =	vnsel vm9, $0x3CD, v60;
	[tilespmem:$0x1FF50] =	vst v28  }
0x60: {  	v2 =	vsel vm11, $0x144, v2;
	v1 =	vsel vm10, $0x102, v1;
	v0 =	vnsel vm9, $0x3CC, v59;
	[tilespmem:$0x1FF60] =	vst v29  }
0x61: {  	v2 =	vsel vm5, $0x185, v2;
	v1 =	vsel vm11, $0x143, v1;
	v0 =	vsel vm10, $0x101, v0;
	[tilespmem:$0x1FF70] =	vst v30  }
0x62: {  	v2 =	vsel vm6, $0x1C6, v2;
	v1 =	vsel vm5, $0x184, v1;
	[tilespmem:$0x1FF80] =	vst v41;
	v0 =	vsel vm11, $0x142, v0  }
0x63: {  	v2 =	vsel vm7, $0x207, v2;
	v1 =	vsel vm6, $0x1C5, v1;
	[tilespmem:$0x1FF90] =	vst v32;
	v0 =	vsel vm5, $0x183, v0  }
0x64: {  	v2 =	vsel vm0, $0x248, v2;
	v1 =	vsel vm7, $0x206, v1;
	[tilespmem:$0x1FFA0] =	vst v33;
	v0 =	vsel vm6, $0x1C4, v0  }
0x65: {  	v2 =	vsel vm1, $0x289, v2;
	[tilespmem:$0x1FFB0] =	vst v34;
	v1 =	vsel vm0, $0x247, v1;
	v0 =	vsel vm7, $0x205, v0  }
0x66: {  	v2 =	vsel vm2, $0x2CA, v2;
	[tilespmem:$0x1FFC0] =	vst v42;
	v1 =	vsel vm1, $0x288, v1;
	v0 =	vsel vm0, $0x246, v0  }
0x67: {  	s5 =	srdreg.scid;
	[tilespmem:$0x1FFD0] =	vst v43;
	v2 =	vsel vm3, $0x30B, v2;
	v1 =	vsel vm2, $0x2C9, v1;
	v0 =	vsel vm1, $0x287, v0  }
0x68: {  	s1 =	stileid.u32;
	s8 =	simm.s32 $0x0;
	s5 =	sand.u32 $0x1, s5;
	[tilespmem:$0x1FFE0] =	vst v44;
	v2 =	vsel vm4, $0x34C, v2;
	v1 =	vsel vm3, $0x30A, v1;
	v0 =	vsel vm2, $0x2C8, v0  }
0x69: {  	s7 =	sshll.u32 s1, $0xA;
	s6 =	sshll.u32 s5, $0xE;
	s5 =	ssub.s32 $0x2, s5;
	[tilespmem:$0x1FFF0] =	vst v45;
	v63 =	vsel vm8, $0x38D, v2;
	v1 =	vsel vm4, $0x34B, v1;
	v0 =	vsel vm3, $0x309, v0  }
0x6a: {  	s6 =	sor.u32 s7, s6;
	s31 =	sshrl.u32 s5, $0x1;
	s7 =	simm.s32 $0x2000;
	[tilespmem:$0x1FDE0] =	vst v63;
	v62 =	vsel vm8, $0x38C, v1;
	v0 =	vsel vm4, $0x34A, v0  }
0x6b: {  	s4 =	sadd.s32 s6, s4;
	s5 =	ssub.s32 s5, s31;
	s3 =	sadd.s32 s3, s6;
	[tilespmem:$0x1FDD0] =	vst v62;
	v0 =	vsel vm8, $0x38B, v0  }
0x6c: {  	s6 =	simm.s32 $0x1;
	s4 =	sadd.s32 $0x10800, s4;
	s5 =	smax.u32 s5, $0x1;
	[tilespmem:$0x1FDC0] =	vst v0  }
.LBB2_1:
0x6d: {  	[tilespmem:s2], [sflag:$0x1] =	stream.linear.gather [hbm4b:s3+s2], $0x2000, $0x38;
	[tilespmem:$0x4000] =	vst v63  }
0x6e: {  	_ =	swait.ge [sflag:s6], $0x2000  }
0x6f: {  	[sflag:s6] =	ssyncset.done $0x0  }
0x70: {  	s9 =	simm.s32 $0x0;
	[sflag:s6] =	ssyncadd.s32 $0xFFFFE000  }
.LBB2_2:
0x71: {  	_ =	sdelay $0x2  }
0x72: {  	v2 =	vor.u32 s9, v6  }
0x73: {  	v1 =	vor.u32 s9, v7;
	[tilespmem:$0x1F690] =	vst v2  }
0x74: {  	v0 =	vor.u32 s9, v8;
	[tilespmem:$0x1F6A0] =	vst v1  }
0x75: {  	v4 =	vor.u32 s9, v9;
	[tilespmem:$0x1F6C0] =	vst v0  }
0x76: {  	v3 =	vor.u32 s9, v10;
	[tilespmem:$0x1F6D0] =	vst v4  }
0x77: {  	v52 =	vor.u32 s9, v11;
	[tilespmem:$0x1F6E0] =	vst v3  }
0x78: {  	v53 =	vor.u32 s9, v12;
	[tilespmem:$0x1F6F0] =	vst v52  }
0x79: {  	v60 =	vor.u32 s9, v13;
	[tilespmem:$0x1F700] =	vst v53  }
0x7a: {  	v8 =	vor.u32 s9, v14;
	[tilespmem:$0x1F710] =	vst v60  }
0x7b: {  	v57 =	vor.u32 s9, v15;
	[tilespmem:$0x1F720] =	vst v8  }
0x7c: {  	v56 =	vor.u32 s9, v16;
	[tilespmem:$0x1F730] =	vst v57  }
0x7d: {  	v47 =	vor.u32 s9, v17;
	[tilespmem:$0x1F750] =	vst v56  }
0x7e: {  	v46 =	vor.u32 s9, v18;
	[tilespmem:$0x1F760] =	vst v47  }
0x7f: {  	v19 =	vor.u32 s9, v19;
	[tilespmem:$0x1F780] =	vst v46  }
0x80: {  	v18 =	vor.u32 s9, v20;
	[tilespmem:$0x1F7A0] =	vst v19  }
0x81: {  	v17 =	vor.u32 s9, v21;
	[tilespmem:$0x1F7B0] =	vst v18  }
0x82: {  	v16 =	vor.u32 s9, v22;
	[tilespmem:$0x1F7D0] =	vst v17  }
0x83: {  	v15 =	vor.u32 s9, v23;
	[tilespmem:$0x1F800] =	vst v16;
	v35 =	vld.idx.msk [tilespmem:v2+s2+$0x0], $0xffff  }
0x84: {  	v14 =	vor.u32 s9, v24;
	[tilespmem:$0x1F810] =	vst v15;
	v7 =	vld.idx.msk [tilespmem:v1+s2+$0x0], $0xffff  }
0x85: {  	v13 =	vor.u32 s9, v25;
	[tilespmem:$0x1F830] =	vst v14;
	v5 =	vld.idx.msk [tilespmem:v0+s2+$0x0], $0xffff  }
0x86: {  	v12 =	vor.u32 s9, v26;
	[tilespmem:$0x1F840] =	vst v13;
	v4 =	vld.idx.msk [tilespmem:v4+s2+$0x0], $0xffff  }
0x87: {  	v11 =	vor.u32 s9, v27;
	[tilespmem:$0x1F850] =	vst v12;
	v38 =	vld.idx.msk [tilespmem:v3+s2+$0x0], $0xffff  }
0x88: {  	v10 =	vor.u32 s9, v28;
	[tilespmem:$0x1F870] =	vst v11;
	v37 =	vld.idx.msk [tilespmem:v52+s2+$0x0], $0xffff  }
0x89: {  	v9 =	vor.u32 s9, v29;
	[tilespmem:$0x1F880] =	vst v10;
	v36 =	vld.idx.msk [tilespmem:v60+s2+$0x0], $0xffff  }
0x8a: {  	[tilespmem:$0x1F8A0] =	vst v9;
	v6 =	vld.idx.msk [tilespmem:v53+s2+$0x0], $0xffff  }
0x8b: {  	v21 =	vld.idx.msk [tilespmem:v8+s2+$0x0], $0xffff;
	[tilespmem:$0x1F4B0] =	vst v4  }
0x8c: {  	v23 =	vld.idx.msk [tilespmem:v57+s2+$0x0], $0xffff;
	[tilespmem:$0x1F4C0] =	vst v38  }
0x8d: {  	v24 =	vld.idx.msk [tilespmem:v56+s2+$0x0], $0xffff;
	[tilespmem:$0x1F4D0] =	vst v37  }
0x8e: {  	v22 =	vld.idx.msk [tilespmem:v47+s2+$0x0], $0xffff;
	[tilespmem:$0x1F4F0] =	vst v36  }
0x8f: {  	v20 =	vld.idx.msk [tilespmem:v46+s2+$0x0], $0xffff;
	[tilespmem:$0x1F490] =	vst v7  }
0x90: {  	v19 =	vld.idx.msk [tilespmem:v19+s2+$0x0], $0xffff;
	[tilespmem:$0x1F480] =	vst v35;
	v61 =	vmax.f32 v35, v7  }
0x91: {  	v62 =	vmin.f32 v35, v7;
	[tilespmem:$0x1F4A0] =	vst v5;
	v63 =	vmax.f32 v5, v4;
	v35 =	vmin.f32 v5, v4  }
0x92: {  	v18 =	vld.idx.msk [tilespmem:v18+s2+$0x0], $0xffff;
	v4 =	vmax.f32 v38, v37;
	v5 =	vmin.f32 v38, v37;
	v7 =	vmov v6;
	[tilespmem:$0x1F4E0] =	vst v6  }
0x93: {  	v6 =	vmax.f32 v6, v36;
	[tilespmem:$0x1F500] =	vst v21;
	v53 =	vmax.f32 v21, v23;
	v54 =	vmin.f32 v21, v23  }
0x94: {  	[tilespmem:$0x1F510] =	vst v23;
	v55 =	vmax.f32 v24, v22;
	v56 =	vmin.f32 v24, v22;
	v7 =	vmin.f32 v7, v36  }
0x95: {  	[tilespmem:$0x1F530] =	vst v22;
	v8 =	vmax.f32 v61, v63;
	v0 =	vmin.f32 v61, v63;
	v38 =	vmax.f32 v62, v35  }
0x96: {  	[tilespmem:$0x1F520] =	vst v24;
	v1 =	vmin.f32 v62, v35;
	v39 =	vmax.f32 v4, v6;
	v4 =	vmin.f32 v4, v6  }
0x97: {  	[tilespmem:$0x1F540] =	vst v20;
	v36 =	vld.idx.msk [tilespmem:v10+s2+$0x0], $0xffff;
	v10 =	vor.u32 s9, v41;
	v6 =	vmax.f32 v5, v7;
	v5 =	vmin.f32 v5, v7  }
0x98: {  	[tilespmem:$0x1F550] =	vst v19;
	v7 =	vmax.f32 v38, v0;
	v0 =	vmin.f32 v38, v0;
	v3 =	vmin.f32 v8, v39  }
0x99: {  	[tilespmem:$0x1F560] =	vst v18;
	v40 =	vmax.f32 v6, v4;
	v4 =	vmin.f32 v6, v4;
	v6 =	vmax.f32 v8, v39  }
0x9a: {  	[tilespmem:$0x1F300] =	vst v6;
	v6 =	vmax.f32 v7, v40;
	v2 =	vmin.f32 v7, v40;
	v7 =	vmax.f32 v0, v4  }
0x9b: {  	[tilespmem:$0x1F8C0] =	vst v10;
	v0 =	vmin.f32 v0, v4;
	v4 =	vmax.f32 v1, v5;
	v1 =	vmin.f32 v1, v5  }
0x9c: {  	v57 =	vmax.f32 v54, v56;
	v8 =	vld.idx.msk [tilespmem:v17+s2+$0x0], $0xffff;
	[tilespmem:$0x1F3E0] =	vst v1;
	v46 =	vmax.f32 v6, v3  }
0x9d: {  	v47 =	vmin.f32 v6, v3;
	v48 =	vmax.f32 v4, v0;
	v0 =	vmin.f32 v4, v0;
	[tilespmem:$0x1F320] =	vst v46  }
0x9e: {  	v5 =	vmin.f32 v20, v19;
	[tilespmem:$0x1F3C0] =	vst v0;
	v50 =	vmin.f32 v7, v47;
	v51 =	vmax.f32 v48, v2  }
0x9f: {  	v2 =	vmin.f32 v48, v2;
	v52 =	vmax.f32 v51, v50;
	v0 =	vmin.f32 v51, v50;
	v51 =	vld.idx.msk [tilespmem:v15+s2+$0x0], $0xffff  }
0xa0: {  	v4 =	vmax.f32 v20, v19;
	v49 =	vmax.f32 v7, v47;
	[tilespmem:$0x1F3A0] =	vst v2;
	v15 =	vld.idx.msk [tilespmem:v14+s2+$0x0], $0xffff  }
0xa1: {  	[tilespmem:$0x1F570] =	vst v8;
	v6 =	vmax.f32 v18, v8;
	v7 =	vmin.f32 v18, v8;
	v8 =	vmax.f32 v53, v55  }
0xa2: {  	[tilespmem:$0x1F380] =	vst v0;
	v0 =	vmin.f32 v53, v55;
	v58 =	vmax.f32 v4, v6;
	v4 =	vmin.f32 v4, v6  }
0xa3: {  	v14 =	vld.idx.msk [tilespmem:v13+s2+$0x0], $0xffff;
	v6 =	vmax.f32 v5, v7;
	v5 =	vmin.f32 v5, v7;
	v7 =	vmax.f32 v57, v0  }
0xa4: {  	v13 =	vld.idx.msk [tilespmem:v12+s2+$0x0], $0xffff;
	v59 =	vmax.f32 v6, v4;
	v4 =	vmin.f32 v6, v4;
	v6 =	vmax.f32 v8, v58  }
0xa5: {  	v0 =	vmin.f32 v57, v0;
	v3 =	vmin.f32 v8, v58;
	[tilespmem:$0x1F3F0] =	vst v6;
	v6 =	vmax.f32 v7, v59  }
0xa6: {  	v8 =	vld.idx.msk [tilespmem:v11+s2+$0x0], $0xffff;
	v2 =	vmin.f32 v7, v59;
	v7 =	vmax.f32 v0, v4;
	v61 =	vmin.f32 v6, v3  }
0xa7: {  	[tilespmem:$0x1F340] =	vst v49;
	v63 =	vmax.f32 v7, v61;
	v35 =	vmin.f32 v7, v61;
	v7 =	vld.idx.msk [tilespmem:v9+s2+$0x0], $0xffff  }
0xa8: {  	v12 =	vor.u32 s9, v32;
	[tilespmem:$0x1F360] =	vst v52  }
0xa9: {  	v40 =	vld.idx.msk [tilespmem:v16+s2+$0x0], $0xffff;
	v1 =	vmin.f32 v54, v56;
	[tilespmem:$0x1F8D0] =	vst v12;
	v11 =	vor.u32 s9, v34;
	v0 =	vmin.f32 v0, v4  }
0xaa: {  	v4 =	vmax.f32 v1, v5;
	v1 =	vmin.f32 v1, v5;
	[tilespmem:$0x1F900] =	vst v11;
	v60 =	vmax.f32 v6, v3  }
0xab: {  	[tilespmem:$0x1F590] =	vst v14;
	v46 =	vmax.f32 v15, v14;
	v50 =	vmin.f32 v15, v14;
	v14 =	vmovc v13;
	v9 =	vor.u32 s9, v30  }
0xac: {  	v52 =	vmax.f32 v13, v8;
	[tilespmem:$0x1F5C0] =	vst v7;
	v5 =	vmax.f32 v36, v7;
	v7 =	vmin.f32 v36, v7  }
0xad: {  	[tilespmem:$0x1F310] =	vst v1;
	v6 =	vmax.f32 v52, v5;
	v3 =	vmin.f32 v52, v5;
	v5 =	vmin.f32 v14, v8  }
0xae: {  	[tilespmem:$0x1F5B0] =	vst v8;
	v8 =	vmax.f32 v5, v7;
	v5 =	vmin.f32 v5, v7;
	v7 =	vld [tilespmem:$0x1FC00]  }
0xaf: {  	[tilespmem:$0x1F580] =	vst v15  }
0xb0: {  	v62 =	vmax.f32 v4, v0;
	v0 =	vmin.f32 v4, v0;
	[tilespmem:$0x1F5A0] =	vst v13  }
0xb1: {  	v39 =	vmax.f32 v40, v51;
	v49 =	vmin.f32 v40, v51;
	[tilespmem:$0x1F3D0] =	vst v60;
	v37 =	vmax.f32 v62, v2  }
0xb2: {  	v47 =	vmax.f32 v39, v46;
	v48 =	vmin.f32 v39, v46;
	v4 =	vmax.f32 v49, v50;
	v39 =	vld.idx.msk [tilespmem:v9+s2+$0x0], $0xffff  }
0xb3: {  	[tilespmem:$0x1F8B0] =	vst v9;
	v1 =	vmin.f32 v4, v48;
	v9 =	vor.u32 s9, v7;
	v7 =	vmax.f32 v4, v48;
	v4 =	vld [tilespmem:$0x1FC10]  }
0xb4: {  	[tilespmem:$0x1F330] =	vst v0;
	v38 =	vmax.f32 v37, v35;
	v0 =	vmin.f32 v37, v35;
	v35 =	vld [tilespmem:$0x1FC40];
	v13 =	vor.u32 s9, v33  }
0xb5: {  	v55 =	vld.idx.msk [tilespmem:v10+s2+$0x0], $0xffff;
	v2 =	vmin.f32 v62, v2;
	[tilespmem:$0x1F3B0] =	vst v63  }
0xb6: {  	[tilespmem:$0x1F350] =	vst v2;
	v14 =	vld.idx.msk [tilespmem:v12+s2+$0x0], $0xffff  }
0xb7: {  	[tilespmem:$0x1F390] =	vst v38;
	v12 =	vld.idx.msk [tilespmem:v11+s2+$0x0], $0xffff  }
0xb8: {  	[tilespmem:$0x1F370] =	vst v0;
	v10 =	vor.u32 s9, v4;
	v4 =	vmax.f32 v8, v3;
	v3 =	vmin.f32 v8, v3;
	v8 =	vld [tilespmem:$0x1FC20]  }
0xb9: {  	v2 =	vmin.f32 v49, v50;
	[tilespmem:$0x1F8F0] =	vst v13;
	v11 =	vor.u32 s9, v35;
	v13 =	vld.idx.msk [tilespmem:v13+s2+$0x0], $0xffff  }
0xba: {  	[tilespmem:$0x1F960] =	vst v11;
	v53 =	vmax.f32 v2, v5;
	v2 =	vmin.f32 v2, v5  }
0xbb: {  	[tilespmem:$0x1F460] =	vst v2  }
0xbc: {  	[tilespmem:$0x1F5D0] =	vst v14  }
0xbd: {  	[tilespmem:$0x1F5F0] =	vst v12;
	v8 =	vor.u32 s9, v8  }
0xbe: {  	[tilespmem:$0x1F5E0] =	vst v13  }
0xbf: {  	v34 =	vmax.f32 v47, v6;
	v0 =	vmin.f32 v47, v6;
	[tilespmem:$0x1F920] =	vst v9  }
0xc0: {  	v5 =	vld.idx.msk [tilespmem:v9+s2+$0x0], $0xffff;
	[tilespmem:$0x1F930] =	vst v10;
	v6 =	vmax.f32 v7, v4;
	v4 =	vmin.f32 v7, v4  }
0xc1: {  	v7 =	vmax.f32 v1, v3;
	v54 =	vmax.f32 v6, v0;
	v0 =	vmin.f32 v6, v0;
	v6 =	vld.idx.msk [tilespmem:v10+s2+$0x0], $0xffff  }
0xc2: {  	v1 =	vmin.f32 v1, v3;
	v57 =	vmax.f32 v7, v0;
	v0 =	vmin.f32 v7, v0;
	v7 =	vld.idx.msk [tilespmem:v8+s2+$0x0], $0xffff  }
0xc3: {  	v56 =	vmax.f32 v53, v1;
	v1 =	vmin.f32 v53, v1;
	[tilespmem:$0x1F400] =	vst v54  }
0xc4: {  	[tilespmem:$0x1F450] =	vst v1  }
0xc5: {  	v60 =	vmax.f32 v14, v13;
	[tilespmem:$0x1F410] =	vst v57  }
0xc6: {  	v33 =	vld [tilespmem:$0x1FC30];
	v32 =	vmin.f32 v14, v13;
	v58 =	vmax.f32 v56, v4;
	v2 =	vmin.f32 v56, v4;
	[tilespmem:$0x1F600] =	vst v5  }
0xc7: {  	v31 =	vld [tilespmem:$0x1FC60];
	v14 =	vmov v5;
	v37 =	vmax.f32 v12, v5;
	[tilespmem:$0x1F940] =	vst v8;
	v5 =	vmax.f32 v6, v7  }
0xc8: {  	v8 =	vmov v6;
	[tilespmem:$0x1F610] =	vst v6;
	v6 =	vmax.f32 v37, v5;
	v3 =	vmin.f32 v37, v5;
	v5 =	vld [tilespmem:$0x1FC50]  }
0xc9: {  	[tilespmem:$0x1F440] =	vst v2;
	v4 =	vmax.f32 v58, v0  }
0xca: {  	v0 =	vmin.f32 v58, v0;
	[tilespmem:$0x1F420] =	vst v4  }
0xcb: {  	v59 =	vmax.f32 v39, v55;
	[tilespmem:$0x1F430] =	vst v0;
	v10 =	vor.u32 s9, v33  }
0xcc: {  	v63 =	vmin.f32 v39, v55;
	v61 =	vmax.f32 v59, v60;
	v62 =	vmin.f32 v59, v60;
	[tilespmem:$0x1F950] =	vst v10  }
0xcd: {  	v9 =	vor.u32 s9, v31;
	v4 =	vmax.f32 v63, v32;
	[tilespmem:$0x1F620] =	vst v7;
	v13 =	vor.u32 s9, v5  }
0xce: {  	v1 =	vmin.f32 v4, v62;
	v7 =	vmin.f32 v8, v7;
	v5 =	vmin.f32 v12, v14;
	[tilespmem:$0x1F980] =	vst v13  }
0xcf: {  	v12 =	vor.u32 s9, v42;
	[tilespmem:$0x1F9A0] =	vst v9;
	v8 =	vmax.f32 v5, v7;
	v5 =	vmin.f32 v5, v7  }
0xd0: {  	v7 =	vmax.f32 v4, v62;
	v49 =	vld.idx.msk [tilespmem:v10+s2+$0x0], $0xffff;
	v10 =	vor.u32 s9, v43;
	v4 =	vmax.f32 v8, v3  }
0xd1: {  	v3 =	vmin.f32 v8, v3;
	v54 =	vld.idx.msk [tilespmem:v11+s2+$0x0], $0xffff;
	v11 =	vor.u32 s9, v44;
	v8 =	vmax.f32 v61, v6  }
0xd2: {  	[tilespmem:$0x1F470] =	vst v8;
	v8 =	vor.u32 s9, v45  }
0xd3: {  	v15 =	vld.idx.msk [tilespmem:v13+s2+$0x0], $0xffff  }
0xd4: {  	v2 =	vmin.f32 v63, v32;
	v0 =	vmin.f32 v61, v6;
	v6 =	vmax.f32 v7, v4;
	v13 =	vld.idx.msk [tilespmem:v12+s2+$0x0], $0xffff  }
0xd5: {  	v38 =	vmax.f32 v2, v5;
	v47 =	vmax.f32 v6, v0;
	v0 =	vmin.f32 v6, v0;
	v6 =	vld.idx.msk [tilespmem:v10+s2+$0x0], $0xffff  }
0xd6: {  	v46 =	vmin.f32 v2, v5;
	v4 =	vmin.f32 v7, v4;
	v7 =	vmax.f32 v1, v3;
	v5 =	vld.idx.msk [tilespmem:v11+s2+$0x0], $0xffff  }
0xd7: {  	v48 =	vmin.f32 v7, v0;
	v45 =	vmax.f32 v7, v0;
	v7 =	vld.idx.msk [tilespmem:v8+s2+$0x0], $0xffff;
	_ =	sdelay $0x2  }
0xd8: {  	v9 =	vld.idx.msk [tilespmem:v9+s2+$0x0], $0xffff  }
0xd9: {  	v60 =	vld [tilespmem:$0x1FC80];
	v1 =	vmin.f32 v1, v3;
	[tilespmem:$0x1FA10] =	vst v8  }
0xda: {  	v58 =	vld [tilespmem:$0x1FC70];
	v63 =	vmax.f32 v13, v6;
	v8 =	vmov v5;
	[tilespmem:$0x1F680] =	vst v5;
	v5 =	vmax.f32 v5, v7  }
0xdb: {  	[tilespmem:$0x1F6B0] =	vst v7;
	v7 =	vmin.f32 v8, v7;
	v8 =	vmax.f32 v63, v5;
	v3 =	vmin.f32 v63, v5;
	v5 =	vld [tilespmem:$0x1FCB0]  }
0xdc: {  	v61 =	vld [tilespmem:$0x1FC90]  }
0xdd: {  	[tilespmem:$0x1F9B0] =	vst v12;
	v62 =	vld [tilespmem:$0x1FCA0];
	v41 =	vmax.f32 v38, v1  }
0xde: {  	v32 =	vld [tilespmem:$0x1FCD0];
	[tilespmem:$0x1F9F0] =	vst v11;
	v50 =	vmax.f32 v41, v4;
	v42 =	vmin.f32 v41, v4;
	v12 =	vor.u32 s9, v60  }
0xdf: {  	v52 =	vmax.f32 v49, v54;
	v11 =	vor.u32 s9, v58;
	[tilespmem:$0x1F670] =	vst v6;
	v6 =	vmin.f32 v13, v6  }
0xe0: {  	[tilespmem:$0x1F660] =	vst v13;
	v13 =	vor.u32 s9, v5;
	v5 =	vmax.f32 v6, v7;
	v6 =	vmin.f32 v6, v7;
	v7 =	vld [tilespmem:$0x1FCC0]  }
0xe1: {  	[tilespmem:$0x1F9D0] =	vst v10;
	v10 =	vor.u32 s9, v61;
	v33 =	vmax.f32 v5, v3;
	v3 =	vmin.f32 v5, v3;
	v5 =	vld [tilespmem:$0x1FCE0]  }
0xe2: {  	[tilespmem:$0x1F650] =	vst v9;
	v53 =	vmax.f32 v15, v9;
	v57 =	vmin.f32 v15, v9;
	v9 =	vor.u32 s9, v62  }
0xe3: {  	[tilespmem:$0x1FA40] =	vst v12;
	v4 =	vmax.f32 v52, v53;
	v0 =	vmin.f32 v52, v53;
	v52 =	vld.idx.msk [tilespmem:v12+s2+$0x0], $0xffff;
	v12 =	vor.u32 s9, v32  }
0xe4: {  	v43 =	vmax.f32 v50, v48;
	[tilespmem:$0x1FA20] =	vst v11  }
0xe5: {  	v41 =	vmin.f32 v50, v48;
	v56 =	vmin.f32 v49, v54;
	[tilespmem:$0x1FA60] =	vst v10;
	v50 =	vld.idx.msk [tilespmem:v11+s2+$0x0], $0xffff;
	v11 =	vor.u32 s9, v7  }
0xe6: {  	v44 =	vmin.f32 v38, v1;
	v59 =	vmax.f32 v56, v57;
	[tilespmem:$0x1FA80] =	vst v9;
	v53 =	vld.idx.msk [tilespmem:v10+s2+$0x0], $0xffff;
	v10 =	vor.u32 s9, v5  }
0xe7: {  	v2 =	vmin.f32 v56, v57;
	[tilespmem:$0x1FAD0] =	vst v12;
	v63 =	vmax.f32 v4, v8;
	v9 =	vld.idx.msk [tilespmem:v9+s2+$0x0], $0xffff  }
0xe8: {  	v4 =	vmin.f32 v4, v8;
	v12 =	vld.idx.msk [tilespmem:v12+s2+$0x0], $0xffff;
	v35 =	vmax.f32 v2, v6;
	v7 =	vmax.f32 v59, v0  }
0xe9: {  	v62 =	vmin.f32 v2, v6;
	v0 =	vmin.f32 v59, v0;
	v8 =	vld.idx.msk [tilespmem:v13+s2+$0x0], $0xffff;
	v5 =	vmax.f32 v7, v33  }
0xea: {  	v1 =	vmin.f32 v7, v33;
	v7 =	vmax.f32 v0, v3;
	v37 =	vmin.f32 v5, v4;
	v6 =	vld.idx.msk [tilespmem:v11+s2+$0x0], $0xffff  }
0xeb: {  	v59 =	vmax.f32 v7, v37;
	v38 =	vmin.f32 v7, v37;
	v7 =	vld.idx.msk [tilespmem:v10+s2+$0x0], $0xffff;
	_ =	sdelay $0x1  }
0xec: {  	v32 =	vmax.f32 v50, v52;
	v0 =	vmin.f32 v0, v3;
	v60 =	vmax.f32 v5, v4  }
0xed: {  	v4 =	vmax.f32 v35, v0;
	v61 =	vmin.f32 v35, v0;
	v35 =	vmax.f32 v53, v9  }
0xee: {  	v48 =	vmax.f32 v4, v1;
	v58 =	vmin.f32 v4, v1;
	v4 =	vmax.f32 v32, v35  }
0xef: {  	v0 =	vmin.f32 v32, v35;
	[tilespmem:$0x1F790] =	vst v8;
	v35 =	vmax.f32 v8, v6;
	v5 =	vmax.f32 v12, v7  }
0xf0: {  	[tilespmem:$0x1F7C0] =	vst v6;
	v6 =	vmin.f32 v8, v6;
	v8 =	vmax.f32 v35, v5;
	v3 =	vmin.f32 v35, v5;
	v5 =	vld [tilespmem:$0x1FD20];
	_ =	sdelay $0x3  }
0xf1: {  	v32 =	vld [tilespmem:$0x1FD00];
	[tilespmem:$0x1F820] =	vst v7;
	v7 =	vmin.f32 v12, v7  }
0xf2: {  	[tilespmem:$0x1FA90] =	vst v13;
	v13 =	vor.u32 s9, v5;
	v5 =	vmax.f32 v6, v7;
	v6 =	vmin.f32 v6, v7;
	v7 =	vld [tilespmem:$0x1FD30];
	_ =	sdelay $0x2  }
0xf3: {  	v33 =	vmin.f32 v50, v52;
	v37 =	vmin.f32 v53, v9  }
0xf4: {  	[tilespmem:$0x1F740] =	vst v9;
	v57 =	vmax.f32 v48, v38;
	v56 =	vmin.f32 v48, v38;
	v38 =	vmax.f32 v33, v37  }
0xf5: {  	[tilespmem:$0x1F7F0] =	vst v12;
	v48 =	vld [tilespmem:$0x1FCF0];
	v9 =	vor.u32 s9, v32;
	v12 =	vor.u32 s9, v7;
	v7 =	vmax.f32 v38, v0  }
0xf6: {  	v0 =	vmin.f32 v38, v0;
	v38 =	vmax.f32 v5, v3;
	v3 =	vmin.f32 v5, v3;
	v5 =	vld [tilespmem:$0x1FD50];
	_ =	sdelay $0x1  }
0xf7: {  	v1 =	vmin.f32 v33, v37;
	v33 =	vld [tilespmem:$0x1FD10]  }
0xf8: {  	v37 =	vld [tilespmem:$0x1FD40]  }
0xf9: {  	[tilespmem:$0x1FAF0] =	vst v10;
	v10 =	vor.u32 s9, v48;
	v17 =	vld.idx.msk [tilespmem:v9+s2+$0x0], $0xffff  }
0xfa: {  	[tilespmem:$0x1FB10] =	vst v9;
	v9 =	vor.u32 s9, v5;
	v5 =	vld [tilespmem:$0x1FD60];
	_ =	sdelay $0x1  }
0xfb: {  	[tilespmem:$0x1FAB0] =	vst v11;
	v11 =	vor.u32 s9, v33  }
0xfc: {  	v33 =	vmax.f32 v4, v8  }
0xfd: {  	[tilespmem:$0x1FB00] =	vst v10;
	v4 =	vmin.f32 v4, v8;
	v48 =	vld.idx.msk [tilespmem:v10+s2+$0x0], $0xffff;
	v10 =	vor.u32 s9, v37;
	v2 =	vmin.f32 v7, v38  }
0xfe: {  	v8 =	vor.u32 s9, v5;
	v5 =	vmax.f32 v7, v38;
	v7 =	vmax.f32 v0, v3  }
0xff: {  	v0 =	vmin.f32 v0, v3;
	v3 =	vmax.f32 v1, v6;
	v32 =	vmax.f32 v5, v4  }
0x100: {  	v14 =	vld.idx.msk [tilespmem:v11+s2+$0x0], $0xffff;
	v35 =	vmin.f32 v5, v4;
	v4 =	vmax.f32 v3, v0;
	v29 =	vmin.f32 v3, v0  }
0x101: {  	v37 =	vld.idx.msk [tilespmem:v13+s2+$0x0], $0xffff;
	v30 =	vmax.f32 v7, v35;
	v0 =	vmin.f32 v7, v35;
	v35 =	vmax.f32 v4, v2  }
0x102: {  	v28 =	vmax.f32 v35, v0;
	v26 =	vmin.f32 v35, v0;
	v35 =	vld [tilespmem:$0x1FD70];
	_ =	sdelay $0x4  }
0x103: {  	[tilespmem:$0x1F640] =	vst v15;
	v0 =	vmax.f32 v48, v17;
	v15 =	vld.idx.msk [tilespmem:v8+s2+$0x0], $0xffff;
	v7 =	vor.u32 s9, v35;
	v35 =	vmax.f32 v14, v37  }
0x104: {  	[tilespmem:$0x1FB70] =	vst v8;
	v27 =	vmin.f32 v4, v2;
	v8 =	vmax.f32 v0, v35;
	v2 =	vmin.f32 v0, v35;
	v35 =	vld [tilespmem:$0x1FD80];
	_ =	sdelay $0x4  }
0x105: {  	[tilespmem:$0x1FB20] =	vst v11;
	v11 =	vor.u32 s9, v35;
	v35 =	vld [tilespmem:$0x1FD90];
	_ =	sdelay $0x3  }
0x106: {  	v31 =	vmin.f32 v1, v6  }
0x107: {  	[tilespmem:$0x1FB30] =	vst v13;
	v1 =	vmin.f32 v48, v17;
	v5 =	vld.idx.msk [tilespmem:v9+s2+$0x0], $0xffff;
	v13 =	vor.u32 s9, v35;
	v35 =	vmin.f32 v14, v37  }
0x108: {  	[tilespmem:$0x1FB60] =	vst v9;
	v4 =	vmax.f32 v1, v35;
	v9 =	vmin.f32 v1, v35;
	v35 =	vld [tilespmem:$0x1FDA0];
	_ =	sdelay $0x2  }
0x109: {  	v16 =	vld.idx.msk [tilespmem:v10+s2+$0x0], $0xffff  }
0x10a: {  	v38 =	vld.idx.msk [tilespmem:v12+s2+$0x0], $0xffff  }
0x10b: {  	[tilespmem:$0x1F910] =	vst v14;
	v14 =	vor.u32 s9, v35;
	v35 =	vld [tilespmem:$0x1FDB0];
	_ =	sdelay $0x3  }
0x10c: {  	[tilespmem:$0x1FB50] =	vst v10  }
0x10d: {  	[tilespmem:$0x1F990] =	vst v5;
	v1 =	vmovc v5;
	v5 =	vmax.f32 v5, v15;
	v10 =	vor.u32 s9, v35;
	v35 =	vmax.f32 v38, v16  }
0x10e: {  	v6 =	vmax.f32 v35, v5;
	v3 =	vmin.f32 v35, v5;
	v35 =	vld [tilespmem:$0x1FDC0];
	_ =	sdelay $0x4  }
0x10f: {  	[tilespmem:$0x1FB40] =	vst v12;
	v12 =	vor.u32 s9, v35;
	v35 =	vld [tilespmem:$0x1FDD0];
	_ =	sdelay $0x3  }
0x110: {  	[tilespmem:$0x1F860] =	vst v17;
	v17 =	vld.idx.msk [tilespmem:v11+s2+$0x0], $0xffff  }
0x111: {  	[tilespmem:$0x1FB90] =	vst v11;
	v11 =	vor.u32 s9, v35;
	v35 =	vld [tilespmem:$0x1FDE0]  }
0x112: {  	[tilespmem:$0x1FB80] =	vst v7  }
0x113: {  	[tilespmem:$0x1F9C0] =	vst v15;
	v18 =	vld.idx.msk [tilespmem:v7+s2+$0x0], $0xffff;
	v7 =	vmin.f32 v1, v15;
	v5 =	vmin.f32 v38, v16  }
0x114: {  	[tilespmem:$0x1FBA0] =	vst v13;
	v1 =	vmax.f32 v4, v2;
	v0 =	vmax.f32 v5, v7  }
0x115: {  	v2 =	vmin.f32 v4, v2;
	v15 =	vld.idx.msk [tilespmem:v13+s2+$0x0], $0xffff;
	v5 =	vmin.f32 v5, v7;
	v4 =	vmax.f32 v0, v3  }
0x116: {  	[tilespmem:$0x1FBB0] =	vst v14;
	v13 =	vld.idx.msk [tilespmem:v14+s2+$0x0], $0xffff;
	v0 =	vmin.f32 v0, v3;
	v3 =	vmin.f32 v8, v6;
	v7 =	vor.u32 s9, v35  }
0x117: {  	v14 =	vld.idx.msk [tilespmem:v10+s2+$0x0], $0xffff;
	v35 =	vmax.f32 v8, v6;
	v8 =	vmax.f32 v1, v4;
	v1 =	vmin.f32 v1, v4  }
0x118: {  	[tilespmem:$0x1FBE0] =	vst v11;
	v6 =	vmax.f32 v2, v0;
	v0 =	vmin.f32 v2, v0;
	v2 =	vmax.f32 v9, v5  }
0x119: {  	v4 =	vld.idx.msk [tilespmem:v12+s2+$0x0], $0xffff;
	v23 =	vmax.f32 v8, v3;
	v3 =	vmin.f32 v8, v3;
	v8 =	vmax.f32 v2, v0  }
0x11a: {  	v11 =	vld.idx.msk [tilespmem:v11+s2+$0x0], $0xffff;
	v24 =	vmin.f32 v2, v0;
	v2 =	vmin.f32 v6, v3;
	v0 =	vmax.f32 v8, v1  }
0x11b: {  	[tilespmem:$0x1FBC0] =	vst v10;
	v25 =	vmin.f32 v9, v5;
	v20 =	vmax.f32 v0, v2;
	v10 =	vld.idx.msk [tilespmem:v7+s2+$0x0], $0xffff  }
0x11c: {  	v19 =	vmin.f32 v0, v2;
	v0 =	vmax.f32 v18, v17;
	v2 =	vmax.f32 v15, v13  }
0x11d: {  	v21 =	vmax.f32 v6, v3;
	v22 =	vmin.f32 v8, v1;
	v8 =	vmax.f32 v0, v2  }
0x11e: {  	v6 =	vmin.f32 v0, v2;
	v2 =	vmin.f32 v18, v17;
	v0 =	vmin.f32 v15, v13  }
0x11f: {  	v9 =	vmov v4;
	[tilespmem:$0x1FAA0] =	vst v4;
	v3 =	vmax.f32 v14, v4;
	v4 =	vmax.f32 v2, v0  }
0x120: {  	[tilespmem:$0x1FBF0] =	vst v7;
	v7 =	vmin.f32 v2, v0;
	v1 =	vmax.f32 v11, v10;
	v0 =	vmin.f32 v11, v10  }
0x121: {  	v5 =	vmax.f32 v3, v1;
	v2 =	vmin.f32 v3, v1;
	v3 =	vmin.f32 v14, v9  }
0x122: {  	v1 =	vmax.f32 v3, v0;
	v0 =	vmin.f32 v3, v0;
	v3 =	vmax.f32 v4, v6  }
0x123: {  	[tilespmem:$0x1FA00] =	vst v17;
	v4 =	vmin.f32 v4, v6;
	v17 =	vmax.f32 v8, v5;
	v5 =	vmin.f32 v8, v5  }
0x124: {  	[tilespmem:$0x1FA70] =	vst v14;
	v6 =	vmax.f32 v1, v2;
	v1 =	vmin.f32 v1, v2;
	v14 =	vmin.f32 v7, v0  }
0x125: {  	v8 =	vmax.f32 v3, v6;
	v3 =	vmin.f32 v3, v6;
	v6 =	vmax.f32 v4, v1  }
0x126: {  	[tilespmem:$0x1F970] =	vst v16;
	v1 =	vmin.f32 v4, v1;
	v4 =	vmax.f32 v7, v0;
	v0 =	vld [tilespmem:$0x1F300];
	v16 =	vmax.f32 v8, v5  }
0x127: {  	[tilespmem:$0x1FBD0] =	vst v12;
	v5 =	vmin.f32 v8, v5;
	v8 =	vmax.f32 v4, v1;
	v12 =	vmin.f32 v4, v1;
	v1 =	vld [tilespmem:$0x1F310];
	_ =	sdelay $0x3  }
0x128: {  	[tilespmem:$0x1FA30] =	vst v15;
	v15 =	vmax.f32 v6, v5;
	v5 =	vmin.f32 v6, v5;
	v6 =	vmax.f32 v8, v3  }
0x129: {  	[tilespmem:$0x1FAC0] =	vst v11;
	v11 =	vmax.f32 v6, v5;
	v9 =	vmin.f32 v6, v5;
	v6 =	vmax.f32 v0, v1;
	v0 =	vld [tilespmem:$0x1F320]  }
0x12a: {  	v1 =	vld [tilespmem:$0x1F330];
	_ =	sdelay $0x4  }
0x12b: {  	v5 =	vmax.f32 v0, v1;
	v0 =	vld [tilespmem:$0x1F340]  }
0x12c: {  	v1 =	vld [tilespmem:$0x1F350];
	_ =	sdelay $0x4  }
0x12d: {  	v7 =	vmax.f32 v0, v1;
	v0 =	vld [tilespmem:$0x1F360]  }
0x12e: {  	v1 =	vld [tilespmem:$0x1F370];
	_ =	sdelay $0x4  }
0x12f: {  	[tilespmem:$0x1FAE0] =	vst v10;
	v10 =	vmin.f32 v8, v3;
	v8 =	vmax.f32 v0, v1;
	v0 =	vld [tilespmem:$0x1F380]  }
0x130: {  	v1 =	vld [tilespmem:$0x1F390];
	_ =	sdelay $0x3  }
0x131: {  	v2 =	vld [tilespmem:$0x1F3B0]  }
0x132: {  	v0 =	vmax.f32 v0, v1;
	v1 =	vld [tilespmem:$0x1F3A0];
	_ =	sdelay $0x3  }
0x133: {  	v3 =	vld [tilespmem:$0x1F3D0]  }
0x134: {  	v1 =	vmax.f32 v1, v2;
	v2 =	vld [tilespmem:$0x1F3C0];
	_ =	sdelay $0x3  }
0x135: {  	v4 =	vld [tilespmem:$0x1F3F0]  }
0x136: {  	v2 =	vmax.f32 v2, v3;
	v3 =	vld [tilespmem:$0x1F3E0];
	_ =	sdelay $0x4  }
0x137: {  	v3 =	vmax.f32 v3, v4;
	v4 =	vmax.f32 v6, v0  }
0x138: {  	v0 =	vmin.f32 v6, v0;
	v6 =	vmax.f32 v5, v1;
	v1 =	vmin.f32 v5, v1  }
0x139: {  	v5 =	vmax.f32 v7, v2;
	v2 =	vmin.f32 v7, v2;
	v7 =	vmax.f32 v8, v3  }
0x13a: {  	v3 =	vmin.f32 v8, v3;
	v8 =	vmax.f32 v4, v5;
	v4 =	vmin.f32 v4, v5  }
0x13b: {  	v5 =	vmax.f32 v6, v7;
	v6 =	vmin.f32 v6, v7;
	v7 =	vmax.f32 v0, v2  }
0x13c: {  	v0 =	vmin.f32 v0, v2;
	v2 =	vmax.f32 v1, v3;
	v1 =	vmin.f32 v1, v3  }
0x13d: {  	v3 =	vmax.f32 v8, v5;
	v5 =	vmin.f32 v8, v5;
	v8 =	vmax.f32 v4, v6  }
0x13e: {  	v4 =	vmin.f32 v4, v6;
	v6 =	vmax.f32 v7, v2;
	v2 =	vmin.f32 v7, v2  }
0x13f: {  	[tilespmem:$0x1FA50] =	vst v13;
	v7 =	vmax.f32 v0, v1;
	v13 =	vmin.f32 v0, v1;
	v1 =	vmax.f32 v34, v46;
	v34 =	vld [tilespmem:$0x1F400]  }
0x140: {  	v46 =	vld [tilespmem:$0x1F410];
	_ =	sdelay $0x3  }
0x141: {  	v44 =	vmax.f32 v34, v44;
	v34 =	vld [tilespmem:$0x1F420]  }
0x142: {  	v33 =	vmax.f32 v62, v33;
	v42 =	vmax.f32 v46, v42;
	v46 =	vld [tilespmem:$0x1F430]  }
0x143: {  	v31 =	vmax.f32 v63, v31;
	v29 =	vmax.f32 v60, v29;
	v32 =	vmax.f32 v61, v32  }
0x144: {  	v27 =	vmax.f32 v59, v27;
	v30 =	vmax.f32 v58, v30;
	v28 =	vmax.f32 v56, v28  }
0x145: {  	v26 =	vmax.f32 v57, v26;
	v61 =	vmax.f32 v31, v28;
	v28 =	vmin.f32 v31, v28  }
0x146: {  	v31 =	vmax.f32 v29, v30;
	v29 =	vmin.f32 v29, v30;
	v41 =	vmax.f32 v34, v41;
	v34 =	vld [tilespmem:$0x1F440]  }
0x147: {  	v30 =	vmax.f32 v27, v32;
	v27 =	vmin.f32 v27, v32;
	v43 =	vmax.f32 v46, v43;
	v46 =	vld [tilespmem:$0x1F450]  }
0x148: {  	v62 =	vmax.f32 v26, v33;
	v26 =	vmin.f32 v26, v33;
	v56 =	vmax.f32 v28, v27  }
0x149: {  	v27 =	vmin.f32 v28, v27;
	v28 =	vmax.f32 v29, v26;
	v26 =	vmin.f32 v29, v26  }
0x14a: {  	v63 =	vmax.f32 v61, v30;
	v30 =	vmin.f32 v61, v30;
	v58 =	vmax.f32 v27, v26  }
0x14b: {  	v26 =	vmin.f32 v27, v26;
	[tilespmem:$0x1F9E0] =	vst v18;
	v18 =	vld [tilespmem:$0x1F470];
	v17 =	vmax.f32 v25, v17;
	v14 =	vmax.f32 v35, v14  }
0x14c: {  	v12 =	vmax.f32 v23, v12;
	v45 =	vmax.f32 v34, v45;
	v34 =	vmax.f32 v46, v47;
	v47 =	vld [tilespmem:$0x1F460]  }
0x14d: {  	v16 =	vmax.f32 v24, v16;
	v10 =	vmax.f32 v21, v10;
	v15 =	vmax.f32 v22, v15  }
0x14e: {  	v0 =	vmax.f32 v1, v43;
	v1 =	vmin.f32 v1, v43;
	v43 =	vmax.f32 v44, v45  }
0x14f: {  	v44 =	vmin.f32 v44, v45;
	v45 =	vmax.f32 v42, v34;
	v42 =	vmin.f32 v42, v34  }
0x150: {  	v9 =	vmax.f32 v20, v9;
	v11 =	vmax.f32 v19, v11;
	v46 =	vmax.f32 v1, v42  }
0x151: {  	v1 =	vmin.f32 v1, v42;
	v47 =	vmax.f32 v47, v18;
	v18 =	vmax.f32 v14, v11  }
0x152: {  	v11 =	vmin.f32 v14, v11;
	v14 =	vmax.f32 v12, v15;
	v12 =	vmin.f32 v12, v15  }
0x153: {  	v15 =	vmax.f32 v10, v16;
	v10 =	vmin.f32 v10, v16;
	v16 =	vmax.f32 v9, v17  }
0x154: {  	v9 =	vmin.f32 v9, v17;
	v34 =	vmax.f32 v41, v47;
	v41 =	vmin.f32 v41, v47  }
0x155: {  	v47 =	vmax.f32 v0, v45;
	v0 =	vmin.f32 v0, v45;
	v17 =	vmax.f32 v18, v15  }
0x156: {  	v15 =	vmin.f32 v18, v15;
	v18 =	vmax.f32 v14, v16;
	v14 =	vmin.f32 v14, v16  }
0x157: {  	v16 =	vmax.f32 v11, v10;
	v10 =	vmin.f32 v11, v10;
	v11 =	vmax.f32 v12, v9  }
0x158: {  	v9 =	vmin.f32 v12, v9;
	v45 =	vmax.f32 v43, v34;
	v43 =	vmin.f32 v43, v34  }
0x159: {  	v34 =	vmax.f32 v44, v41;
	v41 =	vmin.f32 v44, v41;
	v12 =	vmax.f32 v17, v18  }
0x15a: {  	v17 =	vmin.f32 v17, v18;
	v18 =	vmax.f32 v15, v14;
	v14 =	vmin.f32 v15, v14  }
0x15b: {  	v15 =	vmax.f32 v16, v11;
	v11 =	vmin.f32 v16, v11;
	v16 =	vmax.f32 v10, v9  }
0x15c: {  	v9 =	vmin.f32 v10, v9;
	v44 =	vmax.f32 v47, v45;
	v45 =	vmin.f32 v47, v45  }
0x15d: {  	v47 =	vmax.f32 v0, v43;
	v0 =	vmin.f32 v0, v43;
	v43 =	vmax.f32 v46, v34  }
0x15e: {  	v42 =	vmin.f32 v46, v34;
	v46 =	vmax.f32 v1, v41;
	v1 =	vmin.f32 v1, v41  }
0x15f: {  	v41 =	vmax.f32 v31, v62;
	v31 =	vmin.f32 v31, v62;
	v12 =	vmax.f32 v26, v12  }
0x160: {  	v29 =	vmax.f32 v63, v41;
	v33 =	vmin.f32 v63, v41;
	v57 =	vmax.f32 v30, v31  }
0x161: {  	v30 =	vmin.f32 v30, v31;
	v31 =	vmax.f32 v56, v28;
	v28 =	vmin.f32 v56, v28  }
0x162: {  	v1 =	vmax.f32 v3, v1;
	v59 =	vmax.f32 v5, v46;
	v5 =	vmax.f32 v8, v42  }
0x163: {  	v4 =	vmax.f32 v4, v43;
	v0 =	vmax.f32 v6, v0;
	v2 =	vmax.f32 v2, v47  }
0x164: {  	v6 =	vmax.f32 v7, v45;
	v7 =	vmax.f32 v13, v44;
	v8 =	vmax.f32 v1, v0  }
0x165: {  	v0 =	vmin.f32 v1, v0;
	v60 =	vmax.f32 v59, v2;
	v2 =	vmin.f32 v59, v2  }
0x166: {  	v61 =	vmax.f32 v5, v6;
	v5 =	vmin.f32 v5, v6;
	v6 =	vmax.f32 v4, v7  }
0x167: {  	v4 =	vmin.f32 v4, v7;
	v63 =	vmax.f32 v29, v9;
	v9 =	vmax.f32 v33, v16  }
0x168: {  	v10 =	vmax.f32 v57, v11;
	v11 =	vmax.f32 v30, v15;
	v13 =	vmax.f32 v31, v14  }
0x169: {  	v14 =	vmax.f32 v28, v18;
	v15 =	vmax.f32 v58, v17;
	v7 =	vmax.f32 v8, v61  }
0x16a: {  	v3 =	vmin.f32 v8, v61;
	v8 =	vmax.f32 v60, v6;
	v1 =	vmin.f32 v60, v6  }
0x16b: {  	v6 =	vmax.f32 v0, v5;
	v0 =	vmin.f32 v0, v5;
	v5 =	vmax.f32 v2, v4  }
0x16c: {  	v2 =	vmin.f32 v2, v4;
	v16 =	vmax.f32 v63, v13;
	v4 =	vmax.f32 v7, v8  }
0x16d: {  	v7 =	vmin.f32 v7, v8;
	v8 =	vmax.f32 v3, v1;
	v1 =	vmin.f32 v3, v1  }
0x16e: {  	v62 =	vmax.f32 v6, v5;
	v5 =	vmin.f32 v6, v5;
	v6 =	vmax.f32 v0, v2  }
0x16f: {  	v0 =	vmin.f32 v0, v2;
	v2 =	vmin.f32 v63, v13;
	v13 =	vmax.f32 v9, v14  }
0x170: {  	v9 =	vmin.f32 v9, v14;
	v14 =	vmax.f32 v10, v15;
	v10 =	vmin.f32 v10, v15  }
0x171: {  	v15 =	vmax.f32 v11, v12;
	v11 =	vmin.f32 v11, v12;
	v12 =	vmax.f32 v16, v14  }
0x172: {  	v14 =	vmin.f32 v16, v14;
	v16 =	vmax.f32 v13, v15;
	v13 =	vmin.f32 v13, v15  }
0x173: {  	v15 =	vmax.f32 v2, v10;
	v2 =	vmin.f32 v2, v10;
	v10 =	vmax.f32 v9, v11  }
0x174: {  	v9 =	vmin.f32 v9, v11;
	v11 =	vmax.f32 v12, v16;
	v12 =	vmin.f32 v12, v16  }
0x175: {  	v16 =	vmax.f32 v14, v13;
	v13 =	vmin.f32 v14, v13;
	v14 =	vmax.f32 v15, v10  }
0x176: {  	v10 =	vmin.f32 v15, v10;
	v15 =	vmax.f32 v2, v9;
	v2 =	vmin.f32 v2, v9  }
0x177: {  	v2 =	vmax.f32 v4, v2;
	v4 =	vmax.f32 v7, v15;
	v7 =	vmax.f32 v8, v10  }
0x178: {  	v1 =	vmax.f32 v1, v14;
	v3 =	vmax.f32 v62, v13;
	v5 =	vmax.f32 v5, v16  }
0x179: {  	v6 =	vmax.f32 v6, v12;
	v8 =	vmax.f32 v0, v11;
	v9 =	vmax.f32 v2, v3  }
0x17a: {  	v10 =	vmax.f32 v4, v5;
	v11 =	vmax.f32 v7, v6;
	v12 =	vmax.f32 v1, v8  }
0x17b: {  	v13 =	vmax.f32 v9, v11;
	v14 =	vmax.f32 v10, v12  }
0x17c: {  	v2 =	vmin.f32 v2, v3;
	v0 =	vmax.f32 v13, v14;
	v13 =	vmin.f32 v13, v14  }
0x17d: {  	v9 =	vmin.f32 v9, v11;
	v10 =	vmin.f32 v10, v12;
	v11 =	vsub.f32 v13, v0  }
0x17e: {  	v4 =	vmin.f32 v4, v5;
	v5 =	vmin.f32 v7, v6;
	v12 =	vmax.f32 v9, v10  }
0x17f: {  	v1 =	vmin.f32 v1, v8;
	v46 =	vmul.f32 $1.442695020e+00, v11;
	v11 =	vsub.f32 v12, v0  }
0x180: {  	v7 =	vmax.f32 v2, v5;
	v8 =	vmax.f32 v4, v1;
	v6 =	vmin.f32 v9, v10  }
0x181: {  	v6 =	vsub.f32 v6, v0;
	(erf) = vpow2.f32 v46;
	v47 =	vmul.f32 $1.442695020e+00, v11  }
0x182: {  	v1 =	vmin.f32 v4, v1;
	v9 =	vmax.f32 v7, v8;
	v4 =	vmin.f32 v7, v8  }
0x183: {  	v56 =	vmul.f32 $1.442695020e+00, v6;
	v6 =	vsub.f32 v9, v0;
	(erf) = vpow2.f32 v47  }
0x184: {  	v2 =	vmin.f32 v2, v5;
	v4 =	vsub.f32 v4, v0  }
0x185: {  	v5 =	vmax.f32 v2, v1;
	v57 =	vmul.f32 $1.442695020e+00, v6;
	(erf) = vpow2.f32 v56  }
0x186: {  	v58 =	vmul.f32 $1.442695020e+00, v4;
	v4 =	vsub.f32 v5, v0  }
0x187: {  	(erf) = vpow2.f32 v57  }
0x188: {  	v1 =	vmin.f32 v2, v1  }
0x189: {  	v60 =	vsub.f32 v1, v0;
	v59 =	vmul.f32 $1.442695020e+00, v4;
	(erf) = vpow2.f32 v58  }
0x18a: {  	v4 =	vpop (erf)  }
0x18b: {  	v3 =	vmul.f32 $1.442695020e+00, v60;
	(erf) = vpow2.f32 v59;
	v61 =	vadd.f32 $1.000000000e+00, v4  }
0x18c: {  	v4 =	vpop (erf)  }
0x18d: {  	(erf) = vpow2.f32 v3;
	v2 =	vadd.f32 v61, v4  }
0x18e: {  	v7 =	vld [tilespmem:$0x1F4A0];
	v62 =	vpop (erf)  }
0x18f: {  	v2 =	vadd.f32 v2, v62  }
0x190: {  	v63 =	vpop (erf)  }
0x191: {  	v8 =	vld [tilespmem:$0x1F480];
	v2 =	vadd.f32 v2, v63  }
0x192: {  	v35 =	vpop (erf)  }
0x193: {  	v6 =	vld [tilespmem:$0x1F490];
	v5 =	vsub.f32 v7, v0;
	v2 =	vadd.f32 v2, v35  }
0x194: {  	v46 =	vpop (erf)  }
0x195: {  	v58 =	vmul.f32 $1.442695020e+00, v5;
	v5 =	vld [tilespmem:$0x1F4B0];
	v2 =	vadd.f32 v2, v46  }
0x196: {  	v4 =	vsub.f32 v8, v0;
	v47 =	vpop (erf)  }
0x197: {  	v2 =	vadd.f32 v2, v47  }
0x198: {  	v56 =	vsub.f32 v6, v0;
	vm0 =	vge.f32 v6, v1;
	v6 =	vld [tilespmem:$0x1F4C0];
	v4 =	vmul.f32 $1.442695020e+00, v4  }
0x199: {  	vm7 =	vge.f32 v8, v1;
	v8 =	vld [tilespmem:$0x1F500];
	(erf) = vrcp.f32 v2  }
0x19a: {  	vm6 =	vge.f32 v5, v1;
	(erf) = vpow2.f32 v4;
	v4 =	vsub.f32 v5, v0;
	v5 =	vld [tilespmem:$0x1F4D0];
	_ =	sdelay $0x3  }
0x19b: {  	v59 =	vsub.f32 v6, v0;
	vm4 =	vge.f32 v6, v1;
	v60 =	vmul.f32 $1.442695020e+00, v4  }
0x19c: {  	v6 =	vld [tilespmem:$0x1F4F0];
	v4 =	vsub.f32 v5, v0;
	vm13 =	vge.f32 v5, v1;
	v5 =	vsub.f32 v8, v0  }
0x19d: {  	vm5 =	vge.f32 v7, v1;
	v7 =	vld [tilespmem:$0x1F4E0]  }
0x19e: {  	v35 =	vmul.f32 $1.442695020e+00, v5;
	v5 =	vld [tilespmem:$0x1F510];
	_ =	sdelay $0x1  }
0x19f: {  	v57 =	vmul.f32 $1.442695020e+00, v56  }
0x1a0: {  	v62 =	vmul.f32 $1.442695020e+00, v4;
	v4 =	vsub.f32 v6, v0  }
0x1a1: {  	v10 =	vld [tilespmem:$0x1F540];
	v61 =	vsub.f32 v7, v0;
	(erf) = vpow2.f32 v57  }
0x1a2: {  	v63 =	vmul.f32 $1.442695020e+00, v4;
	v4 =	vsub.f32 v5, v0;
	vm10 =	vge.f32 v5, v1;
	v5 =	vld [tilespmem:$0x1F530]  }
0x1a3: {  	vm12 =	vge.f32 v6, v1;
	v2 =	vmul.f32 $1.442695020e+00, v59;
	(erf) = vpow2.f32 v58;
	v6 =	vld [tilespmem:$0x1F520]  }
0x1a4: {  	v9 =	vld [tilespmem:$0x1F550];
	(erf) = vpow2.f32 v60  }
0x1a5: {  	v3 =	vmul.f32 $1.442695020e+00, v61;
	vm14 =	vge.f32 v8, v1;
	(erf) = vpow2.f32 v2;
	v8 =	vld [tilespmem:$0x1F570]  }
0x1a6: {  	vm15 =	vge.f32 v7, v1;
	(erf) = vpow2.f32 v62  }
0x1a7: {  	(erf) = vpow2.f32 v3;
	v47 =	vmul.f32 $1.442695020e+00, v4;
	v4 =	vsub.f32 v5, v0  }
0x1a8: {  	v56 =	vsub.f32 v10, v0;
	v7 =	vld [tilespmem:$0x1F560];
	(erf) = vpow2.f32 v63;
	v46 =	vsub.f32 v6, v0  }
0x1a9: {  	(erf) = vpow2.f32 v35;
	v57 =	vmul.f32 $1.442695020e+00, v4;
	v4 =	vsub.f32 v9, v0  }
0x1aa: {  	vm11 =	vge.f32 v6, v1;
	v6 =	vsub.f32 v8, v0;
	v2 =	vmul.f32 $1.442695020e+00, v46  }
0x1ab: {  	vm1 =	vge.f32 v10, v1;
	v3 =	vmul.f32 $1.442695020e+00, v56;
	(erf) = vpow2.f32 v47  }
0x1ac: {  	v61 =	vsub.f32 v40, v0;
	v12 =	vpop (erf);
	v60 =	vmul.f32 $1.442695020e+00, v6;
	(erf) = vpow2.f32 v2  }
0x1ad: {  	vm8 =	vge.f32 v5, v1;
	v5 =	vsub.f32 v7, v0;
	v58 =	vmul.f32 $1.442695020e+00, v4;
	v4 =	vpop (erf)  }
0x1ae: {  	vm9 =	vge.f32 v8, v1;
	(erf) = vpow2.f32 v57;
	v62 =	vmul.f32 v12, v4  }
0x1af: {  	v10 =	vld [tilespmem:$0x1F580];
	v8 =	vimm.s32 $0x0;
	v59 =	vmul.f32 $1.442695020e+00, v5;
	(erf) = vpow2.f32 v3  }
0x1b0: {  	v3 =	vmul.f32 $1.442695020e+00, v61;
	v2 =	vnsel vm7, $0x0, v62;
	vm7 =	vge.f32 v40, v1  }
0x1b1: {  	v15 =	vld [tilespmem:$0x1F5A0];
	v5 =	vpop (erf);
	(erf) = vpow2.f32 v58;
	v4 =	vsub.f32 v51, v0;
	v8 =	vsel vm7, $0xFFFFFFFF, v8  }
0x1b2: {  	v13 =	vld [tilespmem:$0x1F590];
	v6 =	vpop (erf);
	(erf) = vpow2.f32 v59;
	v5 =	vmul.f32 v12, v5  }
0x1b3: {  	vm2 =	vge.f32 v7, v1;
	v7 =	vpop (erf);
	(erf) = vpow2.f32 v60;
	v4 =	vmul.f32 $1.442695020e+00, v4  }
0x1b4: {  	v63 =	vnsel vm0, $0x0, v5;
	v5 =	vsub.f32 v10, v0;
	[tilespmem:$0x1F630] =	vst v8;
	v8 =	vpop (erf);
	(erf) = vpow2.f32 v3  }
0x1b5: {  	v14 =	vld [tilespmem:$0x1F5B0];
	vm3 =	vge.f32 v9, v1;
	v9 =	vpop (erf);
	(erf) = vpow2.f32 v4;
	v4 =	vmul.f32 v12, v6  }
0x1b6: {  	v16 =	vsub.f32 v39, v0;
	v5 =	vmul.f32 $1.442695020e+00, v5;
	v6 =	vmul.f32 v12, v7  }
0x1b7: {  	v11 =	vsub.f32 v15, v0;
	v7 =	vsub.f32 v13, v0;
	v4 =	vnsel vm5, $0x0, v4  }
0x1b8: {  	v17 =	vld [tilespmem:$0x1F5C0];
	vm5 =	vge.f32 v10, v1;
	v10 =	vpop (erf);
	(erf) = vpow2.f32 v5;
	v5 =	vnsel vm6, $0x0, v6  }
0x1b9: {  	v6 =	vmul.f32 $1.442695020e+00, v7;
	vm6 =	vge.f32 v13, v1;
	v7 =	vmul.f32 v12, v8  }
0x1ba: {  	v8 =	vmul.f32 $1.442695020e+00, v11;
	v13 =	vsub.f32 v14, v0;
	v10 =	vmul.f32 v12, v10  }
0x1bb: {  	v11 =	vpop (erf);
	(erf) = vpow2.f32 v6;
	v6 =	vmul.f32 v12, v9;
	v7 =	vnsel vm4, $0x0, v7  }
0x1bc: {  	v9 =	vpop (erf);
	(erf) = vpow2.f32 v8;
	v8 =	vmul.f32 $1.442695020e+00, v13;
	v13 =	vsub.f32 v36, v0  }
0x1bd: {  	vm4 =	vge.f32 v15, v1;
	v15 =	vsub.f32 v17, v0;
	v6 =	vnsel vm13, $0x0, v6  }
0x1be: {  	vm13 =	vge.f32 v14, v1;
	v14 =	vpop (erf);
	(erf) = vpow2.f32 v8;
	v13 =	vmul.f32 $1.442695020e+00, v13  }
0x1bf: {  	v8 =	vnsel vm15, $0x0, v10;
	v10 =	vmul.f32 v12, v11;
	v11 =	vmul.f32 $1.442695020e+00, v15  }
0x1c0: {  	v21 =	vld [tilespmem:$0x1F5D0]  }
0x1c1: {  	v15 =	vpop (erf);
	(erf) = vpow2.f32 v13;
	v13 =	vmul.f32 $1.442695020e+00, v16  }
0x1c2: {  	v20 =	vld [tilespmem:$0x1F5E0];
	v16 =	vpop (erf);
	(erf) = vpow2.f32 v11  }
0x1c3: {  	v11 =	vpop (erf);
	(erf) = vpow2.f32 v13;
	v13 =	vsub.f32 v55, v0  }
0x1c4: {  	v10 =	vnsel vm12, $0x0, v10  }
0x1c5: {  	v22 =	vld [tilespmem:$0x1F5F0];
	vm12 =	vge.f32 v17, v1;
	v17 =	vsub.f32 v21, v0;
	v13 =	vmul.f32 $1.442695020e+00, v13  }
0x1c6: {  	v24 =	vld [tilespmem:$0x1F600];
	v15 =	vmul.f32 v12, v15;
	v16 =	vmul.f32 v12, v16  }
0x1c7: {  	v19 =	vsub.f32 v20, v0;
	v17 =	vmul.f32 $1.442695020e+00, v17;
	v18 =	vpop (erf);
	(erf) = vpow2.f32 v13  }
0x1c8: {  	v13 =	vnsel vm11, $0x0, v15;
	vm11 =	vge.f32 v21, v1;
	v21 =	vimm.s32 $0x0  }
0x1c9: {  	v23 =	vld [tilespmem:$0x1F610];
	v16 =	vnsel vm8, $0x0, v16;
	v21 =	vsel vm11, $0xFFFFFFFF, v21  }
0x1ca: {  	v15 =	vpop (erf);
	(erf) = vpow2.f32 v17;
	v17 =	vmul.f32 $1.442695020e+00, v19;
	v19 =	vsub.f32 v22, v0  }
0x1cb: {  	v26 =	vld [tilespmem:$0x1F620];
	vm8 =	vge.f32 v22, v1;
	vm11 =	vge.f32 v20, v1;
	[tilespmem:$0x1F770] =	vst v21;
	v21 =	vsub.f32 v24, v0  }
0x1cc: {  	v20 =	vpop (erf);
	(erf) = vpow2.f32 v17;
	v17 =	vmul.f32 $1.442695020e+00, v19;
	v19 =	vimm.s32 $0x0  }
0x1cd: {  	v18 =	vmul.f32 v12, v18;
	v19 =	vsel vm8, $0xFFFFFFFF, v19  }
0x1ce: {  	v22 =	vsub.f32 v23, v0;
	[tilespmem:$0x1F7E0] =	vst v19;
	v19 =	vmul.f32 $1.442695020e+00, v21  }
0x1cf: {  	v18 =	vnsel vm3, $0x0, v18;
	v21 =	vpop (erf);
	(erf) = vpow2.f32 v17  }
0x1d0: {  	v17 =	vpop (erf);
	(erf) = vpow2.f32 v19;
	v19 =	vmul.f32 $1.442695020e+00, v22;
	v22 =	vsub.f32 v26, v0  }
0x1d1: {  	vm3 =	vge.f32 v23, v1;
	vm8 =	vge.f32 v24, v1;
	v24 =	vsub.f32 v49, v0  }
0x1d2: {  	v23 =	vpop (erf);
	(erf) = vpow2.f32 v19;
	v19 =	vmul.f32 $1.442695020e+00, v22;
	v22 =	vsub.f32 v54, v0;
	_ =	sdelay $0x1  }
0x1d3: {  	v24 =	vmul.f32 $1.442695020e+00, v24  }
0x1d4: {  	v27 =	vld [tilespmem:$0x1F640];
	v25 =	vpop (erf);
	(erf) = vpow2.f32 v19  }
0x1d5: {  	v19 =	vmul.f32 $1.442695020e+00, v22;
	v22 =	vpop (erf);
	(erf) = vpow2.f32 v24;
	v24 =	vld [tilespmem:$0x1F630]  }
0x1d6: {  	v20 =	vmul.f32 v12, v20  }
0x1d7: {  	v29 =	vld [tilespmem:$0x1F650]  }
0x1d8: {  	v20 =	vnsel vm9, $0x0, v20;
	vm9 =	vge.f32 v26, v1;
	v26 =	vimm.s32 $0x0  }
0x1d9: {  	v30 =	vld [tilespmem:$0x1F660];
	v21 =	vmul.f32 v12, v21;
	v26 =	vsel vm9, $0xFFFFFFFF, v26  }
0x1da: {  	vm9 =	vnez.u8 v24;
	v24 =	vpop (erf);
	(erf) = vpow2.f32 v19;
	v19 =	vsub.f32 v27, v0  }
0x1db: {  	v21 =	vnsel vm9, $0x0, v21;
	vm9 =	vge.f32 v27, v1;
	v27 =	vimm.s32 $0x0  }
0x1dc: {  	[tilespmem:$0x1F890] =	vst v26;
	v26 =	vsub.f32 v29, v0;
	v25 =	vmul.f32 v12, v25;
	v27 =	vsel vm9, $0xFFFFFFFF, v27  }
0x1dd: {  	v19 =	vmul.f32 $1.442695020e+00, v19  }
0x1de: {  	v28 =	vsub.f32 v30, v0;
	v26 =	vmul.f32 $1.442695020e+00, v26  }
0x1df: {  	v23 =	vmul.f32 v12, v23;
	[tilespmem:$0x1F8E0] =	vst v27;
	v27 =	vpop (erf);
	(erf) = vpow2.f32 v19  }
0x1e0: {  	v40 =	vld [tilespmem:$0x1F670];
	v19 =	vnsel vm6, $0x0, v25;
	v25 =	vpop (erf);
	(erf) = vpow2.f32 v26;
	v26 =	vmul.f32 $1.442695020e+00, v28  }
0x1e1: {  	vm7 =	vge.f32 v51, v1;
	v51 =	vld [tilespmem:$0x1F690];
	v11 =	vmul.f32 v12, v11  }
0x1e2: {  	v23 =	vnsel vm5, $0x0, v23;
	vm5 =	vge.f32 v29, v1;
	v29 =	vpop (erf);
	(erf) = vpow2.f32 v26;
	v26 =	vld [tilespmem:$0x1F6A0]  }
0x1e3: {  	v11 =	vnsel vm1, $0x0, v11;
	vm1 =	vge.f32 v49, v1;
	v49 =	vld [tilespmem:$0x1F680]  }
0x1e4: {  	v56 =	vld [tilespmem:$0x1F6C0];
	_ =	sdelay $0x2  }
0x1e5: {  	v24 =	vmul.f32 v12, v24;
	v28 =	vsub.f32 v40, v0  }
0x1e6: {  	v14 =	vmul.f32 v12, v14;
	vm6 =	vge.f32 v30, v1;
	v30 =	vsub.f32 v49, v0  }
0x1e7: {  	vm0 =	vge.f32 v54, v1;
	[tilespmem:v51+s7+$0x0] =	vst.idx.msk $0xffff, v2;
	v54 =	vnsel vm13, $0x0, v24;
	v24 =	vmul.f32 $1.442695020e+00, v28  }
0x1e8: {  	v57 =	vld [tilespmem:$0x1F6D0];
	v14 =	vnsel vm10, $0x0, v14;
	[tilespmem:v26+s7+$0x0] =	vst.idx.msk $0xffff, v63;
	v26 =	vmul.f32 $1.442695020e+00, v30  }
0x1e9: {  	v31 =	vld [tilespmem:$0x1F6B0];
	vm10 =	vge.f32 v55, v1;
	v55 =	vmul.f32 v12, v27;
	v27 =	vpop (erf);
	(erf) = vpow2.f32 v24  }
0x1ea: {  	[tilespmem:v56+s7+$0x0] =	vst.idx.msk $0xffff, v4;
	v4 =	vpop (erf);
	(erf) = vpow2.f32 v26;
	v26 =	vld [tilespmem:$0x1F6E0]  }
0x1eb: {  	v58 =	vld [tilespmem:$0x1F6F0];
	_ =	sdelay $0x2  }
0x1ec: {  	v28 =	vsub.f32 v31, v0  }
0x1ed: {  	v24 =	vsub.f32 v50, v0  }
0x1ee: {  	[tilespmem:v57+s7+$0x0] =	vst.idx.msk $0xffff, v5;
	v5 =	vmul.f32 $1.442695020e+00, v28  }
0x1ef: {  	v24 =	vmul.f32 $1.442695020e+00, v24  }
0x1f0: {  	v59 =	vld [tilespmem:$0x1F700];
	[tilespmem:v26+s7+$0x0] =	vst.idx.msk $0xffff, v7;
	v7 =	vmul.f32 v12, v25;
	v25 =	vpop (erf);
	(erf) = vpow2.f32 v5  }
0x1f1: {  	[tilespmem:v58+s7+$0x0] =	vst.idx.msk $0xffff, v6;
	v6 =	vpop (erf);
	(erf) = vpow2.f32 v24;
	v24 =	vld [tilespmem:$0x1F710]  }
0x1f2: {  	v60 =	vld [tilespmem:$0x1F720];
	_ =	sdelay $0x4  }
0x1f3: {  	v9 =	vmul.f32 v12, v9  }
0x1f4: {  	[tilespmem:v59+s7+$0x0] =	vst.idx.msk $0xffff, v8  }
0x1f5: {  	v9 =	vnsel vm14, $0x0, v9;
	[tilespmem:v24+s7+$0x0] =	vst.idx.msk $0xffff, v10  }
0x1f6: {  	[tilespmem:v60+s7+$0x0] =	vst.idx.msk $0xffff, v9;
	v9 =	vld [tilespmem:$0x1F730];
	_ =	sdelay $0x7  }
0x1f7: {  	[tilespmem:v9+s7+$0x0] =	vst.idx.msk $0xffff, v14;
	v14 =	vld [tilespmem:$0x1F750];
	_ =	sdelay $0x7  }
0x1f8: {  	[tilespmem:v14+s7+$0x0] =	vst.idx.msk $0xffff, v13;
	v14 =	vld [tilespmem:$0x1F760];
	_ =	sdelay $0x7  }
0x1f9: {  	[tilespmem:v14+s7+$0x0] =	vst.idx.msk $0xffff, v16;
	v16 =	vld [tilespmem:$0x1F780];
	_ =	sdelay $0x3  }
0x1fa: {  	v22 =	vmul.f32 v12, v22;
	_ =	sdelay $0x1  }
0x1fb: {  	v22 =	vnsel vm4, $0x0, v22;
	vm4 =	vge.f32 v31, v1;
	v31 =	vld [tilespmem:$0x1F740];
	v26 =	vsub.f32 v52, v0;
	_ =	sdelay $0x1  }
0x1fc: {  	v8 =	vmul.f32 $1.442695020e+00, v26;
	[tilespmem:v16+s7+$0x0] =	vst.idx.msk $0xffff, v11;
	v16 =	vld [tilespmem:$0x1F7A0]  }
0x1fd: {  	v10 =	vmul.f32 v12, v27;
	v14 =	vld [tilespmem:$0x1F770]  }
0x1fe: {  	v24 =	vpop (erf);
	(erf) = vpow2.f32 v8;
	v8 =	vsub.f32 v53, v0  }
0x1ff: {  	v9 =	vnsel vm10, $0x0, v10;
	v10 =	vsub.f32 v31, v0  }
0x200: {  	v5 =	vmul.f32 v12, v29;
	v8 =	vmul.f32 $1.442695020e+00, v8  }
0x201: {  	vm14 =	vge.f32 v39, v1;
	v10 =	vmul.f32 $1.442695020e+00, v10  }
0x202: {  	v5 =	vnsel vm14, $0x0, v5;
	vm14 =	vnez.u8 v14;
	v14 =	vpop (erf);
	(erf) = vpow2.f32 v8  }
0x203: {  	v11 =	vpop (erf);
	(erf) = vpow2.f32 v10;
	v10 =	vld [tilespmem:$0x1F7B0]  }
0x204: {  	[tilespmem:v16+s7+$0x0] =	vst.idx.msk $0xffff, v18;
	v16 =	vld [tilespmem:$0x1F7D0];
	_ =	sdelay $0x3  }
0x205: {  	v61 =	vld [tilespmem:$0x1F790];
	v15 =	vmul.f32 v12, v15;
	_ =	sdelay $0x1  }
0x206: {  	v62 =	vld [tilespmem:$0x1F7C0];
	v15 =	vnsel vm2, $0x0, v15  }
0x207: {  	v13 =	vmul.f32 v12, v25;
	[tilespmem:v10+s7+$0x0] =	vst.idx.msk $0xffff, v15  }
0x208: {  	[tilespmem:v16+s7+$0x0] =	vst.idx.msk $0xffff, v20;
	v16 =	vld [tilespmem:$0x1F7E0]  }
0x209: {  	v8 =	vnsel vm11, $0x0, v13;
	v13 =	vsub.f32 v61, v0;
	_ =	sdelay $0x1  }
0x20a: {  	v13 =	vmul.f32 $1.442695020e+00, v13;
	v15 =	vsub.f32 v62, v0  }
0x20b: {  	v7 =	vnsel vm12, $0x0, v7;
	v20 =	vld [tilespmem:$0x1F800]  }
0x20c: {  	vm12 =	vnez.u8 v16;
	v16 =	vpop (erf);
	(erf) = vpow2.f32 v13;
	v13 =	vmul.f32 $1.442695020e+00, v15;
	v15 =	vld [tilespmem:$0x1F810]  }
0x20d: {  	v63 =	vld [tilespmem:$0x1F7F0];
	_ =	sdelay $0x1  }
0x20e: {  	vm11 =	vge.f32 v31, v1;
	v31 =	vld [tilespmem:$0x1F820]  }
0x20f: {  	v17 =	vmul.f32 v12, v17;
	_ =	sdelay $0x1  }
0x210: {  	v17 =	vnsel vm7, $0x0, v17;
	v18 =	vsub.f32 v63, v0  }
0x211: {  	[tilespmem:v20+s7+$0x0] =	vst.idx.msk $0xffff, v21  }
0x212: {  	v20 =	vld [tilespmem:$0x1F830];
	[tilespmem:v15+s7+$0x0] =	vst.idx.msk $0xffff, v17;
	v15 =	vmul.f32 $1.442695020e+00, v18;
	v18 =	vsub.f32 v31, v0  }
0x213: {  	v39 =	vld [tilespmem:$0x1F840];
	v17 =	vpop (erf);
	(erf) = vpow2.f32 v13  }
0x214: {  	vm15 =	vge.f32 v36, v1;
	v13 =	vpop (erf);
	(erf) = vpow2.f32 v15;
	v15 =	vmul.f32 $1.442695020e+00, v18;
	v18 =	vld [tilespmem:$0x1F850]  }
0x215: {  	v3 =	vnsel vm15, $0x0, v55;
	vm15 =	vge.f32 v49, v1;
	v49 =	vld [tilespmem:$0x1F870]  }
0x216: {  	vm2 =	vge.f32 v50, v1;
	v50 =	vmul.f32 v12, v16;
	v16 =	vld [tilespmem:$0x1F880];
	_ =	sdelay $0x3  }
0x217: {  	[tilespmem:v20+s7+$0x0] =	vst.idx.msk $0xffff, v23  }
0x218: {  	[tilespmem:v39+s7+$0x0] =	vst.idx.msk $0xffff, v19  }
0x219: {  	[tilespmem:v18+s7+$0x0] =	vst.idx.msk $0xffff, v22  }
0x21a: {  	[tilespmem:v49+s7+$0x0] =	vst.idx.msk $0xffff, v54  }
0x21b: {  	[tilespmem:v16+s7+$0x0] =	vst.idx.msk $0xffff, v3;
	v16 =	vld [tilespmem:$0x1F8A0];
	_ =	sdelay $0x5  }
0x21c: {  	vm13 =	vge.f32 v40, v1;
	v40 =	vld [tilespmem:$0x1F860]  }
0x21d: {  	v51 =	vld [tilespmem:$0x1F890]  }
0x21e: {  	[tilespmem:v16+s7+$0x0] =	vst.idx.msk $0xffff, v7;
	v7 =	vmul.f32 v12, v17;
	v17 =	vld [tilespmem:$0x1F8B0]  }
0x21f: {  	v20 =	vsub.f32 v48, v0  }
0x220: {  	v4 =	vmul.f32 v12, v4  }
0x221: {  	v11 =	vmul.f32 v12, v11;
	v18 =	vmul.f32 $1.442695020e+00, v20;
	v20 =	vsub.f32 v40, v0  }
0x222: {  	v4 =	vnsel vm14, $0x0, v4;
	vm14 =	vnez.u8 v51  }
0x223: {  	v19 =	vpop (erf);
	(erf) = vpow2.f32 v15;
	v3 =	vnsel vm14, $0x0, v11;
	v11 =	vmul.f32 $1.442695020e+00, v20  }
0x224: {  	v15 =	vpop (erf);
	(erf) = vpow2.f32 v18  }
0x225: {  	v16 =	vpop (erf);
	(erf) = vpow2.f32 v11;
	v11 =	vld [tilespmem:$0x1F8C0]  }
0x226: {  	[tilespmem:v17+s7+$0x0] =	vst.idx.msk $0xffff, v5;
	v17 =	vld [tilespmem:$0x1F8D0];
	_ =	sdelay $0x6  }
0x227: {  	[tilespmem:v11+s7+$0x0] =	vst.idx.msk $0xffff, v9  }
0x228: {  	[tilespmem:v17+s7+$0x0] =	vst.idx.msk $0xffff, v4;
	v17 =	vld [tilespmem:$0x1F8F0];
	_ =	sdelay $0x7  }
0x229: {  	[tilespmem:v17+s7+$0x0] =	vst.idx.msk $0xffff, v8;
	v17 =	vld [tilespmem:$0x1F900];
	_ =	sdelay $0x3  }
0x22a: {  	vm7 =	vge.f32 v52, v1;
	v52 =	vld [tilespmem:$0x1F920]  }
0x22b: {  	v6 =	vmul.f32 v12, v6;
	v4 =	vld [tilespmem:$0x1F8E0]  }
0x22c: {  	vm10 =	vge.f32 v53, v1;
	v53 =	vld [tilespmem:$0x1F930]  }
0x22d: {  	v6 =	vnsel vm12, $0x0, v6;
	v54 =	vld [tilespmem:$0x1F940]  }
0x22e: {  	v10 =	vmul.f32 v12, v24;
	v5 =	vmul.f32 v12, v13;
	[tilespmem:v17+s7+$0x0] =	vst.idx.msk $0xffff, v6;
	v17 =	vld [tilespmem:$0x1F910]  }
0x22f: {  	vm9 =	vge.f32 v61, v1;
	v58 =	vld [tilespmem:$0x1F950];
	v11 =	vmul.f32 v12, v15;
	v15 =	vmul.f32 v12, v16  }
0x230: {  	v60 =	vld [tilespmem:$0x1F960];
	v14 =	vmul.f32 v12, v14;
	v13 =	vpop (erf);
	v9 =	vmul.f32 v12, v19;
	vm14 =	vnez.u8 v4  }
0x231: {  	v61 =	vld [tilespmem:$0x1F980];
	v10 =	vnsel vm8, $0x0, v10;
	vm12 =	vge.f32 v62, v1;
	v16 =	vpop (erf);
	v4 =	vnsel vm14, $0x0, v5  }
0x232: {  	v62 =	vld [tilespmem:$0x1F9A0];
	v5 =	vnsel vm5, $0x0, v9;
	v9 =	vmul.f32 v12, v16;
	v16 =	vpop (erf);
	v8 =	vnsel vm6, $0x0, v11  }
0x233: {  	v11 =	vnsel vm13, $0x0, v15;
	v15 =	vpop (erf);
	vm13 =	vge.f32 v17, v1;
	v17 =	vsub.f32 v17, v0  }
0x234: {  	v14 =	vnsel vm3, $0x0, v14;
	v6 =	vnsel vm4, $0x0, v9;
	v9 =	vmul.f32 v12, v16;
	v16 =	vpop (erf);
	[tilespmem:v52+s7+$0x0] =	vst.idx.msk $0xffff, v10  }
0x235: {  	v15 =	vmul.f32 v12, v15;
	v16 =	vmul.f32 v12, v16;
	v18 =	vpop (erf);
	[tilespmem:v53+s7+$0x0] =	vst.idx.msk $0xffff, v14  }
0x236: {  	v2 =	vnsel vm1, $0x0, v50;
	v7 =	vnsel vm0, $0x0, v7;
	v10 =	vmul.f32 v12, v18;
	[tilespmem:v54+s7+$0x0] =	vst.idx.msk $0xffff, v3  }
0x237: {  	v14 =	vnsel vm7, $0x0, v15;
	v15 =	vnsel vm10, $0x0, v16;
	[tilespmem:v58+s7+$0x0] =	vst.idx.msk $0xffff, v2;
	v16 =	vmul.f32 $1.442695020e+00, v17;
	v17 =	vpop (erf)  }
0x238: {  	v55 =	vnsel vm11, $0x0, v10;
	[tilespmem:v60+s7+$0x0] =	vst.idx.msk $0xffff, v7;
	v10 =	vmul.f32 v12, v17  }
0x239: {  	[tilespmem:v61+s7+$0x0] =	vst.idx.msk $0xffff, v4  }
0x23a: {  	[tilespmem:v62+s7+$0x0] =	vst.idx.msk $0xffff, v5;
	v5 =	vnsel vm9, $0x0, v10;
	v10 =	vld [tilespmem:$0x1F9B0]  }
0x23b: {  	vm8 =	vge.f32 v63, v1;
	v63 =	vld [tilespmem:$0x1F9D0];
	_ =	sdelay $0x6  }
0x23c: {  	[tilespmem:v10+s7+$0x0] =	vst.idx.msk $0xffff, v8  }
0x23d: {  	[tilespmem:v63+s7+$0x0] =	vst.idx.msk $0xffff, v11;
	v11 =	vld [tilespmem:$0x1F9F0]  }
0x23e: {  	v36 =	vld [tilespmem:$0x1FA10];
	_ =	sdelay $0x3  }
0x23f: {  	v13 =	vmul.f32 v12, v13;
	v59 =	vpop (erf)  }
0x240: {  	v8 =	vpop (erf)  }
0x241: {  	v13 =	vnsel vm15, $0x0, v13;
	v8 =	vmul.f32 v12, v8  }
0x242: {  	[tilespmem:v11+s7+$0x0] =	vst.idx.msk $0xffff, v13;
	v11 =	vpop (erf)  }
0x243: {  	[tilespmem:v36+s7+$0x0] =	vst.idx.msk $0xffff, v6;
	v6 =	vnsel vm8, $0x0, v8;
	v8 =	vmul.f32 v12, v11;
	v11 =	vld [tilespmem:$0x1FA20];
	_ =	sdelay $0x6  }
0x244: {  	v35 =	vld [tilespmem:$0x1F9C0];
	v9 =	vnsel vm2, $0x0, v9  }
0x245: {  	[tilespmem:v11+s7+$0x0] =	vst.idx.msk $0xffff, v9;
	v11 =	vld [tilespmem:$0x1FA40]  }
0x246: {  	v47 =	vld [tilespmem:$0x1F990]  }
0x247: {  	v57 =	vld [tilespmem:$0x1F970]  }
0x248: {  	vm3 =	vge.f32 v31, v1;
	v31 =	vld [tilespmem:$0x1F9E0]  }
0x249: {  	v39 =	vld [tilespmem:$0x1FA90]  }
0x24a: {  	v49 =	vld [tilespmem:$0x1FAD0];
	v18 =	vsub.f32 v37, v0  }
0x24b: {  	vm14 =	vge.f32 v37, v1;
	v37 =	vld [tilespmem:$0x1FA80];
	(erf) = vpow2.f32 v16;
	v16 =	vsub.f32 v38, v0  }
0x24c: {  	v7 =	vsub.f32 v57, v0;
	v17 =	vmul.f32 $1.442695020e+00, v18;
	v2 =	vmul.f32 v12, v59;
	v59 =	vld [tilespmem:$0x1FA00]  }
0x24d: {  	v4 =	vmul.f32 $1.442695020e+00, v16;
	v16 =	vsub.f32 v47, v0;
	[tilespmem:v11+s7+$0x0] =	vst.idx.msk $0xffff, v14;
	v11 =	vld [tilespmem:$0x1FA60]  }
0x24e: {  	vm0 =	vge.f32 v40, v1;
	v7 =	vmul.f32 $1.442695020e+00, v7;
	(erf) = vpow2.f32 v17;
	v63 =	vld [tilespmem:$0x1FA30]  }
0x24f: {  	v40 =	vld [tilespmem:$0x1FAB0];
	(erf) = vpow2.f32 v4;
	v4 =	vmul.f32 $1.442695020e+00, v16;
	v10 =	vsub.f32 v35, v0  }
0x250: {  	v62 =	vld [tilespmem:$0x1FA70];
	(erf) = vpow2.f32 v7;
	v7 =	vsub.f32 v31, v0  }
0x251: {  	v61 =	vld [tilespmem:$0x1FA50];
	(erf) = vpow2.f32 v4;
	v4 =	vmul.f32 $1.442695020e+00, v10;
	v10 =	vsub.f32 v59, v0  }
0x252: {  	v60 =	vld [tilespmem:$0x1FAA0];
	v7 =	vmul.f32 $1.442695020e+00, v7  }
0x253: {  	v58 =	vld [tilespmem:$0x1FAC0];
	(erf) = vpow2.f32 v4;
	v4 =	vmul.f32 $1.442695020e+00, v10;
	v10 =	vsub.f32 v63, v0  }
0x254: {  	(erf) = vpow2.f32 v7  }
0x255: {  	(erf) = vpow2.f32 v4;
	v4 =	vmul.f32 $1.442695020e+00, v10;
	v10 =	vsub.f32 v62, v0;
	v9 =	vpop (erf);
	[tilespmem:v11+s7+$0x0] =	vst.idx.msk $0xffff, v15  }
0x256: {  	vm1 =	vge.f32 v48, v1;
	v2 =	vnsel vm12, $0x0, v2;
	v7 =	vsub.f32 v61, v0;
	v11 =	vpop (erf);
	[tilespmem:v37+s7+$0x0] =	vst.idx.msk $0xffff, v55  }
0x257: {  	(erf) = vpow2.f32 v4;
	v4 =	vmul.f32 $1.442695020e+00, v10;
	v10 =	vsub.f32 v60, v0;
	[tilespmem:v39+s7+$0x0] =	vst.idx.msk $0xffff, v5;
	v5 =	vpop (erf)  }
0x258: {  	[tilespmem:v40+s7+$0x0] =	vst.idx.msk $0xffff, v2;
	v48 =	vmul.f32 v12, v5;
	v5 =	vsub.f32 v58, v0  }
0x259: {  	v7 =	vmul.f32 $1.442695020e+00, v7;
	[tilespmem:v49+s7+$0x0] =	vst.idx.msk $0xffff, v6;
	v6 =	vmul.f32 $1.442695020e+00, v10  }
0x25a: {  	v5 =	vmul.f32 $1.442695020e+00, v5  }
0x25b: {  	v50 =	vld [tilespmem:$0x1FAF0];
	(erf) = vpow2.f32 v7  }
0x25c: {  	v52 =	vld [tilespmem:$0x1FB00];
	(erf) = vpow2.f32 v4;
	v4 =	vpop (erf)  }
0x25d: {  	v54 =	vld [tilespmem:$0x1FB10];
	v4 =	vmul.f32 v12, v4;
	(erf) = vpow2.f32 v6;
	v6 =	vpop (erf)  }
0x25e: {  	v36 =	vld [tilespmem:$0x1FB20];
	(erf) = vpow2.f32 v5;
	v5 =	vpop (erf)  }
0x25f: {  	v37 =	vnsel vm14, $0x0, v4;
	v4 =	vmul.f32 v12, v5;
	v5 =	vld [tilespmem:$0x1FB30];
	_ =	sdelay $0x1  }
0x260: {  	v9 =	vmul.f32 v12, v9  }
0x261: {  	vm15 =	vge.f32 v38, v1;
	v38 =	vnsel vm3, $0x0, v8;
	v8 =	vmul.f32 v12, v11  }
0x262: {  	v51 =	vnsel vm1, $0x0, v9;
	[tilespmem:v50+s7+$0x0] =	vst.idx.msk $0xffff, v38  }
0x263: {  	v53 =	vnsel vm0, $0x0, v8;
	[tilespmem:v52+s7+$0x0] =	vst.idx.msk $0xffff, v51  }
0x264: {  	v2 =	vnsel vm13, $0x0, v48;
	[tilespmem:v54+s7+$0x0] =	vst.idx.msk $0xffff, v53  }
0x265: {  	[tilespmem:v36+s7+$0x0] =	vst.idx.msk $0xffff, v2  }
0x266: {  	[tilespmem:v5+s7+$0x0] =	vst.idx.msk $0xffff, v37;
	v5 =	vld [tilespmem:$0x1FB40];
	_ =	sdelay $0x4  }
0x267: {  	v55 =	vmul.f32 v12, v6;
	_ =	sdelay $0x1  }
0x268: {  	v39 =	vnsel vm15, $0x0, v55  }
0x269: {  	[tilespmem:v5+s7+$0x0] =	vst.idx.msk $0xffff, v39;
	v5 =	vld [tilespmem:$0x1FB50];
	_ =	sdelay $0x3  }
0x26a: {  	v56 =	vld [tilespmem:$0x1FAE0];
	_ =	sdelay $0x1  }
0x26b: {  	vm5 =	vge.f32 v57, v1  }
0x26c: {  	v46 =	vnsel vm5, $0x0, v4  }
0x26d: {  	[tilespmem:v5+s7+$0x0] =	vst.idx.msk $0xffff, v46;
	v5 =	vld [tilespmem:$0x1FB60]  }
0x26e: {  	v0 =	vsub.f32 v56, v0;
	_ =	sdelay $0x1  }
0x26f: {  	v0 =	vmul.f32 $1.442695020e+00, v0  }
0x270: {  	v38 =	vpop (erf)  }
0x271: {  	(erf) = vpow2.f32 v0;
	v0 =	vmul.f32 v12, v38  }
0x272: {  	vm6 =	vge.f32 v47, v1  }
0x273: {  	v0 =	vnsel vm6, $0x0, v0  }
0x274: {  	[tilespmem:v5+s7+$0x0] =	vst.idx.msk $0xffff, v0;
	v5 =	vld [tilespmem:$0x1FB70];
	_ =	sdelay $0x3  }
0x275: {  	v40 =	vpop (erf)  }
0x276: {  	v3 =	vmul.f32 v12, v40  }
0x277: {  	vm7 =	vge.f32 v35, v1  }
0x278: {  	v48 =	vnsel vm7, $0x0, v3  }
0x279: {  	[tilespmem:v5+s7+$0x0] =	vst.idx.msk $0xffff, v48;
	v5 =	vld [tilespmem:$0x1FB80];
	_ =	sdelay $0x3  }
0x27a: {  	v32 =	vld [tilespmem:$0x1FF90];
	v4 =	vpop (erf)  }
0x27b: {  	v34 =	vld [tilespmem:$0x1FFB0];
	v4 =	vmul.f32 v12, v4  }
0x27c: {  	v42 =	vld [tilespmem:$0x1FFC0];
	vm8 =	vge.f32 v31, v1  }
0x27d: {  	v43 =	vld [tilespmem:$0x1FFD0];
	v50 =	vnsel vm8, $0x0, v4  }
0x27e: {  	[tilespmem:v5+s7+$0x0] =	vst.idx.msk $0xffff, v50;
	v5 =	vld [tilespmem:$0x1FB90]  }
0x27f: {  	v45 =	vld [tilespmem:$0x1FFF0]  }
0x280: {  	v44 =	vld [tilespmem:$0x1FFE0]  }
0x281: {  	v41 =	vld [tilespmem:$0x1FF80]  }
0x282: {  	v33 =	vld [tilespmem:$0x1FFA0];
	v47 =	vpop (erf)  }
0x283: {  	v30 =	vld [tilespmem:$0x1FF70];
	v2 =	vmul.f32 v12, v47  }
0x284: {  	v28 =	vld [tilespmem:$0x1FF50];
	vm9 =	vge.f32 v59, v1  }
0x285: {  	v29 =	vld [tilespmem:$0x1FF60];
	v51 =	vnsel vm9, $0x0, v2  }
0x286: {  	[tilespmem:v5+s7+$0x0] =	vst.idx.msk $0xffff, v51;
	v5 =	vld [tilespmem:$0x1FBA0]  }
0x287: {  	v26 =	vld [tilespmem:$0x1FF30]  }
0x288: {  	v27 =	vld [tilespmem:$0x1FF40]  }
0x289: {  	v25 =	vld [tilespmem:$0x1FF20]  }
0x28a: {  	v24 =	vld [tilespmem:$0x1FF10];
	v49 =	vpop (erf)  }
0x28b: {  	v21 =	vld [tilespmem:$0x1FEE0];
	v3 =	vmul.f32 v12, v49  }
0x28c: {  	v23 =	vld [tilespmem:$0x1FF00];
	vm10 =	vge.f32 v63, v1  }
0x28d: {  	v22 =	vld [tilespmem:$0x1FEF0];
	v53 =	vnsel vm10, $0x0, v3  }
0x28e: {  	[tilespmem:v5+s7+$0x0] =	vst.idx.msk $0xffff, v53;
	v5 =	vld [tilespmem:$0x1FBB0]  }
0x28f: {  	v20 =	vld [tilespmem:$0x1FED0]  }
0x290: {  	v19 =	vld [tilespmem:$0x1FEC0];
	v4 =	vpop (erf)  }
0x291: {  	v18 =	vld [tilespmem:$0x1FEB0];
	v4 =	vmul.f32 v12, v4  }
0x292: {  	v17 =	vld [tilespmem:$0x1FEA0]  }
0x293: {  	v16 =	vld [tilespmem:$0x1FE90];
	v52 =	vpop (erf)  }
0x294: {  	vm11 =	vge.f32 v61, v1;
	v63 =	vld [tilespmem:$0x1FBF0];
	v54 =	vpop (erf)  }
0x295: {  	v13 =	vld [tilespmem:$0x1FE60];
	v55 =	vnsel vm11, $0x0, v4;
	v4 =	vpop (erf)  }
0x296: {  	v59 =	vmul.f32 v12, v4;
	v4 =	vpop (erf);
	[tilespmem:v5+s7+$0x0] =	vst.idx.msk $0xffff, v55;
	v5 =	vld [tilespmem:$0x1FBC0]  }
0x297: {  	vm13 =	vge.f32 v60, v1;
	v60 =	vmul.f32 v12, v4;
	v4 =	vld [tilespmem:$0x1FBD0]  }
0x298: {  	vm12 =	vge.f32 v62, v1;
	v62 =	vld [tilespmem:$0x1FBE0]  }
0x299: {  	v9 =	vld [tilespmem:$0x1FE20]  }
0x29a: {  	v14 =	vld [tilespmem:$0x1FE70]  }
0x29b: {  	v15 =	vld [tilespmem:$0x1FE80];
	v2 =	vmul.f32 v12, v52  }
0x29c: {  	p0 =	sne.s32 s9, $0x1C00;
	v11 =	vld [tilespmem:$0x1FE40];
	v3 =	vmul.f32 v12, v54  }
.Ltmp0:
0x29d: {  	v7 =	vld [tilespmem:$0x1FE00];
	v57 =	vnsel vm12, $0x0, v2;
	(pc) =	sbr.rel @p0 .LBB2_2-.Ltmp0, $4  }
0x29e: {  	v8 =	vld [tilespmem:$0x1FE10];
	vm14 =	vge.f32 v58, v1;
	v3 =	vnsel vm13, $0x0, v3;
	[tilespmem:v5+s7+$0x0] =	vst.idx.msk $0xffff, v57  }
0x29f: {  	v10 =	vld [tilespmem:$0x1FE30];
	vm15 =	vge.f32 v56, v1;
	v61 =	vnsel vm14, $0x0, v59;
	[tilespmem:v4+s7+$0x0] =	vst.idx.msk $0xffff, v3  }
0x2a0: {  	v6 =	vld [tilespmem:$0x1FDF0];
	v0 =	vnsel vm15, $0x0, v60;
	[tilespmem:v62+s7+$0x0] =	vst.idx.msk $0xffff, v61  }
0x2a1: {  	s9 =	sadd.s32 $0x400, s9;
	v12 =	vld [tilespmem:$0x1FE50];
	[tilespmem:v63+s7+$0x0] =	vst.idx.msk $0xffff, v0  }
0x2a2: {  	s8 =	sadd.s32 $0x1, s8  }
0x2a3: {  	p0 =	sne.s32 s8, s5  }
.Ltmp1:
0x2a4: {  	_ = 	snop;
	(pc) =	sbr.rel @p0 .LBB2_1-.Ltmp1, $4  }
0x2a5: {  	[hbm4b:s4+s2] =	stream.linear.scatter [tilespmem:s7], [sflag:$0x1], $0x2000, $0x38;
	[tilespmem:$0x4000] =	vst v63  }
0x2a6: {  	_ =	swait.ge [sflag:s6], $0x2000  }
0x2a7: {  	[sflag:s6] =	ssyncset.done $0x0  }
0x2a8: {  	[sflag:s6] =	ssyncadd.s32 $0xFFFFE000  }
0x2a9: {  	_ =	sfence.sel $0x180000  }
0x2aa: {  	[bflag:$0x0] =	sbarrier.arrive $0xFFFF  }
0x2ab: {  	p0 =	sne.s32 s1, $0x0;
	_ =	strace $0x9000004A  }
0x2ac: {  	s0 =	sadd.s32 @!p0 $0x100000, s0;
	[bflag:$0x2] =	sbarrier.arrive $0xFFFF  }
0x2ad: {  	[sflag:s0] =	ssyncadd.tile.s32 @!p0 $0x1;
	_ =	shalt  }
.Lfunc_end2:
_tile_overlayer_lowered:
.L_overlay_start_2:
0x2ae: {  	(tag) =	ssettag $0x2  }
0x2af: {  	s0 =	rddreg [dreg:$0x0];
	s2 =	stileid.u32  }
0x2b0: {  	s1 =	rddreg [dreg:$0x1];
	p0 =	sne.s32 s2, $0x0  }
0x2b1: {  	s3 =	rddreg [dreg:$0x2];
	[bflag:$0x3] =	sbarrier.arrive $0xFFFF;
	s2 =	simm.s32 @!p0 $0x1C01  }
0x2b2: {  	[timem:s3], [sflag:s2] =	dma.local @!p0 [hbm:s0], s1  }
0x2b3: {  	s0 =	simm.s32 @!p0 $0x1  }
0x2b4: {  	_ =	swait.ge @!p0 [sflag:s0], s1  }
0x2b5: {  	s1 =	ssub.s32 @!p0 $0x0, s1;
	[sflag:s0] =	ssyncset.done @!p0 $0x0  }
0x2b6: {  	[sflag:s0] =	ssyncadd.s32 @!p0 s1  }
0x2b7: {  	[bflag:$0x3] =	sbarrier.arrive $0xFFFF  }
0x2b8: {  	_ =	shalt  }

</sc_bundles>
